<compile_context>
chip_gen: v7x
topology: tpu7x:2x2x1
jax: 0.10.2.dev20260603
libtpu: 0.0.44.dev20260713+nightly
codegen_flags: <defaults>
</compile_context>

<pallas_src>
import functools

import jax
import jax.numpy as jnp
from jax import lax
from jax.experimental import pallas as pl
from jax.experimental.pallas import tpu as pltpu
from jax.experimental.pallas import tpu_sc as plsc


@functools.lru_cache(maxsize=None)
def _build_gather(B, D, chunk):
    info = plsc.get_sparse_core_info()
    NC, NS = info.num_cores, info.num_subcores
    NW = NC * NS
    assert B % (NW * chunk) == 0
    b_per_w = B // NW
    n_chunks = b_per_w // chunk
    mesh = plsc.VectorSubcoreMesh(core_axis_name="c", subcore_axis_name="s")

    nbuf = 7

    @functools.partial(
        pl.kernel,
        mesh=mesh,
        out_type=jax.ShapeDtypeStruct((B, D), jnp.float32),
        scratch_types=[
            pltpu.VMEM((n_chunks, chunk), jnp.int32),
        ]
        + [pltpu.VMEM((chunk, D), jnp.float32) for _ in range(nbuf)]
        + [pltpu.SemaphoreType.DMA for _ in range(2 * nbuf)],
    )
    def k(idx_hbm, table_hbm, out_hbm, idx_v, *rest):
        bufs = rest[:nbuf]
        gsems = rest[nbuf : 2 * nbuf]
        ssems = rest[2 * nbuf :]
        wid = lax.axis_index("s") * NC + lax.axis_index("c")
        pltpu.sync_copy(idx_hbm.at[wid], idx_v)
        gcp = [None] * nbuf
        scp = [None] * nbuf
        for step in range(n_chunks + nbuf - 1):
            slot = step % nbuf
            if step < n_chunks:
                if step >= nbuf:
                    scp[slot].wait()
                gcp[slot] = pltpu.async_copy(
                    table_hbm.at[idx_v.at[step]], bufs[slot], gsems[slot]
                )
            g = step - (nbuf - 1)
            if g >= 0:
                gslot = g % nbuf
                gcp[gslot].wait()
                scp[gslot] = pltpu.async_copy(
                    bufs[gslot],
                    out_hbm.at[pl.ds((g * NW + wid) * chunk, chunk)],
                    ssems[gslot],
                )
        for g in range(max(0, n_chunks - nbuf), n_chunks):
            scp[g % nbuf].wait()

    return k, NW, n_chunks, chunk


def kernel(positions, pe):
    Bb, S = positions.shape
    V, D = pe.shape
    B = Bb * S
    chunk = 16
    k, NW, n_chunks, chunk = _build_gather(B, D, chunk)
    idx = (
        positions.reshape(n_chunks, NW, chunk).transpose(1, 0, 2).astype(jnp.int32)
    )
    out = k(idx, pe)
    return out.reshape(Bb, S, D)

# --- scband reference (transcript-rebuilt; emitter-appended) ---
"""Pipeline reference for scband-sinusoidal-positional-encoding-50929722196759 (READ-ONLY COPY).

The authoritative reference and input builder live on the scoring server;
editing this copy changes nothing except your own understanding.
"""

import jax, jax.numpy as jnp
import numpy as np
import math

EMBED_DIM = 1024
MAX_LEN = 8192


def _create_pe(max_len: int, embed_dim: int) -> np.ndarray:
    position = np.arange(max_len, dtype=np.float32)[:, None]
    pe = np.zeros((max_len, embed_dim), dtype=np.float32)
    num_even = (embed_dim + 1) // 2
    num_odd = embed_dim // 2
    div_term_even = np.exp(np.arange(num_even, dtype=np.float32) * 2 * (-math.log(10000.0) / embed_dim))
    pe[:, 0::2] = np.sin(position * div_term_even)
    if num_odd > 0:
        div_term_odd = np.exp(np.arange(num_odd, dtype=np.float32) * 2 * (-math.log(10000.0) / embed_dim))
        pe[:, 1::2] = np.cos(position * div_term_odd)
    return pe


def setup_inputs(seed: int = 0) -> dict:
    key = jax.random.key(seed)
    k_pos, = jax.random.split(key, 1)
    positions = jax.random.randint(k_pos, (4, 8192), 0, MAX_LEN, dtype=jnp.int64 if jax.config.jax_enable_x64 else jnp.int32)
    pe = jnp.asarray(_create_pe(MAX_LEN, EMBED_DIM))
    return {"positions": positions, "pe": pe}


def reference(positions, pe):
    # Embedding lookup of sinusoidal positional encodings: pe[positions]
    return jnp.take(pe, positions, axis=0)

if __name__ == "__main__":
    import jax
    _d = setup_inputs()
    print(jax.jit(kernel)(*tuple(_d.values())))

</pallas_src>

<mosaic_0001>
#map = affine_map<(d0, d1) -> (0, 0, 0)>
#map1 = affine_map<(d0, d1) -> (0, 0)>
module attributes {stable_mosaic.version = 14 : i64} {
  func.func @k(%arg0: i32, %arg1: i32, %arg2: memref<32x64x16xi32, #tpu.memory_space<hbm>>, %arg3: memref<8192x1024xf32, #tpu.memory_space<hbm>>, %arg4: memref<32768x1024xf32, #tpu.memory_space<hbm>>, %arg5: memref<64x16xi32, #tpu.memory_space<vmem>>, %arg6: memref<16x1024xf32, #tpu.memory_space<vmem>>, %arg7: memref<16x1024xf32, #tpu.memory_space<vmem>>, %arg8: memref<16x1024xf32, #tpu.memory_space<vmem>>, %arg9: memref<16x1024xf32, #tpu.memory_space<vmem>>, %arg10: memref<16x1024xf32, #tpu.memory_space<vmem>>, %arg11: memref<16x1024xf32, #tpu.memory_space<vmem>>, %arg12: memref<16x1024xf32, #tpu.memory_space<vmem>>, %arg13: memref<!tpu.dma_semaphore, #tpu.memory_space<semaphore_mem>>, %arg14: memref<!tpu.dma_semaphore, #tpu.memory_space<semaphore_mem>>, %arg15: memref<!tpu.dma_semaphore, #tpu.memory_space<semaphore_mem>>, %arg16: memref<!tpu.dma_semaphore, #tpu.memory_space<semaphore_mem>>, %arg17: memref<!tpu.dma_semaphore, #tpu.memory_space<semaphore_mem>>, %arg18: memref<!tpu.dma_semaphore, #tpu.memory_space<semaphore_mem>>, %arg19: memref<!tpu.dma_semaphore, #tpu.memory_space<semaphore_mem>>, %arg20: memref<!tpu.dma_semaphore, #tpu.memory_space<semaphore_mem>>, %arg21: memref<!tpu.dma_semaphore, #tpu.memory_space<semaphore_mem>>, %arg22: memref<!tpu.dma_semaphore, #tpu.memory_space<semaphore_mem>>, %arg23: memref<!tpu.dma_semaphore, #tpu.memory_space<semaphore_mem>>, %arg24: memref<!tpu.dma_semaphore, #tpu.memory_space<semaphore_mem>>, %arg25: memref<!tpu.dma_semaphore, #tpu.memory_space<semaphore_mem>>, %arg26: memref<!tpu.dma_semaphore, #tpu.memory_space<semaphore_mem>>) attributes {dimension_semantics = [#tpu.dimension_semantics<core_parallel>, #tpu.dimension_semantics<subcore_parallel>], iteration_bounds = array<i64: 2, 16>, scalar_prefetch = 0 : i64, scratch_operands = 22 : i64, tpu.core_type = #tpu.core_type<sc_vector_subcore>, window_params = [{transform_indices = #map}, {transform_indices = #map1}, {transform_indices = #map1}]} {
    %mul3A = arith.constant 2 : i32
    %mul3A_0 = arith.muli %arg1, %mul3A : i32
    %add3A = arith.addi %mul3A_0, %arg0 : i32
    "tpu.region"() ({
      %run_scoped3A = tpu.sem_alloc : memref<!tpu.dma_semaphore, #tpu.memory_space<semaphore_mem>>
      %dma_start3A_1663 = arith.constant 0 : i32
      %dma_start3A_1664 = arith.constant 0 : i32
      %dma_start3A_1665 = tpu.memref_slice %arg2[%add3A, %dma_start3A_1663, %dma_start3A_1664] : memref<32x64x16xi32, #tpu.memory_space<hbm>> -> memref<1x64x16xi32, #tpu.memory_space<hbm>>
      %dma_start3A_1666 = tpu.memref_squeeze %dma_start3A_1665 : memref<1x64x16xi32, #tpu.memory_space<hbm>> -> memref<64x16xi32, #tpu.memory_space<hbm>>
      %dma_start3A_1667 = arith.constant 0 : i32
      %dma_start3A_1668 = arith.constant 0 : i32
      %dma_start3A_1669 = tpu.memref_slice %arg2[%add3A, %dma_start3A_1667, %dma_start3A_1668] : memref<32x64x16xi32, #tpu.memory_space<hbm>> -> memref<1x64x16xi32, #tpu.memory_space<hbm>>
      %dma_start3A_1670 = tpu.memref_squeeze %dma_start3A_1669 : memref<1x64x16xi32, #tpu.memory_space<hbm>> -> memref<64x16xi32, #tpu.memory_space<hbm>>
      tpu.enqueue_dma source(%dma_start3A_1670 : memref<64x16xi32, #tpu.memory_space<hbm>>) target(%arg5 : memref<64x16xi32, #tpu.memory_space<vmem>>) target_semaphore(%run_scoped3A : memref<!tpu.dma_semaphore, #tpu.memory_space<semaphore_mem>>)
      %dma_wait3A_1671 = arith.constant 0 : i32
      %dma_wait3A_1672 = arith.constant 0 : i32
      %dma_wait3A_1673 = tpu.memref_slice %arg2[%add3A, %dma_wait3A_1671, %dma_wait3A_1672] : memref<32x64x16xi32, #tpu.memory_space<hbm>> -> memref<1x64x16xi32, #tpu.memory_space<hbm>>
      %dma_wait3A_1674 = tpu.memref_squeeze %dma_wait3A_1673 : memref<1x64x16xi32, #tpu.memory_space<hbm>> -> memref<64x16xi32, #tpu.memory_space<hbm>>
      %dma_wait3A_1675 = arith.constant 0 : i32
      %dma_wait3A_1676 = arith.constant 0 : i32
      %dma_wait3A_1677 = tpu.memref_slice %arg2[%add3A, %dma_wait3A_1675, %dma_wait3A_1676] : memref<32x64x16xi32, #tpu.memory_space<hbm>> -> memref<1x64x16xi32, #tpu.memory_space<hbm>>
      %dma_wait3A_1678 = tpu.memref_squeeze %dma_wait3A_1677 : memref<1x64x16xi32, #tpu.memory_space<hbm>> -> memref<64x16xi32, #tpu.memory_space<hbm>>
      tpu.wait_dma2 semaphore(%run_scoped3A : memref<!tpu.dma_semaphore, #tpu.memory_space<semaphore_mem>>) src(%dma_wait3A_1678 : memref<64x16xi32, #tpu.memory_space<hbm>>) dst(%arg5 : memref<64x16xi32, #tpu.memory_space<vmem>>)
      tpu.yield
    }) : () -> ()
    %dma_start3A = arith.constant 0 : i32
    %dma_start3A_1 = arith.constant 0 : i32
    %dma_start3A_2 = tpu.memref_slice %arg5[%dma_start3A, %dma_start3A_1] : memref<64x16xi32, #tpu.memory_space<vmem>> -> memref<1x16xi32, #tpu.memory_space<vmem>>
    %dma_start3A_3 = tpu.memref_squeeze %dma_start3A_2 : memref<1x16xi32, #tpu.memory_space<vmem>> -> memref<16xi32, #tpu.memory_space<vmem>>
    %dma_start3A_4 = arith.constant 0 : i32
    %dma_start3A_5 = arith.constant 0 : i32
    %dma_start3A_6 = tpu.memref_slice %arg3[%dma_start3A_4, %dma_start3A_5] : memref<8192x1024xf32, #tpu.memory_space<hbm>> -> memref<8192x1024xf32, #tpu.memory_space<hbm>>
    tpu.enqueue_indirect_dma source(%dma_start3A_6 : memref<8192x1024xf32, #tpu.memory_space<hbm>>) target(%arg6 : memref<16x1024xf32, #tpu.memory_space<vmem>>) offsets(%dma_start3A_3 : memref<16xi32, #tpu.memory_space<vmem>>) semaphore(%arg13 : memref<!tpu.dma_semaphore, #tpu.memory_space<semaphore_mem>>)
    %dma_start3A_7 = arith.constant 1 : i32
    %dma_start3A_8 = arith.constant 0 : i32
    %dma_start3A_9 = tpu.memref_slice %arg5[%dma_start3A_7, %dma_start3A_8] : memref<64x16xi32, #tpu.memory_space<vmem>> -> memref<1x16xi32, #tpu.memory_space<vmem>>
    %dma_start3A_10 = tpu.memref_squeeze %dma_start3A_9 : memref<1x16xi32, #tpu.memory_space<vmem>> -> memref<16xi32, #tpu.memory_space<vmem>>
    %dma_start3A_11 = arith.constant 0 : i32
    %dma_start3A_12 = arith.constant 0 : i32
    %dma_start3A_13 = tpu.memref_slice %arg3[%dma_start3A_11, %dma_start3A_12] : memref<8192x1024xf32, #tpu.memory_space<hbm>> -> memref<8192x1024xf32, #tpu.memory_space<hbm>>
    tpu.enqueue_indirect_dma source(%dma_start3A_13 : memref<8192x1024xf32, #tpu.memory_space<hbm>>) target(%arg7 : memref<16x1024xf32, #tpu.memory_space<vmem>>) offsets(%dma_start3A_10 : memref<16xi32, #tpu.memory_space<vmem>>) semaphore(%arg14 : memref<!tpu.dma_semaphore, #tpu.memory_space<semaphore_mem>>)
    %dma_start3A_14 = arith.constant 2 : i32
    %dma_start3A_15 = arith.constant 0 : i32
    %dma_start3A_16 = tpu.memref_slice %arg5[%dma_start3A_14, %dma_start3A_15] : memref<64x16xi32, #tpu.memory_space<vmem>> -> memref<1x16xi32, #tpu.memory_space<vmem>>
    %dma_start3A_17 = tpu.memref_squeeze %dma_start3A_16 : memref<1x16xi32, #tpu.memory_space<vmem>> -> memref<16xi32, #tpu.memory_space<vmem>>
    %dma_start3A_18 = arith.constant 0 : i32
    %dma_start3A_19 = arith.constant 0 : i32
    %dma_start3A_20 = tpu.memref_slice %arg3[%dma_start3A_18, %dma_start3A_19] : memref<8192x1024xf32, #tpu.memory_space<hbm>> -> memref<8192x1024xf32, #tpu.memory_space<hbm>>
    tpu.enqueue_indirect_dma source(%dma_start3A_20 : memref<8192x1024xf32, #tpu.memory_space<hbm>>) target(%arg8 : memref<16x1024xf32, #tpu.memory_space<vmem>>) offsets(%dma_start3A_17 : memref<16xi32, #tpu.memory_space<vmem>>) semaphore(%arg15 : memref<!tpu.dma_semaphore, #tpu.memory_space<semaphore_mem>>)
    %dma_start3A_21 = arith.constant 3 : i32
    %dma_start3A_22 = arith.constant 0 : i32
    %dma_start3A_23 = tpu.memref_slice %arg5[%dma_start3A_21, %dma_start3A_22] : memref<64x16xi32, #tpu.memory_space<vmem>> -> memref<1x16xi32, #tpu.memory_space<vmem>>
    %dma_start3A_24 = tpu.memref_squeeze %dma_start3A_23 : memref<1x16xi32, #tpu.memory_space<vmem>> -> memref<16xi32, #tpu.memory_space<vmem>>
    %dma_start3A_25 = arith.constant 0 : i32
    %dma_start3A_26 = arith.constant 0 : i32
    %dma_start3A_27 = tpu.memref_slice %arg3[%dma_start3A_25, %dma_start3A_26] : memref<8192x1024xf32, #tpu.memory_space<hbm>> -> memref<8192x1024xf32, #tpu.memory_space<hbm>>
    tpu.enqueue_indirect_dma source(%dma_start3A_27 : memref<8192x1024xf32, #tpu.memory_space<hbm>>) target(%arg9 : memref<16x1024xf32, #tpu.memory_space<vmem>>) offsets(%dma_start3A_24 : memref<16xi32, #tpu.memory_space<vmem>>) semaphore(%arg16 : memref<!tpu.dma_semaphore, #tpu.memory_space<semaphore_mem>>)
    %dma_start3A_28 = arith.constant 4 : i32
    %dma_start3A_29 = arith.constant 0 : i32
    %dma_start3A_30 = tpu.memref_slice %arg5[%dma_start3A_28, %dma_start3A_29] : memref<64x16xi32, #tpu.memory_space<vmem>> -> memref<1x16xi32, #tpu.memory_space<vmem>>
    %dma_start3A_31 = tpu.memref_squeeze %dma_start3A_30 : memref<1x16xi32, #tpu.memory_space<vmem>> -> memref<16xi32, #tpu.memory_space<vmem>>
    %dma_start3A_32 = arith.constant 0 : i32
    %dma_start3A_33 = arith.constant 0 : i32
    %dma_start3A_34 = tpu.memref_slice %arg3[%dma_start3A_32, %dma_start3A_33] : memref<8192x1024xf32, #tpu.memory_space<hbm>> -> memref<8192x1024xf32, #tpu.memory_space<hbm>>
    tpu.enqueue_indirect_dma source(%dma_start3A_34 : memref<8192x1024xf32, #tpu.memory_space<hbm>>) target(%arg10 : memref<16x1024xf32, #tpu.memory_space<vmem>>) offsets(%dma_start3A_31 : memref<16xi32, #tpu.memory_space<vmem>>) semaphore(%arg17 : memref<!tpu.dma_semaphore, #tpu.memory_space<semaphore_mem>>)
    %dma_start3A_35 = arith.constant 5 : i32
    %dma_start3A_36 = arith.constant 0 : i32
    %dma_start3A_37 = tpu.memref_slice %arg5[%dma_start3A_35, %dma_start3A_36] : memref<64x16xi32, #tpu.memory_space<vmem>> -> memref<1x16xi32, #tpu.memory_space<vmem>>
    %dma_start3A_38 = tpu.memref_squeeze %dma_start3A_37 : memref<1x16xi32, #tpu.memory_space<vmem>> -> memref<16xi32, #tpu.memory_space<vmem>>
    %dma_start3A_39 = arith.constant 0 : i32
    %dma_start3A_40 = arith.constant 0 : i32
    %dma_start3A_41 = tpu.memref_slice %arg3[%dma_start3A_39, %dma_start3A_40] : memref<8192x1024xf32, #tpu.memory_space<hbm>> -> memref<8192x1024xf32, #tpu.memory_space<hbm>>
    tpu.enqueue_indirect_dma source(%dma_start3A_41 : memref<8192x1024xf32, #tpu.memory_space<hbm>>) target(%arg11 : memref<16x1024xf32, #tpu.memory_space<vmem>>) offsets(%dma_start3A_38 : memref<16xi32, #tpu.memory_space<vmem>>) semaphore(%arg18 : memref<!tpu.dma_semaphore, #tpu.memory_space<semaphore_mem>>)
    %dma_start3A_42 = arith.constant 6 : i32
    %dma_start3A_43 = arith.constant 0 : i32
    %dma_start3A_44 = tpu.memref_slice %arg5[%dma_start3A_42, %dma_start3A_43] : memref<64x16xi32, #tpu.memory_space<vmem>> -> memref<1x16xi32, #tpu.memory_space<vmem>>
    %dma_start3A_45 = tpu.memref_squeeze %dma_start3A_44 : memref<1x16xi32, #tpu.memory_space<vmem>> -> memref<16xi32, #tpu.memory_space<vmem>>
    %dma_start3A_46 = arith.constant 0 : i32
    %dma_start3A_47 = arith.constant 0 : i32
    %dma_start3A_48 = tpu.memref_slice %arg3[%dma_start3A_46, %dma_start3A_47] : memref<8192x1024xf32, #tpu.memory_space<hbm>> -> memref<8192x1024xf32, #tpu.memory_space<hbm>>
    tpu.enqueue_indirect_dma source(%dma_start3A_48 : memref<8192x1024xf32, #tpu.memory_space<hbm>>) target(%arg12 : memref<16x1024xf32, #tpu.memory_space<vmem>>) offsets(%dma_start3A_45 : memref<16xi32, #tpu.memory_space<vmem>>) semaphore(%arg19 : memref<!tpu.dma_semaphore, #tpu.memory_space<semaphore_mem>>)
    %dma_wait3A = arith.constant 0 : i32
    %dma_wait3A_49 = arith.constant 0 : i32
    %dma_wait3A_50 = tpu.memref_slice %arg5[%dma_wait3A, %dma_wait3A_49] : memref<64x16xi32, #tpu.memory_space<vmem>> -> memref<1x16xi32, #tpu.memory_space<vmem>>
    %dma_wait3A_51 = tpu.memref_squeeze %dma_wait3A_50 : memref<1x16xi32, #tpu.memory_space<vmem>> -> memref<16xi32, #tpu.memory_space<vmem>>
    %dma_wait3A_52 = arith.constant 0 : i32
    %dma_wait3A_53 = arith.constant 0 : i32
    %dma_wait3A_54 = tpu.memref_slice %arg3[%dma_wait3A_52, %dma_wait3A_53] : memref<8192x1024xf32, #tpu.memory_space<hbm>> -> memref<8192x1024xf32, #tpu.memory_space<hbm>>
    tpu.wait_indirect_dma semaphore(%arg13 : memref<!tpu.dma_semaphore, #tpu.memory_space<semaphore_mem>>) src(%dma_wait3A_54 : memref<8192x1024xf32, #tpu.memory_space<hbm>>) dst(%arg6 : memref<16x1024xf32, #tpu.memory_space<vmem>>)
    %add3A_55 = arith.constant 0 : i32
    %add3A_56 = arith.addi %add3A_55, %add3A : i32
    %mul3A_57 = arith.constant 16 : i32
    %mul3A_58 = arith.muli %add3A_56, %mul3A_57 : i32
    %dma_start3A_59 = arith.constant 0 : i32
    %dma_start3A_60 = tpu.memref_slice %arg4[%mul3A_58, %dma_start3A_59] : memref<32768x1024xf32, #tpu.memory_space<hbm>> -> memref<16x1024xf32, #tpu.memory_space<hbm>>
    %dma_start3A_61 = arith.constant 0 : i32
    %dma_start3A_62 = tpu.memref_slice %arg4[%mul3A_58, %dma_start3A_61] : memref<32768x1024xf32, #tpu.memory_space<hbm>> -> memref<16x1024xf32, #tpu.memory_space<hbm>>
    tpu.enqueue_dma source(%arg6 : memref<16x1024xf32, #tpu.memory_space<vmem>>) target(%dma_start3A_62 : memref<16x1024xf32, #tpu.memory_space<hbm>>) target_semaphore(%arg20 : memref<!tpu.dma_semaphore, #tpu.memory_space<semaphore_mem>>)
    %dma_wait3A_63 = arith.constant 0 : i32
    %dma_wait3A_64 = tpu.memref_slice %arg4[%mul3A_58, %dma_wait3A_63] : memref<32768x1024xf32, #tpu.memory_space<hbm>> -> memref<16x1024xf32, #tpu.memory_space<hbm>>
    %dma_wait3A_65 = arith.constant 0 : i32
    %dma_wait3A_66 = tpu.memref_slice %arg4[%mul3A_58, %dma_wait3A_65] : memref<32768x1024xf32, #tpu.memory_space<hbm>> -> memref<16x1024xf32, #tpu.memory_space<hbm>>
    tpu.wait_dma2 semaphore(%arg20 : memref<!tpu.dma_semaphore, #tpu.memory_space<semaphore_mem>>) src(%arg6 : memref<16x1024xf32, #tpu.memory_space<vmem>>) dst(%dma_wait3A_66 : memref<16x1024xf32, #tpu.memory_space<hbm>>)
    %dma_start3A_67 = arith.constant 7 : i32
    %dma_start3A_68 = arith.constant 0 : i32
    %dma_start3A_69 = tpu.memref_slice %arg5[%dma_start3A_67, %dma_start3A_68] : memref<64x16xi32, #tpu.memory_space<vmem>> -> memref<1x16xi32, #tpu.memory_space<vmem>>
    %dma_start3A_70 = tpu.memref_squeeze %dma_start3A_69 : memref<1x16xi32, #tpu.memory_space<vmem>> -> memref<16xi32, #tpu.memory_space<vmem>>
    %dma_start3A_71 = arith.constant 0 : i32
    %dma_start3A_72 = arith.constant 0 : i32
    %dma_start3A_73 = tpu.memref_slice %arg3[%dma_start3A_71, %dma_start3A_72] : memref<8192x1024xf32, #tpu.memory_space<hbm>> -> memref<8192x1024xf32, #tpu.memory_space<hbm>>
    tpu.enqueue_indirect_dma source(%dma_start3A_73 : memref<8192x1024xf32, #tpu.memory_space<hbm>>) target(%arg6 : memref<16x1024xf32, #tpu.memory_space<vmem>>) offsets(%dma_start3A_70 : memref<16xi32, #tpu.memory_space<vmem>>) semaphore(%arg13 : memref<!tpu.dma_semaphore, #tpu.memory_space<semaphore_mem>>)
    %dma_wait3A_74 = arith.constant 1 : i32
    %dma_wait3A_75 = arith.constant 0 : i32
    %dma_wait3A_76 = tpu.memref_slice %arg5[%dma_wait3A_74, %dma_wait3A_75] : memref<64x16xi32, #tpu.memory_space<vmem>> -> memref<1x16xi32, #tpu.memory_space<vmem>>
    %dma_wait3A_77 = tpu.memref_squeeze %dma_wait3A_76 : memref<1x16xi32, #tpu.memory_space<vmem>> -> memref<16xi32, #tpu.memory_space<vmem>>
    %dma_wait3A_78 = arith.constant 0 : i32
    %dma_wait3A_79 = arith.constant 0 : i32
    %dma_wait3A_80 = tpu.memref_slice %arg3[%dma_wait3A_78, %dma_wait3A_79] : memref<8192x1024xf32, #tpu.memory_space<hbm>> -> memref<8192x1024xf32, #tpu.memory_space<hbm>>
    tpu.wait_indirect_dma semaphore(%arg14 : memref<!tpu.dma_semaphore, #tpu.memory_space<semaphore_mem>>) src(%dma_wait3A_80 : memref<8192x1024xf32, #tpu.memory_space<hbm>>) dst(%arg7 : memref<16x1024xf32, #tpu.memory_space<vmem>>)
    %add3A_81 = arith.constant 32 : i32
    %add3A_82 = arith.addi %add3A_81, %add3A : i32
    %mul3A_83 = arith.constant 16 : i32
    %mul3A_84 = arith.muli %add3A_82, %mul3A_83 : i32
    %dma_start3A_85 = arith.constant 0 : i32
    %dma_start3A_86 = tpu.memref_slice %arg4[%mul3A_84, %dma_start3A_85] : memref<32768x1024xf32, #tpu.memory_space<hbm>> -> memref<16x1024xf32, #tpu.memory_space<hbm>>
    %dma_start3A_87 = arith.constant 0 : i32
    %dma_start3A_88 = tpu.memref_slice %arg4[%mul3A_84, %dma_start3A_87] : memref<32768x1024xf32, #tpu.memory_space<hbm>> -> memref<16x1024xf32, #tpu.memory_space<hbm>>
    tpu.enqueue_dma source(%arg7 : memref<16x1024xf32, #tpu.memory_space<vmem>>) target(%dma_start3A_88 : memref<16x1024xf32, #tpu.memory_space<hbm>>) target_semaphore(%arg21 : memref<!tpu.dma_semaphore, #tpu.memory_space<semaphore_mem>>)
    %dma_wait3A_89 = arith.constant 0 : i32
    %dma_wait3A_90 = tpu.memref_slice %arg4[%mul3A_84, %dma_wait3A_89] : memref<32768x1024xf32, #tpu.memory_space<hbm>> -> memref<16x1024xf32, #tpu.memory_space<hbm>>
    %dma_wait3A_91 = arith.constant 0 : i32
    %dma_wait3A_92 = tpu.memref_slice %arg4[%mul3A_84, %dma_wait3A_91] : memref<32768x1024xf32, #tpu.memory_space<hbm>> -> memref<16x1024xf32, #tpu.memory_space<hbm>>
    tpu.wait_dma2 semaphore(%arg21 : memref<!tpu.dma_semaphore, #tpu.memory_space<semaphore_mem>>) src(%arg7 : memref<16x1024xf32, #tpu.memory_space<vmem>>) dst(%dma_wait3A_92 : memref<16x1024xf32, #tpu.memory_space<hbm>>)
    %dma_start3A_93 = arith.constant 8 : i32
    %dma_start3A_94 = arith.constant 0 : i32
    %dma_start3A_95 = tpu.memref_slice %arg5[%dma_start3A_93, %dma_start3A_94] : memref<64x16xi32, #tpu.memory_space<vmem>> -> memref<1x16xi32, #tpu.memory_space<vmem>>
    %dma_start3A_96 = tpu.memref_squeeze %dma_start3A_95 : memref<1x16xi32, #tpu.memory_space<vmem>> -> memref<16xi32, #tpu.memory_space<vmem>>
    %dma_start3A_97 = arith.constant 0 : i32
    %dma_start3A_98 = arith.constant 0 : i32
    %dma_start3A_99 = tpu.memref_slice %arg3[%dma_start3A_97, %dma_start3A_98] : memref<8192x1024xf32, #tpu.memory_space<hbm>> -> memref<8192x1024xf32, #tpu.memory_space<hbm>>
    tpu.enqueue_indirect_dma source(%dma_start3A_99 : memref<8192x1024xf32, #tpu.memory_space<hbm>>) target(%arg7 : memref<16x1024xf32, #tpu.memory_space<vmem>>) offsets(%dma_start3A_96 : memref<16xi32, #tpu.memory_space<vmem>>) semaphore(%arg14 : memref<!tpu.dma_semaphore, #tpu.memory_space<semaphore_mem>>)
    %dma_wait3A_100 = arith.constant 2 : i32
    %dma_wait3A_101 = arith.constant 0 : i32
    %dma_wait3A_102 = tpu.memref_slice %arg5[%dma_wait3A_100, %dma_wait3A_101] : memref<64x16xi32, #tpu.memory_space<vmem>> -> memref<1x16xi32, #tpu.memory_space<vmem>>
    %dma_wait3A_103 = tpu.memref_squeeze %dma_wait3A_102 : memref<1x16xi32, #tpu.memory_space<vmem>> -> memref<16xi32, #tpu.memory_space<vmem>>
    %dma_wait3A_104 = arith.constant 0 : i32
    %dma_wait3A_105 = arith.constant 0 : i32
    %dma_wait3A_106 = tpu.memref_slice %arg3[%dma_wait3A_104, %dma_wait3A_105] : memref<8192x1024xf32, #tpu.memory_space<hbm>> -> memref<8192x1024xf32, #tpu.memory_space<hbm>>
    tpu.wait_indirect_dma semaphore(%arg15 : memref<!tpu.dma_semaphore, #tpu.memory_space<semaphore_mem>>) src(%dma_wait3A_106 : memref<8192x1024xf32, #tpu.memory_space<hbm>>) dst(%arg8 : memref<16x1024xf32, #tpu.memory_space<vmem>>)
    %add3A_107 = arith.constant 64 : i32
    %add3A_108 = arith.addi %add3A_107, %add3A : i32
    %mul3A_109 = arith.constant 16 : i32
    %mul3A_110 = arith.muli %add3A_108, %mul3A_109 : i32
    %dma_start3A_111 = arith.constant 0 : i32
    %dma_start3A_112 = tpu.memref_slice %arg4[%mul3A_110, %dma_start3A_111] : memref<32768x1024xf32, #tpu.memory_space<hbm>> -> memref<16x1024xf32, #tpu.memory_space<hbm>>
    %dma_start3A_113 = arith.constant 0 : i32
    %dma_start3A_114 = tpu.memref_slice %arg4[%mul3A_110, %dma_start3A_113] : memref<32768x1024xf32, #tpu.memory_space<hbm>> -> memref<16x1024xf32, #tpu.memory_space<hbm>>
    tpu.enqueue_dma source(%arg8 : memref<16x1024xf32, #tpu.memory_space<vmem>>) target(%dma_start3A_114 : memref<16x1024xf32, #tpu.memory_space<hbm>>) target_semaphore(%arg22 : memref<!tpu.dma_semaphore, #tpu.memory_space<semaphore_mem>>)
    %dma_wait3A_115 = arith.constant 0 : i32
    %dma_wait3A_116 = tpu.memref_slice %arg4[%mul3A_110, %dma_wait3A_115] : memref<32768x1024xf32, #tpu.memory_space<hbm>> -> memref<16x1024xf32, #tpu.memory_space<hbm>>
    %dma_wait3A_117 = arith.constant 0 : i32
    %dma_wait3A_118 = tpu.memref_slice %arg4[%mul3A_110, %dma_wait3A_117] : memref<32768x1024xf32, #tpu.memory_space<hbm>> -> memref<16x1024xf32, #tpu.memory_space<hbm>>
    tpu.wait_dma2 semaphore(%arg22 : memref<!tpu.dma_semaphore, #tpu.memory_space<semaphore_mem>>) src(%arg8 : memref<16x1024xf32, #tpu.memory_space<vmem>>) dst(%dma_wait3A_118 : memref<16x1024xf32, #tpu.memory_space<hbm>>)
    %dma_start3A_119 = arith.constant 9 : i32
    %dma_start3A_120 = arith.constant 0 : i32
    %dma_start3A_121 = tpu.memref_slice %arg5[%dma_start3A_119, %dma_start3A_120] : memref<64x16xi32, #tpu.memory_space<vmem>> -> memref<1x16xi32, #tpu.memory_space<vmem>>
    %dma_start3A_122 = tpu.memref_squeeze %dma_start3A_121 : memref<1x16xi32, #tpu.memory_space<vmem>> -> memref<16xi32, #tpu.memory_space<vmem>>
    %dma_start3A_123 = arith.constant 0 : i32
    %dma_start3A_124 = arith.constant 0 : i32
    %dma_start3A_125 = tpu.memref_slice %arg3[%dma_start3A_123, %dma_start3A_124] : memref<8192x1024xf32, #tpu.memory_space<hbm>> -> memref<8192x1024xf32, #tpu.memory_space<hbm>>
    tpu.enqueue_indirect_dma source(%dma_start3A_125 : memref<8192x1024xf32, #tpu.memory_space<hbm>>) target(%arg8 : memref<16x1024xf32, #tpu.memory_space<vmem>>) offsets(%dma_start3A_122 : memref<16xi32, #tpu.memory_space<vmem>>) semaphore(%arg15 : memref<!tpu.dma_semaphore, #tpu.memory_space<semaphore_mem>>)
    %dma_wait3A_126 = arith.constant 3 : i32
    %dma_wait3A_127 = arith.constant 0 : i32
    %dma_wait3A_128 = tpu.memref_slice %arg5[%dma_wait3A_126, %dma_wait3A_127] : memref<64x16xi32, #tpu.memory_space<vmem>> -> memref<1x16xi32, #tpu.memory_space<vmem>>
    %dma_wait3A_129 = tpu.memref_squeeze %dma_wait3A_128 : memref<1x16xi32, #tpu.memory_space<vmem>> -> memref<16xi32, #tpu.memory_space<vmem>>
    %dma_wait3A_130 = arith.constant 0 : i32
    %dma_wait3A_131 = arith.constant 0 : i32
    %dma_wait3A_132 = tpu.memref_slice %arg3[%dma_wait3A_130, %dma_wait3A_131] : memref<8192x1024xf32, #tpu.memory_space<hbm>> -> memref<8192x1024xf32, #tpu.memory_space<hbm>>
    tpu.wait_indirect_dma semaphore(%arg16 : memref<!tpu.dma_semaphore, #tpu.memory_space<semaphore_mem>>) src(%dma_wait3A_132 : memref<8192x1024xf32, #tpu.memory_space<hbm>>) dst(%arg9 : memref<16x1024xf32, #tpu.memory_space<vmem>>)
    %add3A_133 = arith.constant 96 : i32
    %add3A_134 = arith.addi %add3A_133, %add3A : i32
    %mul3A_135 = arith.constant 16 : i32
    %mul3A_136 = arith.muli %add3A_134, %mul3A_135 : i32
    %dma_start3A_137 = arith.constant 0 : i32
    %dma_start3A_138 = tpu.memref_slice %arg4[%mul3A_136, %dma_start3A_137] : memref<32768x1024xf32, #tpu.memory_space<hbm>> -> memref<16x1024xf32, #tpu.memory_space<hbm>>
    %dma_start3A_139 = arith.constant 0 : i32
    %dma_start3A_140 = tpu.memref_slice %arg4[%mul3A_136, %dma_start3A_139] : memref<32768x1024xf32, #tpu.memory_space<hbm>> -> memref<16x1024xf32, #tpu.memory_space<hbm>>
    tpu.enqueue_dma source(%arg9 : memref<16x1024xf32, #tpu.memory_space<vmem>>) target(%dma_start3A_140 : memref<16x1024xf32, #tpu.memory_space<hbm>>) target_semaphore(%arg23 : memref<!tpu.dma_semaphore, #tpu.memory_space<semaphore_mem>>)
    %dma_wait3A_141 = arith.constant 0 : i32
    %dma_wait3A_142 = tpu.memref_slice %arg4[%mul3A_136, %dma_wait3A_141] : memref<32768x1024xf32, #tpu.memory_space<hbm>> -> memref<16x1024xf32, #tpu.memory_space<hbm>>
    %dma_wait3A_143 = arith.constant 0 : i32
    %dma_wait3A_144 = tpu.memref_slice %arg4[%mul3A_136, %dma_wait3A_143] : memref<32768x1024xf32, #tpu.memory_space<hbm>> -> memref<16x1024xf32, #tpu.memory_space<hbm>>
    tpu.wait_dma2 semaphore(%arg23 : memref<!tpu.dma_semaphore, #tpu.memory_space<semaphore_mem>>) src(%arg9 : memref<16x1024xf32, #tpu.memory_space<vmem>>) dst(%dma_wait3A_144 : memref<16x1024xf32, #tpu.memory_space<hbm>>)
    %dma_start3A_145 = arith.constant 10 : i32
    %dma_start3A_146 = arith.constant 0 : i32
    %dma_start3A_147 = tpu.memref_slice %arg5[%dma_start3A_145, %dma_start3A_146] : memref<64x16xi32, #tpu.memory_space<vmem>> -> memref<1x16xi32, #tpu.memory_space<vmem>>
    %dma_start3A_148 = tpu.memref_squeeze %dma_start3A_147 : memref<1x16xi32, #tpu.memory_space<vmem>> -> memref<16xi32, #tpu.memory_space<vmem>>
    %dma_start3A_149 = arith.constant 0 : i32
    %dma_start3A_150 = arith.constant 0 : i32
    %dma_start3A_151 = tpu.memref_slice %arg3[%dma_start3A_149, %dma_start3A_150] : memref<8192x1024xf32, #tpu.memory_space<hbm>> -> memref<8192x1024xf32, #tpu.memory_space<hbm>>
    tpu.enqueue_indirect_dma source(%dma_start3A_151 : memref<8192x1024xf32, #tpu.memory_space<hbm>>) target(%arg9 : memref<16x1024xf32, #tpu.memory_space<vmem>>) offsets(%dma_start3A_148 : memref<16xi32, #tpu.memory_space<vmem>>) semaphore(%arg16 : memref<!tpu.dma_semaphore, #tpu.memory_space<semaphore_mem>>)
    %dma_wait3A_152 = arith.constant 4 : i32
    %dma_wait3A_153 = arith.constant 0 : i32
    %dma_wait3A_154 = tpu.memref_slice %arg5[%dma_wait3A_152, %dma_wait3A_153] : memref<64x16xi32, #tpu.memory_space<vmem>> -> memref<1x16xi32, #tpu.memory_space<vmem>>
    %dma_wait3A_155 = tpu.memref_squeeze %dma_wait3A_154 : memref<1x16xi32, #tpu.memory_space<vmem>> -> memref<16xi32, #tpu.memory_space<vmem>>
    %dma_wait3A_156 = arith.constant 0 : i32
    %dma_wait3A_157 = arith.constant 0 : i32
    %dma_wait3A_158 = tpu.memref_slice %arg3[%dma_wait3A_156, %dma_wait3A_157] : memref<8192x1024xf32, #tpu.memory_space<hbm>> -> memref<8192x1024xf32, #tpu.memory_space<hbm>>
    tpu.wait_indirect_dma semaphore(%arg17 : memref<!tpu.dma_semaphore, #tpu.memory_space<semaphore_mem>>) src(%dma_wait3A_158 : memref<8192x1024xf32, #tpu.memory_space<hbm>>) dst(%arg10 : memref<16x1024xf32, #tpu.memory_space<vmem>>)
    %add3A_159 = arith.constant 128 : i32
    %add3A_160 = arith.addi %add3A_159, %add3A : i32
    %mul3A_161 = arith.constant 16 : i32
    %mul3A_162 = arith.muli %add3A_160, %mul3A_161 : i32
    %dma_start3A_163 = arith.constant 0 : i32
    %dma_start3A_164 = tpu.memref_slice %arg4[%mul3A_162, %dma_start3A_163] : memref<32768x1024xf32, #tpu.memory_space<hbm>> -> memref<16x1024xf32, #tpu.memory_space<hbm>>
    %dma_start3A_165 = arith.constant 0 : i32
    %dma_start3A_166 = tpu.memref_slice %arg4[%mul3A_162, %dma_start3A_165] : memref<32768x1024xf32, #tpu.memory_space<hbm>> -> memref<16x1024xf32, #tpu.memory_space<hbm>>
    tpu.enqueue_dma source(%arg10 : memref<16x1024xf32, #tpu.memory_space<vmem>>) target(%dma_start3A_166 : memref<16x1024xf32, #tpu.memory_space<hbm>>) target_semaphore(%arg24 : memref<!tpu.dma_semaphore, #tpu.memory_space<semaphore_mem>>)
    %dma_wait3A_167 = arith.constant 0 : i32
    %dma_wait3A_168 = tpu.memref_slice %arg4[%mul3A_162, %dma_wait3A_167] : memref<32768x1024xf32, #tpu.memory_space<hbm>> -> memref<16x1024xf32, #tpu.memory_space<hbm>>
    %dma_wait3A_169 = arith.constant 0 : i32
    %dma_wait3A_170 = tpu.memref_slice %arg4[%mul3A_162, %dma_wait3A_169] : memref<32768x1024xf32, #tpu.memory_space<hbm>> -> memref<16x1024xf32, #tpu.memory_space<hbm>>
    tpu.wait_dma2 semaphore(%arg24 : memref<!tpu.dma_semaphore, #tpu.memory_space<semaphore_mem>>) src(%arg10 : memref<16x1024xf32, #tpu.memory_space<vmem>>) dst(%dma_wait3A_170 : memref<16x1024xf32, #tpu.memory_space<hbm>>)
    %dma_start3A_171 = arith.constant 11 : i32
    %dma_start3A_172 = arith.constant 0 : i32
    %dma_start3A_173 = tpu.memref_slice %arg5[%dma_start3A_171, %dma_start3A_172] : memref<64x16xi32, #tpu.memory_space<vmem>> -> memref<1x16xi32, #tpu.memory_space<vmem>>
    %dma_start3A_174 = tpu.memref_squeeze %dma_start3A_173 : memref<1x16xi32, #tpu.memory_space<vmem>> -> memref<16xi32, #tpu.memory_space<vmem>>
    %dma_start3A_175 = arith.constant 0 : i32
    %dma_start3A_176 = arith.constant 0 : i32
    %dma_start3A_177 = tpu.memref_slice %arg3[%dma_start3A_175, %dma_start3A_176] : memref<8192x1024xf32, #tpu.memory_space<hbm>> -> memref<8192x1024xf32, #tpu.memory_space<hbm>>
    tpu.enqueue_indirect_dma source(%dma_start3A_177 : memref<8192x1024xf32, #tpu.memory_space<hbm>>) target(%arg10 : memref<16x1024xf32, #tpu.memory_space<vmem>>) offsets(%dma_start3A_174 : memref<16xi32, #tpu.memory_space<vmem>>) semaphore(%arg17 : memref<!tpu.dma_semaphore, #tpu.memory_space<semaphore_mem>>)
    %dma_wait3A_178 = arith.constant 5 : i32
    %dma_wait3A_179 = arith.constant 0 : i32
    %dma_wait3A_180 = tpu.memref_slice %arg5[%dma_wait3A_178, %dma_wait3A_179] : memref<64x16xi32, #tpu.memory_space<vmem>> -> memref<1x16xi32, #tpu.memory_space<vmem>>
    %dma_wait3A_181 = tpu.memref_squeeze %dma_wait3A_180 : memref<1x16xi32, #tpu.memory_space<vmem>> -> memref<16xi32, #tpu.memory_space<vmem>>
    %dma_wait3A_182 = arith.constant 0 : i32
    %dma_wait3A_183 = arith.constant 0 : i32
    %dma_wait3A_184 = tpu.memref_slice %arg3[%dma_wait3A_182, %dma_wait3A_183] : memref<8192x1024xf32, #tpu.memory_space<hbm>> -> memref<8192x1024xf32, #tpu.memory_space<hbm>>
    tpu.wait_indirect_dma semaphore(%arg18 : memref<!tpu.dma_semaphore, #tpu.memory_space<semaphore_mem>>) src(%dma_wait3A_184 : memref<8192x1024xf32, #tpu.memory_space<hbm>>) dst(%arg11 : memref<16x1024xf32, #tpu.memory_space<vmem>>)
    %add3A_185 = arith.constant 160 : i32
    %add3A_186 = arith.addi %add3A_185, %add3A : i32
    %mul3A_187 = arith.constant 16 : i32
    %mul3A_188 = arith.muli %add3A_186, %mul3A_187 : i32
    %dma_start3A_189 = arith.constant 0 : i32
    %dma_start3A_190 = tpu.memref_slice %arg4[%mul3A_188, %dma_start3A_189] : memref<32768x1024xf32, #tpu.memory_space<hbm>> -> memref<16x1024xf32, #tpu.memory_space<hbm>>
    %dma_start3A_191 = arith.constant 0 : i32
    %dma_start3A_192 = tpu.memref_slice %arg4[%mul3A_188, %dma_start3A_191] : memref<32768x1024xf32, #tpu.memory_space<hbm>> -> memref<16x1024xf32, #tpu.memory_space<hbm>>
    tpu.enqueue_dma source(%arg11 : memref<16x1024xf32, #tpu.memory_space<vmem>>) target(%dma_start3A_192 : memref<16x1024xf32, #tpu.memory_space<hbm>>) target_semaphore(%arg25 : memref<!tpu.dma_semaphore, #tpu.memory_space<semaphore_mem>>)
    %dma_wait3A_193 = arith.constant 0 : i32
    %dma_wait3A_194 = tpu.memref_slice %arg4[%mul3A_188, %dma_wait3A_193] : memref<32768x1024xf32, #tpu.memory_space<hbm>> -> memref<16x1024xf32, #tpu.memory_space<hbm>>
    %dma_wait3A_195 = arith.constant 0 : i32
    %dma_wait3A_196 = tpu.memref_slice %arg4[%mul3A_188, %dma_wait3A_195] : memref<32768x1024xf32, #tpu.memory_space<hbm>> -> memref<16x1024xf32, #tpu.memory_space<hbm>>
    tpu.wait_dma2 semaphore(%arg25 : memref<!tpu.dma_semaphore, #tpu.memory_space<semaphore_mem>>) src(%arg11 : memref<16x1024xf32, #tpu.memory_space<vmem>>) dst(%dma_wait3A_196 : memref<16x1024xf32, #tpu.memory_space<hbm>>)
    %dma_start3A_197 = arith.constant 12 : i32
    %dma_start3A_198 = arith.constant 0 : i32
    %dma_start3A_199 = tpu.memref_slice %arg5[%dma_start3A_197, %dma_start3A_198] : memref<64x16xi32, #tpu.memory_space<vmem>> -> memref<1x16xi32, #tpu.memory_space<vmem>>
    %dma_start3A_200 = tpu.memref_squeeze %dma_start3A_199 : memref<1x16xi32, #tpu.memory_space<vmem>> -> memref<16xi32, #tpu.memory_space<vmem>>
    %dma_start3A_201 = arith.constant 0 : i32
    %dma_start3A_202 = arith.constant 0 : i32
    %dma_start3A_203 = tpu.memref_slice %arg3[%dma_start3A_201, %dma_start3A_202] : memref<8192x1024xf32, #tpu.memory_space<hbm>> -> memref<8192x1024xf32, #tpu.memory_space<hbm>>
    tpu.enqueue_indirect_dma source(%dma_start3A_203 : memref<8192x1024xf32, #tpu.memory_space<hbm>>) target(%arg11 : memref<16x1024xf32, #tpu.memory_space<vmem>>) offsets(%dma_start3A_200 : memref<16xi32, #tpu.memory_space<vmem>>) semaphore(%arg18 : memref<!tpu.dma_semaphore, #tpu.memory_space<semaphore_mem>>)
    %dma_wait3A_204 = arith.constant 6 : i32
    %dma_wait3A_205 = arith.constant 0 : i32
    %dma_wait3A_206 = tpu.memref_slice %arg5[%dma_wait3A_204, %dma_wait3A_205] : memref<64x16xi32, #tpu.memory_space<vmem>> -> memref<1x16xi32, #tpu.memory_space<vmem>>
    %dma_wait3A_207 = tpu.memref_squeeze %dma_wait3A_206 : memref<1x16xi32, #tpu.memory_space<vmem>> -> memref<16xi32, #tpu.memory_space<vmem>>
    %dma_wait3A_208 = arith.constant 0 : i32
    %dma_wait3A_209 = arith.constant 0 : i32
    %dma_wait3A_210 = tpu.memref_slice %arg3[%dma_wait3A_208, %dma_wait3A_209] : memref<8192x1024xf32, #tpu.memory_space<hbm>> -> memref<8192x1024xf32, #tpu.memory_space<hbm>>
    tpu.wait_indirect_dma semaphore(%arg19 : memref<!tpu.dma_semaphore, #tpu.memory_space<semaphore_mem>>) src(%dma_wait3A_210 : memref<8192x1024xf32, #tpu.memory_space<hbm>>) dst(%arg12 : memref<16x1024xf32, #tpu.memory_space<vmem>>)
    %add3A_211 = arith.constant 192 : i32
    %add3A_212 = arith.addi %add3A_211, %add3A : i32
    %mul3A_213 = arith.constant 16 : i32
    %mul3A_214 = arith.muli %add3A_212, %mul3A_213 : i32
    %dma_start3A_215 = arith.constant 0 : i32
    %dma_start3A_216 = tpu.memref_slice %arg4[%mul3A_214, %dma_start3A_215] : memref<32768x1024xf32, #tpu.memory_space<hbm>> -> memref<16x1024xf32, #tpu.memory_space<hbm>>
    %dma_start3A_217 = arith.constant 0 : i32
    %dma_start3A_218 = tpu.memref_slice %arg4[%mul3A_214, %dma_start3A_217] : memref<32768x1024xf32, #tpu.memory_space<hbm>> -> memref<16x1024xf32, #tpu.memory_space<hbm>>
    tpu.enqueue_dma source(%arg12 : memref<16x1024xf32, #tpu.memory_space<vmem>>) target(%dma_start3A_218 : memref<16x1024xf32, #tpu.memory_space<hbm>>) target_semaphore(%arg26 : memref<!tpu.dma_semaphore, #tpu.memory_space<semaphore_mem>>)
    %dma_wait3A_219 = arith.constant 0 : i32
    %dma_wait3A_220 = tpu.memref_slice %arg4[%mul3A_214, %dma_wait3A_219] : memref<32768x1024xf32, #tpu.memory_space<hbm>> -> memref<16x1024xf32, #tpu.memory_space<hbm>>
    %dma_wait3A_221 = arith.constant 0 : i32
    %dma_wait3A_222 = tpu.memref_slice %arg4[%mul3A_214, %dma_wait3A_221] : memref<32768x1024xf32, #tpu.memory_space<hbm>> -> memref<16x1024xf32, #tpu.memory_space<hbm>>
    tpu.wait_dma2 semaphore(%arg26 : memref<!tpu.dma_semaphore, #tpu.memory_space<semaphore_mem>>) src(%arg12 : memref<16x1024xf32, #tpu.memory_space<vmem>>) dst(%dma_wait3A_222 : memref<16x1024xf32, #tpu.memory_space<hbm>>)
    %dma_start3A_223 = arith.constant 13 : i32
    %dma_start3A_224 = arith.constant 0 : i32
    %dma_start3A_225 = tpu.memref_slice %arg5[%dma_start3A_223, %dma_start3A_224] : memref<64x16xi32, #tpu.memory_space<vmem>> -> memref<1x16xi32, #tpu.memory_space<vmem>>
    %dma_start3A_226 = tpu.memref_squeeze %dma_start3A_225 : memref<1x16xi32, #tpu.memory_space<vmem>> -> memref<16xi32, #tpu.memory_space<vmem>>
    %dma_start3A_227 = arith.constant 0 : i32
    %dma_start3A_228 = arith.constant 0 : i32
    %dma_start3A_229 = tpu.memref_slice %arg3[%dma_start3A_227, %dma_start3A_228] : memref<8192x1024xf32, #tpu.memory_space<hbm>> -> memref<8192x1024xf32, #tpu.memory_space<hbm>>
    tpu.enqueue_indirect_dma source(%dma_start3A_229 : memref<8192x1024xf32, #tpu.memory_space<hbm>>) target(%arg12 : memref<16x1024xf32, #tpu.memory_space<vmem>>) offsets(%dma_start3A_226 : memref<16xi32, #tpu.memory_space<vmem>>) semaphore(%arg19 : memref<!tpu.dma_semaphore, #tpu.memory_space<semaphore_mem>>)
    %dma_wait3A_230 = arith.constant 7 : i32
    %dma_wait3A_231 = arith.constant 0 : i32
    %dma_wait3A_232 = tpu.memref_slice %arg5[%dma_wait3A_230, %dma_wait3A_231] : memref<64x16xi32, #tpu.memory_space<vmem>> -> memref<1x16xi32, #tpu.memory_space<vmem>>
    %dma_wait3A_233 = tpu.memref_squeeze %dma_wait3A_232 : memref<1x16xi32, #tpu.memory_space<vmem>> -> memref<16xi32, #tpu.memory_space<vmem>>
    %dma_wait3A_234 = arith.constant 0 : i32
    %dma_wait3A_235 = arith.constant 0 : i32
    %dma_wait3A_236 = tpu.memref_slice %arg3[%dma_wait3A_234, %dma_wait3A_235] : memref<8192x1024xf32, #tpu.memory_space<hbm>> -> memref<8192x1024xf32, #tpu.memory_space<hbm>>
    tpu.wait_indirect_dma semaphore(%arg13 : memref<!tpu.dma_semaphore, #tpu.memory_space<semaphore_mem>>) src(%dma_wait3A_236 : memref<8192x1024xf32, #tpu.memory_space<hbm>>) dst(%arg6 : memref<16x1024xf32, #tpu.memory_space<vmem>>)
    %add3A_237 = arith.constant 224 : i32
    %add3A_238 = arith.addi %add3A_237, %add3A : i32
    %mul3A_239 = arith.constant 16 : i32
    %mul3A_240 = arith.muli %add3A_238, %mul3A_239 : i32
    %dma_start3A_241 = arith.constant 0 : i32
    %dma_start3A_242 = tpu.memref_slice %arg4[%mul3A_240, %dma_start3A_241] : memref<32768x1024xf32, #tpu.memory_space<hbm>> -> memref<16x1024xf32, #tpu.memory_space<hbm>>
    %dma_start3A_243 = arith.constant 0 : i32
    %dma_start3A_244 = tpu.memref_slice %arg4[%mul3A_240, %dma_start3A_243] : memref<32768x1024xf32, #tpu.memory_space<hbm>> -> memref<16x1024xf32, #tpu.memory_space<hbm>>
    tpu.enqueue_dma source(%arg6 : memref<16x1024xf32, #tpu.memory_space<vmem>>) target(%dma_start3A_244 : memref<16x1024xf32, #tpu.memory_space<hbm>>) target_semaphore(%arg20 : memref<!tpu.dma_semaphore, #tpu.memory_space<semaphore_mem>>)
    %dma_wait3A_245 = arith.constant 0 : i32
    %dma_wait3A_246 = tpu.memref_slice %arg4[%mul3A_240, %dma_wait3A_245] : memref<32768x1024xf32, #tpu.memory_space<hbm>> -> memref<16x1024xf32, #tpu.memory_space<hbm>>
    %dma_wait3A_247 = arith.constant 0 : i32
    %dma_wait3A_248 = tpu.memref_slice %arg4[%mul3A_240, %dma_wait3A_247] : memref<32768x1024xf32, #tpu.memory_space<hbm>> -> memref<16x1024xf32, #tpu.memory_space<hbm>>
    tpu.wait_dma2 semaphore(%arg20 : memref<!tpu.dma_semaphore, #tpu.memory_space<semaphore_mem>>) src(%arg6 : memref<16x1024xf32, #tpu.memory_space<vmem>>) dst(%dma_wait3A_248 : memref<16x1024xf32, #tpu.memory_space<hbm>>)
    %dma_start3A_249 = arith.constant 14 : i32
    %dma_start3A_250 = arith.constant 0 : i32
    %dma_start3A_251 = tpu.memref_slice %arg5[%dma_start3A_249, %dma_start3A_250] : memref<64x16xi32, #tpu.memory_space<vmem>> -> memref<1x16xi32, #tpu.memory_space<vmem>>
    %dma_start3A_252 = tpu.memref_squeeze %dma_start3A_251 : memref<1x16xi32, #tpu.memory_space<vmem>> -> memref<16xi32, #tpu.memory_space<vmem>>
    %dma_start3A_253 = arith.constant 0 : i32
    %dma_start3A_254 = arith.constant 0 : i32
    %dma_start3A_255 = tpu.memref_slice %arg3[%dma_start3A_253, %dma_start3A_254] : memref<8192x1024xf32, #tpu.memory_space<hbm>> -> memref<8192x1024xf32, #tpu.memory_space<hbm>>
    tpu.enqueue_indirect_dma source(%dma_start3A_255 : memref<8192x1024xf32, #tpu.memory_space<hbm>>) target(%arg6 : memref<16x1024xf32, #tpu.memory_space<vmem>>) offsets(%dma_start3A_252 : memref<16xi32, #tpu.memory_space<vmem>>) semaphore(%arg13 : memref<!tpu.dma_semaphore, #tpu.memory_space<semaphore_mem>>)
    %dma_wait3A_256 = arith.constant 8 : i32
    %dma_wait3A_257 = arith.constant 0 : i32
    %dma_wait3A_258 = tpu.memref_slice %arg5[%dma_wait3A_256, %dma_wait3A_257] : memref<64x16xi32, #tpu.memory_space<vmem>> -> memref<1x16xi32, #tpu.memory_space<vmem>>
    %dma_wait3A_259 = tpu.memref_squeeze %dma_wait3A_258 : memref<1x16xi32, #tpu.memory_space<vmem>> -> memref<16xi32, #tpu.memory_space<vmem>>
    %dma_wait3A_260 = arith.constant 0 : i32
    %dma_wait3A_261 = arith.constant 0 : i32
    %dma_wait3A_262 = tpu.memref_slice %arg3[%dma_wait3A_260, %dma_wait3A_261] : memref<8192x1024xf32, #tpu.memory_space<hbm>> -> memref<8192x1024xf32, #tpu.memory_space<hbm>>
    tpu.wait_indirect_dma semaphore(%arg14 : memref<!tpu.dma_semaphore, #tpu.memory_space<semaphore_mem>>) src(%dma_wait3A_262 : memref<8192x1024xf32, #tpu.memory_space<hbm>>) dst(%arg7 : memref<16x1024xf32, #tpu.memory_space<vmem>>)
    %add3A_263 = arith.constant 256 : i32
    %add3A_264 = arith.addi %add3A_263, %add3A : i32
    %mul3A_265 = arith.constant 16 : i32
    %mul3A_266 = arith.muli %add3A_264, %mul3A_265 : i32
    %dma_start3A_267 = arith.constant 0 : i32
    %dma_start3A_268 = tpu.memref_slice %arg4[%mul3A_266, %dma_start3A_267] : memref<32768x1024xf32, #tpu.memory_space<hbm>> -> memref<16x1024xf32, #tpu.memory_space<hbm>>
    %dma_start3A_269 = arith.constant 0 : i32
    %dma_start3A_270 = tpu.memref_slice %arg4[%mul3A_266, %dma_start3A_269] : memref<32768x1024xf32, #tpu.memory_space<hbm>> -> memref<16x1024xf32, #tpu.memory_space<hbm>>
    tpu.enqueue_dma source(%arg7 : memref<16x1024xf32, #tpu.memory_space<vmem>>) target(%dma_start3A_270 : memref<16x1024xf32, #tpu.memory_space<hbm>>) target_semaphore(%arg21 : memref<!tpu.dma_semaphore, #tpu.memory_space<semaphore_mem>>)
    %dma_wait3A_271 = arith.constant 0 : i32
    %dma_wait3A_272 = tpu.memref_slice %arg4[%mul3A_266, %dma_wait3A_271] : memref<32768x1024xf32, #tpu.memory_space<hbm>> -> memref<16x1024xf32, #tpu.memory_space<hbm>>
    %dma_wait3A_273 = arith.constant 0 : i32
    %dma_wait3A_274 = tpu.memref_slice %arg4[%mul3A_266, %dma_wait3A_273] : memref<32768x1024xf32, #tpu.memory_space<hbm>> -> memref<16x1024xf32, #tpu.memory_space<hbm>>
    tpu.wait_dma2 semaphore(%arg21 : memref<!tpu.dma_semaphore, #tpu.memory_space<semaphore_mem>>) src(%arg7 : memref<16x1024xf32, #tpu.memory_space<vmem>>) dst(%dma_wait3A_274 : memref<16x1024xf32, #tpu.memory_space<hbm>>)
    %dma_start3A_275 = arith.constant 15 : i32
    %dma_start3A_276 = arith.constant 0 : i32
    %dma_start3A_277 = tpu.memref_slice %arg5[%dma_start3A_275, %dma_start3A_276] : memref<64x16xi32, #tpu.memory_space<vmem>> -> memref<1x16xi32, #tpu.memory_space<vmem>>
    %dma_start3A_278 = tpu.memref_squeeze %dma_start3A_277 : memref<1x16xi32, #tpu.memory_space<vmem>> -> memref<16xi32, #tpu.memory_space<vmem>>
    %dma_start3A_279 = arith.constant 0 : i32
    %dma_start3A_280 = arith.constant 0 : i32
    %dma_start3A_281 = tpu.memref_slice %arg3[%dma_start3A_279, %dma_start3A_280] : memref<8192x1024xf32, #tpu.memory_space<hbm>> -> memref<8192x1024xf32, #tpu.memory_space<hbm>>
    tpu.enqueue_indirect_dma source(%dma_start3A_281 : memref<8192x1024xf32, #tpu.memory_space<hbm>>) target(%arg7 : memref<16x1024xf32, #tpu.memory_space<vmem>>) offsets(%dma_start3A_278 : memref<16xi32, #tpu.memory_space<vmem>>) semaphore(%arg14 : memref<!tpu.dma_semaphore, #tpu.memory_space<semaphore_mem>>)
    %dma_wait3A_282 = arith.constant 9 : i32
    %dma_wait3A_283 = arith.constant 0 : i32
    %dma_wait3A_284 = tpu.memref_slice %arg5[%dma_wait3A_282, %dma_wait3A_283] : memref<64x16xi32, #tpu.memory_space<vmem>> -> memref<1x16xi32, #tpu.memory_space<vmem>>
    %dma_wait3A_285 = tpu.memref_squeeze %dma_wait3A_284 : memref<1x16xi32, #tpu.memory_space<vmem>> -> memref<16xi32, #tpu.memory_space<vmem>>
    %dma_wait3A_286 = arith.constant 0 : i32
    %dma_wait3A_287 = arith.constant 0 : i32
    %dma_wait3A_288 = tpu.memref_slice %arg3[%dma_wait3A_286, %dma_wait3A_287] : memref<8192x1024xf32, #tpu.memory_space<hbm>> -> memref<8192x1024xf32, #tpu.memory_space<hbm>>
    tpu.wait_indirect_dma semaphore(%arg15 : memref<!tpu.dma_semaphore, #tpu.memory_space<semaphore_mem>>) src(%dma_wait3A_288 : memref<8192x1024xf32, #tpu.memory_space<hbm>>) dst(%arg8 : memref<16x1024xf32, #tpu.memory_space<vmem>>)
    %add3A_289 = arith.constant 288 : i32
    %add3A_290 = arith.addi %add3A_289, %add3A : i32
    %mul3A_291 = arith.constant 16 : i32
    %mul3A_292 = arith.muli %add3A_290, %mul3A_291 : i32
    %dma_start3A_293 = arith.constant 0 : i32
    %dma_start3A_294 = tpu.memref_slice %arg4[%mul3A_292, %dma_start3A_293] : memref<32768x1024xf32, #tpu.memory_space<hbm>> -> memref<16x1024xf32, #tpu.memory_space<hbm>>
    %dma_start3A_295 = arith.constant 0 : i32
    %dma_start3A_296 = tpu.memref_slice %arg4[%mul3A_292, %dma_start3A_295] : memref<32768x1024xf32, #tpu.memory_space<hbm>> -> memref<16x1024xf32, #tpu.memory_space<hbm>>
    tpu.enqueue_dma source(%arg8 : memref<16x1024xf32, #tpu.memory_space<vmem>>) target(%dma_start3A_296 : memref<16x1024xf32, #tpu.memory_space<hbm>>) target_semaphore(%arg22 : memref<!tpu.dma_semaphore, #tpu.memory_space<semaphore_mem>>)
    %dma_wait3A_297 = arith.constant 0 : i32
    %dma_wait3A_298 = tpu.memref_slice %arg4[%mul3A_292, %dma_wait3A_297] : memref<32768x1024xf32, #tpu.memory_space<hbm>> -> memref<16x1024xf32, #tpu.memory_space<hbm>>
    %dma_wait3A_299 = arith.constant 0 : i32
    %dma_wait3A_300 = tpu.memref_slice %arg4[%mul3A_292, %dma_wait3A_299] : memref<32768x1024xf32, #tpu.memory_space<hbm>> -> memref<16x1024xf32, #tpu.memory_space<hbm>>
    tpu.wait_dma2 semaphore(%arg22 : memref<!tpu.dma_semaphore, #tpu.memory_space<semaphore_mem>>) src(%arg8 : memref<16x1024xf32, #tpu.memory_space<vmem>>) dst(%dma_wait3A_300 : memref<16x1024xf32, #tpu.memory_space<hbm>>)
    %dma_start3A_301 = arith.constant 16 : i32
    %dma_start3A_302 = arith.constant 0 : i32
    %dma_start3A_303 = tpu.memref_slice %arg5[%dma_start3A_301, %dma_start3A_302] : memref<64x16xi32, #tpu.memory_space<vmem>> -> memref<1x16xi32, #tpu.memory_space<vmem>>
    %dma_start3A_304 = tpu.memref_squeeze %dma_start3A_303 : memref<1x16xi32, #tpu.memory_space<vmem>> -> memref<16xi32, #tpu.memory_space<vmem>>
    %dma_start3A_305 = arith.constant 0 : i32
    %dma_start3A_306 = arith.constant 0 : i32
    %dma_start3A_307 = tpu.memref_slice %arg3[%dma_start3A_305, %dma_start3A_306] : memref<8192x1024xf32, #tpu.memory_space<hbm>> -> memref<8192x1024xf32, #tpu.memory_space<hbm>>
    tpu.enqueue_indirect_dma source(%dma_start3A_307 : memref<8192x1024xf32, #tpu.memory_space<hbm>>) target(%arg8 : memref<16x1024xf32, #tpu.memory_space<vmem>>) offsets(%dma_start3A_304 : memref<16xi32, #tpu.memory_space<vmem>>) semaphore(%arg15 : memref<!tpu.dma_semaphore, #tpu.memory_space<semaphore_mem>>)
    %dma_wait3A_308 = arith.constant 10 : i32
    %dma_wait3A_309 = arith.constant 0 : i32
    %dma_wait3A_310 = tpu.memref_slice %arg5[%dma_wait3A_308, %dma_wait3A_309] : memref<64x16xi32, #tpu.memory_space<vmem>> -> memref<1x16xi32, #tpu.memory_space<vmem>>
    %dma_wait3A_311 = tpu.memref_squeeze %dma_wait3A_310 : memref<1x16xi32, #tpu.memory_space<vmem>> -> memref<16xi32, #tpu.memory_space<vmem>>
    %dma_wait3A_312 = arith.constant 0 : i32
    %dma_wait3A_313 = arith.constant 0 : i32
    %dma_wait3A_314 = tpu.memref_slice %arg3[%dma_wait3A_312, %dma_wait3A_313] : memref<8192x1024xf32, #tpu.memory_space<hbm>> -> memref<8192x1024xf32, #tpu.memory_space<hbm>>
    tpu.wait_indirect_dma semaphore(%arg16 : memref<!tpu.dma_semaphore, #tpu.memory_space<semaphore_mem>>) src(%dma_wait3A_314 : memref<8192x1024xf32, #tpu.memory_space<hbm>>) dst(%arg9 : memref<16x1024xf32, #tpu.memory_space<vmem>>)
    %add3A_315 = arith.constant 320 : i32
    %add3A_316 = arith.addi %add3A_315, %add3A : i32
    %mul3A_317 = arith.constant 16 : i32
    %mul3A_318 = arith.muli %add3A_316, %mul3A_317 : i32
    %dma_start3A_319 = arith.constant 0 : i32
    %dma_start3A_320 = tpu.memref_slice %arg4[%mul3A_318, %dma_start3A_319] : memref<32768x1024xf32, #tpu.memory_space<hbm>> -> memref<16x1024xf32, #tpu.memory_space<hbm>>
    %dma_start3A_321 = arith.constant 0 : i32
    %dma_start3A_322 = tpu.memref_slice %arg4[%mul3A_318, %dma_start3A_321] : memref<32768x1024xf32, #tpu.memory_space<hbm>> -> memref<16x1024xf32, #tpu.memory_space<hbm>>
    tpu.enqueue_dma source(%arg9 : memref<16x1024xf32, #tpu.memory_space<vmem>>) target(%dma_start3A_322 : memref<16x1024xf32, #tpu.memory_space<hbm>>) target_semaphore(%arg23 : memref<!tpu.dma_semaphore, #tpu.memory_space<semaphore_mem>>)
    %dma_wait3A_323 = arith.constant 0 : i32
    %dma_wait3A_324 = tpu.memref_slice %arg4[%mul3A_318, %dma_wait3A_323] : memref<32768x1024xf32, #tpu.memory_space<hbm>> -> memref<16x1024xf32, #tpu.memory_space<hbm>>
    %dma_wait3A_325 = arith.constant 0 : i32
    %dma_wait3A_326 = tpu.memref_slice %arg4[%mul3A_318, %dma_wait3A_325] : memref<32768x1024xf32, #tpu.memory_space<hbm>> -> memref<16x1024xf32, #tpu.memory_space<hbm>>
    tpu.wait_dma2 semaphore(%arg23 : memref<!tpu.dma_semaphore, #tpu.memory_space<semaphore_mem>>) src(%arg9 : memref<16x1024xf32, #tpu.memory_space<vmem>>) dst(%dma_wait3A_326 : memref<16x1024xf32, #tpu.memory_space<hbm>>)
    %dma_start3A_327 = arith.constant 17 : i32
    %dma_start3A_328 = arith.constant 0 : i32
    %dma_start3A_329 = tpu.memref_slice %arg5[%dma_start3A_327, %dma_start3A_328] : memref<64x16xi32, #tpu.memory_space<vmem>> -> memref<1x16xi32, #tpu.memory_space<vmem>>
    %dma_start3A_330 = tpu.memref_squeeze %dma_start3A_329 : memref<1x16xi32, #tpu.memory_space<vmem>> -> memref<16xi32, #tpu.memory_space<vmem>>
    %dma_start3A_331 = arith.constant 0 : i32
    %dma_start3A_332 = arith.constant 0 : i32
    %dma_start3A_333 = tpu.memref_slice %arg3[%dma_start3A_331, %dma_start3A_332] : memref<8192x1024xf32, #tpu.memory_space<hbm>> -> memref<8192x1024xf32, #tpu.memory_space<hbm>>
    tpu.enqueue_indirect_dma source(%dma_start3A_333 : memref<8192x1024xf32, #tpu.memory_space<hbm>>) target(%arg9 : memref<16x1024xf32, #tpu.memory_space<vmem>>) offsets(%dma_start3A_330 : memref<16xi32, #tpu.memory_space<vmem>>) semaphore(%arg16 : memref<!tpu.dma_semaphore, #tpu.memory_space<semaphore_mem>>)
    %dma_wait3A_334 = arith.constant 11 : i32
    %dma_wait3A_335 = arith.constant 0 : i32
    %dma_wait3A_336 = tpu.memref_slice %arg5[%dma_wait3A_334, %dma_wait3A_335] : memref<64x16xi32, #tpu.memory_space<vmem>> -> memref<1x16xi32, #tpu.memory_space<vmem>>
    %dma_wait3A_337 = tpu.memref_squeeze %dma_wait3A_336 : memref<1x16xi32, #tpu.memory_space<vmem>> -> memref<16xi32, #tpu.memory_space<vmem>>
    %dma_wait3A_338 = arith.constant 0 : i32
    %dma_wait3A_339 = arith.constant 0 : i32
    %dma_wait3A_340 = tpu.memref_slice %arg3[%dma_wait3A_338, %dma_wait3A_339] : memref<8192x1024xf32, #tpu.memory_space<hbm>> -> memref<8192x1024xf32, #tpu.memory_space<hbm>>
    tpu.wait_indirect_dma semaphore(%arg17 : memref<!tpu.dma_semaphore, #tpu.memory_space<semaphore_mem>>) src(%dma_wait3A_340 : memref<8192x1024xf32, #tpu.memory_space<hbm>>) dst(%arg10 : memref<16x1024xf32, #tpu.memory_space<vmem>>)
    %add3A_341 = arith.constant 352 : i32
    %add3A_342 = arith.addi %add3A_341, %add3A : i32
    %mul3A_343 = arith.constant 16 : i32
    %mul3A_344 = arith.muli %add3A_342, %mul3A_343 : i32
    %dma_start3A_345 = arith.constant 0 : i32
    %dma_start3A_346 = tpu.memref_slice %arg4[%mul3A_344, %dma_start3A_345] : memref<32768x1024xf32, #tpu.memory_space<hbm>> -> memref<16x1024xf32, #tpu.memory_space<hbm>>
    %dma_start3A_347 = arith.constant 0 : i32
    %dma_start3A_348 = tpu.memref_slice %arg4[%mul3A_344, %dma_start3A_347] : memref<32768x1024xf32, #tpu.memory_space<hbm>> -> memref<16x1024xf32, #tpu.memory_space<hbm>>
    tpu.enqueue_dma source(%arg10 : memref<16x1024xf32, #tpu.memory_space<vmem>>) target(%dma_start3A_348 : memref<16x1024xf32, #tpu.memory_space<hbm>>) target_semaphore(%arg24 : memref<!tpu.dma_semaphore, #tpu.memory_space<semaphore_mem>>)
    %dma_wait3A_349 = arith.constant 0 : i32
    %dma_wait3A_350 = tpu.memref_slice %arg4[%mul3A_344, %dma_wait3A_349] : memref<32768x1024xf32, #tpu.memory_space<hbm>> -> memref<16x1024xf32, #tpu.memory_space<hbm>>
    %dma_wait3A_351 = arith.constant 0 : i32
    %dma_wait3A_352 = tpu.memref_slice %arg4[%mul3A_344, %dma_wait3A_351] : memref<32768x1024xf32, #tpu.memory_space<hbm>> -> memref<16x1024xf32, #tpu.memory_space<hbm>>
    tpu.wait_dma2 semaphore(%arg24 : memref<!tpu.dma_semaphore, #tpu.memory_space<semaphore_mem>>) src(%arg10 : memref<16x1024xf32, #tpu.memory_space<vmem>>) dst(%dma_wait3A_352 : memref<16x1024xf32, #tpu.memory_space<hbm>>)
    %dma_start3A_353 = arith.constant 18 : i32
    %dma_start3A_354 = arith.constant 0 : i32
    %dma_start3A_355 = tpu.memref_slice %arg5[%dma_start3A_353, %dma_start3A_354] : memref<64x16xi32, #tpu.memory_space<vmem>> -> memref<1x16xi32, #tpu.memory_space<vmem>>
    %dma_start3A_356 = tpu.memref_squeeze %dma_start3A_355 : memref<1x16xi32, #tpu.memory_space<vmem>> -> memref<16xi32, #tpu.memory_space<vmem>>
    %dma_start3A_357 = arith.constant 0 : i32
    %dma_start3A_358 = arith.constant 0 : i32
    %dma_start3A_359 = tpu.memref_slice %arg3[%dma_start3A_357, %dma_start3A_358] : memref<8192x1024xf32, #tpu.memory_space<hbm>> -> memref<8192x1024xf32, #tpu.memory_space<hbm>>
    tpu.enqueue_indirect_dma source(%dma_start3A_359 : memref<8192x1024xf32, #tpu.memory_space<hbm>>) target(%arg10 : memref<16x1024xf32, #tpu.memory_space<vmem>>) offsets(%dma_start3A_356 : memref<16xi32, #tpu.memory_space<vmem>>) semaphore(%arg17 : memref<!tpu.dma_semaphore, #tpu.memory_space<semaphore_mem>>)
    %dma_wait3A_360 = arith.constant 12 : i32
    %dma_wait3A_361 = arith.constant 0 : i32
    %dma_wait3A_362 = tpu.memref_slice %arg5[%dma_wait3A_360, %dma_wait3A_361] : memref<64x16xi32, #tpu.memory_space<vmem>> -> memref<1x16xi32, #tpu.memory_space<vmem>>
    %dma_wait3A_363 = tpu.memref_squeeze %dma_wait3A_362 : memref<1x16xi32, #tpu.memory_space<vmem>> -> memref<16xi32, #tpu.memory_space<vmem>>
    %dma_wait3A_364 = arith.constant 0 : i32
    %dma_wait3A_365 = arith.constant 0 : i32
    %dma_wait3A_366 = tpu.memref_slice %arg3[%dma_wait3A_364, %dma_wait3A_365] : memref<8192x1024xf32, #tpu.memory_space<hbm>> -> memref<8192x1024xf32, #tpu.memory_space<hbm>>
    tpu.wait_indirect_dma semaphore(%arg18 : memref<!tpu.dma_semaphore, #tpu.memory_space<semaphore_mem>>) src(%dma_wait3A_366 : memref<8192x1024xf32, #tpu.memory_space<hbm>>) dst(%arg11 : memref<16x1024xf32, #tpu.memory_space<vmem>>)
    %add3A_367 = arith.constant 384 : i32
    %add3A_368 = arith.addi %add3A_367, %add3A : i32
    %mul3A_369 = arith.constant 16 : i32
    %mul3A_370 = arith.muli %add3A_368, %mul3A_369 : i32
    %dma_start3A_371 = arith.constant 0 : i32
    %dma_start3A_372 = tpu.memref_slice %arg4[%mul3A_370, %dma_start3A_371] : memref<32768x1024xf32, #tpu.memory_space<hbm>> -> memref<16x1024xf32, #tpu.memory_space<hbm>>
    %dma_start3A_373 = arith.constant 0 : i32
    %dma_start3A_374 = tpu.memref_slice %arg4[%mul3A_370, %dma_start3A_373] : memref<32768x1024xf32, #tpu.memory_space<hbm>> -> memref<16x1024xf32, #tpu.memory_space<hbm>>
    tpu.enqueue_dma source(%arg11 : memref<16x1024xf32, #tpu.memory_space<vmem>>) target(%dma_start3A_374 : memref<16x1024xf32, #tpu.memory_space<hbm>>) target_semaphore(%arg25 : memref<!tpu.dma_semaphore, #tpu.memory_space<semaphore_mem>>)
    %dma_wait3A_375 = arith.constant 0 : i32
    %dma_wait3A_376 = tpu.memref_slice %arg4[%mul3A_370, %dma_wait3A_375] : memref<32768x1024xf32, #tpu.memory_space<hbm>> -> memref<16x1024xf32, #tpu.memory_space<hbm>>
    %dma_wait3A_377 = arith.constant 0 : i32
    %dma_wait3A_378 = tpu.memref_slice %arg4[%mul3A_370, %dma_wait3A_377] : memref<32768x1024xf32, #tpu.memory_space<hbm>> -> memref<16x1024xf32, #tpu.memory_space<hbm>>
    tpu.wait_dma2 semaphore(%arg25 : memref<!tpu.dma_semaphore, #tpu.memory_space<semaphore_mem>>) src(%arg11 : memref<16x1024xf32, #tpu.memory_space<vmem>>) dst(%dma_wait3A_378 : memref<16x1024xf32, #tpu.memory_space<hbm>>)
    %dma_start3A_379 = arith.constant 19 : i32
    %dma_start3A_380 = arith.constant 0 : i32
    %dma_start3A_381 = tpu.memref_slice %arg5[%dma_start3A_379, %dma_start3A_380] : memref<64x16xi32, #tpu.memory_space<vmem>> -> memref<1x16xi32, #tpu.memory_space<vmem>>
    %dma_start3A_382 = tpu.memref_squeeze %dma_start3A_381 : memref<1x16xi32, #tpu.memory_space<vmem>> -> memref<16xi32, #tpu.memory_space<vmem>>
    %dma_start3A_383 = arith.constant 0 : i32
    %dma_start3A_384 = arith.constant 0 : i32
    %dma_start3A_385 = tpu.memref_slice %arg3[%dma_start3A_383, %dma_start3A_384] : memref<8192x1024xf32, #tpu.memory_space<hbm>> -> memref<8192x1024xf32, #tpu.memory_space<hbm>>
    tpu.enqueue_indirect_dma source(%dma_start3A_385 : memref<8192x1024xf32, #tpu.memory_space<hbm>>) target(%arg11 : memref<16x1024xf32, #tpu.memory_space<vmem>>) offsets(%dma_start3A_382 : memref<16xi32, #tpu.memory_space<vmem>>) semaphore(%arg18 : memref<!tpu.dma_semaphore, #tpu.memory_space<semaphore_mem>>)
    %dma_wait3A_386 = arith.constant 13 : i32
    %dma_wait3A_387 = arith.constant 0 : i32
    %dma_wait3A_388 = tpu.memref_slice %arg5[%dma_wait3A_386, %dma_wait3A_387] : memref<64x16xi32, #tpu.memory_space<vmem>> -> memref<1x16xi32, #tpu.memory_space<vmem>>
    %dma_wait3A_389 = tpu.memref_squeeze %dma_wait3A_388 : memref<1x16xi32, #tpu.memory_space<vmem>> -> memref<16xi32, #tpu.memory_space<vmem>>
    %dma_wait3A_390 = arith.constant 0 : i32
    %dma_wait3A_391 = arith.constant 0 : i32
    %dma_wait3A_392 = tpu.memref_slice %arg3[%dma_wait3A_390, %dma_wait3A_391] : memref<8192x1024xf32, #tpu.memory_space<hbm>> -> memref<8192x1024xf32, #tpu.memory_space<hbm>>
    tpu.wait_indirect_dma semaphore(%arg19 : memref<!tpu.dma_semaphore, #tpu.memory_space<semaphore_mem>>) src(%dma_wait3A_392 : memref<8192x1024xf32, #tpu.memory_space<hbm>>) dst(%arg12 : memref<16x1024xf32, #tpu.memory_space<vmem>>)
    %add3A_393 = arith.constant 416 : i32
    %add3A_394 = arith.addi %add3A_393, %add3A : i32
    %mul3A_395 = arith.constant 16 : i32
    %mul3A_396 = arith.muli %add3A_394, %mul3A_395 : i32
    %dma_start3A_397 = arith.constant 0 : i32
    %dma_start3A_398 = tpu.memref_slice %arg4[%mul3A_396, %dma_start3A_397] : memref<32768x1024xf32, #tpu.memory_space<hbm>> -> memref<16x1024xf32, #tpu.memory_space<hbm>>
    %dma_start3A_399 = arith.constant 0 : i32
    %dma_start3A_400 = tpu.memref_slice %arg4[%mul3A_396, %dma_start3A_399] : memref<32768x1024xf32, #tpu.memory_space<hbm>> -> memref<16x1024xf32, #tpu.memory_space<hbm>>
    tpu.enqueue_dma source(%arg12 : memref<16x1024xf32, #tpu.memory_space<vmem>>) target(%dma_start3A_400 : memref<16x1024xf32, #tpu.memory_space<hbm>>) target_semaphore(%arg26 : memref<!tpu.dma_semaphore, #tpu.memory_space<semaphore_mem>>)
    %dma_wait3A_401 = arith.constant 0 : i32
    %dma_wait3A_402 = tpu.memref_slice %arg4[%mul3A_396, %dma_wait3A_401] : memref<32768x1024xf32, #tpu.memory_space<hbm>> -> memref<16x1024xf32, #tpu.memory_space<hbm>>
    %dma_wait3A_403 = arith.constant 0 : i32
    %dma_wait3A_404 = tpu.memref_slice %arg4[%mul3A_396, %dma_wait3A_403] : memref<32768x1024xf32, #tpu.memory_space<hbm>> -> memref<16x1024xf32, #tpu.memory_space<hbm>>
    tpu.wait_dma2 semaphore(%arg26 : memref<!tpu.dma_semaphore, #tpu.memory_space<semaphore_mem>>) src(%arg12 : memref<16x1024xf32, #tpu.memory_space<vmem>>) dst(%dma_wait3A_404 : memref<16x1024xf32, #tpu.memory_space<hbm>>)
    %dma_start3A_405 = arith.constant 20 : i32
    %dma_start3A_406 = arith.constant 0 : i32
    %dma_start3A_407 = tpu.memref_slice %arg5[%dma_start3A_405, %dma_start3A_406] : memref<64x16xi32, #tpu.memory_space<vmem>> -> memref<1x16xi32, #tpu.memory_space<vmem>>
    %dma_start3A_408 = tpu.memref_squeeze %dma_start3A_407 : memref<1x16xi32, #tpu.memory_space<vmem>> -> memref<16xi32, #tpu.memory_space<vmem>>
    %dma_start3A_409 = arith.constant 0 : i32
    %dma_start3A_410 = arith.constant 0 : i32
    %dma_start3A_411 = tpu.memref_slice %arg3[%dma_start3A_409, %dma_start3A_410] : memref<8192x1024xf32, #tpu.memory_space<hbm>> -> memref<8192x1024xf32, #tpu.memory_space<hbm>>
    tpu.enqueue_indirect_dma source(%dma_start3A_411 : memref<8192x1024xf32, #tpu.memory_space<hbm>>) target(%arg12 : memref<16x1024xf32, #tpu.memory_space<vmem>>) offsets(%dma_start3A_408 : memref<16xi32, #tpu.memory_space<vmem>>) semaphore(%arg19 : memref<!tpu.dma_semaphore, #tpu.memory_space<semaphore_mem>>)
    %dma_wait3A_412 = arith.constant 14 : i32
    %dma_wait3A_413 = arith.constant 0 : i32
    %dma_wait3A_414 = tpu.memref_slice %arg5[%dma_wait3A_412, %dma_wait3A_413] : memref<64x16xi32, #tpu.memory_space<vmem>> -> memref<1x16xi32, #tpu.memory_space<vmem>>
    %dma_wait3A_415 = tpu.memref_squeeze %dma_wait3A_414 : memref<1x16xi32, #tpu.memory_space<vmem>> -> memref<16xi32, #tpu.memory_space<vmem>>
    %dma_wait3A_416 = arith.constant 0 : i32
    %dma_wait3A_417 = arith.constant 0 : i32
    %dma_wait3A_418 = tpu.memref_slice %arg3[%dma_wait3A_416, %dma_wait3A_417] : memref<8192x1024xf32, #tpu.memory_space<hbm>> -> memref<8192x1024xf32, #tpu.memory_space<hbm>>
    tpu.wait_indirect_dma semaphore(%arg13 : memref<!tpu.dma_semaphore, #tpu.memory_space<semaphore_mem>>) src(%dma_wait3A_418 : memref<8192x1024xf32, #tpu.memory_space<hbm>>) dst(%arg6 : memref<16x1024xf32, #tpu.memory_space<vmem>>)
    %add3A_419 = arith.constant 448 : i32
    %add3A_420 = arith.addi %add3A_419, %add3A : i32
    %mul3A_421 = arith.constant 16 : i32
    %mul3A_422 = arith.muli %add3A_420, %mul3A_421 : i32
    %dma_start3A_423 = arith.constant 0 : i32
    %dma_start3A_424 = tpu.memref_slice %arg4[%mul3A_422, %dma_start3A_423] : memref<32768x1024xf32, #tpu.memory_space<hbm>> -> memref<16x1024xf32, #tpu.memory_space<hbm>>
    %dma_start3A_425 = arith.constant 0 : i32
    %dma_start3A_426 = tpu.memref_slice %arg4[%mul3A_422, %dma_start3A_425] : memref<32768x1024xf32, #tpu.memory_space<hbm>> -> memref<16x1024xf32, #tpu.memory_space<hbm>>
    tpu.enqueue_dma source(%arg6 : memref<16x1024xf32, #tpu.memory_space<vmem>>) target(%dma_start3A_426 : memref<16x1024xf32, #tpu.memory_space<hbm>>) target_semaphore(%arg20 : memref<!tpu.dma_semaphore, #tpu.memory_space<semaphore_mem>>)
    %dma_wait3A_427 = arith.constant 0 : i32
    %dma_wait3A_428 = tpu.memref_slice %arg4[%mul3A_422, %dma_wait3A_427] : memref<32768x1024xf32, #tpu.memory_space<hbm>> -> memref<16x1024xf32, #tpu.memory_space<hbm>>
    %dma_wait3A_429 = arith.constant 0 : i32
    %dma_wait3A_430 = tpu.memref_slice %arg4[%mul3A_422, %dma_wait3A_429] : memref<32768x1024xf32, #tpu.memory_space<hbm>> -> memref<16x1024xf32, #tpu.memory_space<hbm>>
    tpu.wait_dma2 semaphore(%arg20 : memref<!tpu.dma_semaphore, #tpu.memory_space<semaphore_mem>>) src(%arg6 : memref<16x1024xf32, #tpu.memory_space<vmem>>) dst(%dma_wait3A_430 : memref<16x1024xf32, #tpu.memory_space<hbm>>)
    %dma_start3A_431 = arith.constant 21 : i32
    %dma_start3A_432 = arith.constant 0 : i32
    %dma_start3A_433 = tpu.memref_slice %arg5[%dma_start3A_431, %dma_start3A_432] : memref<64x16xi32, #tpu.memory_space<vmem>> -> memref<1x16xi32, #tpu.memory_space<vmem>>
    %dma_start3A_434 = tpu.memref_squeeze %dma_start3A_433 : memref<1x16xi32, #tpu.memory_space<vmem>> -> memref<16xi32, #tpu.memory_space<vmem>>
    %dma_start3A_435 = arith.constant 0 : i32
    %dma_start3A_436 = arith.constant 0 : i32
    %dma_start3A_437 = tpu.memref_slice %arg3[%dma_start3A_435, %dma_start3A_436] : memref<8192x1024xf32, #tpu.memory_space<hbm>> -> memref<8192x1024xf32, #tpu.memory_space<hbm>>
    tpu.enqueue_indirect_dma source(%dma_start3A_437 : memref<8192x1024xf32, #tpu.memory_space<hbm>>) target(%arg6 : memref<16x1024xf32, #tpu.memory_space<vmem>>) offsets(%dma_start3A_434 : memref<16xi32, #tpu.memory_space<vmem>>) semaphore(%arg13 : memref<!tpu.dma_semaphore, #tpu.memory_space<semaphore_mem>>)
    %dma_wait3A_438 = arith.constant 15 : i32
    %dma_wait3A_439 = arith.constant 0 : i32
    %dma_wait3A_440 = tpu.memref_slice %arg5[%dma_wait3A_438, %dma_wait3A_439] : memref<64x16xi32, #tpu.memory_space<vmem>> -> memref<1x16xi32, #tpu.memory_space<vmem>>
    %dma_wait3A_441 = tpu.memref_squeeze %dma_wait3A_440 : memref<1x16xi32, #tpu.memory_space<vmem>> -> memref<16xi32, #tpu.memory_space<vmem>>
    %dma_wait3A_442 = arith.constant 0 : i32
    %dma_wait3A_443 = arith.constant 0 : i32
    %dma_wait3A_444 = tpu.memref_slice %arg3[%dma_wait3A_442, %dma_wait3A_443] : memref<8192x1024xf32, #tpu.memory_space<hbm>> -> memref<8192x1024xf32, #tpu.memory_space<hbm>>
    tpu.wait_indirect_dma semaphore(%arg14 : memref<!tpu.dma_semaphore, #tpu.memory_space<semaphore_mem>>) src(%dma_wait3A_444 : memref<8192x1024xf32, #tpu.memory_space<hbm>>) dst(%arg7 : memref<16x1024xf32, #tpu.memory_space<vmem>>)
    %add3A_445 = arith.constant 480 : i32
    %add3A_446 = arith.addi %add3A_445, %add3A : i32
    %mul3A_447 = arith.constant 16 : i32
    %mul3A_448 = arith.muli %add3A_446, %mul3A_447 : i32
    %dma_start3A_449 = arith.constant 0 : i32
    %dma_start3A_450 = tpu.memref_slice %arg4[%mul3A_448, %dma_start3A_449] : memref<32768x1024xf32, #tpu.memory_space<hbm>> -> memref<16x1024xf32, #tpu.memory_space<hbm>>
    %dma_start3A_451 = arith.constant 0 : i32
    %dma_start3A_452 = tpu.memref_slice %arg4[%mul3A_448, %dma_start3A_451] : memref<32768x1024xf32, #tpu.memory_space<hbm>> -> memref<16x1024xf32, #tpu.memory_space<hbm>>
    tpu.enqueue_dma source(%arg7 : memref<16x1024xf32, #tpu.memory_space<vmem>>) target(%dma_start3A_452 : memref<16x1024xf32, #tpu.memory_space<hbm>>) target_semaphore(%arg21 : memref<!tpu.dma_semaphore, #tpu.memory_space<semaphore_mem>>)
    %dma_wait3A_453 = arith.constant 0 : i32
    %dma_wait3A_454 = tpu.memref_slice %arg4[%mul3A_448, %dma_wait3A_453] : memref<32768x1024xf32, #tpu.memory_space<hbm>> -> memref<16x1024xf32, #tpu.memory_space<hbm>>
    %dma_wait3A_455 = arith.constant 0 : i32
    %dma_wait3A_456 = tpu.memref_slice %arg4[%mul3A_448, %dma_wait3A_455] : memref<32768x1024xf32, #tpu.memory_space<hbm>> -> memref<16x1024xf32, #tpu.memory_space<hbm>>
    tpu.wait_dma2 semaphore(%arg21 : memref<!tpu.dma_semaphore, #tpu.memory_space<semaphore_mem>>) src(%arg7 : memref<16x1024xf32, #tpu.memory_space<vmem>>) dst(%dma_wait3A_456 : memref<16x1024xf32, #tpu.memory_space<hbm>>)
    %dma_start3A_457 = arith.constant 22 : i32
    %dma_start3A_458 = arith.constant 0 : i32
    %dma_start3A_459 = tpu.memref_slice %arg5[%dma_start3A_457, %dma_start3A_458] : memref<64x16xi32, #tpu.memory_space<vmem>> -> memref<1x16xi32, #tpu.memory_space<vmem>>
    %dma_start3A_460 = tpu.memref_squeeze %dma_start3A_459 : memref<1x16xi32, #tpu.memory_space<vmem>> -> memref<16xi32, #tpu.memory_space<vmem>>
    %dma_start3A_461 = arith.constant 0 : i32
    %dma_start3A_462 = arith.constant 0 : i32
    %dma_start3A_463 = tpu.memref_slice %arg3[%dma_start3A_461, %dma_start3A_462] : memref<8192x1024xf32, #tpu.memory_space<hbm>> -> memref<8192x1024xf32, #tpu.memory_space<hbm>>
    tpu.enqueue_indirect_dma source(%dma_start3A_463 : memref<8192x1024xf32, #tpu.memory_space<hbm>>) target(%arg7 : memref<16x1024xf32, #tpu.memory_space<vmem>>) offsets(%dma_start3A_460 : memref<16xi32, #tpu.memory_space<vmem>>) semaphore(%arg14 : memref<!tpu.dma_semaphore, #tpu.memory_space<semaphore_mem>>)
    %dma_wait3A_464 = arith.constant 16 : i32
    %dma_wait3A_465 = arith.constant 0 : i32
    %dma_wait3A_466 = tpu.memref_slice %arg5[%dma_wait3A_464, %dma_wait3A_465] : memref<64x16xi32, #tpu.memory_space<vmem>> -> memref<1x16xi32, #tpu.memory_space<vmem>>
    %dma_wait3A_467 = tpu.memref_squeeze %dma_wait3A_466 : memref<1x16xi32, #tpu.memory_space<vmem>> -> memref<16xi32, #tpu.memory_space<vmem>>
    %dma_wait3A_468 = arith.constant 0 : i32
    %dma_wait3A_469 = arith.constant 0 : i32
    %dma_wait3A_470 = tpu.memref_slice %arg3[%dma_wait3A_468, %dma_wait3A_469] : memref<8192x1024xf32, #tpu.memory_space<hbm>> -> memref<8192x1024xf32, #tpu.memory_space<hbm>>
    tpu.wait_indirect_dma semaphore(%arg15 : memref<!tpu.dma_semaphore, #tpu.memory_space<semaphore_mem>>) src(%dma_wait3A_470 : memref<8192x1024xf32, #tpu.memory_space<hbm>>) dst(%arg8 : memref<16x1024xf32, #tpu.memory_space<vmem>>)
    %add3A_471 = arith.constant 512 : i32
    %add3A_472 = arith.addi %add3A_471, %add3A : i32
    %mul3A_473 = arith.constant 16 : i32
    %mul3A_474 = arith.muli %add3A_472, %mul3A_473 : i32
    %dma_start3A_475 = arith.constant 0 : i32
    %dma_start3A_476 = tpu.memref_slice %arg4[%mul3A_474, %dma_start3A_475] : memref<32768x1024xf32, #tpu.memory_space<hbm>> -> memref<16x1024xf32, #tpu.memory_space<hbm>>
    %dma_start3A_477 = arith.constant 0 : i32
    %dma_start3A_478 = tpu.memref_slice %arg4[%mul3A_474, %dma_start3A_477] : memref<32768x1024xf32, #tpu.memory_space<hbm>> -> memref<16x1024xf32, #tpu.memory_space<hbm>>
    tpu.enqueue_dma source(%arg8 : memref<16x1024xf32, #tpu.memory_space<vmem>>) target(%dma_start3A_478 : memref<16x1024xf32, #tpu.memory_space<hbm>>) target_semaphore(%arg22 : memref<!tpu.dma_semaphore, #tpu.memory_space<semaphore_mem>>)
    %dma_wait3A_479 = arith.constant 0 : i32
    %dma_wait3A_480 = tpu.memref_slice %arg4[%mul3A_474, %dma_wait3A_479] : memref<32768x1024xf32, #tpu.memory_space<hbm>> -> memref<16x1024xf32, #tpu.memory_space<hbm>>
    %dma_wait3A_481 = arith.constant 0 : i32
    %dma_wait3A_482 = tpu.memref_slice %arg4[%mul3A_474, %dma_wait3A_481] : memref<32768x1024xf32, #tpu.memory_space<hbm>> -> memref<16x1024xf32, #tpu.memory_space<hbm>>
    tpu.wait_dma2 semaphore(%arg22 : memref<!tpu.dma_semaphore, #tpu.memory_space<semaphore_mem>>) src(%arg8 : memref<16x1024xf32, #tpu.memory_space<vmem>>) dst(%dma_wait3A_482 : memref<16x1024xf32, #tpu.memory_space<hbm>>)
    %dma_start3A_483 = arith.constant 23 : i32
    %dma_start3A_484 = arith.constant 0 : i32
    %dma_start3A_485 = tpu.memref_slice %arg5[%dma_start3A_483, %dma_start3A_484] : memref<64x16xi32, #tpu.memory_space<vmem>> -> memref<1x16xi32, #tpu.memory_space<vmem>>
    %dma_start3A_486 = tpu.memref_squeeze %dma_start3A_485 : memref<1x16xi32, #tpu.memory_space<vmem>> -> memref<16xi32, #tpu.memory_space<vmem>>
    %dma_start3A_487 = arith.constant 0 : i32
    %dma_start3A_488 = arith.constant 0 : i32
    %dma_start3A_489 = tpu.memref_slice %arg3[%dma_start3A_487, %dma_start3A_488] : memref<8192x1024xf32, #tpu.memory_space<hbm>> -> memref<8192x1024xf32, #tpu.memory_space<hbm>>
    tpu.enqueue_indirect_dma source(%dma_start3A_489 : memref<8192x1024xf32, #tpu.memory_space<hbm>>) target(%arg8 : memref<16x1024xf32, #tpu.memory_space<vmem>>) offsets(%dma_start3A_486 : memref<16xi32, #tpu.memory_space<vmem>>) semaphore(%arg15 : memref<!tpu.dma_semaphore, #tpu.memory_space<semaphore_mem>>)
    %dma_wait3A_490 = arith.constant 17 : i32
    %dma_wait3A_491 = arith.constant 0 : i32
    %dma_wait3A_492 = tpu.memref_slice %arg5[%dma_wait3A_490, %dma_wait3A_491] : memref<64x16xi32, #tpu.memory_space<vmem>> -> memref<1x16xi32, #tpu.memory_space<vmem>>
    %dma_wait3A_493 = tpu.memref_squeeze %dma_wait3A_492 : memref<1x16xi32, #tpu.memory_space<vmem>> -> memref<16xi32, #tpu.memory_space<vmem>>
    %dma_wait3A_494 = arith.constant 0 : i32
    %dma_wait3A_495 = arith.constant 0 : i32
    %dma_wait3A_496 = tpu.memref_slice %arg3[%dma_wait3A_494, %dma_wait3A_495] : memref<8192x1024xf32, #tpu.memory_space<hbm>> -> memref<8192x1024xf32, #tpu.memory_space<hbm>>
    tpu.wait_indirect_dma semaphore(%arg16 : memref<!tpu.dma_semaphore, #tpu.memory_space<semaphore_mem>>) src(%dma_wait3A_496 : memref<8192x1024xf32, #tpu.memory_space<hbm>>) dst(%arg9 : memref<16x1024xf32, #tpu.memory_space<vmem>>)
    %add3A_497 = arith.constant 544 : i32
    %add3A_498 = arith.addi %add3A_497, %add3A : i32
    %mul3A_499 = arith.constant 16 : i32
    %mul3A_500 = arith.muli %add3A_498, %mul3A_499 : i32
    %dma_start3A_501 = arith.constant 0 : i32
    %dma_start3A_502 = tpu.memref_slice %arg4[%mul3A_500, %dma_start3A_501] : memref<32768x1024xf32, #tpu.memory_space<hbm>> -> memref<16x1024xf32, #tpu.memory_space<hbm>>
    %dma_start3A_503 = arith.constant 0 : i32
    %dma_start3A_504 = tpu.memref_slice %arg4[%mul3A_500, %dma_start3A_503] : memref<32768x1024xf32, #tpu.memory_space<hbm>> -> memref<16x1024xf32, #tpu.memory_space<hbm>>
    tpu.enqueue_dma source(%arg9 : memref<16x1024xf32, #tpu.memory_space<vmem>>) target(%dma_start3A_504 : memref<16x1024xf32, #tpu.memory_space<hbm>>) target_semaphore(%arg23 : memref<!tpu.dma_semaphore, #tpu.memory_space<semaphore_mem>>)
    %dma_wait3A_505 = arith.constant 0 : i32
    %dma_wait3A_506 = tpu.memref_slice %arg4[%mul3A_500, %dma_wait3A_505] : memref<32768x1024xf32, #tpu.memory_space<hbm>> -> memref<16x1024xf32, #tpu.memory_space<hbm>>
    %dma_wait3A_507 = arith.constant 0 : i32
    %dma_wait3A_508 = tpu.memref_slice %arg4[%mul3A_500, %dma_wait3A_507] : memref<32768x1024xf32, #tpu.memory_space<hbm>> -> memref<16x1024xf32, #tpu.memory_space<hbm>>
    tpu.wait_dma2 semaphore(%arg23 : memref<!tpu.dma_semaphore, #tpu.memory_space<semaphore_mem>>) src(%arg9 : memref<16x1024xf32, #tpu.memory_space<vmem>>) dst(%dma_wait3A_508 : memref<16x1024xf32, #tpu.memory_space<hbm>>)
    %dma_start3A_509 = arith.constant 24 : i32
    %dma_start3A_510 = arith.constant 0 : i32
    %dma_start3A_511 = tpu.memref_slice %arg5[%dma_start3A_509, %dma_start3A_510] : memref<64x16xi32, #tpu.memory_space<vmem>> -> memref<1x16xi32, #tpu.memory_space<vmem>>
    %dma_start3A_512 = tpu.memref_squeeze %dma_start3A_511 : memref<1x16xi32, #tpu.memory_space<vmem>> -> memref<16xi32, #tpu.memory_space<vmem>>
    %dma_start3A_513 = arith.constant 0 : i32
    %dma_start3A_514 = arith.constant 0 : i32
    %dma_start3A_515 = tpu.memref_slice %arg3[%dma_start3A_513, %dma_start3A_514] : memref<8192x1024xf32, #tpu.memory_space<hbm>> -> memref<8192x1024xf32, #tpu.memory_space<hbm>>
    tpu.enqueue_indirect_dma source(%dma_start3A_515 : memref<8192x1024xf32, #tpu.memory_space<hbm>>) target(%arg9 : memref<16x1024xf32, #tpu.memory_space<vmem>>) offsets(%dma_start3A_512 : memref<16xi32, #tpu.memory_space<vmem>>) semaphore(%arg16 : memref<!tpu.dma_semaphore, #tpu.memory_space<semaphore_mem>>)
    %dma_wait3A_516 = arith.constant 18 : i32
    %dma_wait3A_517 = arith.constant 0 : i32
    %dma_wait3A_518 = tpu.memref_slice %arg5[%dma_wait3A_516, %dma_wait3A_517] : memref<64x16xi32, #tpu.memory_space<vmem>> -> memref<1x16xi32, #tpu.memory_space<vmem>>
    %dma_wait3A_519 = tpu.memref_squeeze %dma_wait3A_518 : memref<1x16xi32, #tpu.memory_space<vmem>> -> memref<16xi32, #tpu.memory_space<vmem>>
    %dma_wait3A_520 = arith.constant 0 : i32
    %dma_wait3A_521 = arith.constant 0 : i32
    %dma_wait3A_522 = tpu.memref_slice %arg3[%dma_wait3A_520, %dma_wait3A_521] : memref<8192x1024xf32, #tpu.memory_space<hbm>> -> memref<8192x1024xf32, #tpu.memory_space<hbm>>
    tpu.wait_indirect_dma semaphore(%arg17 : memref<!tpu.dma_semaphore, #tpu.memory_space<semaphore_mem>>) src(%dma_wait3A_522 : memref<8192x1024xf32, #tpu.memory_space<hbm>>) dst(%arg10 : memref<16x1024xf32, #tpu.memory_space<vmem>>)
    %add3A_523 = arith.constant 576 : i32
    %add3A_524 = arith.addi %add3A_523, %add3A : i32
    %mul3A_525 = arith.constant 16 : i32
    %mul3A_526 = arith.muli %add3A_524, %mul3A_525 : i32
    %dma_start3A_527 = arith.constant 0 : i32
    %dma_start3A_528 = tpu.memref_slice %arg4[%mul3A_526, %dma_start3A_527] : memref<32768x1024xf32, #tpu.memory_space<hbm>> -> memref<16x1024xf32, #tpu.memory_space<hbm>>
    %dma_start3A_529 = arith.constant 0 : i32
    %dma_start3A_530 = tpu.memref_slice %arg4[%mul3A_526, %dma_start3A_529] : memref<32768x1024xf32, #tpu.memory_space<hbm>> -> memref<16x1024xf32, #tpu.memory_space<hbm>>
    tpu.enqueue_dma source(%arg10 : memref<16x1024xf32, #tpu.memory_space<vmem>>) target(%dma_start3A_530 : memref<16x1024xf32, #tpu.memory_space<hbm>>) target_semaphore(%arg24 : memref<!tpu.dma_semaphore, #tpu.memory_space<semaphore_mem>>)
    %dma_wait3A_531 = arith.constant 0 : i32
    %dma_wait3A_532 = tpu.memref_slice %arg4[%mul3A_526, %dma_wait3A_531] : memref<32768x1024xf32, #tpu.memory_space<hbm>> -> memref<16x1024xf32, #tpu.memory_space<hbm>>
    %dma_wait3A_533 = arith.constant 0 : i32
    %dma_wait3A_534 = tpu.memref_slice %arg4[%mul3A_526, %dma_wait3A_533] : memref<32768x1024xf32, #tpu.memory_space<hbm>> -> memref<16x1024xf32, #tpu.memory_space<hbm>>
    tpu.wait_dma2 semaphore(%arg24 : memref<!tpu.dma_semaphore, #tpu.memory_space<semaphore_mem>>) src(%arg10 : memref<16x1024xf32, #tpu.memory_space<vmem>>) dst(%dma_wait3A_534 : memref<16x1024xf32, #tpu.memory_space<hbm>>)
    %dma_start3A_535 = arith.constant 25 : i32
    %dma_start3A_536 = arith.constant 0 : i32
    %dma_start3A_537 = tpu.memref_slice %arg5[%dma_start3A_535, %dma_start3A_536] : memref<64x16xi32, #tpu.memory_space<vmem>> -> memref<1x16xi32, #tpu.memory_space<vmem>>
    %dma_start3A_538 = tpu.memref_squeeze %dma_start3A_537 : memref<1x16xi32, #tpu.memory_space<vmem>> -> memref<16xi32, #tpu.memory_space<vmem>>
    %dma_start3A_539 = arith.constant 0 : i32
    %dma_start3A_540 = arith.constant 0 : i32
    %dma_start3A_541 = tpu.memref_slice %arg3[%dma_start3A_539, %dma_start3A_540] : memref<8192x1024xf32, #tpu.memory_space<hbm>> -> memref<8192x1024xf32, #tpu.memory_space<hbm>>
    tpu.enqueue_indirect_dma source(%dma_start3A_541 : memref<8192x1024xf32, #tpu.memory_space<hbm>>) target(%arg10 : memref<16x1024xf32, #tpu.memory_space<vmem>>) offsets(%dma_start3A_538 : memref<16xi32, #tpu.memory_space<vmem>>) semaphore(%arg17 : memref<!tpu.dma_semaphore, #tpu.memory_space<semaphore_mem>>)
    %dma_wait3A_542 = arith.constant 19 : i32
    %dma_wait3A_543 = arith.constant 0 : i32
    %dma_wait3A_544 = tpu.memref_slice %arg5[%dma_wait3A_542, %dma_wait3A_543] : memref<64x16xi32, #tpu.memory_space<vmem>> -> memref<1x16xi32, #tpu.memory_space<vmem>>
    %dma_wait3A_545 = tpu.memref_squeeze %dma_wait3A_544 : memref<1x16xi32, #tpu.memory_space<vmem>> -> memref<16xi32, #tpu.memory_space<vmem>>
    %dma_wait3A_546 = arith.constant 0 : i32
    %dma_wait3A_547 = arith.constant 0 : i32
    %dma_wait3A_548 = tpu.memref_slice %arg3[%dma_wait3A_546, %dma_wait3A_547] : memref<8192x1024xf32, #tpu.memory_space<hbm>> -> memref<8192x1024xf32, #tpu.memory_space<hbm>>
    tpu.wait_indirect_dma semaphore(%arg18 : memref<!tpu.dma_semaphore, #tpu.memory_space<semaphore_mem>>) src(%dma_wait3A_548 : memref<8192x1024xf32, #tpu.memory_space<hbm>>) dst(%arg11 : memref<16x1024xf32, #tpu.memory_space<vmem>>)
    %add3A_549 = arith.constant 608 : i32
    %add3A_550 = arith.addi %add3A_549, %add3A : i32
    %mul3A_551 = arith.constant 16 : i32
    %mul3A_552 = arith.muli %add3A_550, %mul3A_551 : i32
    %dma_start3A_553 = arith.constant 0 : i32
    %dma_start3A_554 = tpu.memref_slice %arg4[%mul3A_552, %dma_start3A_553] : memref<32768x1024xf32, #tpu.memory_space<hbm>> -> memref<16x1024xf32, #tpu.memory_space<hbm>>
    %dma_start3A_555 = arith.constant 0 : i32
    %dma_start3A_556 = tpu.memref_slice %arg4[%mul3A_552, %dma_start3A_555] : memref<32768x1024xf32, #tpu.memory_space<hbm>> -> memref<16x1024xf32, #tpu.memory_space<hbm>>
    tpu.enqueue_dma source(%arg11 : memref<16x1024xf32, #tpu.memory_space<vmem>>) target(%dma_start3A_556 : memref<16x1024xf32, #tpu.memory_space<hbm>>) target_semaphore(%arg25 : memref<!tpu.dma_semaphore, #tpu.memory_space<semaphore_mem>>)
    %dma_wait3A_557 = arith.constant 0 : i32
    %dma_wait3A_558 = tpu.memref_slice %arg4[%mul3A_552, %dma_wait3A_557] : memref<32768x1024xf32, #tpu.memory_space<hbm>> -> memref<16x1024xf32, #tpu.memory_space<hbm>>
    %dma_wait3A_559 = arith.constant 0 : i32
    %dma_wait3A_560 = tpu.memref_slice %arg4[%mul3A_552, %dma_wait3A_559] : memref<32768x1024xf32, #tpu.memory_space<hbm>> -> memref<16x1024xf32, #tpu.memory_space<hbm>>
    tpu.wait_dma2 semaphore(%arg25 : memref<!tpu.dma_semaphore, #tpu.memory_space<semaphore_mem>>) src(%arg11 : memref<16x1024xf32, #tpu.memory_space<vmem>>) dst(%dma_wait3A_560 : memref<16x1024xf32, #tpu.memory_space<hbm>>)
    %dma_start3A_561 = arith.constant 26 : i32
    %dma_start3A_562 = arith.constant 0 : i32
    %dma_start3A_563 = tpu.memref_slice %arg5[%dma_start3A_561, %dma_start3A_562] : memref<64x16xi32, #tpu.memory_space<vmem>> -> memref<1x16xi32, #tpu.memory_space<vmem>>
    %dma_start3A_564 = tpu.memref_squeeze %dma_start3A_563 : memref<1x16xi32, #tpu.memory_space<vmem>> -> memref<16xi32, #tpu.memory_space<vmem>>
    %dma_start3A_565 = arith.constant 0 : i32
    %dma_start3A_566 = arith.constant 0 : i32
    %dma_start3A_567 = tpu.memref_slice %arg3[%dma_start3A_565, %dma_start3A_566] : memref<8192x1024xf32, #tpu.memory_space<hbm>> -> memref<8192x1024xf32, #tpu.memory_space<hbm>>
    tpu.enqueue_indirect_dma source(%dma_start3A_567 : memref<8192x1024xf32, #tpu.memory_space<hbm>>) target(%arg11 : memref<16x1024xf32, #tpu.memory_space<vmem>>) offsets(%dma_start3A_564 : memref<16xi32, #tpu.memory_space<vmem>>) semaphore(%arg18 : memref<!tpu.dma_semaphore, #tpu.memory_space<semaphore_mem>>)
    %dma_wait3A_568 = arith.constant 20 : i32
    %dma_wait3A_569 = arith.constant 0 : i32
    %dma_wait3A_570 = tpu.memref_slice %arg5[%dma_wait3A_568, %dma_wait3A_569] : memref<64x16xi32, #tpu.memory_space<vmem>> -> memref<1x16xi32, #tpu.memory_space<vmem>>
    %dma_wait3A_571 = tpu.memref_squeeze %dma_wait3A_570 : memref<1x16xi32, #tpu.memory_space<vmem>> -> memref<16xi32, #tpu.memory_space<vmem>>
    %dma_wait3A_572 = arith.constant 0 : i32
    %dma_wait3A_573 = arith.constant 0 : i32
    %dma_wait3A_574 = tpu.memref_slice %arg3[%dma_wait3A_572, %dma_wait3A_573] : memref<8192x1024xf32, #tpu.memory_space<hbm>> -> memref<8192x1024xf32, #tpu.memory_space<hbm>>
    tpu.wait_indirect_dma semaphore(%arg19 : memref<!tpu.dma_semaphore, #tpu.memory_space<semaphore_mem>>) src(%dma_wait3A_574 : memref<8192x1024xf32, #tpu.memory_space<hbm>>) dst(%arg12 : memref<16x1024xf32, #tpu.memory_space<vmem>>)
    %add3A_575 = arith.constant 640 : i32
    %add3A_576 = arith.addi %add3A_575, %add3A : i32
    %mul3A_577 = arith.constant 16 : i32
    %mul3A_578 = arith.muli %add3A_576, %mul3A_577 : i32
    %dma_start3A_579 = arith.constant 0 : i32
    %dma_start3A_580 = tpu.memref_slice %arg4[%mul3A_578, %dma_start3A_579] : memref<32768x1024xf32, #tpu.memory_space<hbm>> -> memref<16x1024xf32, #tpu.memory_space<hbm>>
    %dma_start3A_581 = arith.constant 0 : i32
    %dma_start3A_582 = tpu.memref_slice %arg4[%mul3A_578, %dma_start3A_581] : memref<32768x1024xf32, #tpu.memory_space<hbm>> -> memref<16x1024xf32, #tpu.memory_space<hbm>>
    tpu.enqueue_dma source(%arg12 : memref<16x1024xf32, #tpu.memory_space<vmem>>) target(%dma_start3A_582 : memref<16x1024xf32, #tpu.memory_space<hbm>>) target_semaphore(%arg26 : memref<!tpu.dma_semaphore, #tpu.memory_space<semaphore_mem>>)
    %dma_wait3A_583 = arith.constant 0 : i32
    %dma_wait3A_584 = tpu.memref_slice %arg4[%mul3A_578, %dma_wait3A_583] : memref<32768x1024xf32, #tpu.memory_space<hbm>> -> memref<16x1024xf32, #tpu.memory_space<hbm>>
    %dma_wait3A_585 = arith.constant 0 : i32
    %dma_wait3A_586 = tpu.memref_slice %arg4[%mul3A_578, %dma_wait3A_585] : memref<32768x1024xf32, #tpu.memory_space<hbm>> -> memref<16x1024xf32, #tpu.memory_space<hbm>>
    tpu.wait_dma2 semaphore(%arg26 : memref<!tpu.dma_semaphore, #tpu.memory_space<semaphore_mem>>) src(%arg12 : memref<16x1024xf32, #tpu.memory_space<vmem>>) dst(%dma_wait3A_586 : memref<16x1024xf32, #tpu.memory_space<hbm>>)
    %dma_start3A_587 = arith.constant 27 : i32
    %dma_start3A_588 = arith.constant 0 : i32
    %dma_start3A_589 = tpu.memref_slice %arg5[%dma_start3A_587, %dma_start3A_588] : memref<64x16xi32, #tpu.memory_space<vmem>> -> memref<1x16xi32, #tpu.memory_space<vmem>>
    %dma_start3A_590 = tpu.memref_squeeze %dma_start3A_589 : memref<1x16xi32, #tpu.memory_space<vmem>> -> memref<16xi32, #tpu.memory_space<vmem>>
    %dma_start3A_591 = arith.constant 0 : i32
    %dma_start3A_592 = arith.constant 0 : i32
    %dma_start3A_593 = tpu.memref_slice %arg3[%dma_start3A_591, %dma_start3A_592] : memref<8192x1024xf32, #tpu.memory_space<hbm>> -> memref<8192x1024xf32, #tpu.memory_space<hbm>>
    tpu.enqueue_indirect_dma source(%dma_start3A_593 : memref<8192x1024xf32, #tpu.memory_space<hbm>>) target(%arg12 : memref<16x1024xf32, #tpu.memory_space<vmem>>) offsets(%dma_start3A_590 : memref<16xi32, #tpu.memory_space<vmem>>) semaphore(%arg19 : memref<!tpu.dma_semaphore, #tpu.memory_space<semaphore_mem>>)
    %dma_wait3A_594 = arith.constant 21 : i32
    %dma_wait3A_595 = arith.constant 0 : i32
    %dma_wait3A_596 = tpu.memref_slice %arg5[%dma_wait3A_594, %dma_wait3A_595] : memref<64x16xi32, #tpu.memory_space<vmem>> -> memref<1x16xi32, #tpu.memory_space<vmem>>
    %dma_wait3A_597 = tpu.memref_squeeze %dma_wait3A_596 : memref<1x16xi32, #tpu.memory_space<vmem>> -> memref<16xi32, #tpu.memory_space<vmem>>
    %dma_wait3A_598 = arith.constant 0 : i32
    %dma_wait3A_599 = arith.constant 0 : i32
    %dma_wait3A_600 = tpu.memref_slice %arg3[%dma_wait3A_598, %dma_wait3A_599] : memref<8192x1024xf32, #tpu.memory_space<hbm>> -> memref<8192x1024xf32, #tpu.memory_space<hbm>>
    tpu.wait_indirect_dma semaphore(%arg13 : memref<!tpu.dma_semaphore, #tpu.memory_space<semaphore_mem>>) src(%dma_wait3A_600 : memref<8192x1024xf32, #tpu.memory_space<hbm>>) dst(%arg6 : memref<16x1024xf32, #tpu.memory_space<vmem>>)
    %add3A_601 = arith.constant 672 : i32
    %add3A_602 = arith.addi %add3A_601, %add3A : i32
    %mul3A_603 = arith.constant 16 : i32
    %mul3A_604 = arith.muli %add3A_602, %mul3A_603 : i32
    %dma_start3A_605 = arith.constant 0 : i32
    %dma_start3A_606 = tpu.memref_slice %arg4[%mul3A_604, %dma_start3A_605] : memref<32768x1024xf32, #tpu.memory_space<hbm>> -> memref<16x1024xf32, #tpu.memory_space<hbm>>
    %dma_start3A_607 = arith.constant 0 : i32
    %dma_start3A_608 = tpu.memref_slice %arg4[%mul3A_604, %dma_start3A_607] : memref<32768x1024xf32, #tpu.memory_space<hbm>> -> memref<16x1024xf32, #tpu.memory_space<hbm>>
    tpu.enqueue_dma source(%arg6 : memref<16x1024xf32, #tpu.memory_space<vmem>>) target(%dma_start3A_608 : memref<16x1024xf32, #tpu.memory_space<hbm>>) target_semaphore(%arg20 : memref<!tpu.dma_semaphore, #tpu.memory_space<semaphore_mem>>)
    %dma_wait3A_609 = arith.constant 0 : i32
    %dma_wait3A_610 = tpu.memref_slice %arg4[%mul3A_604, %dma_wait3A_609] : memref<32768x1024xf32, #tpu.memory_space<hbm>> -> memref<16x1024xf32, #tpu.memory_space<hbm>>
    %dma_wait3A_611 = arith.constant 0 : i32
    %dma_wait3A_612 = tpu.memref_slice %arg4[%mul3A_604, %dma_wait3A_611] : memref<32768x1024xf32, #tpu.memory_space<hbm>> -> memref<16x1024xf32, #tpu.memory_space<hbm>>
    tpu.wait_dma2 semaphore(%arg20 : memref<!tpu.dma_semaphore, #tpu.memory_space<semaphore_mem>>) src(%arg6 : memref<16x1024xf32, #tpu.memory_space<vmem>>) dst(%dma_wait3A_612 : memref<16x1024xf32, #tpu.memory_space<hbm>>)
    %dma_start3A_613 = arith.constant 28 : i32
    %dma_start3A_614 = arith.constant 0 : i32
    %dma_start3A_615 = tpu.memref_slice %arg5[%dma_start3A_613, %dma_start3A_614] : memref<64x16xi32, #tpu.memory_space<vmem>> -> memref<1x16xi32, #tpu.memory_space<vmem>>
    %dma_start3A_616 = tpu.memref_squeeze %dma_start3A_615 : memref<1x16xi32, #tpu.memory_space<vmem>> -> memref<16xi32, #tpu.memory_space<vmem>>
    %dma_start3A_617 = arith.constant 0 : i32
    %dma_start3A_618 = arith.constant 0 : i32
    %dma_start3A_619 = tpu.memref_slice %arg3[%dma_start3A_617, %dma_start3A_618] : memref<8192x1024xf32, #tpu.memory_space<hbm>> -> memref<8192x1024xf32, #tpu.memory_space<hbm>>
    tpu.enqueue_indirect_dma source(%dma_start3A_619 : memref<8192x1024xf32, #tpu.memory_space<hbm>>) target(%arg6 : memref<16x1024xf32, #tpu.memory_space<vmem>>) offsets(%dma_start3A_616 : memref<16xi32, #tpu.memory_space<vmem>>) semaphore(%arg13 : memref<!tpu.dma_semaphore, #tpu.memory_space<semaphore_mem>>)
    %dma_wait3A_620 = arith.constant 22 : i32
    %dma_wait3A_621 = arith.constant 0 : i32
    %dma_wait3A_622 = tpu.memref_slice %arg5[%dma_wait3A_620, %dma_wait3A_621] : memref<64x16xi32, #tpu.memory_space<vmem>> -> memref<1x16xi32, #tpu.memory_space<vmem>>
    %dma_wait3A_623 = tpu.memref_squeeze %dma_wait3A_622 : memref<1x16xi32, #tpu.memory_space<vmem>> -> memref<16xi32, #tpu.memory_space<vmem>>
    %dma_wait3A_624 = arith.constant 0 : i32
    %dma_wait3A_625 = arith.constant 0 : i32
    %dma_wait3A_626 = tpu.memref_slice %arg3[%dma_wait3A_624, %dma_wait3A_625] : memref<8192x1024xf32, #tpu.memory_space<hbm>> -> memref<8192x1024xf32, #tpu.memory_space<hbm>>
    tpu.wait_indirect_dma semaphore(%arg14 : memref<!tpu.dma_semaphore, #tpu.memory_space<semaphore_mem>>) src(%dma_wait3A_626 : memref<8192x1024xf32, #tpu.memory_space<hbm>>) dst(%arg7 : memref<16x1024xf32, #tpu.memory_space<vmem>>)
    %add3A_627 = arith.constant 704 : i32
    %add3A_628 = arith.addi %add3A_627, %add3A : i32
    %mul3A_629 = arith.constant 16 : i32
    %mul3A_630 = arith.muli %add3A_628, %mul3A_629 : i32
    %dma_start3A_631 = arith.constant 0 : i32
    %dma_start3A_632 = tpu.memref_slice %arg4[%mul3A_630, %dma_start3A_631] : memref<32768x1024xf32, #tpu.memory_space<hbm>> -> memref<16x1024xf32, #tpu.memory_space<hbm>>
    %dma_start3A_633 = arith.constant 0 : i32
    %dma_start3A_634 = tpu.memref_slice %arg4[%mul3A_630, %dma_start3A_633] : memref<32768x1024xf32, #tpu.memory_space<hbm>> -> memref<16x1024xf32, #tpu.memory_space<hbm>>
    tpu.enqueue_dma source(%arg7 : memref<16x1024xf32, #tpu.memory_space<vmem>>) target(%dma_start3A_634 : memref<16x1024xf32, #tpu.memory_space<hbm>>) target_semaphore(%arg21 : memref<!tpu.dma_semaphore, #tpu.memory_space<semaphore_mem>>)
    %dma_wait3A_635 = arith.constant 0 : i32
    %dma_wait3A_636 = tpu.memref_slice %arg4[%mul3A_630, %dma_wait3A_635] : memref<32768x1024xf32, #tpu.memory_space<hbm>> -> memref<16x1024xf32, #tpu.memory_space<hbm>>
    %dma_wait3A_637 = arith.constant 0 : i32
    %dma_wait3A_638 = tpu.memref_slice %arg4[%mul3A_630, %dma_wait3A_637] : memref<32768x1024xf32, #tpu.memory_space<hbm>> -> memref<16x1024xf32, #tpu.memory_space<hbm>>
    tpu.wait_dma2 semaphore(%arg21 : memref<!tpu.dma_semaphore, #tpu.memory_space<semaphore_mem>>) src(%arg7 : memref<16x1024xf32, #tpu.memory_space<vmem>>) dst(%dma_wait3A_638 : memref<16x1024xf32, #tpu.memory_space<hbm>>)
    %dma_start3A_639 = arith.constant 29 : i32
    %dma_start3A_640 = arith.constant 0 : i32
    %dma_start3A_641 = tpu.memref_slice %arg5[%dma_start3A_639, %dma_start3A_640] : memref<64x16xi32, #tpu.memory_space<vmem>> -> memref<1x16xi32, #tpu.memory_space<vmem>>
    %dma_start3A_642 = tpu.memref_squeeze %dma_start3A_641 : memref<1x16xi32, #tpu.memory_space<vmem>> -> memref<16xi32, #tpu.memory_space<vmem>>
    %dma_start3A_643 = arith.constant 0 : i32
    %dma_start3A_644 = arith.constant 0 : i32
    %dma_start3A_645 = tpu.memref_slice %arg3[%dma_start3A_643, %dma_start3A_644] : memref<8192x1024xf32, #tpu.memory_space<hbm>> -> memref<8192x1024xf32, #tpu.memory_space<hbm>>
    tpu.enqueue_indirect_dma source(%dma_start3A_645 : memref<8192x1024xf32, #tpu.memory_space<hbm>>) target(%arg7 : memref<16x1024xf32, #tpu.memory_space<vmem>>) offsets(%dma_start3A_642 : memref<16xi32, #tpu.memory_space<vmem>>) semaphore(%arg14 : memref<!tpu.dma_semaphore, #tpu.memory_space<semaphore_mem>>)
    %dma_wait3A_646 = arith.constant 23 : i32
    %dma_wait3A_647 = arith.constant 0 : i32
    %dma_wait3A_648 = tpu.memref_slice %arg5[%dma_wait3A_646, %dma_wait3A_647] : memref<64x16xi32, #tpu.memory_space<vmem>> -> memref<1x16xi32, #tpu.memory_space<vmem>>
    %dma_wait3A_649 = tpu.memref_squeeze %dma_wait3A_648 : memref<1x16xi32, #tpu.memory_space<vmem>> -> memref<16xi32, #tpu.memory_space<vmem>>
    %dma_wait3A_650 = arith.constant 0 : i32
    %dma_wait3A_651 = arith.constant 0 : i32
    %dma_wait3A_652 = tpu.memref_slice %arg3[%dma_wait3A_650, %dma_wait3A_651] : memref<8192x1024xf32, #tpu.memory_space<hbm>> -> memref<8192x1024xf32, #tpu.memory_space<hbm>>
    tpu.wait_indirect_dma semaphore(%arg15 : memref<!tpu.dma_semaphore, #tpu.memory_space<semaphore_mem>>) src(%dma_wait3A_652 : memref<8192x1024xf32, #tpu.memory_space<hbm>>) dst(%arg8 : memref<16x1024xf32, #tpu.memory_space<vmem>>)
    %add3A_653 = arith.constant 736 : i32
    %add3A_654 = arith.addi %add3A_653, %add3A : i32
    %mul3A_655 = arith.constant 16 : i32
    %mul3A_656 = arith.muli %add3A_654, %mul3A_655 : i32
    %dma_start3A_657 = arith.constant 0 : i32
    %dma_start3A_658 = tpu.memref_slice %arg4[%mul3A_656, %dma_start3A_657] : memref<32768x1024xf32, #tpu.memory_space<hbm>> -> memref<16x1024xf32, #tpu.memory_space<hbm>>
    %dma_start3A_659 = arith.constant 0 : i32
    %dma_start3A_660 = tpu.memref_slice %arg4[%mul3A_656, %dma_start3A_659] : memref<32768x1024xf32, #tpu.memory_space<hbm>> -> memref<16x1024xf32, #tpu.memory_space<hbm>>
    tpu.enqueue_dma source(%arg8 : memref<16x1024xf32, #tpu.memory_space<vmem>>) target(%dma_start3A_660 : memref<16x1024xf32, #tpu.memory_space<hbm>>) target_semaphore(%arg22 : memref<!tpu.dma_semaphore, #tpu.memory_space<semaphore_mem>>)
    %dma_wait3A_661 = arith.constant 0 : i32
    %dma_wait3A_662 = tpu.memref_slice %arg4[%mul3A_656, %dma_wait3A_661] : memref<32768x1024xf32, #tpu.memory_space<hbm>> -> memref<16x1024xf32, #tpu.memory_space<hbm>>
    %dma_wait3A_663 = arith.constant 0 : i32
    %dma_wait3A_664 = tpu.memref_slice %arg4[%mul3A_656, %dma_wait3A_663] : memref<32768x1024xf32, #tpu.memory_space<hbm>> -> memref<16x1024xf32, #tpu.memory_space<hbm>>
    tpu.wait_dma2 semaphore(%arg22 : memref<!tpu.dma_semaphore, #tpu.memory_space<semaphore_mem>>) src(%arg8 : memref<16x1024xf32, #tpu.memory_space<vmem>>) dst(%dma_wait3A_664 : memref<16x1024xf32, #tpu.memory_space<hbm>>)
    %dma_start3A_665 = arith.constant 30 : i32
    %dma_start3A_666 = arith.constant 0 : i32
    %dma_start3A_667 = tpu.memref_slice %arg5[%dma_start3A_665, %dma_start3A_666] : memref<64x16xi32, #tpu.memory_space<vmem>> -> memref<1x16xi32, #tpu.memory_space<vmem>>
    %dma_start3A_668 = tpu.memref_squeeze %dma_start3A_667 : memref<1x16xi32, #tpu.memory_space<vmem>> -> memref<16xi32, #tpu.memory_space<vmem>>
    %dma_start3A_669 = arith.constant 0 : i32
    %dma_start3A_670 = arith.constant 0 : i32
    %dma_start3A_671 = tpu.memref_slice %arg3[%dma_start3A_669, %dma_start3A_670] : memref<8192x1024xf32, #tpu.memory_space<hbm>> -> memref<8192x1024xf32, #tpu.memory_space<hbm>>
    tpu.enqueue_indirect_dma source(%dma_start3A_671 : memref<8192x1024xf32, #tpu.memory_space<hbm>>) target(%arg8 : memref<16x1024xf32, #tpu.memory_space<vmem>>) offsets(%dma_start3A_668 : memref<16xi32, #tpu.memory_space<vmem>>) semaphore(%arg15 : memref<!tpu.dma_semaphore, #tpu.memory_space<semaphore_mem>>)
    %dma_wait3A_672 = arith.constant 24 : i32
    %dma_wait3A_673 = arith.constant 0 : i32
    %dma_wait3A_674 = tpu.memref_slice %arg5[%dma_wait3A_672, %dma_wait3A_673] : memref<64x16xi32, #tpu.memory_space<vmem>> -> memref<1x16xi32, #tpu.memory_space<vmem>>
    %dma_wait3A_675 = tpu.memref_squeeze %dma_wait3A_674 : memref<1x16xi32, #tpu.memory_space<vmem>> -> memref<16xi32, #tpu.memory_space<vmem>>
    %dma_wait3A_676 = arith.constant 0 : i32
    %dma_wait3A_677 = arith.constant 0 : i32
    %dma_wait3A_678 = tpu.memref_slice %arg3[%dma_wait3A_676, %dma_wait3A_677] : memref<8192x1024xf32, #tpu.memory_space<hbm>> -> memref<8192x1024xf32, #tpu.memory_space<hbm>>
    tpu.wait_indirect_dma semaphore(%arg16 : memref<!tpu.dma_semaphore, #tpu.memory_space<semaphore_mem>>) src(%dma_wait3A_678 : memref<8192x1024xf32, #tpu.memory_space<hbm>>) dst(%arg9 : memref<16x1024xf32, #tpu.memory_space<vmem>>)
    %add3A_679 = arith.constant 768 : i32
    %add3A_680 = arith.addi %add3A_679, %add3A : i32
    %mul3A_681 = arith.constant 16 : i32
    %mul3A_682 = arith.muli %add3A_680, %mul3A_681 : i32
    %dma_start3A_683 = arith.constant 0 : i32
    %dma_start3A_684 = tpu.memref_slice %arg4[%mul3A_682, %dma_start3A_683] : memref<32768x1024xf32, #tpu.memory_space<hbm>> -> memref<16x1024xf32, #tpu.memory_space<hbm>>
    %dma_start3A_685 = arith.constant 0 : i32
    %dma_start3A_686 = tpu.memref_slice %arg4[%mul3A_682, %dma_start3A_685] : memref<32768x1024xf32, #tpu.memory_space<hbm>> -> memref<16x1024xf32, #tpu.memory_space<hbm>>
    tpu.enqueue_dma source(%arg9 : memref<16x1024xf32, #tpu.memory_space<vmem>>) target(%dma_start3A_686 : memref<16x1024xf32, #tpu.memory_space<hbm>>) target_semaphore(%arg23 : memref<!tpu.dma_semaphore, #tpu.memory_space<semaphore_mem>>)
    %dma_wait3A_687 = arith.constant 0 : i32
    %dma_wait3A_688 = tpu.memref_slice %arg4[%mul3A_682, %dma_wait3A_687] : memref<32768x1024xf32, #tpu.memory_space<hbm>> -> memref<16x1024xf32, #tpu.memory_space<hbm>>
    %dma_wait3A_689 = arith.constant 0 : i32
    %dma_wait3A_690 = tpu.memref_slice %arg4[%mul3A_682, %dma_wait3A_689] : memref<32768x1024xf32, #tpu.memory_space<hbm>> -> memref<16x1024xf32, #tpu.memory_space<hbm>>
    tpu.wait_dma2 semaphore(%arg23 : memref<!tpu.dma_semaphore, #tpu.memory_space<semaphore_mem>>) src(%arg9 : memref<16x1024xf32, #tpu.memory_space<vmem>>) dst(%dma_wait3A_690 : memref<16x1024xf32, #tpu.memory_space<hbm>>)
    %dma_start3A_691 = arith.constant 31 : i32
    %dma_start3A_692 = arith.constant 0 : i32
    %dma_start3A_693 = tpu.memref_slice %arg5[%dma_start3A_691, %dma_start3A_692] : memref<64x16xi32, #tpu.memory_space<vmem>> -> memref<1x16xi32, #tpu.memory_space<vmem>>
    %dma_start3A_694 = tpu.memref_squeeze %dma_start3A_693 : memref<1x16xi32, #tpu.memory_space<vmem>> -> memref<16xi32, #tpu.memory_space<vmem>>
    %dma_start3A_695 = arith.constant 0 : i32
    %dma_start3A_696 = arith.constant 0 : i32
    %dma_start3A_697 = tpu.memref_slice %arg3[%dma_start3A_695, %dma_start3A_696] : memref<8192x1024xf32, #tpu.memory_space<hbm>> -> memref<8192x1024xf32, #tpu.memory_space<hbm>>
    tpu.enqueue_indirect_dma source(%dma_start3A_697 : memref<8192x1024xf32, #tpu.memory_space<hbm>>) target(%arg9 : memref<16x1024xf32, #tpu.memory_space<vmem>>) offsets(%dma_start3A_694 : memref<16xi32, #tpu.memory_space<vmem>>) semaphore(%arg16 : memref<!tpu.dma_semaphore, #tpu.memory_space<semaphore_mem>>)
    %dma_wait3A_698 = arith.constant 25 : i32
    %dma_wait3A_699 = arith.constant 0 : i32
    %dma_wait3A_700 = tpu.memref_slice %arg5[%dma_wait3A_698, %dma_wait3A_699] : memref<64x16xi32, #tpu.memory_space<vmem>> -> memref<1x16xi32, #tpu.memory_space<vmem>>
    %dma_wait3A_701 = tpu.memref_squeeze %dma_wait3A_700 : memref<1x16xi32, #tpu.memory_space<vmem>> -> memref<16xi32, #tpu.memory_space<vmem>>
    %dma_wait3A_702 = arith.constant 0 : i32
    %dma_wait3A_703 = arith.constant 0 : i32
    %dma_wait3A_704 = tpu.memref_slice %arg3[%dma_wait3A_702, %dma_wait3A_703] : memref<8192x1024xf32, #tpu.memory_space<hbm>> -> memref<8192x1024xf32, #tpu.memory_space<hbm>>
    tpu.wait_indirect_dma semaphore(%arg17 : memref<!tpu.dma_semaphore, #tpu.memory_space<semaphore_mem>>) src(%dma_wait3A_704 : memref<8192x1024xf32, #tpu.memory_space<hbm>>) dst(%arg10 : memref<16x1024xf32, #tpu.memory_space<vmem>>)
    %add3A_705 = arith.constant 800 : i32
    %add3A_706 = arith.addi %add3A_705, %add3A : i32
    %mul3A_707 = arith.constant 16 : i32
    %mul3A_708 = arith.muli %add3A_706, %mul3A_707 : i32
    %dma_start3A_709 = arith.constant 0 : i32
    %dma_start3A_710 = tpu.memref_slice %arg4[%mul3A_708, %dma_start3A_709] : memref<32768x1024xf32, #tpu.memory_space<hbm>> -> memref<16x1024xf32, #tpu.memory_space<hbm>>
    %dma_start3A_711 = arith.constant 0 : i32
    %dma_start3A_712 = tpu.memref_slice %arg4[%mul3A_708, %dma_start3A_711] : memref<32768x1024xf32, #tpu.memory_space<hbm>> -> memref<16x1024xf32, #tpu.memory_space<hbm>>
    tpu.enqueue_dma source(%arg10 : memref<16x1024xf32, #tpu.memory_space<vmem>>) target(%dma_start3A_712 : memref<16x1024xf32, #tpu.memory_space<hbm>>) target_semaphore(%arg24 : memref<!tpu.dma_semaphore, #tpu.memory_space<semaphore_mem>>)
    %dma_wait3A_713 = arith.constant 0 : i32
    %dma_wait3A_714 = tpu.memref_slice %arg4[%mul3A_708, %dma_wait3A_713] : memref<32768x1024xf32, #tpu.memory_space<hbm>> -> memref<16x1024xf32, #tpu.memory_space<hbm>>
    %dma_wait3A_715 = arith.constant 0 : i32
    %dma_wait3A_716 = tpu.memref_slice %arg4[%mul3A_708, %dma_wait3A_715] : memref<32768x1024xf32, #tpu.memory_space<hbm>> -> memref<16x1024xf32, #tpu.memory_space<hbm>>
    tpu.wait_dma2 semaphore(%arg24 : memref<!tpu.dma_semaphore, #tpu.memory_space<semaphore_mem>>) src(%arg10 : memref<16x1024xf32, #tpu.memory_space<vmem>>) dst(%dma_wait3A_716 : memref<16x1024xf32, #tpu.memory_space<hbm>>)
    %dma_start3A_717 = arith.constant 32 : i32
    %dma_start3A_718 = arith.constant 0 : i32
    %dma_start3A_719 = tpu.memref_slice %arg5[%dma_start3A_717, %dma_start3A_718] : memref<64x16xi32, #tpu.memory_space<vmem>> -> memref<1x16xi32, #tpu.memory_space<vmem>>
    %dma_start3A_720 = tpu.memref_squeeze %dma_start3A_719 : memref<1x16xi32, #tpu.memory_space<vmem>> -> memref<16xi32, #tpu.memory_space<vmem>>
    %dma_start3A_721 = arith.constant 0 : i32
    %dma_start3A_722 = arith.constant 0 : i32
    %dma_start3A_723 = tpu.memref_slice %arg3[%dma_start3A_721, %dma_start3A_722] : memref<8192x1024xf32, #tpu.memory_space<hbm>> -> memref<8192x1024xf32, #tpu.memory_space<hbm>>
    tpu.enqueue_indirect_dma source(%dma_start3A_723 : memref<8192x1024xf32, #tpu.memory_space<hbm>>) target(%arg10 : memref<16x1024xf32, #tpu.memory_space<vmem>>) offsets(%dma_start3A_720 : memref<16xi32, #tpu.memory_space<vmem>>) semaphore(%arg17 : memref<!tpu.dma_semaphore, #tpu.memory_space<semaphore_mem>>)
    %dma_wait3A_724 = arith.constant 26 : i32
    %dma_wait3A_725 = arith.constant 0 : i32
    %dma_wait3A_726 = tpu.memref_slice %arg5[%dma_wait3A_724, %dma_wait3A_725] : memref<64x16xi32, #tpu.memory_space<vmem>> -> memref<1x16xi32, #tpu.memory_space<vmem>>
    %dma_wait3A_727 = tpu.memref_squeeze %dma_wait3A_726 : memref<1x16xi32, #tpu.memory_space<vmem>> -> memref<16xi32, #tpu.memory_space<vmem>>
    %dma_wait3A_728 = arith.constant 0 : i32
    %dma_wait3A_729 = arith.constant 0 : i32
    %dma_wait3A_730 = tpu.memref_slice %arg3[%dma_wait3A_728, %dma_wait3A_729] : memref<8192x1024xf32, #tpu.memory_space<hbm>> -> memref<8192x1024xf32, #tpu.memory_space<hbm>>
    tpu.wait_indirect_dma semaphore(%arg18 : memref<!tpu.dma_semaphore, #tpu.memory_space<semaphore_mem>>) src(%dma_wait3A_730 : memref<8192x1024xf32, #tpu.memory_space<hbm>>) dst(%arg11 : memref<16x1024xf32, #tpu.memory_space<vmem>>)
    %add3A_731 = arith.constant 832 : i32
    %add3A_732 = arith.addi %add3A_731, %add3A : i32
    %mul3A_733 = arith.constant 16 : i32
    %mul3A_734 = arith.muli %add3A_732, %mul3A_733 : i32
    %dma_start3A_735 = arith.constant 0 : i32
    %dma_start3A_736 = tpu.memref_slice %arg4[%mul3A_734, %dma_start3A_735] : memref<32768x1024xf32, #tpu.memory_space<hbm>> -> memref<16x1024xf32, #tpu.memory_space<hbm>>
    %dma_start3A_737 = arith.constant 0 : i32
    %dma_start3A_738 = tpu.memref_slice %arg4[%mul3A_734, %dma_start3A_737] : memref<32768x1024xf32, #tpu.memory_space<hbm>> -> memref<16x1024xf32, #tpu.memory_space<hbm>>
    tpu.enqueue_dma source(%arg11 : memref<16x1024xf32, #tpu.memory_space<vmem>>) target(%dma_start3A_738 : memref<16x1024xf32, #tpu.memory_space<hbm>>) target_semaphore(%arg25 : memref<!tpu.dma_semaphore, #tpu.memory_space<semaphore_mem>>)
    %dma_wait3A_739 = arith.constant 0 : i32
    %dma_wait3A_740 = tpu.memref_slice %arg4[%mul3A_734, %dma_wait3A_739] : memref<32768x1024xf32, #tpu.memory_space<hbm>> -> memref<16x1024xf32, #tpu.memory_space<hbm>>
    %dma_wait3A_741 = arith.constant 0 : i32
    %dma_wait3A_742 = tpu.memref_slice %arg4[%mul3A_734, %dma_wait3A_741] : memref<32768x1024xf32, #tpu.memory_space<hbm>> -> memref<16x1024xf32, #tpu.memory_space<hbm>>
    tpu.wait_dma2 semaphore(%arg25 : memref<!tpu.dma_semaphore, #tpu.memory_space<semaphore_mem>>) src(%arg11 : memref<16x1024xf32, #tpu.memory_space<vmem>>) dst(%dma_wait3A_742 : memref<16x1024xf32, #tpu.memory_space<hbm>>)
    %dma_start3A_743 = arith.constant 33 : i32
    %dma_start3A_744 = arith.constant 0 : i32
    %dma_start3A_745 = tpu.memref_slice %arg5[%dma_start3A_743, %dma_start3A_744] : memref<64x16xi32, #tpu.memory_space<vmem>> -> memref<1x16xi32, #tpu.memory_space<vmem>>
    %dma_start3A_746 = tpu.memref_squeeze %dma_start3A_745 : memref<1x16xi32, #tpu.memory_space<vmem>> -> memref<16xi32, #tpu.memory_space<vmem>>
    %dma_start3A_747 = arith.constant 0 : i32
    %dma_start3A_748 = arith.constant 0 : i32
    %dma_start3A_749 = tpu.memref_slice %arg3[%dma_start3A_747, %dma_start3A_748] : memref<8192x1024xf32, #tpu.memory_space<hbm>> -> memref<8192x1024xf32, #tpu.memory_space<hbm>>
    tpu.enqueue_indirect_dma source(%dma_start3A_749 : memref<8192x1024xf32, #tpu.memory_space<hbm>>) target(%arg11 : memref<16x1024xf32, #tpu.memory_space<vmem>>) offsets(%dma_start3A_746 : memref<16xi32, #tpu.memory_space<vmem>>) semaphore(%arg18 : memref<!tpu.dma_semaphore, #tpu.memory_space<semaphore_mem>>)
    %dma_wait3A_750 = arith.constant 27 : i32
    %dma_wait3A_751 = arith.constant 0 : i32
    %dma_wait3A_752 = tpu.memref_slice %arg5[%dma_wait3A_750, %dma_wait3A_751] : memref<64x16xi32, #tpu.memory_space<vmem>> -> memref<1x16xi32, #tpu.memory_space<vmem>>
    %dma_wait3A_753 = tpu.memref_squeeze %dma_wait3A_752 : memref<1x16xi32, #tpu.memory_space<vmem>> -> memref<16xi32, #tpu.memory_space<vmem>>
    %dma_wait3A_754 = arith.constant 0 : i32
    %dma_wait3A_755 = arith.constant 0 : i32
    %dma_wait3A_756 = tpu.memref_slice %arg3[%dma_wait3A_754, %dma_wait3A_755] : memref<8192x1024xf32, #tpu.memory_space<hbm>> -> memref<8192x1024xf32, #tpu.memory_space<hbm>>
    tpu.wait_indirect_dma semaphore(%arg19 : memref<!tpu.dma_semaphore, #tpu.memory_space<semaphore_mem>>) src(%dma_wait3A_756 : memref<8192x1024xf32, #tpu.memory_space<hbm>>) dst(%arg12 : memref<16x1024xf32, #tpu.memory_space<vmem>>)
    %add3A_757 = arith.constant 864 : i32
    %add3A_758 = arith.addi %add3A_757, %add3A : i32
    %mul3A_759 = arith.constant 16 : i32
    %mul3A_760 = arith.muli %add3A_758, %mul3A_759 : i32
    %dma_start3A_761 = arith.constant 0 : i32
    %dma_start3A_762 = tpu.memref_slice %arg4[%mul3A_760, %dma_start3A_761] : memref<32768x1024xf32, #tpu.memory_space<hbm>> -> memref<16x1024xf32, #tpu.memory_space<hbm>>
    %dma_start3A_763 = arith.constant 0 : i32
    %dma_start3A_764 = tpu.memref_slice %arg4[%mul3A_760, %dma_start3A_763] : memref<32768x1024xf32, #tpu.memory_space<hbm>> -> memref<16x1024xf32, #tpu.memory_space<hbm>>
    tpu.enqueue_dma source(%arg12 : memref<16x1024xf32, #tpu.memory_space<vmem>>) target(%dma_start3A_764 : memref<16x1024xf32, #tpu.memory_space<hbm>>) target_semaphore(%arg26 : memref<!tpu.dma_semaphore, #tpu.memory_space<semaphore_mem>>)
    %dma_wait3A_765 = arith.constant 0 : i32
    %dma_wait3A_766 = tpu.memref_slice %arg4[%mul3A_760, %dma_wait3A_765] : memref<32768x1024xf32, #tpu.memory_space<hbm>> -> memref<16x1024xf32, #tpu.memory_space<hbm>>
    %dma_wait3A_767 = arith.constant 0 : i32
    %dma_wait3A_768 = tpu.memref_slice %arg4[%mul3A_760, %dma_wait3A_767] : memref<32768x1024xf32, #tpu.memory_space<hbm>> -> memref<16x1024xf32, #tpu.memory_space<hbm>>
    tpu.wait_dma2 semaphore(%arg26 : memref<!tpu.dma_semaphore, #tpu.memory_space<semaphore_mem>>) src(%arg12 : memref<16x1024xf32, #tpu.memory_space<vmem>>) dst(%dma_wait3A_768 : memref<16x1024xf32, #tpu.memory_space<hbm>>)
    %dma_start3A_769 = arith.constant 34 : i32
    %dma_start3A_770 = arith.constant 0 : i32
    %dma_start3A_771 = tpu.memref_slice %arg5[%dma_start3A_769, %dma_start3A_770] : memref<64x16xi32, #tpu.memory_space<vmem>> -> memref<1x16xi32, #tpu.memory_space<vmem>>
    %dma_start3A_772 = tpu.memref_squeeze %dma_start3A_771 : memref<1x16xi32, #tpu.memory_space<vmem>> -> memref<16xi32, #tpu.memory_space<vmem>>
    %dma_start3A_773 = arith.constant 0 : i32
    %dma_start3A_774 = arith.constant 0 : i32
    %dma_start3A_775 = tpu.memref_slice %arg3[%dma_start3A_773, %dma_start3A_774] : memref<8192x1024xf32, #tpu.memory_space<hbm>> -> memref<8192x1024xf32, #tpu.memory_space<hbm>>
    tpu.enqueue_indirect_dma source(%dma_start3A_775 : memref<8192x1024xf32, #tpu.memory_space<hbm>>) target(%arg12 : memref<16x1024xf32, #tpu.memory_space<vmem>>) offsets(%dma_start3A_772 : memref<16xi32, #tpu.memory_space<vmem>>) semaphore(%arg19 : memref<!tpu.dma_semaphore, #tpu.memory_space<semaphore_mem>>)
    %dma_wait3A_776 = arith.constant 28 : i32
    %dma_wait3A_777 = arith.constant 0 : i32
    %dma_wait3A_778 = tpu.memref_slice %arg5[%dma_wait3A_776, %dma_wait3A_777] : memref<64x16xi32, #tpu.memory_space<vmem>> -> memref<1x16xi32, #tpu.memory_space<vmem>>
    %dma_wait3A_779 = tpu.memref_squeeze %dma_wait3A_778 : memref<1x16xi32, #tpu.memory_space<vmem>> -> memref<16xi32, #tpu.memory_space<vmem>>
    %dma_wait3A_780 = arith.constant 0 : i32
    %dma_wait3A_781 = arith.constant 0 : i32
    %dma_wait3A_782 = tpu.memref_slice %arg3[%dma_wait3A_780, %dma_wait3A_781] : memref<8192x1024xf32, #tpu.memory_space<hbm>> -> memref<8192x1024xf32, #tpu.memory_space<hbm>>
    tpu.wait_indirect_dma semaphore(%arg13 : memref<!tpu.dma_semaphore, #tpu.memory_space<semaphore_mem>>) src(%dma_wait3A_782 : memref<8192x1024xf32, #tpu.memory_space<hbm>>) dst(%arg6 : memref<16x1024xf32, #tpu.memory_space<vmem>>)
    %add3A_783 = arith.constant 896 : i32
    %add3A_784 = arith.addi %add3A_783, %add3A : i32
    %mul3A_785 = arith.constant 16 : i32
    %mul3A_786 = arith.muli %add3A_784, %mul3A_785 : i32
    %dma_start3A_787 = arith.constant 0 : i32
    %dma_start3A_788 = tpu.memref_slice %arg4[%mul3A_786, %dma_start3A_787] : memref<32768x1024xf32, #tpu.memory_space<hbm>> -> memref<16x1024xf32, #tpu.memory_space<hbm>>
    %dma_start3A_789 = arith.constant 0 : i32
    %dma_start3A_790 = tpu.memref_slice %arg4[%mul3A_786, %dma_start3A_789] : memref<32768x1024xf32, #tpu.memory_space<hbm>> -> memref<16x1024xf32, #tpu.memory_space<hbm>>
    tpu.enqueue_dma source(%arg6 : memref<16x1024xf32, #tpu.memory_space<vmem>>) target(%dma_start3A_790 : memref<16x1024xf32, #tpu.memory_space<hbm>>) target_semaphore(%arg20 : memref<!tpu.dma_semaphore, #tpu.memory_space<semaphore_mem>>)
    %dma_wait3A_791 = arith.constant 0 : i32
    %dma_wait3A_792 = tpu.memref_slice %arg4[%mul3A_786, %dma_wait3A_791] : memref<32768x1024xf32, #tpu.memory_space<hbm>> -> memref<16x1024xf32, #tpu.memory_space<hbm>>
    %dma_wait3A_793 = arith.constant 0 : i32
    %dma_wait3A_794 = tpu.memref_slice %arg4[%mul3A_786, %dma_wait3A_793] : memref<32768x1024xf32, #tpu.memory_space<hbm>> -> memref<16x1024xf32, #tpu.memory_space<hbm>>
    tpu.wait_dma2 semaphore(%arg20 : memref<!tpu.dma_semaphore, #tpu.memory_space<semaphore_mem>>) src(%arg6 : memref<16x1024xf32, #tpu.memory_space<vmem>>) dst(%dma_wait3A_794 : memref<16x1024xf32, #tpu.memory_space<hbm>>)
    %dma_start3A_795 = arith.constant 35 : i32
    %dma_start3A_796 = arith.constant 0 : i32
    %dma_start3A_797 = tpu.memref_slice %arg5[%dma_start3A_795, %dma_start3A_796] : memref<64x16xi32, #tpu.memory_space<vmem>> -> memref<1x16xi32, #tpu.memory_space<vmem>>
    %dma_start3A_798 = tpu.memref_squeeze %dma_start3A_797 : memref<1x16xi32, #tpu.memory_space<vmem>> -> memref<16xi32, #tpu.memory_space<vmem>>
    %dma_start3A_799 = arith.constant 0 : i32
    %dma_start3A_800 = arith.constant 0 : i32
    %dma_start3A_801 = tpu.memref_slice %arg3[%dma_start3A_799, %dma_start3A_800] : memref<8192x1024xf32, #tpu.memory_space<hbm>> -> memref<8192x1024xf32, #tpu.memory_space<hbm>>
    tpu.enqueue_indirect_dma source(%dma_start3A_801 : memref<8192x1024xf32, #tpu.memory_space<hbm>>) target(%arg6 : memref<16x1024xf32, #tpu.memory_space<vmem>>) offsets(%dma_start3A_798 : memref<16xi32, #tpu.memory_space<vmem>>) semaphore(%arg13 : memref<!tpu.dma_semaphore, #tpu.memory_space<semaphore_mem>>)
    %dma_wait3A_802 = arith.constant 29 : i32
    %dma_wait3A_803 = arith.constant 0 : i32
    %dma_wait3A_804 = tpu.memref_slice %arg5[%dma_wait3A_802, %dma_wait3A_803] : memref<64x16xi32, #tpu.memory_space<vmem>> -> memref<1x16xi32, #tpu.memory_space<vmem>>
    %dma_wait3A_805 = tpu.memref_squeeze %dma_wait3A_804 : memref<1x16xi32, #tpu.memory_space<vmem>> -> memref<16xi32, #tpu.memory_space<vmem>>
    %dma_wait3A_806 = arith.constant 0 : i32
    %dma_wait3A_807 = arith.constant 0 : i32
    %dma_wait3A_808 = tpu.memref_slice %arg3[%dma_wait3A_806, %dma_wait3A_807] : memref<8192x1024xf32, #tpu.memory_space<hbm>> -> memref<8192x1024xf32, #tpu.memory_space<hbm>>
    tpu.wait_indirect_dma semaphore(%arg14 : memref<!tpu.dma_semaphore, #tpu.memory_space<semaphore_mem>>) src(%dma_wait3A_808 : memref<8192x1024xf32, #tpu.memory_space<hbm>>) dst(%arg7 : memref<16x1024xf32, #tpu.memory_space<vmem>>)
    %add3A_809 = arith.constant 928 : i32
    %add3A_810 = arith.addi %add3A_809, %add3A : i32
    %mul3A_811 = arith.constant 16 : i32
    %mul3A_812 = arith.muli %add3A_810, %mul3A_811 : i32
    %dma_start3A_813 = arith.constant 0 : i32
    %dma_start3A_814 = tpu.memref_slice %arg4[%mul3A_812, %dma_start3A_813] : memref<32768x1024xf32, #tpu.memory_space<hbm>> -> memref<16x1024xf32, #tpu.memory_space<hbm>>
    %dma_start3A_815 = arith.constant 0 : i32
    %dma_start3A_816 = tpu.memref_slice %arg4[%mul3A_812, %dma_start3A_815] : memref<32768x1024xf32, #tpu.memory_space<hbm>> -> memref<16x1024xf32, #tpu.memory_space<hbm>>
    tpu.enqueue_dma source(%arg7 : memref<16x1024xf32, #tpu.memory_space<vmem>>) target(%dma_start3A_816 : memref<16x1024xf32, #tpu.memory_space<hbm>>) target_semaphore(%arg21 : memref<!tpu.dma_semaphore, #tpu.memory_space<semaphore_mem>>)
    %dma_wait3A_817 = arith.constant 0 : i32
    %dma_wait3A_818 = tpu.memref_slice %arg4[%mul3A_812, %dma_wait3A_817] : memref<32768x1024xf32, #tpu.memory_space<hbm>> -> memref<16x1024xf32, #tpu.memory_space<hbm>>
    %dma_wait3A_819 = arith.constant 0 : i32
    %dma_wait3A_820 = tpu.memref_slice %arg4[%mul3A_812, %dma_wait3A_819] : memref<32768x1024xf32, #tpu.memory_space<hbm>> -> memref<16x1024xf32, #tpu.memory_space<hbm>>
    tpu.wait_dma2 semaphore(%arg21 : memref<!tpu.dma_semaphore, #tpu.memory_space<semaphore_mem>>) src(%arg7 : memref<16x1024xf32, #tpu.memory_space<vmem>>) dst(%dma_wait3A_820 : memref<16x1024xf32, #tpu.memory_space<hbm>>)
    %dma_start3A_821 = arith.constant 36 : i32
    %dma_start3A_822 = arith.constant 0 : i32
    %dma_start3A_823 = tpu.memref_slice %arg5[%dma_start3A_821, %dma_start3A_822] : memref<64x16xi32, #tpu.memory_space<vmem>> -> memref<1x16xi32, #tpu.memory_space<vmem>>
    %dma_start3A_824 = tpu.memref_squeeze %dma_start3A_823 : memref<1x16xi32, #tpu.memory_space<vmem>> -> memref<16xi32, #tpu.memory_space<vmem>>
    %dma_start3A_825 = arith.constant 0 : i32
    %dma_start3A_826 = arith.constant 0 : i32
    %dma_start3A_827 = tpu.memref_slice %arg3[%dma_start3A_825, %dma_start3A_826] : memref<8192x1024xf32, #tpu.memory_space<hbm>> -> memref<8192x1024xf32, #tpu.memory_space<hbm>>
    tpu.enqueue_indirect_dma source(%dma_start3A_827 : memref<8192x1024xf32, #tpu.memory_space<hbm>>) target(%arg7 : memref<16x1024xf32, #tpu.memory_space<vmem>>) offsets(%dma_start3A_824 : memref<16xi32, #tpu.memory_space<vmem>>) semaphore(%arg14 : memref<!tpu.dma_semaphore, #tpu.memory_space<semaphore_mem>>)
    %dma_wait3A_828 = arith.constant 30 : i32
    %dma_wait3A_829 = arith.constant 0 : i32
    %dma_wait3A_830 = tpu.memref_slice %arg5[%dma_wait3A_828, %dma_wait3A_829] : memref<64x16xi32, #tpu.memory_space<vmem>> -> memref<1x16xi32, #tpu.memory_space<vmem>>
    %dma_wait3A_831 = tpu.memref_squeeze %dma_wait3A_830 : memref<1x16xi32, #tpu.memory_space<vmem>> -> memref<16xi32, #tpu.memory_space<vmem>>
    %dma_wait3A_832 = arith.constant 0 : i32
    %dma_wait3A_833 = arith.constant 0 : i32
    %dma_wait3A_834 = tpu.memref_slice %arg3[%dma_wait3A_832, %dma_wait3A_833] : memref<8192x1024xf32, #tpu.memory_space<hbm>> -> memref<8192x1024xf32, #tpu.memory_space<hbm>>
    tpu.wait_indirect_dma semaphore(%arg15 : memref<!tpu.dma_semaphore, #tpu.memory_space<semaphore_mem>>) src(%dma_wait3A_834 : memref<8192x1024xf32, #tpu.memory_space<hbm>>) dst(%arg8 : memref<16x1024xf32, #tpu.memory_space<vmem>>)
    %add3A_835 = arith.constant 960 : i32
    %add3A_836 = arith.addi %add3A_835, %add3A : i32
    %mul3A_837 = arith.constant 16 : i32
    %mul3A_838 = arith.muli %add3A_836, %mul3A_837 : i32
    %dma_start3A_839 = arith.constant 0 : i32
    %dma_start3A_840 = tpu.memref_slice %arg4[%mul3A_838, %dma_start3A_839] : memref<32768x1024xf32, #tpu.memory_space<hbm>> -> memref<16x1024xf32, #tpu.memory_space<hbm>>
    %dma_start3A_841 = arith.constant 0 : i32
    %dma_start3A_842 = tpu.memref_slice %arg4[%mul3A_838, %dma_start3A_841] : memref<32768x1024xf32, #tpu.memory_space<hbm>> -> memref<16x1024xf32, #tpu.memory_space<hbm>>
    tpu.enqueue_dma source(%arg8 : memref<16x1024xf32, #tpu.memory_space<vmem>>) target(%dma_start3A_842 : memref<16x1024xf32, #tpu.memory_space<hbm>>) target_semaphore(%arg22 : memref<!tpu.dma_semaphore, #tpu.memory_space<semaphore_mem>>)
    %dma_wait3A_843 = arith.constant 0 : i32
    %dma_wait3A_844 = tpu.memref_slice %arg4[%mul3A_838, %dma_wait3A_843] : memref<32768x1024xf32, #tpu.memory_space<hbm>> -> memref<16x1024xf32, #tpu.memory_space<hbm>>
    %dma_wait3A_845 = arith.constant 0 : i32
    %dma_wait3A_846 = tpu.memref_slice %arg4[%mul3A_838, %dma_wait3A_845] : memref<32768x1024xf32, #tpu.memory_space<hbm>> -> memref<16x1024xf32, #tpu.memory_space<hbm>>
    tpu.wait_dma2 semaphore(%arg22 : memref<!tpu.dma_semaphore, #tpu.memory_space<semaphore_mem>>) src(%arg8 : memref<16x1024xf32, #tpu.memory_space<vmem>>) dst(%dma_wait3A_846 : memref<16x1024xf32, #tpu.memory_space<hbm>>)
    %dma_start3A_847 = arith.constant 37 : i32
    %dma_start3A_848 = arith.constant 0 : i32
    %dma_start3A_849 = tpu.memref_slice %arg5[%dma_start3A_847, %dma_start3A_848] : memref<64x16xi32, #tpu.memory_space<vmem>> -> memref<1x16xi32, #tpu.memory_space<vmem>>
    %dma_start3A_850 = tpu.memref_squeeze %dma_start3A_849 : memref<1x16xi32, #tpu.memory_space<vmem>> -> memref<16xi32, #tpu.memory_space<vmem>>
    %dma_start3A_851 = arith.constant 0 : i32
    %dma_start3A_852 = arith.constant 0 : i32
    %dma_start3A_853 = tpu.memref_slice %arg3[%dma_start3A_851, %dma_start3A_852] : memref<8192x1024xf32, #tpu.memory_space<hbm>> -> memref<8192x1024xf32, #tpu.memory_space<hbm>>
    tpu.enqueue_indirect_dma source(%dma_start3A_853 : memref<8192x1024xf32, #tpu.memory_space<hbm>>) target(%arg8 : memref<16x1024xf32, #tpu.memory_space<vmem>>) offsets(%dma_start3A_850 : memref<16xi32, #tpu.memory_space<vmem>>) semaphore(%arg15 : memref<!tpu.dma_semaphore, #tpu.memory_space<semaphore_mem>>)
    %dma_wait3A_854 = arith.constant 31 : i32
    %dma_wait3A_855 = arith.constant 0 : i32
    %dma_wait3A_856 = tpu.memref_slice %arg5[%dma_wait3A_854, %dma_wait3A_855] : memref<64x16xi32, #tpu.memory_space<vmem>> -> memref<1x16xi32, #tpu.memory_space<vmem>>
    %dma_wait3A_857 = tpu.memref_squeeze %dma_wait3A_856 : memref<1x16xi32, #tpu.memory_space<vmem>> -> memref<16xi32, #tpu.memory_space<vmem>>
    %dma_wait3A_858 = arith.constant 0 : i32
    %dma_wait3A_859 = arith.constant 0 : i32
    %dma_wait3A_860 = tpu.memref_slice %arg3[%dma_wait3A_858, %dma_wait3A_859] : memref<8192x1024xf32, #tpu.memory_space<hbm>> -> memref<8192x1024xf32, #tpu.memory_space<hbm>>
    tpu.wait_indirect_dma semaphore(%arg16 : memref<!tpu.dma_semaphore, #tpu.memory_space<semaphore_mem>>) src(%dma_wait3A_860 : memref<8192x1024xf32, #tpu.memory_space<hbm>>) dst(%arg9 : memref<16x1024xf32, #tpu.memory_space<vmem>>)
    %add3A_861 = arith.constant 992 : i32
    %add3A_862 = arith.addi %add3A_861, %add3A : i32
    %mul3A_863 = arith.constant 16 : i32
    %mul3A_864 = arith.muli %add3A_862, %mul3A_863 : i32
    %dma_start3A_865 = arith.constant 0 : i32
    %dma_start3A_866 = tpu.memref_slice %arg4[%mul3A_864, %dma_start3A_865] : memref<32768x1024xf32, #tpu.memory_space<hbm>> -> memref<16x1024xf32, #tpu.memory_space<hbm>>
    %dma_start3A_867 = arith.constant 0 : i32
    %dma_start3A_868 = tpu.memref_slice %arg4[%mul3A_864, %dma_start3A_867] : memref<32768x1024xf32, #tpu.memory_space<hbm>> -> memref<16x1024xf32, #tpu.memory_space<hbm>>
    tpu.enqueue_dma source(%arg9 : memref<16x1024xf32, #tpu.memory_space<vmem>>) target(%dma_start3A_868 : memref<16x1024xf32, #tpu.memory_space<hbm>>) target_semaphore(%arg23 : memref<!tpu.dma_semaphore, #tpu.memory_space<semaphore_mem>>)
    %dma_wait3A_869 = arith.constant 0 : i32
    %dma_wait3A_870 = tpu.memref_slice %arg4[%mul3A_864, %dma_wait3A_869] : memref<32768x1024xf32, #tpu.memory_space<hbm>> -> memref<16x1024xf32, #tpu.memory_space<hbm>>
    %dma_wait3A_871 = arith.constant 0 : i32
    %dma_wait3A_872 = tpu.memref_slice %arg4[%mul3A_864, %dma_wait3A_871] : memref<32768x1024xf32, #tpu.memory_space<hbm>> -> memref<16x1024xf32, #tpu.memory_space<hbm>>
    tpu.wait_dma2 semaphore(%arg23 : memref<!tpu.dma_semaphore, #tpu.memory_space<semaphore_mem>>) src(%arg9 : memref<16x1024xf32, #tpu.memory_space<vmem>>) dst(%dma_wait3A_872 : memref<16x1024xf32, #tpu.memory_space<hbm>>)
    %dma_start3A_873 = arith.constant 38 : i32
    %dma_start3A_874 = arith.constant 0 : i32
    %dma_start3A_875 = tpu.memref_slice %arg5[%dma_start3A_873, %dma_start3A_874] : memref<64x16xi32, #tpu.memory_space<vmem>> -> memref<1x16xi32, #tpu.memory_space<vmem>>
    %dma_start3A_876 = tpu.memref_squeeze %dma_start3A_875 : memref<1x16xi32, #tpu.memory_space<vmem>> -> memref<16xi32, #tpu.memory_space<vmem>>
    %dma_start3A_877 = arith.constant 0 : i32
    %dma_start3A_878 = arith.constant 0 : i32
    %dma_start3A_879 = tpu.memref_slice %arg3[%dma_start3A_877, %dma_start3A_878] : memref<8192x1024xf32, #tpu.memory_space<hbm>> -> memref<8192x1024xf32, #tpu.memory_space<hbm>>
    tpu.enqueue_indirect_dma source(%dma_start3A_879 : memref<8192x1024xf32, #tpu.memory_space<hbm>>) target(%arg9 : memref<16x1024xf32, #tpu.memory_space<vmem>>) offsets(%dma_start3A_876 : memref<16xi32, #tpu.memory_space<vmem>>) semaphore(%arg16 : memref<!tpu.dma_semaphore, #tpu.memory_space<semaphore_mem>>)
    %dma_wait3A_880 = arith.constant 32 : i32
    %dma_wait3A_881 = arith.constant 0 : i32
    %dma_wait3A_882 = tpu.memref_slice %arg5[%dma_wait3A_880, %dma_wait3A_881] : memref<64x16xi32, #tpu.memory_space<vmem>> -> memref<1x16xi32, #tpu.memory_space<vmem>>
    %dma_wait3A_883 = tpu.memref_squeeze %dma_wait3A_882 : memref<1x16xi32, #tpu.memory_space<vmem>> -> memref<16xi32, #tpu.memory_space<vmem>>
    %dma_wait3A_884 = arith.constant 0 : i32
    %dma_wait3A_885 = arith.constant 0 : i32
    %dma_wait3A_886 = tpu.memref_slice %arg3[%dma_wait3A_884, %dma_wait3A_885] : memref<8192x1024xf32, #tpu.memory_space<hbm>> -> memref<8192x1024xf32, #tpu.memory_space<hbm>>
    tpu.wait_indirect_dma semaphore(%arg17 : memref<!tpu.dma_semaphore, #tpu.memory_space<semaphore_mem>>) src(%dma_wait3A_886 : memref<8192x1024xf32, #tpu.memory_space<hbm>>) dst(%arg10 : memref<16x1024xf32, #tpu.memory_space<vmem>>)
    %add3A_887 = arith.constant 1024 : i32
    %add3A_888 = arith.addi %add3A_887, %add3A : i32
    %mul3A_889 = arith.constant 16 : i32
    %mul3A_890 = arith.muli %add3A_888, %mul3A_889 : i32
    %dma_start3A_891 = arith.constant 0 : i32
    %dma_start3A_892 = tpu.memref_slice %arg4[%mul3A_890, %dma_start3A_891] : memref<32768x1024xf32, #tpu.memory_space<hbm>> -> memref<16x1024xf32, #tpu.memory_space<hbm>>
    %dma_start3A_893 = arith.constant 0 : i32
    %dma_start3A_894 = tpu.memref_slice %arg4[%mul3A_890, %dma_start3A_893] : memref<32768x1024xf32, #tpu.memory_space<hbm>> -> memref<16x1024xf32, #tpu.memory_space<hbm>>
    tpu.enqueue_dma source(%arg10 : memref<16x1024xf32, #tpu.memory_space<vmem>>) target(%dma_start3A_894 : memref<16x1024xf32, #tpu.memory_space<hbm>>) target_semaphore(%arg24 : memref<!tpu.dma_semaphore, #tpu.memory_space<semaphore_mem>>)
    %dma_wait3A_895 = arith.constant 0 : i32
    %dma_wait3A_896 = tpu.memref_slice %arg4[%mul3A_890, %dma_wait3A_895] : memref<32768x1024xf32, #tpu.memory_space<hbm>> -> memref<16x1024xf32, #tpu.memory_space<hbm>>
    %dma_wait3A_897 = arith.constant 0 : i32
    %dma_wait3A_898 = tpu.memref_slice %arg4[%mul3A_890, %dma_wait3A_897] : memref<32768x1024xf32, #tpu.memory_space<hbm>> -> memref<16x1024xf32, #tpu.memory_space<hbm>>
    tpu.wait_dma2 semaphore(%arg24 : memref<!tpu.dma_semaphore, #tpu.memory_space<semaphore_mem>>) src(%arg10 : memref<16x1024xf32, #tpu.memory_space<vmem>>) dst(%dma_wait3A_898 : memref<16x1024xf32, #tpu.memory_space<hbm>>)
    %dma_start3A_899 = arith.constant 39 : i32
    %dma_start3A_900 = arith.constant 0 : i32
    %dma_start3A_901 = tpu.memref_slice %arg5[%dma_start3A_899, %dma_start3A_900] : memref<64x16xi32, #tpu.memory_space<vmem>> -> memref<1x16xi32, #tpu.memory_space<vmem>>
    %dma_start3A_902 = tpu.memref_squeeze %dma_start3A_901 : memref<1x16xi32, #tpu.memory_space<vmem>> -> memref<16xi32, #tpu.memory_space<vmem>>
    %dma_start3A_903 = arith.constant 0 : i32
    %dma_start3A_904 = arith.constant 0 : i32
    %dma_start3A_905 = tpu.memref_slice %arg3[%dma_start3A_903, %dma_start3A_904] : memref<8192x1024xf32, #tpu.memory_space<hbm>> -> memref<8192x1024xf32, #tpu.memory_space<hbm>>
    tpu.enqueue_indirect_dma source(%dma_start3A_905 : memref<8192x1024xf32, #tpu.memory_space<hbm>>) target(%arg10 : memref<16x1024xf32, #tpu.memory_space<vmem>>) offsets(%dma_start3A_902 : memref<16xi32, #tpu.memory_space<vmem>>) semaphore(%arg17 : memref<!tpu.dma_semaphore, #tpu.memory_space<semaphore_mem>>)
    %dma_wait3A_906 = arith.constant 33 : i32
    %dma_wait3A_907 = arith.constant 0 : i32
    %dma_wait3A_908 = tpu.memref_slice %arg5[%dma_wait3A_906, %dma_wait3A_907] : memref<64x16xi32, #tpu.memory_space<vmem>> -> memref<1x16xi32, #tpu.memory_space<vmem>>
    %dma_wait3A_909 = tpu.memref_squeeze %dma_wait3A_908 : memref<1x16xi32, #tpu.memory_space<vmem>> -> memref<16xi32, #tpu.memory_space<vmem>>
    %dma_wait3A_910 = arith.constant 0 : i32
    %dma_wait3A_911 = arith.constant 0 : i32
    %dma_wait3A_912 = tpu.memref_slice %arg3[%dma_wait3A_910, %dma_wait3A_911] : memref<8192x1024xf32, #tpu.memory_space<hbm>> -> memref<8192x1024xf32, #tpu.memory_space<hbm>>
    tpu.wait_indirect_dma semaphore(%arg18 : memref<!tpu.dma_semaphore, #tpu.memory_space<semaphore_mem>>) src(%dma_wait3A_912 : memref<8192x1024xf32, #tpu.memory_space<hbm>>) dst(%arg11 : memref<16x1024xf32, #tpu.memory_space<vmem>>)
    %add3A_913 = arith.constant 1056 : i32
    %add3A_914 = arith.addi %add3A_913, %add3A : i32
    %mul3A_915 = arith.constant 16 : i32
    %mul3A_916 = arith.muli %add3A_914, %mul3A_915 : i32
    %dma_start3A_917 = arith.constant 0 : i32
    %dma_start3A_918 = tpu.memref_slice %arg4[%mul3A_916, %dma_start3A_917] : memref<32768x1024xf32, #tpu.memory_space<hbm>> -> memref<16x1024xf32, #tpu.memory_space<hbm>>
    %dma_start3A_919 = arith.constant 0 : i32
    %dma_start3A_920 = tpu.memref_slice %arg4[%mul3A_916, %dma_start3A_919] : memref<32768x1024xf32, #tpu.memory_space<hbm>> -> memref<16x1024xf32, #tpu.memory_space<hbm>>
    tpu.enqueue_dma source(%arg11 : memref<16x1024xf32, #tpu.memory_space<vmem>>) target(%dma_start3A_920 : memref<16x1024xf32, #tpu.memory_space<hbm>>) target_semaphore(%arg25 : memref<!tpu.dma_semaphore, #tpu.memory_space<semaphore_mem>>)
    %dma_wait3A_921 = arith.constant 0 : i32
    %dma_wait3A_922 = tpu.memref_slice %arg4[%mul3A_916, %dma_wait3A_921] : memref<32768x1024xf32, #tpu.memory_space<hbm>> -> memref<16x1024xf32, #tpu.memory_space<hbm>>
    %dma_wait3A_923 = arith.constant 0 : i32
    %dma_wait3A_924 = tpu.memref_slice %arg4[%mul3A_916, %dma_wait3A_923] : memref<32768x1024xf32, #tpu.memory_space<hbm>> -> memref<16x1024xf32, #tpu.memory_space<hbm>>
    tpu.wait_dma2 semaphore(%arg25 : memref<!tpu.dma_semaphore, #tpu.memory_space<semaphore_mem>>) src(%arg11 : memref<16x1024xf32, #tpu.memory_space<vmem>>) dst(%dma_wait3A_924 : memref<16x1024xf32, #tpu.memory_space<hbm>>)
    %dma_start3A_925 = arith.constant 40 : i32
    %dma_start3A_926 = arith.constant 0 : i32
    %dma_start3A_927 = tpu.memref_slice %arg5[%dma_start3A_925, %dma_start3A_926] : memref<64x16xi32, #tpu.memory_space<vmem>> -> memref<1x16xi32, #tpu.memory_space<vmem>>
    %dma_start3A_928 = tpu.memref_squeeze %dma_start3A_927 : memref<1x16xi32, #tpu.memory_space<vmem>> -> memref<16xi32, #tpu.memory_space<vmem>>
    %dma_start3A_929 = arith.constant 0 : i32
    %dma_start3A_930 = arith.constant 0 : i32
    %dma_start3A_931 = tpu.memref_slice %arg3[%dma_start3A_929, %dma_start3A_930] : memref<8192x1024xf32, #tpu.memory_space<hbm>> -> memref<8192x1024xf32, #tpu.memory_space<hbm>>
    tpu.enqueue_indirect_dma source(%dma_start3A_931 : memref<8192x1024xf32, #tpu.memory_space<hbm>>) target(%arg11 : memref<16x1024xf32, #tpu.memory_space<vmem>>) offsets(%dma_start3A_928 : memref<16xi32, #tpu.memory_space<vmem>>) semaphore(%arg18 : memref<!tpu.dma_semaphore, #tpu.memory_space<semaphore_mem>>)
    %dma_wait3A_932 = arith.constant 34 : i32
    %dma_wait3A_933 = arith.constant 0 : i32
    %dma_wait3A_934 = tpu.memref_slice %arg5[%dma_wait3A_932, %dma_wait3A_933] : memref<64x16xi32, #tpu.memory_space<vmem>> -> memref<1x16xi32, #tpu.memory_space<vmem>>
    %dma_wait3A_935 = tpu.memref_squeeze %dma_wait3A_934 : memref<1x16xi32, #tpu.memory_space<vmem>> -> memref<16xi32, #tpu.memory_space<vmem>>
    %dma_wait3A_936 = arith.constant 0 : i32
    %dma_wait3A_937 = arith.constant 0 : i32
    %dma_wait3A_938 = tpu.memref_slice %arg3[%dma_wait3A_936, %dma_wait3A_937] : memref<8192x1024xf32, #tpu.memory_space<hbm>> -> memref<8192x1024xf32, #tpu.memory_space<hbm>>
    tpu.wait_indirect_dma semaphore(%arg19 : memref<!tpu.dma_semaphore, #tpu.memory_space<semaphore_mem>>) src(%dma_wait3A_938 : memref<8192x1024xf32, #tpu.memory_space<hbm>>) dst(%arg12 : memref<16x1024xf32, #tpu.memory_space<vmem>>)
    %add3A_939 = arith.constant 1088 : i32
    %add3A_940 = arith.addi %add3A_939, %add3A : i32
    %mul3A_941 = arith.constant 16 : i32
    %mul3A_942 = arith.muli %add3A_940, %mul3A_941 : i32
    %dma_start3A_943 = arith.constant 0 : i32
    %dma_start3A_944 = tpu.memref_slice %arg4[%mul3A_942, %dma_start3A_943] : memref<32768x1024xf32, #tpu.memory_space<hbm>> -> memref<16x1024xf32, #tpu.memory_space<hbm>>
    %dma_start3A_945 = arith.constant 0 : i32
    %dma_start3A_946 = tpu.memref_slice %arg4[%mul3A_942, %dma_start3A_945] : memref<32768x1024xf32, #tpu.memory_space<hbm>> -> memref<16x1024xf32, #tpu.memory_space<hbm>>
    tpu.enqueue_dma source(%arg12 : memref<16x1024xf32, #tpu.memory_space<vmem>>) target(%dma_start3A_946 : memref<16x1024xf32, #tpu.memory_space<hbm>>) target_semaphore(%arg26 : memref<!tpu.dma_semaphore, #tpu.memory_space<semaphore_mem>>)
    %dma_wait3A_947 = arith.constant 0 : i32
    %dma_wait3A_948 = tpu.memref_slice %arg4[%mul3A_942, %dma_wait3A_947] : memref<32768x1024xf32, #tpu.memory_space<hbm>> -> memref<16x1024xf32, #tpu.memory_space<hbm>>
    %dma_wait3A_949 = arith.constant 0 : i32
    %dma_wait3A_950 = tpu.memref_slice %arg4[%mul3A_942, %dma_wait3A_949] : memref<32768x1024xf32, #tpu.memory_space<hbm>> -> memref<16x1024xf32, #tpu.memory_space<hbm>>
    tpu.wait_dma2 semaphore(%arg26 : memref<!tpu.dma_semaphore, #tpu.memory_space<semaphore_mem>>) src(%arg12 : memref<16x1024xf32, #tpu.memory_space<vmem>>) dst(%dma_wait3A_950 : memref<16x1024xf32, #tpu.memory_space<hbm>>)
    %dma_start3A_951 = arith.constant 41 : i32
    %dma_start3A_952 = arith.constant 0 : i32
    %dma_start3A_953 = tpu.memref_slice %arg5[%dma_start3A_951, %dma_start3A_952] : memref<64x16xi32, #tpu.memory_space<vmem>> -> memref<1x16xi32, #tpu.memory_space<vmem>>
    %dma_start3A_954 = tpu.memref_squeeze %dma_start3A_953 : memref<1x16xi32, #tpu.memory_space<vmem>> -> memref<16xi32, #tpu.memory_space<vmem>>
    %dma_start3A_955 = arith.constant 0 : i32
    %dma_start3A_956 = arith.constant 0 : i32
    %dma_start3A_957 = tpu.memref_slice %arg3[%dma_start3A_955, %dma_start3A_956] : memref<8192x1024xf32, #tpu.memory_space<hbm>> -> memref<8192x1024xf32, #tpu.memory_space<hbm>>
    tpu.enqueue_indirect_dma source(%dma_start3A_957 : memref<8192x1024xf32, #tpu.memory_space<hbm>>) target(%arg12 : memref<16x1024xf32, #tpu.memory_space<vmem>>) offsets(%dma_start3A_954 : memref<16xi32, #tpu.memory_space<vmem>>) semaphore(%arg19 : memref<!tpu.dma_semaphore, #tpu.memory_space<semaphore_mem>>)
    %dma_wait3A_958 = arith.constant 35 : i32
    %dma_wait3A_959 = arith.constant 0 : i32
    %dma_wait3A_960 = tpu.memref_slice %arg5[%dma_wait3A_958, %dma_wait3A_959] : memref<64x16xi32, #tpu.memory_space<vmem>> -> memref<1x16xi32, #tpu.memory_space<vmem>>
    %dma_wait3A_961 = tpu.memref_squeeze %dma_wait3A_960 : memref<1x16xi32, #tpu.memory_space<vmem>> -> memref<16xi32, #tpu.memory_space<vmem>>
    %dma_wait3A_962 = arith.constant 0 : i32
    %dma_wait3A_963 = arith.constant 0 : i32
    %dma_wait3A_964 = tpu.memref_slice %arg3[%dma_wait3A_962, %dma_wait3A_963] : memref<8192x1024xf32, #tpu.memory_space<hbm>> -> memref<8192x1024xf32, #tpu.memory_space<hbm>>
    tpu.wait_indirect_dma semaphore(%arg13 : memref<!tpu.dma_semaphore, #tpu.memory_space<semaphore_mem>>) src(%dma_wait3A_964 : memref<8192x1024xf32, #tpu.memory_space<hbm>>) dst(%arg6 : memref<16x1024xf32, #tpu.memory_space<vmem>>)
    %add3A_965 = arith.constant 1120 : i32
    %add3A_966 = arith.addi %add3A_965, %add3A : i32
    %mul3A_967 = arith.constant 16 : i32
    %mul3A_968 = arith.muli %add3A_966, %mul3A_967 : i32
    %dma_start3A_969 = arith.constant 0 : i32
    %dma_start3A_970 = tpu.memref_slice %arg4[%mul3A_968, %dma_start3A_969] : memref<32768x1024xf32, #tpu.memory_space<hbm>> -> memref<16x1024xf32, #tpu.memory_space<hbm>>
    %dma_start3A_971 = arith.constant 0 : i32
    %dma_start3A_972 = tpu.memref_slice %arg4[%mul3A_968, %dma_start3A_971] : memref<32768x1024xf32, #tpu.memory_space<hbm>> -> memref<16x1024xf32, #tpu.memory_space<hbm>>
    tpu.enqueue_dma source(%arg6 : memref<16x1024xf32, #tpu.memory_space<vmem>>) target(%dma_start3A_972 : memref<16x1024xf32, #tpu.memory_space<hbm>>) target_semaphore(%arg20 : memref<!tpu.dma_semaphore, #tpu.memory_space<semaphore_mem>>)
    %dma_wait3A_973 = arith.constant 0 : i32
    %dma_wait3A_974 = tpu.memref_slice %arg4[%mul3A_968, %dma_wait3A_973] : memref<32768x1024xf32, #tpu.memory_space<hbm>> -> memref<16x1024xf32, #tpu.memory_space<hbm>>
    %dma_wait3A_975 = arith.constant 0 : i32
    %dma_wait3A_976 = tpu.memref_slice %arg4[%mul3A_968, %dma_wait3A_975] : memref<32768x1024xf32, #tpu.memory_space<hbm>> -> memref<16x1024xf32, #tpu.memory_space<hbm>>
    tpu.wait_dma2 semaphore(%arg20 : memref<!tpu.dma_semaphore, #tpu.memory_space<semaphore_mem>>) src(%arg6 : memref<16x1024xf32, #tpu.memory_space<vmem>>) dst(%dma_wait3A_976 : memref<16x1024xf32, #tpu.memory_space<hbm>>)
    %dma_start3A_977 = arith.constant 42 : i32
    %dma_start3A_978 = arith.constant 0 : i32
    %dma_start3A_979 = tpu.memref_slice %arg5[%dma_start3A_977, %dma_start3A_978] : memref<64x16xi32, #tpu.memory_space<vmem>> -> memref<1x16xi32, #tpu.memory_space<vmem>>
    %dma_start3A_980 = tpu.memref_squeeze %dma_start3A_979 : memref<1x16xi32, #tpu.memory_space<vmem>> -> memref<16xi32, #tpu.memory_space<vmem>>
    %dma_start3A_981 = arith.constant 0 : i32
    %dma_start3A_982 = arith.constant 0 : i32
    %dma_start3A_983 = tpu.memref_slice %arg3[%dma_start3A_981, %dma_start3A_982] : memref<8192x1024xf32, #tpu.memory_space<hbm>> -> memref<8192x1024xf32, #tpu.memory_space<hbm>>
    tpu.enqueue_indirect_dma source(%dma_start3A_983 : memref<8192x1024xf32, #tpu.memory_space<hbm>>) target(%arg6 : memref<16x1024xf32, #tpu.memory_space<vmem>>) offsets(%dma_start3A_980 : memref<16xi32, #tpu.memory_space<vmem>>) semaphore(%arg13 : memref<!tpu.dma_semaphore, #tpu.memory_space<semaphore_mem>>)
    %dma_wait3A_984 = arith.constant 36 : i32
    %dma_wait3A_985 = arith.constant 0 : i32
    %dma_wait3A_986 = tpu.memref_slice %arg5[%dma_wait3A_984, %dma_wait3A_985] : memref<64x16xi32, #tpu.memory_space<vmem>> -> memref<1x16xi32, #tpu.memory_space<vmem>>
    %dma_wait3A_987 = tpu.memref_squeeze %dma_wait3A_986 : memref<1x16xi32, #tpu.memory_space<vmem>> -> memref<16xi32, #tpu.memory_space<vmem>>
    %dma_wait3A_988 = arith.constant 0 : i32
    %dma_wait3A_989 = arith.constant 0 : i32
    %dma_wait3A_990 = tpu.memref_slice %arg3[%dma_wait3A_988, %dma_wait3A_989] : memref<8192x1024xf32, #tpu.memory_space<hbm>> -> memref<8192x1024xf32, #tpu.memory_space<hbm>>
    tpu.wait_indirect_dma semaphore(%arg14 : memref<!tpu.dma_semaphore, #tpu.memory_space<semaphore_mem>>) src(%dma_wait3A_990 : memref<8192x1024xf32, #tpu.memory_space<hbm>>) dst(%arg7 : memref<16x1024xf32, #tpu.memory_space<vmem>>)
    %add3A_991 = arith.constant 1152 : i32
    %add3A_992 = arith.addi %add3A_991, %add3A : i32
    %mul3A_993 = arith.constant 16 : i32
    %mul3A_994 = arith.muli %add3A_992, %mul3A_993 : i32
    %dma_start3A_995 = arith.constant 0 : i32
    %dma_start3A_996 = tpu.memref_slice %arg4[%mul3A_994, %dma_start3A_995] : memref<32768x1024xf32, #tpu.memory_space<hbm>> -> memref<16x1024xf32, #tpu.memory_space<hbm>>
    %dma_start3A_997 = arith.constant 0 : i32
    %dma_start3A_998 = tpu.memref_slice %arg4[%mul3A_994, %dma_start3A_997] : memref<32768x1024xf32, #tpu.memory_space<hbm>> -> memref<16x1024xf32, #tpu.memory_space<hbm>>
    tpu.enqueue_dma source(%arg7 : memref<16x1024xf32, #tpu.memory_space<vmem>>) target(%dma_start3A_998 : memref<16x1024xf32, #tpu.memory_space<hbm>>) target_semaphore(%arg21 : memref<!tpu.dma_semaphore, #tpu.memory_space<semaphore_mem>>)
    %dma_wait3A_999 = arith.constant 0 : i32
    %dma_wait3A_1000 = tpu.memref_slice %arg4[%mul3A_994, %dma_wait3A_999] : memref<32768x1024xf32, #tpu.memory_space<hbm>> -> memref<16x1024xf32, #tpu.memory_space<hbm>>
    %dma_wait3A_1001 = arith.constant 0 : i32
    %dma_wait3A_1002 = tpu.memref_slice %arg4[%mul3A_994, %dma_wait3A_1001] : memref<32768x1024xf32, #tpu.memory_space<hbm>> -> memref<16x1024xf32, #tpu.memory_space<hbm>>
    tpu.wait_dma2 semaphore(%arg21 : memref<!tpu.dma_semaphore, #tpu.memory_space<semaphore_mem>>) src(%arg7 : memref<16x1024xf32, #tpu.memory_space<vmem>>) dst(%dma_wait3A_1002 : memref<16x1024xf32, #tpu.memory_space<hbm>>)
    %dma_start3A_1003 = arith.constant 43 : i32
    %dma_start3A_1004 = arith.constant 0 : i32
    %dma_start3A_1005 = tpu.memref_slice %arg5[%dma_start3A_1003, %dma_start3A_1004] : memref<64x16xi32, #tpu.memory_space<vmem>> -> memref<1x16xi32, #tpu.memory_space<vmem>>
    %dma_start3A_1006 = tpu.memref_squeeze %dma_start3A_1005 : memref<1x16xi32, #tpu.memory_space<vmem>> -> memref<16xi32, #tpu.memory_space<vmem>>
    %dma_start3A_1007 = arith.constant 0 : i32
    %dma_start3A_1008 = arith.constant 0 : i32
    %dma_start3A_1009 = tpu.memref_slice %arg3[%dma_start3A_1007, %dma_start3A_1008] : memref<8192x1024xf32, #tpu.memory_space<hbm>> -> memref<8192x1024xf32, #tpu.memory_space<hbm>>
    tpu.enqueue_indirect_dma source(%dma_start3A_1009 : memref<8192x1024xf32, #tpu.memory_space<hbm>>) target(%arg7 : memref<16x1024xf32, #tpu.memory_space<vmem>>) offsets(%dma_start3A_1006 : memref<16xi32, #tpu.memory_space<vmem>>) semaphore(%arg14 : memref<!tpu.dma_semaphore, #tpu.memory_space<semaphore_mem>>)
    %dma_wait3A_1010 = arith.constant 37 : i32
    %dma_wait3A_1011 = arith.constant 0 : i32
    %dma_wait3A_1012 = tpu.memref_slice %arg5[%dma_wait3A_1010, %dma_wait3A_1011] : memref<64x16xi32, #tpu.memory_space<vmem>> -> memref<1x16xi32, #tpu.memory_space<vmem>>
    %dma_wait3A_1013 = tpu.memref_squeeze %dma_wait3A_1012 : memref<1x16xi32, #tpu.memory_space<vmem>> -> memref<16xi32, #tpu.memory_space<vmem>>
    %dma_wait3A_1014 = arith.constant 0 : i32
    %dma_wait3A_1015 = arith.constant 0 : i32
    %dma_wait3A_1016 = tpu.memref_slice %arg3[%dma_wait3A_1014, %dma_wait3A_1015] : memref<8192x1024xf32, #tpu.memory_space<hbm>> -> memref<8192x1024xf32, #tpu.memory_space<hbm>>
    tpu.wait_indirect_dma semaphore(%arg15 : memref<!tpu.dma_semaphore, #tpu.memory_space<semaphore_mem>>) src(%dma_wait3A_1016 : memref<8192x1024xf32, #tpu.memory_space<hbm>>) dst(%arg8 : memref<16x1024xf32, #tpu.memory_space<vmem>>)
    %add3A_1017 = arith.constant 1184 : i32
    %add3A_1018 = arith.addi %add3A_1017, %add3A : i32
    %mul3A_1019 = arith.constant 16 : i32
    %mul3A_1020 = arith.muli %add3A_1018, %mul3A_1019 : i32
    %dma_start3A_1021 = arith.constant 0 : i32
    %dma_start3A_1022 = tpu.memref_slice %arg4[%mul3A_1020, %dma_start3A_1021] : memref<32768x1024xf32, #tpu.memory_space<hbm>> -> memref<16x1024xf32, #tpu.memory_space<hbm>>
    %dma_start3A_1023 = arith.constant 0 : i32
    %dma_start3A_1024 = tpu.memref_slice %arg4[%mul3A_1020, %dma_start3A_1023] : memref<32768x1024xf32, #tpu.memory_space<hbm>> -> memref<16x1024xf32, #tpu.memory_space<hbm>>
    tpu.enqueue_dma source(%arg8 : memref<16x1024xf32, #tpu.memory_space<vmem>>) target(%dma_start3A_1024 : memref<16x1024xf32, #tpu.memory_space<hbm>>) target_semaphore(%arg22 : memref<!tpu.dma_semaphore, #tpu.memory_space<semaphore_mem>>)
    %dma_wait3A_1025 = arith.constant 0 : i32
    %dma_wait3A_1026 = tpu.memref_slice %arg4[%mul3A_1020, %dma_wait3A_1025] : memref<32768x1024xf32, #tpu.memory_space<hbm>> -> memref<16x1024xf32, #tpu.memory_space<hbm>>
    %dma_wait3A_1027 = arith.constant 0 : i32
    %dma_wait3A_1028 = tpu.memref_slice %arg4[%mul3A_1020, %dma_wait3A_1027] : memref<32768x1024xf32, #tpu.memory_space<hbm>> -> memref<16x1024xf32, #tpu.memory_space<hbm>>
    tpu.wait_dma2 semaphore(%arg22 : memref<!tpu.dma_semaphore, #tpu.memory_space<semaphore_mem>>) src(%arg8 : memref<16x1024xf32, #tpu.memory_space<vmem>>) dst(%dma_wait3A_1028 : memref<16x1024xf32, #tpu.memory_space<hbm>>)
    %dma_start3A_1029 = arith.constant 44 : i32
    %dma_start3A_1030 = arith.constant 0 : i32
    %dma_start3A_1031 = tpu.memref_slice %arg5[%dma_start3A_1029, %dma_start3A_1030] : memref<64x16xi32, #tpu.memory_space<vmem>> -> memref<1x16xi32, #tpu.memory_space<vmem>>
    %dma_start3A_1032 = tpu.memref_squeeze %dma_start3A_1031 : memref<1x16xi32, #tpu.memory_space<vmem>> -> memref<16xi32, #tpu.memory_space<vmem>>
    %dma_start3A_1033 = arith.constant 0 : i32
    %dma_start3A_1034 = arith.constant 0 : i32
    %dma_start3A_1035 = tpu.memref_slice %arg3[%dma_start3A_1033, %dma_start3A_1034] : memref<8192x1024xf32, #tpu.memory_space<hbm>> -> memref<8192x1024xf32, #tpu.memory_space<hbm>>
    tpu.enqueue_indirect_dma source(%dma_start3A_1035 : memref<8192x1024xf32, #tpu.memory_space<hbm>>) target(%arg8 : memref<16x1024xf32, #tpu.memory_space<vmem>>) offsets(%dma_start3A_1032 : memref<16xi32, #tpu.memory_space<vmem>>) semaphore(%arg15 : memref<!tpu.dma_semaphore, #tpu.memory_space<semaphore_mem>>)
    %dma_wait3A_1036 = arith.constant 38 : i32
    %dma_wait3A_1037 = arith.constant 0 : i32
    %dma_wait3A_1038 = tpu.memref_slice %arg5[%dma_wait3A_1036, %dma_wait3A_1037] : memref<64x16xi32, #tpu.memory_space<vmem>> -> memref<1x16xi32, #tpu.memory_space<vmem>>
    %dma_wait3A_1039 = tpu.memref_squeeze %dma_wait3A_1038 : memref<1x16xi32, #tpu.memory_space<vmem>> -> memref<16xi32, #tpu.memory_space<vmem>>
    %dma_wait3A_1040 = arith.constant 0 : i32
    %dma_wait3A_1041 = arith.constant 0 : i32
    %dma_wait3A_1042 = tpu.memref_slice %arg3[%dma_wait3A_1040, %dma_wait3A_1041] : memref<8192x1024xf32, #tpu.memory_space<hbm>> -> memref<8192x1024xf32, #tpu.memory_space<hbm>>
    tpu.wait_indirect_dma semaphore(%arg16 : memref<!tpu.dma_semaphore, #tpu.memory_space<semaphore_mem>>) src(%dma_wait3A_1042 : memref<8192x1024xf32, #tpu.memory_space<hbm>>) dst(%arg9 : memref<16x1024xf32, #tpu.memory_space<vmem>>)
    %add3A_1043 = arith.constant 1216 : i32
    %add3A_1044 = arith.addi %add3A_1043, %add3A : i32
    %mul3A_1045 = arith.constant 16 : i32
    %mul3A_1046 = arith.muli %add3A_1044, %mul3A_1045 : i32
    %dma_start3A_1047 = arith.constant 0 : i32
    %dma_start3A_1048 = tpu.memref_slice %arg4[%mul3A_1046, %dma_start3A_1047] : memref<32768x1024xf32, #tpu.memory_space<hbm>> -> memref<16x1024xf32, #tpu.memory_space<hbm>>
    %dma_start3A_1049 = arith.constant 0 : i32
    %dma_start3A_1050 = tpu.memref_slice %arg4[%mul3A_1046, %dma_start3A_1049] : memref<32768x1024xf32, #tpu.memory_space<hbm>> -> memref<16x1024xf32, #tpu.memory_space<hbm>>
    tpu.enqueue_dma source(%arg9 : memref<16x1024xf32, #tpu.memory_space<vmem>>) target(%dma_start3A_1050 : memref<16x1024xf32, #tpu.memory_space<hbm>>) target_semaphore(%arg23 : memref<!tpu.dma_semaphore, #tpu.memory_space<semaphore_mem>>)
    %dma_wait3A_1051 = arith.constant 0 : i32
    %dma_wait3A_1052 = tpu.memref_slice %arg4[%mul3A_1046, %dma_wait3A_1051] : memref<32768x1024xf32, #tpu.memory_space<hbm>> -> memref<16x1024xf32, #tpu.memory_space<hbm>>
    %dma_wait3A_1053 = arith.constant 0 : i32
    %dma_wait3A_1054 = tpu.memref_slice %arg4[%mul3A_1046, %dma_wait3A_1053] : memref<32768x1024xf32, #tpu.memory_space<hbm>> -> memref<16x1024xf32, #tpu.memory_space<hbm>>
    tpu.wait_dma2 semaphore(%arg23 : memref<!tpu.dma_semaphore, #tpu.memory_space<semaphore_mem>>) src(%arg9 : memref<16x1024xf32, #tpu.memory_space<vmem>>) dst(%dma_wait3A_1054 : memref<16x1024xf32, #tpu.memory_space<hbm>>)
    %dma_start3A_1055 = arith.constant 45 : i32
    %dma_start3A_1056 = arith.constant 0 : i32
    %dma_start3A_1057 = tpu.memref_slice %arg5[%dma_start3A_1055, %dma_start3A_1056] : memref<64x16xi32, #tpu.memory_space<vmem>> -> memref<1x16xi32, #tpu.memory_space<vmem>>
    %dma_start3A_1058 = tpu.memref_squeeze %dma_start3A_1057 : memref<1x16xi32, #tpu.memory_space<vmem>> -> memref<16xi32, #tpu.memory_space<vmem>>
    %dma_start3A_1059 = arith.constant 0 : i32
    %dma_start3A_1060 = arith.constant 0 : i32
    %dma_start3A_1061 = tpu.memref_slice %arg3[%dma_start3A_1059, %dma_start3A_1060] : memref<8192x1024xf32, #tpu.memory_space<hbm>> -> memref<8192x1024xf32, #tpu.memory_space<hbm>>
    tpu.enqueue_indirect_dma source(%dma_start3A_1061 : memref<8192x1024xf32, #tpu.memory_space<hbm>>) target(%arg9 : memref<16x1024xf32, #tpu.memory_space<vmem>>) offsets(%dma_start3A_1058 : memref<16xi32, #tpu.memory_space<vmem>>) semaphore(%arg16 : memref<!tpu.dma_semaphore, #tpu.memory_space<semaphore_mem>>)
    %dma_wait3A_1062 = arith.constant 39 : i32
    %dma_wait3A_1063 = arith.constant 0 : i32
    %dma_wait3A_1064 = tpu.memref_slice %arg5[%dma_wait3A_1062, %dma_wait3A_1063] : memref<64x16xi32, #tpu.memory_space<vmem>> -> memref<1x16xi32, #tpu.memory_space<vmem>>
    %dma_wait3A_1065 = tpu.memref_squeeze %dma_wait3A_1064 : memref<1x16xi32, #tpu.memory_space<vmem>> -> memref<16xi32, #tpu.memory_space<vmem>>
    %dma_wait3A_1066 = arith.constant 0 : i32
    %dma_wait3A_1067 = arith.constant 0 : i32
    %dma_wait3A_1068 = tpu.memref_slice %arg3[%dma_wait3A_1066, %dma_wait3A_1067] : memref<8192x1024xf32, #tpu.memory_space<hbm>> -> memref<8192x1024xf32, #tpu.memory_space<hbm>>
    tpu.wait_indirect_dma semaphore(%arg17 : memref<!tpu.dma_semaphore, #tpu.memory_space<semaphore_mem>>) src(%dma_wait3A_1068 : memref<8192x1024xf32, #tpu.memory_space<hbm>>) dst(%arg10 : memref<16x1024xf32, #tpu.memory_space<vmem>>)
    %add3A_1069 = arith.constant 1248 : i32
    %add3A_1070 = arith.addi %add3A_1069, %add3A : i32
    %mul3A_1071 = arith.constant 16 : i32
    %mul3A_1072 = arith.muli %add3A_1070, %mul3A_1071 : i32
    %dma_start3A_1073 = arith.constant 0 : i32
    %dma_start3A_1074 = tpu.memref_slice %arg4[%mul3A_1072, %dma_start3A_1073] : memref<32768x1024xf32, #tpu.memory_space<hbm>> -> memref<16x1024xf32, #tpu.memory_space<hbm>>
    %dma_start3A_1075 = arith.constant 0 : i32
    %dma_start3A_1076 = tpu.memref_slice %arg4[%mul3A_1072, %dma_start3A_1075] : memref<32768x1024xf32, #tpu.memory_space<hbm>> -> memref<16x1024xf32, #tpu.memory_space<hbm>>
    tpu.enqueue_dma source(%arg10 : memref<16x1024xf32, #tpu.memory_space<vmem>>) target(%dma_start3A_1076 : memref<16x1024xf32, #tpu.memory_space<hbm>>) target_semaphore(%arg24 : memref<!tpu.dma_semaphore, #tpu.memory_space<semaphore_mem>>)
    %dma_wait3A_1077 = arith.constant 0 : i32
    %dma_wait3A_1078 = tpu.memref_slice %arg4[%mul3A_1072, %dma_wait3A_1077] : memref<32768x1024xf32, #tpu.memory_space<hbm>> -> memref<16x1024xf32, #tpu.memory_space<hbm>>
    %dma_wait3A_1079 = arith.constant 0 : i32
    %dma_wait3A_1080 = tpu.memref_slice %arg4[%mul3A_1072, %dma_wait3A_1079] : memref<32768x1024xf32, #tpu.memory_space<hbm>> -> memref<16x1024xf32, #tpu.memory_space<hbm>>
    tpu.wait_dma2 semaphore(%arg24 : memref<!tpu.dma_semaphore, #tpu.memory_space<semaphore_mem>>) src(%arg10 : memref<16x1024xf32, #tpu.memory_space<vmem>>) dst(%dma_wait3A_1080 : memref<16x1024xf32, #tpu.memory_space<hbm>>)
    %dma_start3A_1081 = arith.constant 46 : i32
    %dma_start3A_1082 = arith.constant 0 : i32
    %dma_start3A_1083 = tpu.memref_slice %arg5[%dma_start3A_1081, %dma_start3A_1082] : memref<64x16xi32, #tpu.memory_space<vmem>> -> memref<1x16xi32, #tpu.memory_space<vmem>>
    %dma_start3A_1084 = tpu.memref_squeeze %dma_start3A_1083 : memref<1x16xi32, #tpu.memory_space<vmem>> -> memref<16xi32, #tpu.memory_space<vmem>>
    %dma_start3A_1085 = arith.constant 0 : i32
    %dma_start3A_1086 = arith.constant 0 : i32
    %dma_start3A_1087 = tpu.memref_slice %arg3[%dma_start3A_1085, %dma_start3A_1086] : memref<8192x1024xf32, #tpu.memory_space<hbm>> -> memref<8192x1024xf32, #tpu.memory_space<hbm>>
    tpu.enqueue_indirect_dma source(%dma_start3A_1087 : memref<8192x1024xf32, #tpu.memory_space<hbm>>) target(%arg10 : memref<16x1024xf32, #tpu.memory_space<vmem>>) offsets(%dma_start3A_1084 : memref<16xi32, #tpu.memory_space<vmem>>) semaphore(%arg17 : memref<!tpu.dma_semaphore, #tpu.memory_space<semaphore_mem>>)
    %dma_wait3A_1088 = arith.constant 40 : i32
    %dma_wait3A_1089 = arith.constant 0 : i32
    %dma_wait3A_1090 = tpu.memref_slice %arg5[%dma_wait3A_1088, %dma_wait3A_1089] : memref<64x16xi32, #tpu.memory_space<vmem>> -> memref<1x16xi32, #tpu.memory_space<vmem>>
    %dma_wait3A_1091 = tpu.memref_squeeze %dma_wait3A_1090 : memref<1x16xi32, #tpu.memory_space<vmem>> -> memref<16xi32, #tpu.memory_space<vmem>>
    %dma_wait3A_1092 = arith.constant 0 : i32
    %dma_wait3A_1093 = arith.constant 0 : i32
    %dma_wait3A_1094 = tpu.memref_slice %arg3[%dma_wait3A_1092, %dma_wait3A_1093] : memref<8192x1024xf32, #tpu.memory_space<hbm>> -> memref<8192x1024xf32, #tpu.memory_space<hbm>>
    tpu.wait_indirect_dma semaphore(%arg18 : memref<!tpu.dma_semaphore, #tpu.memory_space<semaphore_mem>>) src(%dma_wait3A_1094 : memref<8192x1024xf32, #tpu.memory_space<hbm>>) dst(%arg11 : memref<16x1024xf32, #tpu.memory_space<vmem>>)
    %add3A_1095 = arith.constant 1280 : i32
    %add3A_1096 = arith.addi %add3A_1095, %add3A : i32
    %mul3A_1097 = arith.constant 16 : i32
    %mul3A_1098 = arith.muli %add3A_1096, %mul3A_1097 : i32
    %dma_start3A_1099 = arith.constant 0 : i32
    %dma_start3A_1100 = tpu.memref_slice %arg4[%mul3A_1098, %dma_start3A_1099] : memref<32768x1024xf32, #tpu.memory_space<hbm>> -> memref<16x1024xf32, #tpu.memory_space<hbm>>
    %dma_start3A_1101 = arith.constant 0 : i32
    %dma_start3A_1102 = tpu.memref_slice %arg4[%mul3A_1098, %dma_start3A_1101] : memref<32768x1024xf32, #tpu.memory_space<hbm>> -> memref<16x1024xf32, #tpu.memory_space<hbm>>
    tpu.enqueue_dma source(%arg11 : memref<16x1024xf32, #tpu.memory_space<vmem>>) target(%dma_start3A_1102 : memref<16x1024xf32, #tpu.memory_space<hbm>>) target_semaphore(%arg25 : memref<!tpu.dma_semaphore, #tpu.memory_space<semaphore_mem>>)
    %dma_wait3A_1103 = arith.constant 0 : i32
    %dma_wait3A_1104 = tpu.memref_slice %arg4[%mul3A_1098, %dma_wait3A_1103] : memref<32768x1024xf32, #tpu.memory_space<hbm>> -> memref<16x1024xf32, #tpu.memory_space<hbm>>
    %dma_wait3A_1105 = arith.constant 0 : i32
    %dma_wait3A_1106 = tpu.memref_slice %arg4[%mul3A_1098, %dma_wait3A_1105] : memref<32768x1024xf32, #tpu.memory_space<hbm>> -> memref<16x1024xf32, #tpu.memory_space<hbm>>
    tpu.wait_dma2 semaphore(%arg25 : memref<!tpu.dma_semaphore, #tpu.memory_space<semaphore_mem>>) src(%arg11 : memref<16x1024xf32, #tpu.memory_space<vmem>>) dst(%dma_wait3A_1106 : memref<16x1024xf32, #tpu.memory_space<hbm>>)
    %dma_start3A_1107 = arith.constant 47 : i32
    %dma_start3A_1108 = arith.constant 0 : i32
    %dma_start3A_1109 = tpu.memref_slice %arg5[%dma_start3A_1107, %dma_start3A_1108] : memref<64x16xi32, #tpu.memory_space<vmem>> -> memref<1x16xi32, #tpu.memory_space<vmem>>
    %dma_start3A_1110 = tpu.memref_squeeze %dma_start3A_1109 : memref<1x16xi32, #tpu.memory_space<vmem>> -> memref<16xi32, #tpu.memory_space<vmem>>
    %dma_start3A_1111 = arith.constant 0 : i32
    %dma_start3A_1112 = arith.constant 0 : i32
    %dma_start3A_1113 = tpu.memref_slice %arg3[%dma_start3A_1111, %dma_start3A_1112] : memref<8192x1024xf32, #tpu.memory_space<hbm>> -> memref<8192x1024xf32, #tpu.memory_space<hbm>>
    tpu.enqueue_indirect_dma source(%dma_start3A_1113 : memref<8192x1024xf32, #tpu.memory_space<hbm>>) target(%arg11 : memref<16x1024xf32, #tpu.memory_space<vmem>>) offsets(%dma_start3A_1110 : memref<16xi32, #tpu.memory_space<vmem>>) semaphore(%arg18 : memref<!tpu.dma_semaphore, #tpu.memory_space<semaphore_mem>>)
    %dma_wait3A_1114 = arith.constant 41 : i32
    %dma_wait3A_1115 = arith.constant 0 : i32
    %dma_wait3A_1116 = tpu.memref_slice %arg5[%dma_wait3A_1114, %dma_wait3A_1115] : memref<64x16xi32, #tpu.memory_space<vmem>> -> memref<1x16xi32, #tpu.memory_space<vmem>>
    %dma_wait3A_1117 = tpu.memref_squeeze %dma_wait3A_1116 : memref<1x16xi32, #tpu.memory_space<vmem>> -> memref<16xi32, #tpu.memory_space<vmem>>
    %dma_wait3A_1118 = arith.constant 0 : i32
    %dma_wait3A_1119 = arith.constant 0 : i32
    %dma_wait3A_1120 = tpu.memref_slice %arg3[%dma_wait3A_1118, %dma_wait3A_1119] : memref<8192x1024xf32, #tpu.memory_space<hbm>> -> memref<8192x1024xf32, #tpu.memory_space<hbm>>
    tpu.wait_indirect_dma semaphore(%arg19 : memref<!tpu.dma_semaphore, #tpu.memory_space<semaphore_mem>>) src(%dma_wait3A_1120 : memref<8192x1024xf32, #tpu.memory_space<hbm>>) dst(%arg12 : memref<16x1024xf32, #tpu.memory_space<vmem>>)
    %add3A_1121 = arith.constant 1312 : i32
    %add3A_1122 = arith.addi %add3A_1121, %add3A : i32
    %mul3A_1123 = arith.constant 16 : i32
    %mul3A_1124 = arith.muli %add3A_1122, %mul3A_1123 : i32
    %dma_start3A_1125 = arith.constant 0 : i32
    %dma_start3A_1126 = tpu.memref_slice %arg4[%mul3A_1124, %dma_start3A_1125] : memref<32768x1024xf32, #tpu.memory_space<hbm>> -> memref<16x1024xf32, #tpu.memory_space<hbm>>
    %dma_start3A_1127 = arith.constant 0 : i32
    %dma_start3A_1128 = tpu.memref_slice %arg4[%mul3A_1124, %dma_start3A_1127] : memref<32768x1024xf32, #tpu.memory_space<hbm>> -> memref<16x1024xf32, #tpu.memory_space<hbm>>
    tpu.enqueue_dma source(%arg12 : memref<16x1024xf32, #tpu.memory_space<vmem>>) target(%dma_start3A_1128 : memref<16x1024xf32, #tpu.memory_space<hbm>>) target_semaphore(%arg26 : memref<!tpu.dma_semaphore, #tpu.memory_space<semaphore_mem>>)
    %dma_wait3A_1129 = arith.constant 0 : i32
    %dma_wait3A_1130 = tpu.memref_slice %arg4[%mul3A_1124, %dma_wait3A_1129] : memref<32768x1024xf32, #tpu.memory_space<hbm>> -> memref<16x1024xf32, #tpu.memory_space<hbm>>
    %dma_wait3A_1131 = arith.constant 0 : i32
    %dma_wait3A_1132 = tpu.memref_slice %arg4[%mul3A_1124, %dma_wait3A_1131] : memref<32768x1024xf32, #tpu.memory_space<hbm>> -> memref<16x1024xf32, #tpu.memory_space<hbm>>
    tpu.wait_dma2 semaphore(%arg26 : memref<!tpu.dma_semaphore, #tpu.memory_space<semaphore_mem>>) src(%arg12 : memref<16x1024xf32, #tpu.memory_space<vmem>>) dst(%dma_wait3A_1132 : memref<16x1024xf32, #tpu.memory_space<hbm>>)
    %dma_start3A_1133 = arith.constant 48 : i32
    %dma_start3A_1134 = arith.constant 0 : i32
    %dma_start3A_1135 = tpu.memref_slice %arg5[%dma_start3A_1133, %dma_start3A_1134] : memref<64x16xi32, #tpu.memory_space<vmem>> -> memref<1x16xi32, #tpu.memory_space<vmem>>
    %dma_start3A_1136 = tpu.memref_squeeze %dma_start3A_1135 : memref<1x16xi32, #tpu.memory_space<vmem>> -> memref<16xi32, #tpu.memory_space<vmem>>
    %dma_start3A_1137 = arith.constant 0 : i32
    %dma_start3A_1138 = arith.constant 0 : i32
    %dma_start3A_1139 = tpu.memref_slice %arg3[%dma_start3A_1137, %dma_start3A_1138] : memref<8192x1024xf32, #tpu.memory_space<hbm>> -> memref<8192x1024xf32, #tpu.memory_space<hbm>>
    tpu.enqueue_indirect_dma source(%dma_start3A_1139 : memref<8192x1024xf32, #tpu.memory_space<hbm>>) target(%arg12 : memref<16x1024xf32, #tpu.memory_space<vmem>>) offsets(%dma_start3A_1136 : memref<16xi32, #tpu.memory_space<vmem>>) semaphore(%arg19 : memref<!tpu.dma_semaphore, #tpu.memory_space<semaphore_mem>>)
    %dma_wait3A_1140 = arith.constant 42 : i32
    %dma_wait3A_1141 = arith.constant 0 : i32
    %dma_wait3A_1142 = tpu.memref_slice %arg5[%dma_wait3A_1140, %dma_wait3A_1141] : memref<64x16xi32, #tpu.memory_space<vmem>> -> memref<1x16xi32, #tpu.memory_space<vmem>>
    %dma_wait3A_1143 = tpu.memref_squeeze %dma_wait3A_1142 : memref<1x16xi32, #tpu.memory_space<vmem>> -> memref<16xi32, #tpu.memory_space<vmem>>
    %dma_wait3A_1144 = arith.constant 0 : i32
    %dma_wait3A_1145 = arith.constant 0 : i32
    %dma_wait3A_1146 = tpu.memref_slice %arg3[%dma_wait3A_1144, %dma_wait3A_1145] : memref<8192x1024xf32, #tpu.memory_space<hbm>> -> memref<8192x1024xf32, #tpu.memory_space<hbm>>
    tpu.wait_indirect_dma semaphore(%arg13 : memref<!tpu.dma_semaphore, #tpu.memory_space<semaphore_mem>>) src(%dma_wait3A_1146 : memref<8192x1024xf32, #tpu.memory_space<hbm>>) dst(%arg6 : memref<16x1024xf32, #tpu.memory_space<vmem>>)
    %add3A_1147 = arith.constant 1344 : i32
    %add3A_1148 = arith.addi %add3A_1147, %add3A : i32
    %mul3A_1149 = arith.constant 16 : i32
    %mul3A_1150 = arith.muli %add3A_1148, %mul3A_1149 : i32
    %dma_start3A_1151 = arith.constant 0 : i32
    %dma_start3A_1152 = tpu.memref_slice %arg4[%mul3A_1150, %dma_start3A_1151] : memref<32768x1024xf32, #tpu.memory_space<hbm>> -> memref<16x1024xf32, #tpu.memory_space<hbm>>
    %dma_start3A_1153 = arith.constant 0 : i32
    %dma_start3A_1154 = tpu.memref_slice %arg4[%mul3A_1150, %dma_start3A_1153] : memref<32768x1024xf32, #tpu.memory_space<hbm>> -> memref<16x1024xf32, #tpu.memory_space<hbm>>
    tpu.enqueue_dma source(%arg6 : memref<16x1024xf32, #tpu.memory_space<vmem>>) target(%dma_start3A_1154 : memref<16x1024xf32, #tpu.memory_space<hbm>>) target_semaphore(%arg20 : memref<!tpu.dma_semaphore, #tpu.memory_space<semaphore_mem>>)
    %dma_wait3A_1155 = arith.constant 0 : i32
    %dma_wait3A_1156 = tpu.memref_slice %arg4[%mul3A_1150, %dma_wait3A_1155] : memref<32768x1024xf32, #tpu.memory_space<hbm>> -> memref<16x1024xf32, #tpu.memory_space<hbm>>
    %dma_wait3A_1157 = arith.constant 0 : i32
    %dma_wait3A_1158 = tpu.memref_slice %arg4[%mul3A_1150, %dma_wait3A_1157] : memref<32768x1024xf32, #tpu.memory_space<hbm>> -> memref<16x1024xf32, #tpu.memory_space<hbm>>
    tpu.wait_dma2 semaphore(%arg20 : memref<!tpu.dma_semaphore, #tpu.memory_space<semaphore_mem>>) src(%arg6 : memref<16x1024xf32, #tpu.memory_space<vmem>>) dst(%dma_wait3A_1158 : memref<16x1024xf32, #tpu.memory_space<hbm>>)
    %dma_start3A_1159 = arith.constant 49 : i32
    %dma_start3A_1160 = arith.constant 0 : i32
    %dma_start3A_1161 = tpu.memref_slice %arg5[%dma_start3A_1159, %dma_start3A_1160] : memref<64x16xi32, #tpu.memory_space<vmem>> -> memref<1x16xi32, #tpu.memory_space<vmem>>
    %dma_start3A_1162 = tpu.memref_squeeze %dma_start3A_1161 : memref<1x16xi32, #tpu.memory_space<vmem>> -> memref<16xi32, #tpu.memory_space<vmem>>
    %dma_start3A_1163 = arith.constant 0 : i32
    %dma_start3A_1164 = arith.constant 0 : i32
    %dma_start3A_1165 = tpu.memref_slice %arg3[%dma_start3A_1163, %dma_start3A_1164] : memref<8192x1024xf32, #tpu.memory_space<hbm>> -> memref<8192x1024xf32, #tpu.memory_space<hbm>>
    tpu.enqueue_indirect_dma source(%dma_start3A_1165 : memref<8192x1024xf32, #tpu.memory_space<hbm>>) target(%arg6 : memref<16x1024xf32, #tpu.memory_space<vmem>>) offsets(%dma_start3A_1162 : memref<16xi32, #tpu.memory_space<vmem>>) semaphore(%arg13 : memref<!tpu.dma_semaphore, #tpu.memory_space<semaphore_mem>>)
    %dma_wait3A_1166 = arith.constant 43 : i32
    %dma_wait3A_1167 = arith.constant 0 : i32
    %dma_wait3A_1168 = tpu.memref_slice %arg5[%dma_wait3A_1166, %dma_wait3A_1167] : memref<64x16xi32, #tpu.memory_space<vmem>> -> memref<1x16xi32, #tpu.memory_space<vmem>>
    %dma_wait3A_1169 = tpu.memref_squeeze %dma_wait3A_1168 : memref<1x16xi32, #tpu.memory_space<vmem>> -> memref<16xi32, #tpu.memory_space<vmem>>
    %dma_wait3A_1170 = arith.constant 0 : i32
    %dma_wait3A_1171 = arith.constant 0 : i32
    %dma_wait3A_1172 = tpu.memref_slice %arg3[%dma_wait3A_1170, %dma_wait3A_1171] : memref<8192x1024xf32, #tpu.memory_space<hbm>> -> memref<8192x1024xf32, #tpu.memory_space<hbm>>
    tpu.wait_indirect_dma semaphore(%arg14 : memref<!tpu.dma_semaphore, #tpu.memory_space<semaphore_mem>>) src(%dma_wait3A_1172 : memref<8192x1024xf32, #tpu.memory_space<hbm>>) dst(%arg7 : memref<16x1024xf32, #tpu.memory_space<vmem>>)
    %add3A_1173 = arith.constant 1376 : i32
    %add3A_1174 = arith.addi %add3A_1173, %add3A : i32
    %mul3A_1175 = arith.constant 16 : i32
    %mul3A_1176 = arith.muli %add3A_1174, %mul3A_1175 : i32
    %dma_start3A_1177 = arith.constant 0 : i32
    %dma_start3A_1178 = tpu.memref_slice %arg4[%mul3A_1176, %dma_start3A_1177] : memref<32768x1024xf32, #tpu.memory_space<hbm>> -> memref<16x1024xf32, #tpu.memory_space<hbm>>
    %dma_start3A_1179 = arith.constant 0 : i32
    %dma_start3A_1180 = tpu.memref_slice %arg4[%mul3A_1176, %dma_start3A_1179] : memref<32768x1024xf32, #tpu.memory_space<hbm>> -> memref<16x1024xf32, #tpu.memory_space<hbm>>
    tpu.enqueue_dma source(%arg7 : memref<16x1024xf32, #tpu.memory_space<vmem>>) target(%dma_start3A_1180 : memref<16x1024xf32, #tpu.memory_space<hbm>>) target_semaphore(%arg21 : memref<!tpu.dma_semaphore, #tpu.memory_space<semaphore_mem>>)
    %dma_wait3A_1181 = arith.constant 0 : i32
    %dma_wait3A_1182 = tpu.memref_slice %arg4[%mul3A_1176, %dma_wait3A_1181] : memref<32768x1024xf32, #tpu.memory_space<hbm>> -> memref<16x1024xf32, #tpu.memory_space<hbm>>
    %dma_wait3A_1183 = arith.constant 0 : i32
    %dma_wait3A_1184 = tpu.memref_slice %arg4[%mul3A_1176, %dma_wait3A_1183] : memref<32768x1024xf32, #tpu.memory_space<hbm>> -> memref<16x1024xf32, #tpu.memory_space<hbm>>
    tpu.wait_dma2 semaphore(%arg21 : memref<!tpu.dma_semaphore, #tpu.memory_space<semaphore_mem>>) src(%arg7 : memref<16x1024xf32, #tpu.memory_space<vmem>>) dst(%dma_wait3A_1184 : memref<16x1024xf32, #tpu.memory_space<hbm>>)
    %dma_start3A_1185 = arith.constant 50 : i32
    %dma_start3A_1186 = arith.constant 0 : i32
    %dma_start3A_1187 = tpu.memref_slice %arg5[%dma_start3A_1185, %dma_start3A_1186] : memref<64x16xi32, #tpu.memory_space<vmem>> -> memref<1x16xi32, #tpu.memory_space<vmem>>
    %dma_start3A_1188 = tpu.memref_squeeze %dma_start3A_1187 : memref<1x16xi32, #tpu.memory_space<vmem>> -> memref<16xi32, #tpu.memory_space<vmem>>
    %dma_start3A_1189 = arith.constant 0 : i32
    %dma_start3A_1190 = arith.constant 0 : i32
    %dma_start3A_1191 = tpu.memref_slice %arg3[%dma_start3A_1189, %dma_start3A_1190] : memref<8192x1024xf32, #tpu.memory_space<hbm>> -> memref<8192x1024xf32, #tpu.memory_space<hbm>>
    tpu.enqueue_indirect_dma source(%dma_start3A_1191 : memref<8192x1024xf32, #tpu.memory_space<hbm>>) target(%arg7 : memref<16x1024xf32, #tpu.memory_space<vmem>>) offsets(%dma_start3A_1188 : memref<16xi32, #tpu.memory_space<vmem>>) semaphore(%arg14 : memref<!tpu.dma_semaphore, #tpu.memory_space<semaphore_mem>>)
    %dma_wait3A_1192 = arith.constant 44 : i32
    %dma_wait3A_1193 = arith.constant 0 : i32
    %dma_wait3A_1194 = tpu.memref_slice %arg5[%dma_wait3A_1192, %dma_wait3A_1193] : memref<64x16xi32, #tpu.memory_space<vmem>> -> memref<1x16xi32, #tpu.memory_space<vmem>>
    %dma_wait3A_1195 = tpu.memref_squeeze %dma_wait3A_1194 : memref<1x16xi32, #tpu.memory_space<vmem>> -> memref<16xi32, #tpu.memory_space<vmem>>
    %dma_wait3A_1196 = arith.constant 0 : i32
    %dma_wait3A_1197 = arith.constant 0 : i32
    %dma_wait3A_1198 = tpu.memref_slice %arg3[%dma_wait3A_1196, %dma_wait3A_1197] : memref<8192x1024xf32, #tpu.memory_space<hbm>> -> memref<8192x1024xf32, #tpu.memory_space<hbm>>
    tpu.wait_indirect_dma semaphore(%arg15 : memref<!tpu.dma_semaphore, #tpu.memory_space<semaphore_mem>>) src(%dma_wait3A_1198 : memref<8192x1024xf32, #tpu.memory_space<hbm>>) dst(%arg8 : memref<16x1024xf32, #tpu.memory_space<vmem>>)
    %add3A_1199 = arith.constant 1408 : i32
    %add3A_1200 = arith.addi %add3A_1199, %add3A : i32
    %mul3A_1201 = arith.constant 16 : i32
    %mul3A_1202 = arith.muli %add3A_1200, %mul3A_1201 : i32
    %dma_start3A_1203 = arith.constant 0 : i32
    %dma_start3A_1204 = tpu.memref_slice %arg4[%mul3A_1202, %dma_start3A_1203] : memref<32768x1024xf32, #tpu.memory_space<hbm>> -> memref<16x1024xf32, #tpu.memory_space<hbm>>
    %dma_start3A_1205 = arith.constant 0 : i32
    %dma_start3A_1206 = tpu.memref_slice %arg4[%mul3A_1202, %dma_start3A_1205] : memref<32768x1024xf32, #tpu.memory_space<hbm>> -> memref<16x1024xf32, #tpu.memory_space<hbm>>
    tpu.enqueue_dma source(%arg8 : memref<16x1024xf32, #tpu.memory_space<vmem>>) target(%dma_start3A_1206 : memref<16x1024xf32, #tpu.memory_space<hbm>>) target_semaphore(%arg22 : memref<!tpu.dma_semaphore, #tpu.memory_space<semaphore_mem>>)
    %dma_wait3A_1207 = arith.constant 0 : i32
    %dma_wait3A_1208 = tpu.memref_slice %arg4[%mul3A_1202, %dma_wait3A_1207] : memref<32768x1024xf32, #tpu.memory_space<hbm>> -> memref<16x1024xf32, #tpu.memory_space<hbm>>
    %dma_wait3A_1209 = arith.constant 0 : i32
    %dma_wait3A_1210 = tpu.memref_slice %arg4[%mul3A_1202, %dma_wait3A_1209] : memref<32768x1024xf32, #tpu.memory_space<hbm>> -> memref<16x1024xf32, #tpu.memory_space<hbm>>
    tpu.wait_dma2 semaphore(%arg22 : memref<!tpu.dma_semaphore, #tpu.memory_space<semaphore_mem>>) src(%arg8 : memref<16x1024xf32, #tpu.memory_space<vmem>>) dst(%dma_wait3A_1210 : memref<16x1024xf32, #tpu.memory_space<hbm>>)
    %dma_start3A_1211 = arith.constant 51 : i32
    %dma_start3A_1212 = arith.constant 0 : i32
    %dma_start3A_1213 = tpu.memref_slice %arg5[%dma_start3A_1211, %dma_start3A_1212] : memref<64x16xi32, #tpu.memory_space<vmem>> -> memref<1x16xi32, #tpu.memory_space<vmem>>
    %dma_start3A_1214 = tpu.memref_squeeze %dma_start3A_1213 : memref<1x16xi32, #tpu.memory_space<vmem>> -> memref<16xi32, #tpu.memory_space<vmem>>
    %dma_start3A_1215 = arith.constant 0 : i32
    %dma_start3A_1216 = arith.constant 0 : i32
    %dma_start3A_1217 = tpu.memref_slice %arg3[%dma_start3A_1215, %dma_start3A_1216] : memref<8192x1024xf32, #tpu.memory_space<hbm>> -> memref<8192x1024xf32, #tpu.memory_space<hbm>>
    tpu.enqueue_indirect_dma source(%dma_start3A_1217 : memref<8192x1024xf32, #tpu.memory_space<hbm>>) target(%arg8 : memref<16x1024xf32, #tpu.memory_space<vmem>>) offsets(%dma_start3A_1214 : memref<16xi32, #tpu.memory_space<vmem>>) semaphore(%arg15 : memref<!tpu.dma_semaphore, #tpu.memory_space<semaphore_mem>>)
    %dma_wait3A_1218 = arith.constant 45 : i32
    %dma_wait3A_1219 = arith.constant 0 : i32
    %dma_wait3A_1220 = tpu.memref_slice %arg5[%dma_wait3A_1218, %dma_wait3A_1219] : memref<64x16xi32, #tpu.memory_space<vmem>> -> memref<1x16xi32, #tpu.memory_space<vmem>>
    %dma_wait3A_1221 = tpu.memref_squeeze %dma_wait3A_1220 : memref<1x16xi32, #tpu.memory_space<vmem>> -> memref<16xi32, #tpu.memory_space<vmem>>
    %dma_wait3A_1222 = arith.constant 0 : i32
    %dma_wait3A_1223 = arith.constant 0 : i32
    %dma_wait3A_1224 = tpu.memref_slice %arg3[%dma_wait3A_1222, %dma_wait3A_1223] : memref<8192x1024xf32, #tpu.memory_space<hbm>> -> memref<8192x1024xf32, #tpu.memory_space<hbm>>
    tpu.wait_indirect_dma semaphore(%arg16 : memref<!tpu.dma_semaphore, #tpu.memory_space<semaphore_mem>>) src(%dma_wait3A_1224 : memref<8192x1024xf32, #tpu.memory_space<hbm>>) dst(%arg9 : memref<16x1024xf32, #tpu.memory_space<vmem>>)
    %add3A_1225 = arith.constant 1440 : i32
    %add3A_1226 = arith.addi %add3A_1225, %add3A : i32
    %mul3A_1227 = arith.constant 16 : i32
    %mul3A_1228 = arith.muli %add3A_1226, %mul3A_1227 : i32
    %dma_start3A_1229 = arith.constant 0 : i32
    %dma_start3A_1230 = tpu.memref_slice %arg4[%mul3A_1228, %dma_start3A_1229] : memref<32768x1024xf32, #tpu.memory_space<hbm>> -> memref<16x1024xf32, #tpu.memory_space<hbm>>
    %dma_start3A_1231 = arith.constant 0 : i32
    %dma_start3A_1232 = tpu.memref_slice %arg4[%mul3A_1228, %dma_start3A_1231] : memref<32768x1024xf32, #tpu.memory_space<hbm>> -> memref<16x1024xf32, #tpu.memory_space<hbm>>
    tpu.enqueue_dma source(%arg9 : memref<16x1024xf32, #tpu.memory_space<vmem>>) target(%dma_start3A_1232 : memref<16x1024xf32, #tpu.memory_space<hbm>>) target_semaphore(%arg23 : memref<!tpu.dma_semaphore, #tpu.memory_space<semaphore_mem>>)
    %dma_wait3A_1233 = arith.constant 0 : i32
    %dma_wait3A_1234 = tpu.memref_slice %arg4[%mul3A_1228, %dma_wait3A_1233] : memref<32768x1024xf32, #tpu.memory_space<hbm>> -> memref<16x1024xf32, #tpu.memory_space<hbm>>
    %dma_wait3A_1235 = arith.constant 0 : i32
    %dma_wait3A_1236 = tpu.memref_slice %arg4[%mul3A_1228, %dma_wait3A_1235] : memref<32768x1024xf32, #tpu.memory_space<hbm>> -> memref<16x1024xf32, #tpu.memory_space<hbm>>
    tpu.wait_dma2 semaphore(%arg23 : memref<!tpu.dma_semaphore, #tpu.memory_space<semaphore_mem>>) src(%arg9 : memref<16x1024xf32, #tpu.memory_space<vmem>>) dst(%dma_wait3A_1236 : memref<16x1024xf32, #tpu.memory_space<hbm>>)
    %dma_start3A_1237 = arith.constant 52 : i32
    %dma_start3A_1238 = arith.constant 0 : i32
    %dma_start3A_1239 = tpu.memref_slice %arg5[%dma_start3A_1237, %dma_start3A_1238] : memref<64x16xi32, #tpu.memory_space<vmem>> -> memref<1x16xi32, #tpu.memory_space<vmem>>
    %dma_start3A_1240 = tpu.memref_squeeze %dma_start3A_1239 : memref<1x16xi32, #tpu.memory_space<vmem>> -> memref<16xi32, #tpu.memory_space<vmem>>
    %dma_start3A_1241 = arith.constant 0 : i32
    %dma_start3A_1242 = arith.constant 0 : i32
    %dma_start3A_1243 = tpu.memref_slice %arg3[%dma_start3A_1241, %dma_start3A_1242] : memref<8192x1024xf32, #tpu.memory_space<hbm>> -> memref<8192x1024xf32, #tpu.memory_space<hbm>>
    tpu.enqueue_indirect_dma source(%dma_start3A_1243 : memref<8192x1024xf32, #tpu.memory_space<hbm>>) target(%arg9 : memref<16x1024xf32, #tpu.memory_space<vmem>>) offsets(%dma_start3A_1240 : memref<16xi32, #tpu.memory_space<vmem>>) semaphore(%arg16 : memref<!tpu.dma_semaphore, #tpu.memory_space<semaphore_mem>>)
    %dma_wait3A_1244 = arith.constant 46 : i32
    %dma_wait3A_1245 = arith.constant 0 : i32
    %dma_wait3A_1246 = tpu.memref_slice %arg5[%dma_wait3A_1244, %dma_wait3A_1245] : memref<64x16xi32, #tpu.memory_space<vmem>> -> memref<1x16xi32, #tpu.memory_space<vmem>>
    %dma_wait3A_1247 = tpu.memref_squeeze %dma_wait3A_1246 : memref<1x16xi32, #tpu.memory_space<vmem>> -> memref<16xi32, #tpu.memory_space<vmem>>
    %dma_wait3A_1248 = arith.constant 0 : i32
    %dma_wait3A_1249 = arith.constant 0 : i32
    %dma_wait3A_1250 = tpu.memref_slice %arg3[%dma_wait3A_1248, %dma_wait3A_1249] : memref<8192x1024xf32, #tpu.memory_space<hbm>> -> memref<8192x1024xf32, #tpu.memory_space<hbm>>
    tpu.wait_indirect_dma semaphore(%arg17 : memref<!tpu.dma_semaphore, #tpu.memory_space<semaphore_mem>>) src(%dma_wait3A_1250 : memref<8192x1024xf32, #tpu.memory_space<hbm>>) dst(%arg10 : memref<16x1024xf32, #tpu.memory_space<vmem>>)
    %add3A_1251 = arith.constant 1472 : i32
    %add3A_1252 = arith.addi %add3A_1251, %add3A : i32
    %mul3A_1253 = arith.constant 16 : i32
    %mul3A_1254 = arith.muli %add3A_1252, %mul3A_1253 : i32
    %dma_start3A_1255 = arith.constant 0 : i32
    %dma_start3A_1256 = tpu.memref_slice %arg4[%mul3A_1254, %dma_start3A_1255] : memref<32768x1024xf32, #tpu.memory_space<hbm>> -> memref<16x1024xf32, #tpu.memory_space<hbm>>
    %dma_start3A_1257 = arith.constant 0 : i32
    %dma_start3A_1258 = tpu.memref_slice %arg4[%mul3A_1254, %dma_start3A_1257] : memref<32768x1024xf32, #tpu.memory_space<hbm>> -> memref<16x1024xf32, #tpu.memory_space<hbm>>
    tpu.enqueue_dma source(%arg10 : memref<16x1024xf32, #tpu.memory_space<vmem>>) target(%dma_start3A_1258 : memref<16x1024xf32, #tpu.memory_space<hbm>>) target_semaphore(%arg24 : memref<!tpu.dma_semaphore, #tpu.memory_space<semaphore_mem>>)
    %dma_wait3A_1259 = arith.constant 0 : i32
    %dma_wait3A_1260 = tpu.memref_slice %arg4[%mul3A_1254, %dma_wait3A_1259] : memref<32768x1024xf32, #tpu.memory_space<hbm>> -> memref<16x1024xf32, #tpu.memory_space<hbm>>
    %dma_wait3A_1261 = arith.constant 0 : i32
    %dma_wait3A_1262 = tpu.memref_slice %arg4[%mul3A_1254, %dma_wait3A_1261] : memref<32768x1024xf32, #tpu.memory_space<hbm>> -> memref<16x1024xf32, #tpu.memory_space<hbm>>
    tpu.wait_dma2 semaphore(%arg24 : memref<!tpu.dma_semaphore, #tpu.memory_space<semaphore_mem>>) src(%arg10 : memref<16x1024xf32, #tpu.memory_space<vmem>>) dst(%dma_wait3A_1262 : memref<16x1024xf32, #tpu.memory_space<hbm>>)
    %dma_start3A_1263 = arith.constant 53 : i32
    %dma_start3A_1264 = arith.constant 0 : i32
    %dma_start3A_1265 = tpu.memref_slice %arg5[%dma_start3A_1263, %dma_start3A_1264] : memref<64x16xi32, #tpu.memory_space<vmem>> -> memref<1x16xi32, #tpu.memory_space<vmem>>
    %dma_start3A_1266 = tpu.memref_squeeze %dma_start3A_1265 : memref<1x16xi32, #tpu.memory_space<vmem>> -> memref<16xi32, #tpu.memory_space<vmem>>
    %dma_start3A_1267 = arith.constant 0 : i32
    %dma_start3A_1268 = arith.constant 0 : i32
    %dma_start3A_1269 = tpu.memref_slice %arg3[%dma_start3A_1267, %dma_start3A_1268] : memref<8192x1024xf32, #tpu.memory_space<hbm>> -> memref<8192x1024xf32, #tpu.memory_space<hbm>>
    tpu.enqueue_indirect_dma source(%dma_start3A_1269 : memref<8192x1024xf32, #tpu.memory_space<hbm>>) target(%arg10 : memref<16x1024xf32, #tpu.memory_space<vmem>>) offsets(%dma_start3A_1266 : memref<16xi32, #tpu.memory_space<vmem>>) semaphore(%arg17 : memref<!tpu.dma_semaphore, #tpu.memory_space<semaphore_mem>>)
    %dma_wait3A_1270 = arith.constant 47 : i32
    %dma_wait3A_1271 = arith.constant 0 : i32
    %dma_wait3A_1272 = tpu.memref_slice %arg5[%dma_wait3A_1270, %dma_wait3A_1271] : memref<64x16xi32, #tpu.memory_space<vmem>> -> memref<1x16xi32, #tpu.memory_space<vmem>>
    %dma_wait3A_1273 = tpu.memref_squeeze %dma_wait3A_1272 : memref<1x16xi32, #tpu.memory_space<vmem>> -> memref<16xi32, #tpu.memory_space<vmem>>
    %dma_wait3A_1274 = arith.constant 0 : i32
    %dma_wait3A_1275 = arith.constant 0 : i32
    %dma_wait3A_1276 = tpu.memref_slice %arg3[%dma_wait3A_1274, %dma_wait3A_1275] : memref<8192x1024xf32, #tpu.memory_space<hbm>> -> memref<8192x1024xf32, #tpu.memory_space<hbm>>
    tpu.wait_indirect_dma semaphore(%arg18 : memref<!tpu.dma_semaphore, #tpu.memory_space<semaphore_mem>>) src(%dma_wait3A_1276 : memref<8192x1024xf32, #tpu.memory_space<hbm>>) dst(%arg11 : memref<16x1024xf32, #tpu.memory_space<vmem>>)
    %add3A_1277 = arith.constant 1504 : i32
    %add3A_1278 = arith.addi %add3A_1277, %add3A : i32
    %mul3A_1279 = arith.constant 16 : i32
    %mul3A_1280 = arith.muli %add3A_1278, %mul3A_1279 : i32
    %dma_start3A_1281 = arith.constant 0 : i32
    %dma_start3A_1282 = tpu.memref_slice %arg4[%mul3A_1280, %dma_start3A_1281] : memref<32768x1024xf32, #tpu.memory_space<hbm>> -> memref<16x1024xf32, #tpu.memory_space<hbm>>
    %dma_start3A_1283 = arith.constant 0 : i32
    %dma_start3A_1284 = tpu.memref_slice %arg4[%mul3A_1280, %dma_start3A_1283] : memref<32768x1024xf32, #tpu.memory_space<hbm>> -> memref<16x1024xf32, #tpu.memory_space<hbm>>
    tpu.enqueue_dma source(%arg11 : memref<16x1024xf32, #tpu.memory_space<vmem>>) target(%dma_start3A_1284 : memref<16x1024xf32, #tpu.memory_space<hbm>>) target_semaphore(%arg25 : memref<!tpu.dma_semaphore, #tpu.memory_space<semaphore_mem>>)
    %dma_wait3A_1285 = arith.constant 0 : i32
    %dma_wait3A_1286 = tpu.memref_slice %arg4[%mul3A_1280, %dma_wait3A_1285] : memref<32768x1024xf32, #tpu.memory_space<hbm>> -> memref<16x1024xf32, #tpu.memory_space<hbm>>
    %dma_wait3A_1287 = arith.constant 0 : i32
    %dma_wait3A_1288 = tpu.memref_slice %arg4[%mul3A_1280, %dma_wait3A_1287] : memref<32768x1024xf32, #tpu.memory_space<hbm>> -> memref<16x1024xf32, #tpu.memory_space<hbm>>
    tpu.wait_dma2 semaphore(%arg25 : memref<!tpu.dma_semaphore, #tpu.memory_space<semaphore_mem>>) src(%arg11 : memref<16x1024xf32, #tpu.memory_space<vmem>>) dst(%dma_wait3A_1288 : memref<16x1024xf32, #tpu.memory_space<hbm>>)
    %dma_start3A_1289 = arith.constant 54 : i32
    %dma_start3A_1290 = arith.constant 0 : i32
    %dma_start3A_1291 = tpu.memref_slice %arg5[%dma_start3A_1289, %dma_start3A_1290] : memref<64x16xi32, #tpu.memory_space<vmem>> -> memref<1x16xi32, #tpu.memory_space<vmem>>
    %dma_start3A_1292 = tpu.memref_squeeze %dma_start3A_1291 : memref<1x16xi32, #tpu.memory_space<vmem>> -> memref<16xi32, #tpu.memory_space<vmem>>
    %dma_start3A_1293 = arith.constant 0 : i32
    %dma_start3A_1294 = arith.constant 0 : i32
    %dma_start3A_1295 = tpu.memref_slice %arg3[%dma_start3A_1293, %dma_start3A_1294] : memref<8192x1024xf32, #tpu.memory_space<hbm>> -> memref<8192x1024xf32, #tpu.memory_space<hbm>>
    tpu.enqueue_indirect_dma source(%dma_start3A_1295 : memref<8192x1024xf32, #tpu.memory_space<hbm>>) target(%arg11 : memref<16x1024xf32, #tpu.memory_space<vmem>>) offsets(%dma_start3A_1292 : memref<16xi32, #tpu.memory_space<vmem>>) semaphore(%arg18 : memref<!tpu.dma_semaphore, #tpu.memory_space<semaphore_mem>>)
    %dma_wait3A_1296 = arith.constant 48 : i32
    %dma_wait3A_1297 = arith.constant 0 : i32
    %dma_wait3A_1298 = tpu.memref_slice %arg5[%dma_wait3A_1296, %dma_wait3A_1297] : memref<64x16xi32, #tpu.memory_space<vmem>> -> memref<1x16xi32, #tpu.memory_space<vmem>>
    %dma_wait3A_1299 = tpu.memref_squeeze %dma_wait3A_1298 : memref<1x16xi32, #tpu.memory_space<vmem>> -> memref<16xi32, #tpu.memory_space<vmem>>
    %dma_wait3A_1300 = arith.constant 0 : i32
    %dma_wait3A_1301 = arith.constant 0 : i32
    %dma_wait3A_1302 = tpu.memref_slice %arg3[%dma_wait3A_1300, %dma_wait3A_1301] : memref<8192x1024xf32, #tpu.memory_space<hbm>> -> memref<8192x1024xf32, #tpu.memory_space<hbm>>
    tpu.wait_indirect_dma semaphore(%arg19 : memref<!tpu.dma_semaphore, #tpu.memory_space<semaphore_mem>>) src(%dma_wait3A_1302 : memref<8192x1024xf32, #tpu.memory_space<hbm>>) dst(%arg12 : memref<16x1024xf32, #tpu.memory_space<vmem>>)
    %add3A_1303 = arith.constant 1536 : i32
    %add3A_1304 = arith.addi %add3A_1303, %add3A : i32
    %mul3A_1305 = arith.constant 16 : i32
    %mul3A_1306 = arith.muli %add3A_1304, %mul3A_1305 : i32
    %dma_start3A_1307 = arith.constant 0 : i32
    %dma_start3A_1308 = tpu.memref_slice %arg4[%mul3A_1306, %dma_start3A_1307] : memref<32768x1024xf32, #tpu.memory_space<hbm>> -> memref<16x1024xf32, #tpu.memory_space<hbm>>
    %dma_start3A_1309 = arith.constant 0 : i32
    %dma_start3A_1310 = tpu.memref_slice %arg4[%mul3A_1306, %dma_start3A_1309] : memref<32768x1024xf32, #tpu.memory_space<hbm>> -> memref<16x1024xf32, #tpu.memory_space<hbm>>
    tpu.enqueue_dma source(%arg12 : memref<16x1024xf32, #tpu.memory_space<vmem>>) target(%dma_start3A_1310 : memref<16x1024xf32, #tpu.memory_space<hbm>>) target_semaphore(%arg26 : memref<!tpu.dma_semaphore, #tpu.memory_space<semaphore_mem>>)
    %dma_wait3A_1311 = arith.constant 0 : i32
    %dma_wait3A_1312 = tpu.memref_slice %arg4[%mul3A_1306, %dma_wait3A_1311] : memref<32768x1024xf32, #tpu.memory_space<hbm>> -> memref<16x1024xf32, #tpu.memory_space<hbm>>
    %dma_wait3A_1313 = arith.constant 0 : i32
    %dma_wait3A_1314 = tpu.memref_slice %arg4[%mul3A_1306, %dma_wait3A_1313] : memref<32768x1024xf32, #tpu.memory_space<hbm>> -> memref<16x1024xf32, #tpu.memory_space<hbm>>
    tpu.wait_dma2 semaphore(%arg26 : memref<!tpu.dma_semaphore, #tpu.memory_space<semaphore_mem>>) src(%arg12 : memref<16x1024xf32, #tpu.memory_space<vmem>>) dst(%dma_wait3A_1314 : memref<16x1024xf32, #tpu.memory_space<hbm>>)
    %dma_start3A_1315 = arith.constant 55 : i32
    %dma_start3A_1316 = arith.constant 0 : i32
    %dma_start3A_1317 = tpu.memref_slice %arg5[%dma_start3A_1315, %dma_start3A_1316] : memref<64x16xi32, #tpu.memory_space<vmem>> -> memref<1x16xi32, #tpu.memory_space<vmem>>
    %dma_start3A_1318 = tpu.memref_squeeze %dma_start3A_1317 : memref<1x16xi32, #tpu.memory_space<vmem>> -> memref<16xi32, #tpu.memory_space<vmem>>
    %dma_start3A_1319 = arith.constant 0 : i32
    %dma_start3A_1320 = arith.constant 0 : i32
    %dma_start3A_1321 = tpu.memref_slice %arg3[%dma_start3A_1319, %dma_start3A_1320] : memref<8192x1024xf32, #tpu.memory_space<hbm>> -> memref<8192x1024xf32, #tpu.memory_space<hbm>>
    tpu.enqueue_indirect_dma source(%dma_start3A_1321 : memref<8192x1024xf32, #tpu.memory_space<hbm>>) target(%arg12 : memref<16x1024xf32, #tpu.memory_space<vmem>>) offsets(%dma_start3A_1318 : memref<16xi32, #tpu.memory_space<vmem>>) semaphore(%arg19 : memref<!tpu.dma_semaphore, #tpu.memory_space<semaphore_mem>>)
    %dma_wait3A_1322 = arith.constant 49 : i32
    %dma_wait3A_1323 = arith.constant 0 : i32
    %dma_wait3A_1324 = tpu.memref_slice %arg5[%dma_wait3A_1322, %dma_wait3A_1323] : memref<64x16xi32, #tpu.memory_space<vmem>> -> memref<1x16xi32, #tpu.memory_space<vmem>>
    %dma_wait3A_1325 = tpu.memref_squeeze %dma_wait3A_1324 : memref<1x16xi32, #tpu.memory_space<vmem>> -> memref<16xi32, #tpu.memory_space<vmem>>
    %dma_wait3A_1326 = arith.constant 0 : i32
    %dma_wait3A_1327 = arith.constant 0 : i32
    %dma_wait3A_1328 = tpu.memref_slice %arg3[%dma_wait3A_1326, %dma_wait3A_1327] : memref<8192x1024xf32, #tpu.memory_space<hbm>> -> memref<8192x1024xf32, #tpu.memory_space<hbm>>
    tpu.wait_indirect_dma semaphore(%arg13 : memref<!tpu.dma_semaphore, #tpu.memory_space<semaphore_mem>>) src(%dma_wait3A_1328 : memref<8192x1024xf32, #tpu.memory_space<hbm>>) dst(%arg6 : memref<16x1024xf32, #tpu.memory_space<vmem>>)
    %add3A_1329 = arith.constant 1568 : i32
    %add3A_1330 = arith.addi %add3A_1329, %add3A : i32
    %mul3A_1331 = arith.constant 16 : i32
    %mul3A_1332 = arith.muli %add3A_1330, %mul3A_1331 : i32
    %dma_start3A_1333 = arith.constant 0 : i32
    %dma_start3A_1334 = tpu.memref_slice %arg4[%mul3A_1332, %dma_start3A_1333] : memref<32768x1024xf32, #tpu.memory_space<hbm>> -> memref<16x1024xf32, #tpu.memory_space<hbm>>
    %dma_start3A_1335 = arith.constant 0 : i32
    %dma_start3A_1336 = tpu.memref_slice %arg4[%mul3A_1332, %dma_start3A_1335] : memref<32768x1024xf32, #tpu.memory_space<hbm>> -> memref<16x1024xf32, #tpu.memory_space<hbm>>
    tpu.enqueue_dma source(%arg6 : memref<16x1024xf32, #tpu.memory_space<vmem>>) target(%dma_start3A_1336 : memref<16x1024xf32, #tpu.memory_space<hbm>>) target_semaphore(%arg20 : memref<!tpu.dma_semaphore, #tpu.memory_space<semaphore_mem>>)
    %dma_wait3A_1337 = arith.constant 0 : i32
    %dma_wait3A_1338 = tpu.memref_slice %arg4[%mul3A_1332, %dma_wait3A_1337] : memref<32768x1024xf32, #tpu.memory_space<hbm>> -> memref<16x1024xf32, #tpu.memory_space<hbm>>
    %dma_wait3A_1339 = arith.constant 0 : i32
    %dma_wait3A_1340 = tpu.memref_slice %arg4[%mul3A_1332, %dma_wait3A_1339] : memref<32768x1024xf32, #tpu.memory_space<hbm>> -> memref<16x1024xf32, #tpu.memory_space<hbm>>
    tpu.wait_dma2 semaphore(%arg20 : memref<!tpu.dma_semaphore, #tpu.memory_space<semaphore_mem>>) src(%arg6 : memref<16x1024xf32, #tpu.memory_space<vmem>>) dst(%dma_wait3A_1340 : memref<16x1024xf32, #tpu.memory_space<hbm>>)
    %dma_start3A_1341 = arith.constant 56 : i32
    %dma_start3A_1342 = arith.constant 0 : i32
    %dma_start3A_1343 = tpu.memref_slice %arg5[%dma_start3A_1341, %dma_start3A_1342] : memref<64x16xi32, #tpu.memory_space<vmem>> -> memref<1x16xi32, #tpu.memory_space<vmem>>
    %dma_start3A_1344 = tpu.memref_squeeze %dma_start3A_1343 : memref<1x16xi32, #tpu.memory_space<vmem>> -> memref<16xi32, #tpu.memory_space<vmem>>
    %dma_start3A_1345 = arith.constant 0 : i32
    %dma_start3A_1346 = arith.constant 0 : i32
    %dma_start3A_1347 = tpu.memref_slice %arg3[%dma_start3A_1345, %dma_start3A_1346] : memref<8192x1024xf32, #tpu.memory_space<hbm>> -> memref<8192x1024xf32, #tpu.memory_space<hbm>>
    tpu.enqueue_indirect_dma source(%dma_start3A_1347 : memref<8192x1024xf32, #tpu.memory_space<hbm>>) target(%arg6 : memref<16x1024xf32, #tpu.memory_space<vmem>>) offsets(%dma_start3A_1344 : memref<16xi32, #tpu.memory_space<vmem>>) semaphore(%arg13 : memref<!tpu.dma_semaphore, #tpu.memory_space<semaphore_mem>>)
    %dma_wait3A_1348 = arith.constant 50 : i32
    %dma_wait3A_1349 = arith.constant 0 : i32
    %dma_wait3A_1350 = tpu.memref_slice %arg5[%dma_wait3A_1348, %dma_wait3A_1349] : memref<64x16xi32, #tpu.memory_space<vmem>> -> memref<1x16xi32, #tpu.memory_space<vmem>>
    %dma_wait3A_1351 = tpu.memref_squeeze %dma_wait3A_1350 : memref<1x16xi32, #tpu.memory_space<vmem>> -> memref<16xi32, #tpu.memory_space<vmem>>
    %dma_wait3A_1352 = arith.constant 0 : i32
    %dma_wait3A_1353 = arith.constant 0 : i32
    %dma_wait3A_1354 = tpu.memref_slice %arg3[%dma_wait3A_1352, %dma_wait3A_1353] : memref<8192x1024xf32, #tpu.memory_space<hbm>> -> memref<8192x1024xf32, #tpu.memory_space<hbm>>
    tpu.wait_indirect_dma semaphore(%arg14 : memref<!tpu.dma_semaphore, #tpu.memory_space<semaphore_mem>>) src(%dma_wait3A_1354 : memref<8192x1024xf32, #tpu.memory_space<hbm>>) dst(%arg7 : memref<16x1024xf32, #tpu.memory_space<vmem>>)
    %add3A_1355 = arith.constant 1600 : i32
    %add3A_1356 = arith.addi %add3A_1355, %add3A : i32
    %mul3A_1357 = arith.constant 16 : i32
    %mul3A_1358 = arith.muli %add3A_1356, %mul3A_1357 : i32
    %dma_start3A_1359 = arith.constant 0 : i32
    %dma_start3A_1360 = tpu.memref_slice %arg4[%mul3A_1358, %dma_start3A_1359] : memref<32768x1024xf32, #tpu.memory_space<hbm>> -> memref<16x1024xf32, #tpu.memory_space<hbm>>
    %dma_start3A_1361 = arith.constant 0 : i32
    %dma_start3A_1362 = tpu.memref_slice %arg4[%mul3A_1358, %dma_start3A_1361] : memref<32768x1024xf32, #tpu.memory_space<hbm>> -> memref<16x1024xf32, #tpu.memory_space<hbm>>
    tpu.enqueue_dma source(%arg7 : memref<16x1024xf32, #tpu.memory_space<vmem>>) target(%dma_start3A_1362 : memref<16x1024xf32, #tpu.memory_space<hbm>>) target_semaphore(%arg21 : memref<!tpu.dma_semaphore, #tpu.memory_space<semaphore_mem>>)
    %dma_wait3A_1363 = arith.constant 0 : i32
    %dma_wait3A_1364 = tpu.memref_slice %arg4[%mul3A_1358, %dma_wait3A_1363] : memref<32768x1024xf32, #tpu.memory_space<hbm>> -> memref<16x1024xf32, #tpu.memory_space<hbm>>
    %dma_wait3A_1365 = arith.constant 0 : i32
    %dma_wait3A_1366 = tpu.memref_slice %arg4[%mul3A_1358, %dma_wait3A_1365] : memref<32768x1024xf32, #tpu.memory_space<hbm>> -> memref<16x1024xf32, #tpu.memory_space<hbm>>
    tpu.wait_dma2 semaphore(%arg21 : memref<!tpu.dma_semaphore, #tpu.memory_space<semaphore_mem>>) src(%arg7 : memref<16x1024xf32, #tpu.memory_space<vmem>>) dst(%dma_wait3A_1366 : memref<16x1024xf32, #tpu.memory_space<hbm>>)
    %dma_start3A_1367 = arith.constant 57 : i32
    %dma_start3A_1368 = arith.constant 0 : i32
    %dma_start3A_1369 = tpu.memref_slice %arg5[%dma_start3A_1367, %dma_start3A_1368] : memref<64x16xi32, #tpu.memory_space<vmem>> -> memref<1x16xi32, #tpu.memory_space<vmem>>
    %dma_start3A_1370 = tpu.memref_squeeze %dma_start3A_1369 : memref<1x16xi32, #tpu.memory_space<vmem>> -> memref<16xi32, #tpu.memory_space<vmem>>
    %dma_start3A_1371 = arith.constant 0 : i32
    %dma_start3A_1372 = arith.constant 0 : i32
    %dma_start3A_1373 = tpu.memref_slice %arg3[%dma_start3A_1371, %dma_start3A_1372] : memref<8192x1024xf32, #tpu.memory_space<hbm>> -> memref<8192x1024xf32, #tpu.memory_space<hbm>>
    tpu.enqueue_indirect_dma source(%dma_start3A_1373 : memref<8192x1024xf32, #tpu.memory_space<hbm>>) target(%arg7 : memref<16x1024xf32, #tpu.memory_space<vmem>>) offsets(%dma_start3A_1370 : memref<16xi32, #tpu.memory_space<vmem>>) semaphore(%arg14 : memref<!tpu.dma_semaphore, #tpu.memory_space<semaphore_mem>>)
    %dma_wait3A_1374 = arith.constant 51 : i32
    %dma_wait3A_1375 = arith.constant 0 : i32
    %dma_wait3A_1376 = tpu.memref_slice %arg5[%dma_wait3A_1374, %dma_wait3A_1375] : memref<64x16xi32, #tpu.memory_space<vmem>> -> memref<1x16xi32, #tpu.memory_space<vmem>>
    %dma_wait3A_1377 = tpu.memref_squeeze %dma_wait3A_1376 : memref<1x16xi32, #tpu.memory_space<vmem>> -> memref<16xi32, #tpu.memory_space<vmem>>
    %dma_wait3A_1378 = arith.constant 0 : i32
    %dma_wait3A_1379 = arith.constant 0 : i32
    %dma_wait3A_1380 = tpu.memref_slice %arg3[%dma_wait3A_1378, %dma_wait3A_1379] : memref<8192x1024xf32, #tpu.memory_space<hbm>> -> memref<8192x1024xf32, #tpu.memory_space<hbm>>
    tpu.wait_indirect_dma semaphore(%arg15 : memref<!tpu.dma_semaphore, #tpu.memory_space<semaphore_mem>>) src(%dma_wait3A_1380 : memref<8192x1024xf32, #tpu.memory_space<hbm>>) dst(%arg8 : memref<16x1024xf32, #tpu.memory_space<vmem>>)
    %add3A_1381 = arith.constant 1632 : i32
    %add3A_1382 = arith.addi %add3A_1381, %add3A : i32
    %mul3A_1383 = arith.constant 16 : i32
    %mul3A_1384 = arith.muli %add3A_1382, %mul3A_1383 : i32
    %dma_start3A_1385 = arith.constant 0 : i32
    %dma_start3A_1386 = tpu.memref_slice %arg4[%mul3A_1384, %dma_start3A_1385] : memref<32768x1024xf32, #tpu.memory_space<hbm>> -> memref<16x1024xf32, #tpu.memory_space<hbm>>
    %dma_start3A_1387 = arith.constant 0 : i32
    %dma_start3A_1388 = tpu.memref_slice %arg4[%mul3A_1384, %dma_start3A_1387] : memref<32768x1024xf32, #tpu.memory_space<hbm>> -> memref<16x1024xf32, #tpu.memory_space<hbm>>
    tpu.enqueue_dma source(%arg8 : memref<16x1024xf32, #tpu.memory_space<vmem>>) target(%dma_start3A_1388 : memref<16x1024xf32, #tpu.memory_space<hbm>>) target_semaphore(%arg22 : memref<!tpu.dma_semaphore, #tpu.memory_space<semaphore_mem>>)
    %dma_wait3A_1389 = arith.constant 0 : i32
    %dma_wait3A_1390 = tpu.memref_slice %arg4[%mul3A_1384, %dma_wait3A_1389] : memref<32768x1024xf32, #tpu.memory_space<hbm>> -> memref<16x1024xf32, #tpu.memory_space<hbm>>
    %dma_wait3A_1391 = arith.constant 0 : i32
    %dma_wait3A_1392 = tpu.memref_slice %arg4[%mul3A_1384, %dma_wait3A_1391] : memref<32768x1024xf32, #tpu.memory_space<hbm>> -> memref<16x1024xf32, #tpu.memory_space<hbm>>
    tpu.wait_dma2 semaphore(%arg22 : memref<!tpu.dma_semaphore, #tpu.memory_space<semaphore_mem>>) src(%arg8 : memref<16x1024xf32, #tpu.memory_space<vmem>>) dst(%dma_wait3A_1392 : memref<16x1024xf32, #tpu.memory_space<hbm>>)
    %dma_start3A_1393 = arith.constant 58 : i32
    %dma_start3A_1394 = arith.constant 0 : i32
    %dma_start3A_1395 = tpu.memref_slice %arg5[%dma_start3A_1393, %dma_start3A_1394] : memref<64x16xi32, #tpu.memory_space<vmem>> -> memref<1x16xi32, #tpu.memory_space<vmem>>
    %dma_start3A_1396 = tpu.memref_squeeze %dma_start3A_1395 : memref<1x16xi32, #tpu.memory_space<vmem>> -> memref<16xi32, #tpu.memory_space<vmem>>
    %dma_start3A_1397 = arith.constant 0 : i32
    %dma_start3A_1398 = arith.constant 0 : i32
    %dma_start3A_1399 = tpu.memref_slice %arg3[%dma_start3A_1397, %dma_start3A_1398] : memref<8192x1024xf32, #tpu.memory_space<hbm>> -> memref<8192x1024xf32, #tpu.memory_space<hbm>>
    tpu.enqueue_indirect_dma source(%dma_start3A_1399 : memref<8192x1024xf32, #tpu.memory_space<hbm>>) target(%arg8 : memref<16x1024xf32, #tpu.memory_space<vmem>>) offsets(%dma_start3A_1396 : memref<16xi32, #tpu.memory_space<vmem>>) semaphore(%arg15 : memref<!tpu.dma_semaphore, #tpu.memory_space<semaphore_mem>>)
    %dma_wait3A_1400 = arith.constant 52 : i32
    %dma_wait3A_1401 = arith.constant 0 : i32
    %dma_wait3A_1402 = tpu.memref_slice %arg5[%dma_wait3A_1400, %dma_wait3A_1401] : memref<64x16xi32, #tpu.memory_space<vmem>> -> memref<1x16xi32, #tpu.memory_space<vmem>>
    %dma_wait3A_1403 = tpu.memref_squeeze %dma_wait3A_1402 : memref<1x16xi32, #tpu.memory_space<vmem>> -> memref<16xi32, #tpu.memory_space<vmem>>
    %dma_wait3A_1404 = arith.constant 0 : i32
    %dma_wait3A_1405 = arith.constant 0 : i32
    %dma_wait3A_1406 = tpu.memref_slice %arg3[%dma_wait3A_1404, %dma_wait3A_1405] : memref<8192x1024xf32, #tpu.memory_space<hbm>> -> memref<8192x1024xf32, #tpu.memory_space<hbm>>
    tpu.wait_indirect_dma semaphore(%arg16 : memref<!tpu.dma_semaphore, #tpu.memory_space<semaphore_mem>>) src(%dma_wait3A_1406 : memref<8192x1024xf32, #tpu.memory_space<hbm>>) dst(%arg9 : memref<16x1024xf32, #tpu.memory_space<vmem>>)
    %add3A_1407 = arith.constant 1664 : i32
    %add3A_1408 = arith.addi %add3A_1407, %add3A : i32
    %mul3A_1409 = arith.constant 16 : i32
    %mul3A_1410 = arith.muli %add3A_1408, %mul3A_1409 : i32
    %dma_start3A_1411 = arith.constant 0 : i32
    %dma_start3A_1412 = tpu.memref_slice %arg4[%mul3A_1410, %dma_start3A_1411] : memref<32768x1024xf32, #tpu.memory_space<hbm>> -> memref<16x1024xf32, #tpu.memory_space<hbm>>
    %dma_start3A_1413 = arith.constant 0 : i32
    %dma_start3A_1414 = tpu.memref_slice %arg4[%mul3A_1410, %dma_start3A_1413] : memref<32768x1024xf32, #tpu.memory_space<hbm>> -> memref<16x1024xf32, #tpu.memory_space<hbm>>
    tpu.enqueue_dma source(%arg9 : memref<16x1024xf32, #tpu.memory_space<vmem>>) target(%dma_start3A_1414 : memref<16x1024xf32, #tpu.memory_space<hbm>>) target_semaphore(%arg23 : memref<!tpu.dma_semaphore, #tpu.memory_space<semaphore_mem>>)
    %dma_wait3A_1415 = arith.constant 0 : i32
    %dma_wait3A_1416 = tpu.memref_slice %arg4[%mul3A_1410, %dma_wait3A_1415] : memref<32768x1024xf32, #tpu.memory_space<hbm>> -> memref<16x1024xf32, #tpu.memory_space<hbm>>
    %dma_wait3A_1417 = arith.constant 0 : i32
    %dma_wait3A_1418 = tpu.memref_slice %arg4[%mul3A_1410, %dma_wait3A_1417] : memref<32768x1024xf32, #tpu.memory_space<hbm>> -> memref<16x1024xf32, #tpu.memory_space<hbm>>
    tpu.wait_dma2 semaphore(%arg23 : memref<!tpu.dma_semaphore, #tpu.memory_space<semaphore_mem>>) src(%arg9 : memref<16x1024xf32, #tpu.memory_space<vmem>>) dst(%dma_wait3A_1418 : memref<16x1024xf32, #tpu.memory_space<hbm>>)
    %dma_start3A_1419 = arith.constant 59 : i32
    %dma_start3A_1420 = arith.constant 0 : i32
    %dma_start3A_1421 = tpu.memref_slice %arg5[%dma_start3A_1419, %dma_start3A_1420] : memref<64x16xi32, #tpu.memory_space<vmem>> -> memref<1x16xi32, #tpu.memory_space<vmem>>
    %dma_start3A_1422 = tpu.memref_squeeze %dma_start3A_1421 : memref<1x16xi32, #tpu.memory_space<vmem>> -> memref<16xi32, #tpu.memory_space<vmem>>
    %dma_start3A_1423 = arith.constant 0 : i32
    %dma_start3A_1424 = arith.constant 0 : i32
    %dma_start3A_1425 = tpu.memref_slice %arg3[%dma_start3A_1423, %dma_start3A_1424] : memref<8192x1024xf32, #tpu.memory_space<hbm>> -> memref<8192x1024xf32, #tpu.memory_space<hbm>>
    tpu.enqueue_indirect_dma source(%dma_start3A_1425 : memref<8192x1024xf32, #tpu.memory_space<hbm>>) target(%arg9 : memref<16x1024xf32, #tpu.memory_space<vmem>>) offsets(%dma_start3A_1422 : memref<16xi32, #tpu.memory_space<vmem>>) semaphore(%arg16 : memref<!tpu.dma_semaphore, #tpu.memory_space<semaphore_mem>>)
    %dma_wait3A_1426 = arith.constant 53 : i32
    %dma_wait3A_1427 = arith.constant 0 : i32
    %dma_wait3A_1428 = tpu.memref_slice %arg5[%dma_wait3A_1426, %dma_wait3A_1427] : memref<64x16xi32, #tpu.memory_space<vmem>> -> memref<1x16xi32, #tpu.memory_space<vmem>>
    %dma_wait3A_1429 = tpu.memref_squeeze %dma_wait3A_1428 : memref<1x16xi32, #tpu.memory_space<vmem>> -> memref<16xi32, #tpu.memory_space<vmem>>
    %dma_wait3A_1430 = arith.constant 0 : i32
    %dma_wait3A_1431 = arith.constant 0 : i32
    %dma_wait3A_1432 = tpu.memref_slice %arg3[%dma_wait3A_1430, %dma_wait3A_1431] : memref<8192x1024xf32, #tpu.memory_space<hbm>> -> memref<8192x1024xf32, #tpu.memory_space<hbm>>
    tpu.wait_indirect_dma semaphore(%arg17 : memref<!tpu.dma_semaphore, #tpu.memory_space<semaphore_mem>>) src(%dma_wait3A_1432 : memref<8192x1024xf32, #tpu.memory_space<hbm>>) dst(%arg10 : memref<16x1024xf32, #tpu.memory_space<vmem>>)
    %add3A_1433 = arith.constant 1696 : i32
    %add3A_1434 = arith.addi %add3A_1433, %add3A : i32
    %mul3A_1435 = arith.constant 16 : i32
    %mul3A_1436 = arith.muli %add3A_1434, %mul3A_1435 : i32
    %dma_start3A_1437 = arith.constant 0 : i32
    %dma_start3A_1438 = tpu.memref_slice %arg4[%mul3A_1436, %dma_start3A_1437] : memref<32768x1024xf32, #tpu.memory_space<hbm>> -> memref<16x1024xf32, #tpu.memory_space<hbm>>
    %dma_start3A_1439 = arith.constant 0 : i32
    %dma_start3A_1440 = tpu.memref_slice %arg4[%mul3A_1436, %dma_start3A_1439] : memref<32768x1024xf32, #tpu.memory_space<hbm>> -> memref<16x1024xf32, #tpu.memory_space<hbm>>
    tpu.enqueue_dma source(%arg10 : memref<16x1024xf32, #tpu.memory_space<vmem>>) target(%dma_start3A_1440 : memref<16x1024xf32, #tpu.memory_space<hbm>>) target_semaphore(%arg24 : memref<!tpu.dma_semaphore, #tpu.memory_space<semaphore_mem>>)
    %dma_wait3A_1441 = arith.constant 0 : i32
    %dma_wait3A_1442 = tpu.memref_slice %arg4[%mul3A_1436, %dma_wait3A_1441] : memref<32768x1024xf32, #tpu.memory_space<hbm>> -> memref<16x1024xf32, #tpu.memory_space<hbm>>
    %dma_wait3A_1443 = arith.constant 0 : i32
    %dma_wait3A_1444 = tpu.memref_slice %arg4[%mul3A_1436, %dma_wait3A_1443] : memref<32768x1024xf32, #tpu.memory_space<hbm>> -> memref<16x1024xf32, #tpu.memory_space<hbm>>
    tpu.wait_dma2 semaphore(%arg24 : memref<!tpu.dma_semaphore, #tpu.memory_space<semaphore_mem>>) src(%arg10 : memref<16x1024xf32, #tpu.memory_space<vmem>>) dst(%dma_wait3A_1444 : memref<16x1024xf32, #tpu.memory_space<hbm>>)
    %dma_start3A_1445 = arith.constant 60 : i32
    %dma_start3A_1446 = arith.constant 0 : i32
    %dma_start3A_1447 = tpu.memref_slice %arg5[%dma_start3A_1445, %dma_start3A_1446] : memref<64x16xi32, #tpu.memory_space<vmem>> -> memref<1x16xi32, #tpu.memory_space<vmem>>
    %dma_start3A_1448 = tpu.memref_squeeze %dma_start3A_1447 : memref<1x16xi32, #tpu.memory_space<vmem>> -> memref<16xi32, #tpu.memory_space<vmem>>
    %dma_start3A_1449 = arith.constant 0 : i32
    %dma_start3A_1450 = arith.constant 0 : i32
    %dma_start3A_1451 = tpu.memref_slice %arg3[%dma_start3A_1449, %dma_start3A_1450] : memref<8192x1024xf32, #tpu.memory_space<hbm>> -> memref<8192x1024xf32, #tpu.memory_space<hbm>>
    tpu.enqueue_indirect_dma source(%dma_start3A_1451 : memref<8192x1024xf32, #tpu.memory_space<hbm>>) target(%arg10 : memref<16x1024xf32, #tpu.memory_space<vmem>>) offsets(%dma_start3A_1448 : memref<16xi32, #tpu.memory_space<vmem>>) semaphore(%arg17 : memref<!tpu.dma_semaphore, #tpu.memory_space<semaphore_mem>>)
    %dma_wait3A_1452 = arith.constant 54 : i32
    %dma_wait3A_1453 = arith.constant 0 : i32
    %dma_wait3A_1454 = tpu.memref_slice %arg5[%dma_wait3A_1452, %dma_wait3A_1453] : memref<64x16xi32, #tpu.memory_space<vmem>> -> memref<1x16xi32, #tpu.memory_space<vmem>>
    %dma_wait3A_1455 = tpu.memref_squeeze %dma_wait3A_1454 : memref<1x16xi32, #tpu.memory_space<vmem>> -> memref<16xi32, #tpu.memory_space<vmem>>
    %dma_wait3A_1456 = arith.constant 0 : i32
    %dma_wait3A_1457 = arith.constant 0 : i32
    %dma_wait3A_1458 = tpu.memref_slice %arg3[%dma_wait3A_1456, %dma_wait3A_1457] : memref<8192x1024xf32, #tpu.memory_space<hbm>> -> memref<8192x1024xf32, #tpu.memory_space<hbm>>
    tpu.wait_indirect_dma semaphore(%arg18 : memref<!tpu.dma_semaphore, #tpu.memory_space<semaphore_mem>>) src(%dma_wait3A_1458 : memref<8192x1024xf32, #tpu.memory_space<hbm>>) dst(%arg11 : memref<16x1024xf32, #tpu.memory_space<vmem>>)
    %add3A_1459 = arith.constant 1728 : i32
    %add3A_1460 = arith.addi %add3A_1459, %add3A : i32
    %mul3A_1461 = arith.constant 16 : i32
    %mul3A_1462 = arith.muli %add3A_1460, %mul3A_1461 : i32
    %dma_start3A_1463 = arith.constant 0 : i32
    %dma_start3A_1464 = tpu.memref_slice %arg4[%mul3A_1462, %dma_start3A_1463] : memref<32768x1024xf32, #tpu.memory_space<hbm>> -> memref<16x1024xf32, #tpu.memory_space<hbm>>
    %dma_start3A_1465 = arith.constant 0 : i32
    %dma_start3A_1466 = tpu.memref_slice %arg4[%mul3A_1462, %dma_start3A_1465] : memref<32768x1024xf32, #tpu.memory_space<hbm>> -> memref<16x1024xf32, #tpu.memory_space<hbm>>
    tpu.enqueue_dma source(%arg11 : memref<16x1024xf32, #tpu.memory_space<vmem>>) target(%dma_start3A_1466 : memref<16x1024xf32, #tpu.memory_space<hbm>>) target_semaphore(%arg25 : memref<!tpu.dma_semaphore, #tpu.memory_space<semaphore_mem>>)
    %dma_wait3A_1467 = arith.constant 0 : i32
    %dma_wait3A_1468 = tpu.memref_slice %arg4[%mul3A_1462, %dma_wait3A_1467] : memref<32768x1024xf32, #tpu.memory_space<hbm>> -> memref<16x1024xf32, #tpu.memory_space<hbm>>
    %dma_wait3A_1469 = arith.constant 0 : i32
    %dma_wait3A_1470 = tpu.memref_slice %arg4[%mul3A_1462, %dma_wait3A_1469] : memref<32768x1024xf32, #tpu.memory_space<hbm>> -> memref<16x1024xf32, #tpu.memory_space<hbm>>
    tpu.wait_dma2 semaphore(%arg25 : memref<!tpu.dma_semaphore, #tpu.memory_space<semaphore_mem>>) src(%arg11 : memref<16x1024xf32, #tpu.memory_space<vmem>>) dst(%dma_wait3A_1470 : memref<16x1024xf32, #tpu.memory_space<hbm>>)
    %dma_start3A_1471 = arith.constant 61 : i32
    %dma_start3A_1472 = arith.constant 0 : i32
    %dma_start3A_1473 = tpu.memref_slice %arg5[%dma_start3A_1471, %dma_start3A_1472] : memref<64x16xi32, #tpu.memory_space<vmem>> -> memref<1x16xi32, #tpu.memory_space<vmem>>
    %dma_start3A_1474 = tpu.memref_squeeze %dma_start3A_1473 : memref<1x16xi32, #tpu.memory_space<vmem>> -> memref<16xi32, #tpu.memory_space<vmem>>
    %dma_start3A_1475 = arith.constant 0 : i32
    %dma_start3A_1476 = arith.constant 0 : i32
    %dma_start3A_1477 = tpu.memref_slice %arg3[%dma_start3A_1475, %dma_start3A_1476] : memref<8192x1024xf32, #tpu.memory_space<hbm>> -> memref<8192x1024xf32, #tpu.memory_space<hbm>>
    tpu.enqueue_indirect_dma source(%dma_start3A_1477 : memref<8192x1024xf32, #tpu.memory_space<hbm>>) target(%arg11 : memref<16x1024xf32, #tpu.memory_space<vmem>>) offsets(%dma_start3A_1474 : memref<16xi32, #tpu.memory_space<vmem>>) semaphore(%arg18 : memref<!tpu.dma_semaphore, #tpu.memory_space<semaphore_mem>>)
    %dma_wait3A_1478 = arith.constant 55 : i32
    %dma_wait3A_1479 = arith.constant 0 : i32
    %dma_wait3A_1480 = tpu.memref_slice %arg5[%dma_wait3A_1478, %dma_wait3A_1479] : memref<64x16xi32, #tpu.memory_space<vmem>> -> memref<1x16xi32, #tpu.memory_space<vmem>>
    %dma_wait3A_1481 = tpu.memref_squeeze %dma_wait3A_1480 : memref<1x16xi32, #tpu.memory_space<vmem>> -> memref<16xi32, #tpu.memory_space<vmem>>
    %dma_wait3A_1482 = arith.constant 0 : i32
    %dma_wait3A_1483 = arith.constant 0 : i32
    %dma_wait3A_1484 = tpu.memref_slice %arg3[%dma_wait3A_1482, %dma_wait3A_1483] : memref<8192x1024xf32, #tpu.memory_space<hbm>> -> memref<8192x1024xf32, #tpu.memory_space<hbm>>
    tpu.wait_indirect_dma semaphore(%arg19 : memref<!tpu.dma_semaphore, #tpu.memory_space<semaphore_mem>>) src(%dma_wait3A_1484 : memref<8192x1024xf32, #tpu.memory_space<hbm>>) dst(%arg12 : memref<16x1024xf32, #tpu.memory_space<vmem>>)
    %add3A_1485 = arith.constant 1760 : i32
    %add3A_1486 = arith.addi %add3A_1485, %add3A : i32
    %mul3A_1487 = arith.constant 16 : i32
    %mul3A_1488 = arith.muli %add3A_1486, %mul3A_1487 : i32
    %dma_start3A_1489 = arith.constant 0 : i32
    %dma_start3A_1490 = tpu.memref_slice %arg4[%mul3A_1488, %dma_start3A_1489] : memref<32768x1024xf32, #tpu.memory_space<hbm>> -> memref<16x1024xf32, #tpu.memory_space<hbm>>
    %dma_start3A_1491 = arith.constant 0 : i32
    %dma_start3A_1492 = tpu.memref_slice %arg4[%mul3A_1488, %dma_start3A_1491] : memref<32768x1024xf32, #tpu.memory_space<hbm>> -> memref<16x1024xf32, #tpu.memory_space<hbm>>
    tpu.enqueue_dma source(%arg12 : memref<16x1024xf32, #tpu.memory_space<vmem>>) target(%dma_start3A_1492 : memref<16x1024xf32, #tpu.memory_space<hbm>>) target_semaphore(%arg26 : memref<!tpu.dma_semaphore, #tpu.memory_space<semaphore_mem>>)
    %dma_wait3A_1493 = arith.constant 0 : i32
    %dma_wait3A_1494 = tpu.memref_slice %arg4[%mul3A_1488, %dma_wait3A_1493] : memref<32768x1024xf32, #tpu.memory_space<hbm>> -> memref<16x1024xf32, #tpu.memory_space<hbm>>
    %dma_wait3A_1495 = arith.constant 0 : i32
    %dma_wait3A_1496 = tpu.memref_slice %arg4[%mul3A_1488, %dma_wait3A_1495] : memref<32768x1024xf32, #tpu.memory_space<hbm>> -> memref<16x1024xf32, #tpu.memory_space<hbm>>
    tpu.wait_dma2 semaphore(%arg26 : memref<!tpu.dma_semaphore, #tpu.memory_space<semaphore_mem>>) src(%arg12 : memref<16x1024xf32, #tpu.memory_space<vmem>>) dst(%dma_wait3A_1496 : memref<16x1024xf32, #tpu.memory_space<hbm>>)
    %dma_start3A_1497 = arith.constant 62 : i32
    %dma_start3A_1498 = arith.constant 0 : i32
    %dma_start3A_1499 = tpu.memref_slice %arg5[%dma_start3A_1497, %dma_start3A_1498] : memref<64x16xi32, #tpu.memory_space<vmem>> -> memref<1x16xi32, #tpu.memory_space<vmem>>
    %dma_start3A_1500 = tpu.memref_squeeze %dma_start3A_1499 : memref<1x16xi32, #tpu.memory_space<vmem>> -> memref<16xi32, #tpu.memory_space<vmem>>
    %dma_start3A_1501 = arith.constant 0 : i32
    %dma_start3A_1502 = arith.constant 0 : i32
    %dma_start3A_1503 = tpu.memref_slice %arg3[%dma_start3A_1501, %dma_start3A_1502] : memref<8192x1024xf32, #tpu.memory_space<hbm>> -> memref<8192x1024xf32, #tpu.memory_space<hbm>>
    tpu.enqueue_indirect_dma source(%dma_start3A_1503 : memref<8192x1024xf32, #tpu.memory_space<hbm>>) target(%arg12 : memref<16x1024xf32, #tpu.memory_space<vmem>>) offsets(%dma_start3A_1500 : memref<16xi32, #tpu.memory_space<vmem>>) semaphore(%arg19 : memref<!tpu.dma_semaphore, #tpu.memory_space<semaphore_mem>>)
    %dma_wait3A_1504 = arith.constant 56 : i32
    %dma_wait3A_1505 = arith.constant 0 : i32
    %dma_wait3A_1506 = tpu.memref_slice %arg5[%dma_wait3A_1504, %dma_wait3A_1505] : memref<64x16xi32, #tpu.memory_space<vmem>> -> memref<1x16xi32, #tpu.memory_space<vmem>>
    %dma_wait3A_1507 = tpu.memref_squeeze %dma_wait3A_1506 : memref<1x16xi32, #tpu.memory_space<vmem>> -> memref<16xi32, #tpu.memory_space<vmem>>
    %dma_wait3A_1508 = arith.constant 0 : i32
    %dma_wait3A_1509 = arith.constant 0 : i32
    %dma_wait3A_1510 = tpu.memref_slice %arg3[%dma_wait3A_1508, %dma_wait3A_1509] : memref<8192x1024xf32, #tpu.memory_space<hbm>> -> memref<8192x1024xf32, #tpu.memory_space<hbm>>
    tpu.wait_indirect_dma semaphore(%arg13 : memref<!tpu.dma_semaphore, #tpu.memory_space<semaphore_mem>>) src(%dma_wait3A_1510 : memref<8192x1024xf32, #tpu.memory_space<hbm>>) dst(%arg6 : memref<16x1024xf32, #tpu.memory_space<vmem>>)
    %add3A_1511 = arith.constant 1792 : i32
    %add3A_1512 = arith.addi %add3A_1511, %add3A : i32
    %mul3A_1513 = arith.constant 16 : i32
    %mul3A_1514 = arith.muli %add3A_1512, %mul3A_1513 : i32
    %dma_start3A_1515 = arith.constant 0 : i32
    %dma_start3A_1516 = tpu.memref_slice %arg4[%mul3A_1514, %dma_start3A_1515] : memref<32768x1024xf32, #tpu.memory_space<hbm>> -> memref<16x1024xf32, #tpu.memory_space<hbm>>
    %dma_start3A_1517 = arith.constant 0 : i32
    %dma_start3A_1518 = tpu.memref_slice %arg4[%mul3A_1514, %dma_start3A_1517] : memref<32768x1024xf32, #tpu.memory_space<hbm>> -> memref<16x1024xf32, #tpu.memory_space<hbm>>
    tpu.enqueue_dma source(%arg6 : memref<16x1024xf32, #tpu.memory_space<vmem>>) target(%dma_start3A_1518 : memref<16x1024xf32, #tpu.memory_space<hbm>>) target_semaphore(%arg20 : memref<!tpu.dma_semaphore, #tpu.memory_space<semaphore_mem>>)
    %dma_wait3A_1519 = arith.constant 0 : i32
    %dma_wait3A_1520 = tpu.memref_slice %arg4[%mul3A_1514, %dma_wait3A_1519] : memref<32768x1024xf32, #tpu.memory_space<hbm>> -> memref<16x1024xf32, #tpu.memory_space<hbm>>
    %dma_wait3A_1521 = arith.constant 0 : i32
    %dma_wait3A_1522 = tpu.memref_slice %arg4[%mul3A_1514, %dma_wait3A_1521] : memref<32768x1024xf32, #tpu.memory_space<hbm>> -> memref<16x1024xf32, #tpu.memory_space<hbm>>
    tpu.wait_dma2 semaphore(%arg20 : memref<!tpu.dma_semaphore, #tpu.memory_space<semaphore_mem>>) src(%arg6 : memref<16x1024xf32, #tpu.memory_space<vmem>>) dst(%dma_wait3A_1522 : memref<16x1024xf32, #tpu.memory_space<hbm>>)
    %dma_start3A_1523 = arith.constant 63 : i32
    %dma_start3A_1524 = arith.constant 0 : i32
    %dma_start3A_1525 = tpu.memref_slice %arg5[%dma_start3A_1523, %dma_start3A_1524] : memref<64x16xi32, #tpu.memory_space<vmem>> -> memref<1x16xi32, #tpu.memory_space<vmem>>
    %dma_start3A_1526 = tpu.memref_squeeze %dma_start3A_1525 : memref<1x16xi32, #tpu.memory_space<vmem>> -> memref<16xi32, #tpu.memory_space<vmem>>
    %dma_start3A_1527 = arith.constant 0 : i32
    %dma_start3A_1528 = arith.constant 0 : i32
    %dma_start3A_1529 = tpu.memref_slice %arg3[%dma_start3A_1527, %dma_start3A_1528] : memref<8192x1024xf32, #tpu.memory_space<hbm>> -> memref<8192x1024xf32, #tpu.memory_space<hbm>>
    tpu.enqueue_indirect_dma source(%dma_start3A_1529 : memref<8192x1024xf32, #tpu.memory_space<hbm>>) target(%arg6 : memref<16x1024xf32, #tpu.memory_space<vmem>>) offsets(%dma_start3A_1526 : memref<16xi32, #tpu.memory_space<vmem>>) semaphore(%arg13 : memref<!tpu.dma_semaphore, #tpu.memory_space<semaphore_mem>>)
    %dma_wait3A_1530 = arith.constant 57 : i32
    %dma_wait3A_1531 = arith.constant 0 : i32
    %dma_wait3A_1532 = tpu.memref_slice %arg5[%dma_wait3A_1530, %dma_wait3A_1531] : memref<64x16xi32, #tpu.memory_space<vmem>> -> memref<1x16xi32, #tpu.memory_space<vmem>>
    %dma_wait3A_1533 = tpu.memref_squeeze %dma_wait3A_1532 : memref<1x16xi32, #tpu.memory_space<vmem>> -> memref<16xi32, #tpu.memory_space<vmem>>
    %dma_wait3A_1534 = arith.constant 0 : i32
    %dma_wait3A_1535 = arith.constant 0 : i32
    %dma_wait3A_1536 = tpu.memref_slice %arg3[%dma_wait3A_1534, %dma_wait3A_1535] : memref<8192x1024xf32, #tpu.memory_space<hbm>> -> memref<8192x1024xf32, #tpu.memory_space<hbm>>
    tpu.wait_indirect_dma semaphore(%arg14 : memref<!tpu.dma_semaphore, #tpu.memory_space<semaphore_mem>>) src(%dma_wait3A_1536 : memref<8192x1024xf32, #tpu.memory_space<hbm>>) dst(%arg7 : memref<16x1024xf32, #tpu.memory_space<vmem>>)
    %add3A_1537 = arith.constant 1824 : i32
    %add3A_1538 = arith.addi %add3A_1537, %add3A : i32
    %mul3A_1539 = arith.constant 16 : i32
    %mul3A_1540 = arith.muli %add3A_1538, %mul3A_1539 : i32
    %dma_start3A_1541 = arith.constant 0 : i32
    %dma_start3A_1542 = tpu.memref_slice %arg4[%mul3A_1540, %dma_start3A_1541] : memref<32768x1024xf32, #tpu.memory_space<hbm>> -> memref<16x1024xf32, #tpu.memory_space<hbm>>
    %dma_start3A_1543 = arith.constant 0 : i32
    %dma_start3A_1544 = tpu.memref_slice %arg4[%mul3A_1540, %dma_start3A_1543] : memref<32768x1024xf32, #tpu.memory_space<hbm>> -> memref<16x1024xf32, #tpu.memory_space<hbm>>
    tpu.enqueue_dma source(%arg7 : memref<16x1024xf32, #tpu.memory_space<vmem>>) target(%dma_start3A_1544 : memref<16x1024xf32, #tpu.memory_space<hbm>>) target_semaphore(%arg21 : memref<!tpu.dma_semaphore, #tpu.memory_space<semaphore_mem>>)
    %dma_wait3A_1545 = arith.constant 58 : i32
    %dma_wait3A_1546 = arith.constant 0 : i32
    %dma_wait3A_1547 = tpu.memref_slice %arg5[%dma_wait3A_1545, %dma_wait3A_1546] : memref<64x16xi32, #tpu.memory_space<vmem>> -> memref<1x16xi32, #tpu.memory_space<vmem>>
    %dma_wait3A_1548 = tpu.memref_squeeze %dma_wait3A_1547 : memref<1x16xi32, #tpu.memory_space<vmem>> -> memref<16xi32, #tpu.memory_space<vmem>>
    %dma_wait3A_1549 = arith.constant 0 : i32
    %dma_wait3A_1550 = arith.constant 0 : i32
    %dma_wait3A_1551 = tpu.memref_slice %arg3[%dma_wait3A_1549, %dma_wait3A_1550] : memref<8192x1024xf32, #tpu.memory_space<hbm>> -> memref<8192x1024xf32, #tpu.memory_space<hbm>>
    tpu.wait_indirect_dma semaphore(%arg15 : memref<!tpu.dma_semaphore, #tpu.memory_space<semaphore_mem>>) src(%dma_wait3A_1551 : memref<8192x1024xf32, #tpu.memory_space<hbm>>) dst(%arg8 : memref<16x1024xf32, #tpu.memory_space<vmem>>)
    %add3A_1552 = arith.constant 1856 : i32
    %add3A_1553 = arith.addi %add3A_1552, %add3A : i32
    %mul3A_1554 = arith.constant 16 : i32
    %mul3A_1555 = arith.muli %add3A_1553, %mul3A_1554 : i32
    %dma_start3A_1556 = arith.constant 0 : i32
    %dma_start3A_1557 = tpu.memref_slice %arg4[%mul3A_1555, %dma_start3A_1556] : memref<32768x1024xf32, #tpu.memory_space<hbm>> -> memref<16x1024xf32, #tpu.memory_space<hbm>>
    %dma_start3A_1558 = arith.constant 0 : i32
    %dma_start3A_1559 = tpu.memref_slice %arg4[%mul3A_1555, %dma_start3A_1558] : memref<32768x1024xf32, #tpu.memory_space<hbm>> -> memref<16x1024xf32, #tpu.memory_space<hbm>>
    tpu.enqueue_dma source(%arg8 : memref<16x1024xf32, #tpu.memory_space<vmem>>) target(%dma_start3A_1559 : memref<16x1024xf32, #tpu.memory_space<hbm>>) target_semaphore(%arg22 : memref<!tpu.dma_semaphore, #tpu.memory_space<semaphore_mem>>)
    %dma_wait3A_1560 = arith.constant 59 : i32
    %dma_wait3A_1561 = arith.constant 0 : i32
    %dma_wait3A_1562 = tpu.memref_slice %arg5[%dma_wait3A_1560, %dma_wait3A_1561] : memref<64x16xi32, #tpu.memory_space<vmem>> -> memref<1x16xi32, #tpu.memory_space<vmem>>
    %dma_wait3A_1563 = tpu.memref_squeeze %dma_wait3A_1562 : memref<1x16xi32, #tpu.memory_space<vmem>> -> memref<16xi32, #tpu.memory_space<vmem>>
    %dma_wait3A_1564 = arith.constant 0 : i32
    %dma_wait3A_1565 = arith.constant 0 : i32
    %dma_wait3A_1566 = tpu.memref_slice %arg3[%dma_wait3A_1564, %dma_wait3A_1565] : memref<8192x1024xf32, #tpu.memory_space<hbm>> -> memref<8192x1024xf32, #tpu.memory_space<hbm>>
    tpu.wait_indirect_dma semaphore(%arg16 : memref<!tpu.dma_semaphore, #tpu.memory_space<semaphore_mem>>) src(%dma_wait3A_1566 : memref<8192x1024xf32, #tpu.memory_space<hbm>>) dst(%arg9 : memref<16x1024xf32, #tpu.memory_space<vmem>>)
    %add3A_1567 = arith.constant 1888 : i32
    %add3A_1568 = arith.addi %add3A_1567, %add3A : i32
    %mul3A_1569 = arith.constant 16 : i32
    %mul3A_1570 = arith.muli %add3A_1568, %mul3A_1569 : i32
    %dma_start3A_1571 = arith.constant 0 : i32
    %dma_start3A_1572 = tpu.memref_slice %arg4[%mul3A_1570, %dma_start3A_1571] : memref<32768x1024xf32, #tpu.memory_space<hbm>> -> memref<16x1024xf32, #tpu.memory_space<hbm>>
    %dma_start3A_1573 = arith.constant 0 : i32
    %dma_start3A_1574 = tpu.memref_slice %arg4[%mul3A_1570, %dma_start3A_1573] : memref<32768x1024xf32, #tpu.memory_space<hbm>> -> memref<16x1024xf32, #tpu.memory_space<hbm>>
    tpu.enqueue_dma source(%arg9 : memref<16x1024xf32, #tpu.memory_space<vmem>>) target(%dma_start3A_1574 : memref<16x1024xf32, #tpu.memory_space<hbm>>) target_semaphore(%arg23 : memref<!tpu.dma_semaphore, #tpu.memory_space<semaphore_mem>>)
    %dma_wait3A_1575 = arith.constant 60 : i32
    %dma_wait3A_1576 = arith.constant 0 : i32
    %dma_wait3A_1577 = tpu.memref_slice %arg5[%dma_wait3A_1575, %dma_wait3A_1576] : memref<64x16xi32, #tpu.memory_space<vmem>> -> memref<1x16xi32, #tpu.memory_space<vmem>>
    %dma_wait3A_1578 = tpu.memref_squeeze %dma_wait3A_1577 : memref<1x16xi32, #tpu.memory_space<vmem>> -> memref<16xi32, #tpu.memory_space<vmem>>
    %dma_wait3A_1579 = arith.constant 0 : i32
    %dma_wait3A_1580 = arith.constant 0 : i32
    %dma_wait3A_1581 = tpu.memref_slice %arg3[%dma_wait3A_1579, %dma_wait3A_1580] : memref<8192x1024xf32, #tpu.memory_space<hbm>> -> memref<8192x1024xf32, #tpu.memory_space<hbm>>
    tpu.wait_indirect_dma semaphore(%arg17 : memref<!tpu.dma_semaphore, #tpu.memory_space<semaphore_mem>>) src(%dma_wait3A_1581 : memref<8192x1024xf32, #tpu.memory_space<hbm>>) dst(%arg10 : memref<16x1024xf32, #tpu.memory_space<vmem>>)
    %add3A_1582 = arith.constant 1920 : i32
    %add3A_1583 = arith.addi %add3A_1582, %add3A : i32
    %mul3A_1584 = arith.constant 16 : i32
    %mul3A_1585 = arith.muli %add3A_1583, %mul3A_1584 : i32
    %dma_start3A_1586 = arith.constant 0 : i32
    %dma_start3A_1587 = tpu.memref_slice %arg4[%mul3A_1585, %dma_start3A_1586] : memref<32768x1024xf32, #tpu.memory_space<hbm>> -> memref<16x1024xf32, #tpu.memory_space<hbm>>
    %dma_start3A_1588 = arith.constant 0 : i32
    %dma_start3A_1589 = tpu.memref_slice %arg4[%mul3A_1585, %dma_start3A_1588] : memref<32768x1024xf32, #tpu.memory_space<hbm>> -> memref<16x1024xf32, #tpu.memory_space<hbm>>
    tpu.enqueue_dma source(%arg10 : memref<16x1024xf32, #tpu.memory_space<vmem>>) target(%dma_start3A_1589 : memref<16x1024xf32, #tpu.memory_space<hbm>>) target_semaphore(%arg24 : memref<!tpu.dma_semaphore, #tpu.memory_space<semaphore_mem>>)
    %dma_wait3A_1590 = arith.constant 61 : i32
    %dma_wait3A_1591 = arith.constant 0 : i32
    %dma_wait3A_1592 = tpu.memref_slice %arg5[%dma_wait3A_1590, %dma_wait3A_1591] : memref<64x16xi32, #tpu.memory_space<vmem>> -> memref<1x16xi32, #tpu.memory_space<vmem>>
    %dma_wait3A_1593 = tpu.memref_squeeze %dma_wait3A_1592 : memref<1x16xi32, #tpu.memory_space<vmem>> -> memref<16xi32, #tpu.memory_space<vmem>>
    %dma_wait3A_1594 = arith.constant 0 : i32
    %dma_wait3A_1595 = arith.constant 0 : i32
    %dma_wait3A_1596 = tpu.memref_slice %arg3[%dma_wait3A_1594, %dma_wait3A_1595] : memref<8192x1024xf32, #tpu.memory_space<hbm>> -> memref<8192x1024xf32, #tpu.memory_space<hbm>>
    tpu.wait_indirect_dma semaphore(%arg18 : memref<!tpu.dma_semaphore, #tpu.memory_space<semaphore_mem>>) src(%dma_wait3A_1596 : memref<8192x1024xf32, #tpu.memory_space<hbm>>) dst(%arg11 : memref<16x1024xf32, #tpu.memory_space<vmem>>)
    %add3A_1597 = arith.constant 1952 : i32
    %add3A_1598 = arith.addi %add3A_1597, %add3A : i32
    %mul3A_1599 = arith.constant 16 : i32
    %mul3A_1600 = arith.muli %add3A_1598, %mul3A_1599 : i32
    %dma_start3A_1601 = arith.constant 0 : i32
    %dma_start3A_1602 = tpu.memref_slice %arg4[%mul3A_1600, %dma_start3A_1601] : memref<32768x1024xf32, #tpu.memory_space<hbm>> -> memref<16x1024xf32, #tpu.memory_space<hbm>>
    %dma_start3A_1603 = arith.constant 0 : i32
    %dma_start3A_1604 = tpu.memref_slice %arg4[%mul3A_1600, %dma_start3A_1603] : memref<32768x1024xf32, #tpu.memory_space<hbm>> -> memref<16x1024xf32, #tpu.memory_space<hbm>>
    tpu.enqueue_dma source(%arg11 : memref<16x1024xf32, #tpu.memory_space<vmem>>) target(%dma_start3A_1604 : memref<16x1024xf32, #tpu.memory_space<hbm>>) target_semaphore(%arg25 : memref<!tpu.dma_semaphore, #tpu.memory_space<semaphore_mem>>)
    %dma_wait3A_1605 = arith.constant 62 : i32
    %dma_wait3A_1606 = arith.constant 0 : i32
    %dma_wait3A_1607 = tpu.memref_slice %arg5[%dma_wait3A_1605, %dma_wait3A_1606] : memref<64x16xi32, #tpu.memory_space<vmem>> -> memref<1x16xi32, #tpu.memory_space<vmem>>
    %dma_wait3A_1608 = tpu.memref_squeeze %dma_wait3A_1607 : memref<1x16xi32, #tpu.memory_space<vmem>> -> memref<16xi32, #tpu.memory_space<vmem>>
    %dma_wait3A_1609 = arith.constant 0 : i32
    %dma_wait3A_1610 = arith.constant 0 : i32
    %dma_wait3A_1611 = tpu.memref_slice %arg3[%dma_wait3A_1609, %dma_wait3A_1610] : memref<8192x1024xf32, #tpu.memory_space<hbm>> -> memref<8192x1024xf32, #tpu.memory_space<hbm>>
    tpu.wait_indirect_dma semaphore(%arg19 : memref<!tpu.dma_semaphore, #tpu.memory_space<semaphore_mem>>) src(%dma_wait3A_1611 : memref<8192x1024xf32, #tpu.memory_space<hbm>>) dst(%arg12 : memref<16x1024xf32, #tpu.memory_space<vmem>>)
    %add3A_1612 = arith.constant 1984 : i32
    %add3A_1613 = arith.addi %add3A_1612, %add3A : i32
    %mul3A_1614 = arith.constant 16 : i32
    %mul3A_1615 = arith.muli %add3A_1613, %mul3A_1614 : i32
    %dma_start3A_1616 = arith.constant 0 : i32
    %dma_start3A_1617 = tpu.memref_slice %arg4[%mul3A_1615, %dma_start3A_1616] : memref<32768x1024xf32, #tpu.memory_space<hbm>> -> memref<16x1024xf32, #tpu.memory_space<hbm>>
    %dma_start3A_1618 = arith.constant 0 : i32
    %dma_start3A_1619 = tpu.memref_slice %arg4[%mul3A_1615, %dma_start3A_1618] : memref<32768x1024xf32, #tpu.memory_space<hbm>> -> memref<16x1024xf32, #tpu.memory_space<hbm>>
    tpu.enqueue_dma source(%arg12 : memref<16x1024xf32, #tpu.memory_space<vmem>>) target(%dma_start3A_1619 : memref<16x1024xf32, #tpu.memory_space<hbm>>) target_semaphore(%arg26 : memref<!tpu.dma_semaphore, #tpu.memory_space<semaphore_mem>>)
    %dma_wait3A_1620 = arith.constant 63 : i32
    %dma_wait3A_1621 = arith.constant 0 : i32
    %dma_wait3A_1622 = tpu.memref_slice %arg5[%dma_wait3A_1620, %dma_wait3A_1621] : memref<64x16xi32, #tpu.memory_space<vmem>> -> memref<1x16xi32, #tpu.memory_space<vmem>>
    %dma_wait3A_1623 = tpu.memref_squeeze %dma_wait3A_1622 : memref<1x16xi32, #tpu.memory_space<vmem>> -> memref<16xi32, #tpu.memory_space<vmem>>
    %dma_wait3A_1624 = arith.constant 0 : i32
    %dma_wait3A_1625 = arith.constant 0 : i32
    %dma_wait3A_1626 = tpu.memref_slice %arg3[%dma_wait3A_1624, %dma_wait3A_1625] : memref<8192x1024xf32, #tpu.memory_space<hbm>> -> memref<8192x1024xf32, #tpu.memory_space<hbm>>
    tpu.wait_indirect_dma semaphore(%arg13 : memref<!tpu.dma_semaphore, #tpu.memory_space<semaphore_mem>>) src(%dma_wait3A_1626 : memref<8192x1024xf32, #tpu.memory_space<hbm>>) dst(%arg6 : memref<16x1024xf32, #tpu.memory_space<vmem>>)
    %add3A_1627 = arith.constant 2016 : i32
    %add3A_1628 = arith.addi %add3A_1627, %add3A : i32
    %mul3A_1629 = arith.constant 16 : i32
    %mul3A_1630 = arith.muli %add3A_1628, %mul3A_1629 : i32
    %dma_start3A_1631 = arith.constant 0 : i32
    %dma_start3A_1632 = tpu.memref_slice %arg4[%mul3A_1630, %dma_start3A_1631] : memref<32768x1024xf32, #tpu.memory_space<hbm>> -> memref<16x1024xf32, #tpu.memory_space<hbm>>
    %dma_start3A_1633 = arith.constant 0 : i32
    %dma_start3A_1634 = tpu.memref_slice %arg4[%mul3A_1630, %dma_start3A_1633] : memref<32768x1024xf32, #tpu.memory_space<hbm>> -> memref<16x1024xf32, #tpu.memory_space<hbm>>
    tpu.enqueue_dma source(%arg6 : memref<16x1024xf32, #tpu.memory_space<vmem>>) target(%dma_start3A_1634 : memref<16x1024xf32, #tpu.memory_space<hbm>>) target_semaphore(%arg20 : memref<!tpu.dma_semaphore, #tpu.memory_space<semaphore_mem>>)
    %dma_wait3A_1635 = arith.constant 0 : i32
    %dma_wait3A_1636 = tpu.memref_slice %arg4[%mul3A_1540, %dma_wait3A_1635] : memref<32768x1024xf32, #tpu.memory_space<hbm>> -> memref<16x1024xf32, #tpu.memory_space<hbm>>
    %dma_wait3A_1637 = arith.constant 0 : i32
    %dma_wait3A_1638 = tpu.memref_slice %arg4[%mul3A_1540, %dma_wait3A_1637] : memref<32768x1024xf32, #tpu.memory_space<hbm>> -> memref<16x1024xf32, #tpu.memory_space<hbm>>
    tpu.wait_dma2 semaphore(%arg21 : memref<!tpu.dma_semaphore, #tpu.memory_space<semaphore_mem>>) src(%arg7 : memref<16x1024xf32, #tpu.memory_space<vmem>>) dst(%dma_wait3A_1638 : memref<16x1024xf32, #tpu.memory_space<hbm>>)
    %dma_wait3A_1639 = arith.constant 0 : i32
    %dma_wait3A_1640 = tpu.memref_slice %arg4[%mul3A_1555, %dma_wait3A_1639] : memref<32768x1024xf32, #tpu.memory_space<hbm>> -> memref<16x1024xf32, #tpu.memory_space<hbm>>
    %dma_wait3A_1641 = arith.constant 0 : i32
    %dma_wait3A_1642 = tpu.memref_slice %arg4[%mul3A_1555, %dma_wait3A_1641] : memref<32768x1024xf32, #tpu.memory_space<hbm>> -> memref<16x1024xf32, #tpu.memory_space<hbm>>
    tpu.wait_dma2 semaphore(%arg22 : memref<!tpu.dma_semaphore, #tpu.memory_space<semaphore_mem>>) src(%arg8 : memref<16x1024xf32, #tpu.memory_space<vmem>>) dst(%dma_wait3A_1642 : memref<16x1024xf32, #tpu.memory_space<hbm>>)
    %dma_wait3A_1643 = arith.constant 0 : i32
    %dma_wait3A_1644 = tpu.memref_slice %arg4[%mul3A_1570, %dma_wait3A_1643] : memref<32768x1024xf32, #tpu.memory_space<hbm>> -> memref<16x1024xf32, #tpu.memory_space<hbm>>
    %dma_wait3A_1645 = arith.constant 0 : i32
    %dma_wait3A_1646 = tpu.memref_slice %arg4[%mul3A_1570, %dma_wait3A_1645] : memref<32768x1024xf32, #tpu.memory_space<hbm>> -> memref<16x1024xf32, #tpu.memory_space<hbm>>
    tpu.wait_dma2 semaphore(%arg23 : memref<!tpu.dma_semaphore, #tpu.memory_space<semaphore_mem>>) src(%arg9 : memref<16x1024xf32, #tpu.memory_space<vmem>>) dst(%dma_wait3A_1646 : memref<16x1024xf32, #tpu.memory_space<hbm>>)
    %dma_wait3A_1647 = arith.constant 0 : i32
    %dma_wait3A_1648 = tpu.memref_slice %arg4[%mul3A_1585, %dma_wait3A_1647] : memref<32768x1024xf32, #tpu.memory_space<hbm>> -> memref<16x1024xf32, #tpu.memory_space<hbm>>
    %dma_wait3A_1649 = arith.constant 0 : i32
    %dma_wait3A_1650 = tpu.memref_slice %arg4[%mul3A_1585, %dma_wait3A_1649] : memref<32768x1024xf32, #tpu.memory_space<hbm>> -> memref<16x1024xf32, #tpu.memory_space<hbm>>
    tpu.wait_dma2 semaphore(%arg24 : memref<!tpu.dma_semaphore, #tpu.memory_space<semaphore_mem>>) src(%arg10 : memref<16x1024xf32, #tpu.memory_space<vmem>>) dst(%dma_wait3A_1650 : memref<16x1024xf32, #tpu.memory_space<hbm>>)
    %dma_wait3A_1651 = arith.constant 0 : i32
    %dma_wait3A_1652 = tpu.memref_slice %arg4[%mul3A_1600, %dma_wait3A_1651] : memref<32768x1024xf32, #tpu.memory_space<hbm>> -> memref<16x1024xf32, #tpu.memory_space<hbm>>
    %dma_wait3A_1653 = arith.constant 0 : i32
    %dma_wait3A_1654 = tpu.memref_slice %arg4[%mul3A_1600, %dma_wait3A_1653] : memref<32768x1024xf32, #tpu.memory_space<hbm>> -> memref<16x1024xf32, #tpu.memory_space<hbm>>
    tpu.wait_dma2 semaphore(%arg25 : memref<!tpu.dma_semaphore, #tpu.memory_space<semaphore_mem>>) src(%arg11 : memref<16x1024xf32, #tpu.memory_space<vmem>>) dst(%dma_wait3A_1654 : memref<16x1024xf32, #tpu.memory_space<hbm>>)
    %dma_wait3A_1655 = arith.constant 0 : i32
    %dma_wait3A_1656 = tpu.memref_slice %arg4[%mul3A_1615, %dma_wait3A_1655] : memref<32768x1024xf32, #tpu.memory_space<hbm>> -> memref<16x1024xf32, #tpu.memory_space<hbm>>
    %dma_wait3A_1657 = arith.constant 0 : i32
    %dma_wait3A_1658 = tpu.memref_slice %arg4[%mul3A_1615, %dma_wait3A_1657] : memref<32768x1024xf32, #tpu.memory_space<hbm>> -> memref<16x1024xf32, #tpu.memory_space<hbm>>
    tpu.wait_dma2 semaphore(%arg26 : memref<!tpu.dma_semaphore, #tpu.memory_space<semaphore_mem>>) src(%arg12 : memref<16x1024xf32, #tpu.memory_space<vmem>>) dst(%dma_wait3A_1658 : memref<16x1024xf32, #tpu.memory_space<hbm>>)
    %dma_wait3A_1659 = arith.constant 0 : i32
    %dma_wait3A_1660 = tpu.memref_slice %arg4[%mul3A_1630, %dma_wait3A_1659] : memref<32768x1024xf32, #tpu.memory_space<hbm>> -> memref<16x1024xf32, #tpu.memory_space<hbm>>
    %dma_wait3A_1661 = arith.constant 0 : i32
    %dma_wait3A_1662 = tpu.memref_slice %arg4[%mul3A_1630, %dma_wait3A_1661] : memref<32768x1024xf32, #tpu.memory_space<hbm>> -> memref<16x1024xf32, #tpu.memory_space<hbm>>
    tpu.wait_dma2 semaphore(%arg20 : memref<!tpu.dma_semaphore, #tpu.memory_space<semaphore_mem>>) src(%arg6 : memref<16x1024xf32, #tpu.memory_space<vmem>>) dst(%dma_wait3A_1662 : memref<16x1024xf32, #tpu.memory_space<hbm>>)
    return
  }
}

</mosaic_0001>

<sc_bundles>
// kernel: kernel.3.cloned.1.call-start
scs
__scs_entry_jumppad:
0x0: {  	(pc) =	sbr.rel $0x88, $3  }
0x1: {  	(tag) =	ssettag $0x0;
	lr =	simm.s32 $0x1  }
0x2: {  	[smem:$0x3F9F] =	sst lr;
	_ =	strace $0xD0000000  }
0x3: {  	_ = 	snop  }
0x4: {  	_ = 	snop  }
0x5: {  	_ = 	snop  }
0x6: {  	_ = 	snop  }
0x7: {  	_ = 	snop  }
__scs_overlays_trampoline_lowered:
0x8: {  	[smem:$0x3FAE] =	sst s0  }
0x9: {  	[smem:$0x3FAF] =	sst s1  }
0xa: {  	[smem:$0x3FB0] =	sst s2  }
0xb: {  	[smem:$0x3FB1] =	sst s3  }
0xc: {  	[smem:$0x3FB2] =	sst s4  }
0xd: {  	[smem:$0x3FB3] =	sst s5  }
0xe: {  	[smem:$0x3FB4] =	sst s6  }
0xf: {  	[smem:$0x3FB5] =	sst s7  }
0x10: {  	[smem:$0x3FB6] =	sst s8  }
0x11: {  	[smem:$0x3FB7] =	sst s9;
	s0 =	simm.s32 @!p0 $0x0  }
0x12: {  	s1 =	sld [smem:$0x3F9D];
	s0 =	simm.s32 @p0 $0x1  }
0x13: {  	[smem:$0x3FB8] =	sst s0;
	s0 =	simm.s32 @!p1 $0x0  }
0x14: {  	s2 =	sld [smem:$0x3F9C];
	s0 =	simm.s32 @p1 $0x1  }
0x15: {  	[smem:$0x3FB9] =	sst s0;
	s0 =	simm.s32 @!p2 $0x0  }
0x16: {  	s3 =	sld [smem:$0x3FDB];
	s0 =	simm.s32 @p2 $0x1  }
0x17: {  	s4 =	simm.s32 $0x1BF5;
	[smem:$0x3FBB] =	sst s0  }
0x18: {  	s0 =	sld [smem:$0x3F9E];
	_ =	swait.ge [sflag:s4], $0x0  }
0x19: {  	s7 =	sld [smem:$0x3F9F]  }
0x1a: {  	s8 =	sadd.s32 $0xFFFFE003, lr  }
0x1b: {  	s9 =	sadd.s32 $0xFFFFFEF7, lr;
	s5 =	simm.s32 $0xFFFFFFFF;
	p2 =	slt.u32 s8, $0xFFFFF086  }
0x1c: {  	p1 =	slt.u32 s9, $0xF7A;
	s5 =	simm.s32 @!p2 $0x0  }
0x1d: {  	s5 =	simm.s32 @p1 $0x1;
	p0 =	seq.s32 s7, s2  }
0x1e: {  	s7 =	smul.u32 @!p0 $0xF7A, s2;
	p2 =	seq.s32 @!p0 s5, $0x0  }
0x1f: {  	s9 =	smul.u32 $0xF7A, s1;
	s8 =	simm.s32 @!p0 $0x1BF5;
	p2 =	por !p2, p0  }
0x20: {  	[sflag:s8] =	ssyncset.s32 @!p0 $0xFFFFF086;
	s6 =	sadd.s32 @!p0 s3, s7;
	s7 =	simm.s32 @!p0 $0x108  }
0x21: {  	s3 =	sadd.s32 s3, s9;
	s6 =	sadd.s32 @!p0 $0x88, s6;
	s7 =	simm.s32 @p2 $0x1082  }
0x22: {  	[simem:s7], [sflag:s8] =	dma.local @!p0 [hbm:s6], $0xF7A  }
0x23: {  	s9 =	sor.u32 $0xD0000000, s2;
	s6 =	simm.s32 $0x108;
	_ =	swait.ge @!p0 [sflag:s8], $0x0  }
0x24: {  	s3 =	sadd.s32 $0x88, s3;
	s6 =	simm.s32 @!p1 $0x1082;
	[sflag:s4] =	ssyncset.s32 $0xFFFFF086  }
0x25: {  	[simem:s6], [sflag:s4] =	dma.local [hbm:s3], $0xF7A  }
0x26: {  	[smem:$0x3F9F] =	sst s1;
	(tag) =	ssettag s2;
	_ =	strace s9  }
0x27: {  	s1 =	sld [smem:$0x3FAF]  }
0x28: {  	s2 =	sld [smem:$0x3FB0]  }
0x29: {  	s4 =	sld [smem:$0x3FB2]  }
0x2a: {  	p0 =	seq.s32 s5, $0x0;
	s5 =	sld [smem:$0x3FB3]  }
0x2b: {  	s6 =	sld [smem:$0x3FB4]  }
0x2c: {  	s7 =	sld [smem:$0x3FB5]  }
0x2d: {  	s3 =	simm.s32 $0x108;
	s8 =	sld [smem:$0x3FB6]  }
0x2e: {  	s3 =	simm.s32 @!p0 $0x1082;
	s9 =	sld [smem:$0x3FB7]  }
0x2f: {  	lr =	sadd.s32 s0, s3;
	s0 =	sld [smem:$0x3FAE]  }
0x30: {  	s3 =	sld [smem:$0x3FB1]  }
0x31: {  	[smem:$0x3FBA] =	sst s10  }
0x32: {  	s10 =	sld [smem:$0x3FB8];
	_ =	sdelay $0x3  }
0x33: {  	p0 =	seq.s32 s10, $0x1;
	s10 =	sld [smem:$0x3FBA];
	_ =	sdelay $0x3  }
0x34: {  	[smem:$0x3FBA] =	sst s10  }
0x35: {  	s10 =	sld [smem:$0x3FB9];
	_ =	sdelay $0x3  }
0x36: {  	p1 =	seq.s32 s10, $0x1;
	s10 =	sld [smem:$0x3FBA];
	_ =	sdelay $0x3  }
0x37: {  	[smem:$0x3FBA] =	sst s10  }
0x38: {  	s10 =	sld [smem:$0x3FBB]  }
0x39: {  	_ = 	snop;
	(pc) =	sbr.ind lr, $3  }
0x3a: {  	_ = 	snop  }
0x3b: {  	_ = 	snop  }
0x3c: {  	p2 =	seq.s32 s10, $0x1;
	s10 =	sld [smem:$0x3FBA]  }
0x3d: {  	_ =	shalt  }
0x3e: {  	_ =	shalt  }
0x3f: {  	_ =	shalt  }
0x40: {  	_ =	shalt  }
0x41: {  	_ =	shalt  }
0x42: {  	_ =	shalt  }
0x43: {  	_ =	shalt  }
0x44: {  	_ =	shalt  }
0x45: {  	_ =	shalt  }
0x46: {  	_ =	shalt  }
0x47: {  	_ =	shalt  }
0x48: {  	_ =	shalt  }
0x49: {  	_ =	shalt  }
0x4a: {  	_ =	shalt  }
0x4b: {  	_ =	shalt  }
0x4c: {  	_ =	shalt  }
0x4d: {  	_ =	shalt  }
0x4e: {  	_ =	shalt  }
0x4f: {  	_ =	shalt  }
0x50: {  	_ =	shalt  }
0x51: {  	_ =	shalt  }
0x52: {  	_ =	shalt  }
0x53: {  	_ =	shalt  }
0x54: {  	_ =	shalt  }
0x55: {  	_ =	shalt  }
0x56: {  	_ =	shalt  }
0x57: {  	_ =	shalt  }
0x58: {  	_ =	shalt  }
0x59: {  	_ =	shalt  }
0x5a: {  	_ =	shalt  }
0x5b: {  	_ =	shalt  }
0x5c: {  	_ =	shalt  }
0x5d: {  	_ =	shalt  }
0x5e: {  	_ =	shalt  }
0x5f: {  	_ =	shalt  }
0x60: {  	_ =	shalt  }
0x61: {  	_ =	shalt  }
0x62: {  	_ =	shalt  }
0x63: {  	_ =	shalt  }
0x64: {  	_ =	shalt  }
0x65: {  	_ =	shalt  }
0x66: {  	_ =	shalt  }
0x67: {  	_ =	shalt  }
0x68: {  	_ =	shalt  }
0x69: {  	_ =	shalt  }
0x6a: {  	_ =	shalt  }
0x6b: {  	_ =	shalt  }
0x6c: {  	_ =	shalt  }
0x6d: {  	_ =	shalt  }
0x6e: {  	_ =	shalt  }
0x6f: {  	_ =	shalt  }
0x70: {  	_ =	shalt  }
0x71: {  	_ =	shalt  }
0x72: {  	_ =	shalt  }
0x73: {  	_ =	shalt  }
0x74: {  	_ =	shalt  }
0x75: {  	_ =	shalt  }
0x76: {  	_ =	shalt  }
0x77: {  	_ =	shalt  }
0x78: {  	_ =	shalt  }
0x79: {  	_ =	shalt  }
0x7a: {  	_ =	shalt  }
0x7b: {  	_ =	shalt  }
0x7c: {  	_ =	shalt  }
0x7d: {  	_ =	shalt  }
0x7e: {  	_ =	shalt  }
0x7f: {  	_ =	shalt  }
0x80: {  	_ =	shalt  }
0x81: {  	_ =	shalt  }
0x82: {  	_ =	shalt  }
0x83: {  	_ =	shalt  }
0x84: {  	_ =	shalt  }
0x85: {  	_ =	shalt  }
0x86: {  	_ =	shalt  }
0x87: {  	_ =	shalt  }
.Lfunc_end0:
.L_simem_size_0:
called_computation_lowered:
.L_overlay_start_0:
0x88: {  	s2 =	sld [smem:$0x3FD9]  }
0x89: {  	s3 =	sld [smem:$0x3FFE];
	_ =	sdelay $0x1  }
0x8a: {  	s1 =	srdreg.scid  }
0x8b: {  	s0 =	sand.u32 $0x1, s1  }
0x8c: {  	s17 =	sshll.u32 s0, $0xA;
	s2 =	sadd.s32 s3, s2  }
0x8d: {  	s2 =	sadd.s32 s2, s17  }
0x8e: {  	[smem:$0x3FC6] =	sst s2  }
0x8f: {  	_ = 	snop  }
0x90: {  	s2 =	sld [smem:$0x3FC8]  }
0x91: {  	s18 =	sld [smem:$0x3FD0];
	(tm) =	ssettm $0x1  }
0x92: {  	s4 =	sld [smem:$0x3FFB];
	_ =	sdelay $0x3  }
0x93: {  	_ =	strace s4  }
0x94: {  	s4 =	sld [smem:$0x3FFC];
	_ =	sdelay $0x3  }
0x95: {  	_ =	strace s4  }
0x96: {  	s4 =	sld [smem:$0x3FFD];
	_ =	sdelay $0x3  }
0x97: {  	_ =	strace s4  }
0x98: {  	_ =	strace $0x8FFFFFFF  }
0x99: {  	s19 =	sld [smem:$0x3FDB];
	_ =	sdelay $0x1  }
0x9a: {  	s5 =	simm.s32 $_scs_section_size  }
0x9b: {  	s6 =	simm.s32 $_size__tile_overlayer_lowered;
	s7 =	simm.s32 $_tile_overlayer_lowered  }
0x9c: {  	s22 =	simm.s32 $0x1BFF;
	s21 =	sshll.u32 s7, $0x1;
	s4 =	sadd.s32 s5, s19  }
0x9d: {  	s8 =	simm.s32 $0x0;
	s20 =	sshll.u32 s6, $0x1;
	s6 =	sadd.s32 s21, s4  }
0x9e: {  	[timem:s8], [sflag:s22] =	dma.local [hbm:s6], s20  }
0x9f: {  	_ =	swait.ge [sflag:s22], s20  }
0xa0: {  	s5 =	ssub.s32 $0x0, s20;
	[sflag:s22] =	ssyncset.done $0x0  }
0xa1: {  	[sflag:s22] =	ssyncadd.s32 s5;
	_ =	sdelay $0x1  }
0xa2: {  	s23 =	simm.s32 $0x1B8B  }
0xa3: {  	_ =	swait.ge [sflag:s23], $0x1  }
0xa4: {  	[sflag:s23] =	ssyncset.done $0x0  }
0xa5: {  	s25 =	simm.s32 $0x1B8E;
	s24 =	sld [smem:$0x3FFE];
	[sflag:s23] =	ssyncadd.s32 $0xFFFFFFFF  }
0xa6: {  	s26 =	simm.s32 $execute0_lowered;
	[smem:$0x3FD2] =	sst s25  }
0xa7: {  	s6 =	sshll.u32 s26, $0x1;
	_ =	strace $0x80000046;
	[dreg:$0x1] =	wrdreg $0xFFFFFFFF  }
0xa8: {  	s28 =	simm.s32 $_size_execute0_lowered;
	s4 =	sadd.s32 s4, s6;
	[dreg:$0x0] =	wrdreg $0x0  }
0xa9: {  	s6 =	sshll.u32 s28, $0x1;
	[dreg:$0x2] =	wrdreg s4  }
0xaa: {  	[dreg:$0x3] =	wrdreg s6  }
0xab: {  	[dreg:$0x4] =	wrdreg $0xC0  }
0xac: {  	_ =	task [dreg:s8], $0x5FFFF  }
0xad: {  	[dreg:$0x1] =	wrdreg $0xFFFFFFFF  }
0xae: {  	[dreg:$0x0] =	wrdreg $0x60  }
0xaf: {  	[dreg:$0x2] =	wrdreg s24  }
0xb0: {  	[dreg:$0x3] =	wrdreg s2  }
0xb1: {  	[dreg:$0x4] =	wrdreg s18  }
0xb2: {  	[dreg:$0x5] =	wrdreg $0x9  }
0xb3: {  	_ =	task.clear_ibuf [dreg:s8], $0x6FFFF;
	_ =	strace $0x90000046  }
0xb4: {  	s29 =	simm.s32 $0x9;
	_ =	strace $0x80000048  }
0xb5: {  	_ =	swait.ge [sflag:s29], $0x1  }
0xb6: {  	[sflag:s29] =	ssyncadd.s32 $0xFFFFFFFF  }
0xb7: {  	_ =	strace $0x90000048  }
0xb8: {  	_ =	sfence  }
0xb9: {  	s30 =	sld [smem:$0x0];
	_ =	sdelay $0x2  }
0xba: {  	s31 =	sshll.u32 s1, $0xD;
	s1 =	sshrl.u32 s1, $0x2  }
0xbb: {  	s3 =	sand.u32 $0x4000, s31;
	s1 =	sadd.s32 s1, s30  }
0xbc: {  	s0 =	sor.u32 s3, s0;
	s1 =	sshll.u32 s1, $0x11  }
0xbd: {  	s0 =	sor.u32 s1, s0  }
0xbe: {  	s0 =	sadd.s32 $0x8F2B, s0  }
0xbf: {  	[sflag:s0] =	ssyncadd.remote.s32 $0x1  }
0xc0: {  	_ =	sfence.sel $0xFFFF  }
0xc1: {  	[dreg:$0x0] =	wrdreg $0xFFFFFFFF;
	(pc) =	sbr.abs _section_cstart, $3  }
0xc2: {  	[dreg:$0x1] =	wrdreg $0xFFFFFFFF  }
0xc3: {  	_ =	task.clear_ibuf [dreg:s8], $0x2FFFF;
	_ =	strace $0x9FFFFFFF  }
0xc4: {  	(tm) =	ssettm $0x7FFFFFFF  }
0xc5: {  	_ =	shalt  }
tec
execute0_lowered:
.L_overlay_start_1:
0x0: {  	(tag) =	ssettag $0x1  }
0x1: {  	s1 =	rddreg [dreg:$0x0]  }
0x2: {  	s0 =	srdreg.scid;
	s3 =	stileid.u32  }
0x3: {  	s2 =	rddreg [dreg:$0x1];
	s0 =	sand.u32 $0x1, s0;
	s3 =	sshll.u32 s3, $0x1  }
0x4: {  	s4 =	rddreg [dreg:$0x2];
	s5 =	sor.u32 s0, s3  }
0x5: {  	s3 =	simm.s32 $0x0;
	s6 =	sshll.u32 s5, $0xA;
	s5 =	sshll.u32 s5, $0xB  }
0x6: {  	[smem:$0x7FF] =	sst s3;
	s1 =	sadd.s32 s6, s1;
	s6 =	sadd.s32 s4, s5  }
0x7: {  	_ =	strace $0x80000047;
	s1 =	sadd.s32 $0x400, s1;
	[smem:$0x7FC] =	sst s6  }
0x8: {  	s16 =	sadd.s32 $0x10000, s6;
	[dreg:$0x4] =	wrdreg s1  }
0x9: {  	s17 =	sadd.s32 $0x20000, s6;
	[dreg:$0x5] =	wrdreg s16  }
0xa: {  	s18 =	sadd.s32 $0x30000, s6;
	[dreg:$0x6] =	wrdreg s17  }
0xb: {  	s19 =	sadd.s32 $0x40000, s6;
	[dreg:$0x7] =	wrdreg s18  }
0xc: {  	s20 =	sadd.s32 $0x50000, s6;
	[dreg:$0x8] =	wrdreg s19  }
0xd: {  	s21 =	sadd.s32 $0x60000, s6;
	[dreg:$0x9] =	wrdreg s20  }
0xe: {  	s22 =	sadd.s32 $0x70000, s6;
	[dreg:$0xa] =	wrdreg s21  }
0xf: {  	s23 =	sadd.s32 $0x80000, s6;
	[dreg:$0xb] =	wrdreg s22  }
0x10: {  	s24 =	sadd.s32 $0x90000, s6;
	[dreg:$0xc] =	wrdreg s23  }
0x11: {  	s25 =	sadd.s32 $0xA0000, s6;
	[dreg:$0xd] =	wrdreg s24  }
0x12: {  	s26 =	sadd.s32 $0xB0000, s6;
	[dreg:$0xe] =	wrdreg s25  }
0x13: {  	s28 =	sadd.s32 $0xC0000, s6;
	[dreg:$0xf] =	wrdreg s26  }
0x14: {  	s29 =	sadd.s32 $0xD0000, s6;
	[dreg:$0x10] =	wrdreg s28  }
0x15: {  	s31 =	sadd.s32 $0xE0000, s6;
	[dreg:$0x11] =	wrdreg s29  }
0x16: {  	s4 =	sadd.s32 $0xF0000, s6;
	[dreg:$0x12] =	wrdreg s31  }
0x17: {  	s5 =	sadd.s32 $0x100000, s6;
	[dreg:$0x13] =	wrdreg s4  }
0x18: {  	s7 =	sadd.s32 $0x110000, s6;
	[dreg:$0x14] =	wrdreg s5  }
0x19: {  	s8 =	sadd.s32 $0x120000, s6;
	[dreg:$0x15] =	wrdreg s7  }
0x1a: {  	s9 =	sadd.s32 $0x130000, s6;
	[dreg:$0x16] =	wrdreg s8  }
0x1b: {  	s10 =	sadd.s32 $0x140000, s6;
	[dreg:$0x17] =	wrdreg s9  }
0x1c: {  	s11 =	sadd.s32 $0x150000, s6;
	[dreg:$0x18] =	wrdreg s10  }
0x1d: {  	s12 =	sadd.s32 $0x160000, s6;
	[dreg:$0x19] =	wrdreg s11  }
0x1e: {  	s13 =	sadd.s32 $0x170000, s6;
	[dreg:$0x1a] =	wrdreg s12  }
0x1f: {  	s14 =	sadd.s32 $0x180000, s6;
	[dreg:$0x1b] =	wrdreg s13  }
0x20: {  	s15 =	sadd.s32 $0x190000, s6;
	[dreg:$0x1c] =	wrdreg s14  }
0x21: {  	[dreg:$0x1d] =	wrdreg s15;
	s16 =	sadd.s32 $0x1A0000, s6  }
0x22: {  	s17 =	sadd.s32 $0x1B0000, s6;
	[dreg:$0x1e] =	wrdreg s16  }
0x23: {  	s18 =	sadd.s32 $0x1C0000, s6;
	[dreg:$0x1f] =	wrdreg s17  }
0x24: {  	s19 =	sadd.s32 $0x1D0000, s6;
	[smem:$0x7D9] =	sst s18  }
0x25: {  	s20 =	sadd.s32 $0x1E0000, s6;
	[smem:$0x7DA] =	sst s19  }
0x26: {  	s21 =	sadd.s32 $0x1F0000, s6;
	[smem:$0x7DB] =	sst s20  }
0x27: {  	s22 =	sadd.s32 $0x200000, s6;
	[smem:$0x7DC] =	sst s21  }
0x28: {  	s23 =	sadd.s32 $0x210000, s6;
	[smem:$0x7DD] =	sst s22  }
0x29: {  	s24 =	sadd.s32 $0x220000, s6;
	[smem:$0x7DE] =	sst s23  }
0x2a: {  	s25 =	sadd.s32 $0x230000, s6;
	[smem:$0x7DF] =	sst s24  }
0x2b: {  	s26 =	sadd.s32 $0x240000, s6;
	[smem:$0x7E0] =	sst s25  }
0x2c: {  	s28 =	sadd.s32 $0x250000, s6;
	[smem:$0x7E1] =	sst s26  }
0x2d: {  	s29 =	sadd.s32 $0x260000, s6;
	[smem:$0x7E2] =	sst s28  }
0x2e: {  	s31 =	sadd.s32 $0x270000, s6;
	[smem:$0x7E3] =	sst s29  }
0x2f: {  	s4 =	sadd.s32 $0x280000, s6;
	[smem:$0x7E4] =	sst s31  }
0x30: {  	s5 =	sadd.s32 $0x290000, s6;
	[smem:$0x7E5] =	sst s4  }
0x31: {  	s7 =	sadd.s32 $0x2A0000, s6;
	[smem:$0x7E6] =	sst s5  }
0x32: {  	s8 =	sadd.s32 $0x2B0000, s6;
	[smem:$0x7E7] =	sst s7  }
0x33: {  	s9 =	sadd.s32 $0x2C0000, s6;
	[smem:$0x7E8] =	sst s8  }
0x34: {  	s10 =	sadd.s32 $0x2D0000, s6;
	[smem:$0x7E9] =	sst s9  }
0x35: {  	s11 =	sadd.s32 $0x2E0000, s6;
	[smem:$0x7EA] =	sst s10  }
0x36: {  	s12 =	sadd.s32 $0x2F0000, s6;
	[smem:$0x7EB] =	sst s11  }
0x37: {  	s13 =	sadd.s32 $0x300000, s6;
	[smem:$0x7EC] =	sst s12  }
0x38: {  	s14 =	sadd.s32 $0x310000, s6;
	[smem:$0x7ED] =	sst s13  }
0x39: {  	s15 =	sadd.s32 $0x320000, s6;
	[smem:$0x7EE] =	sst s14  }
0x3a: {  	[smem:$0x7EF] =	sst s15;
	s16 =	sadd.s32 $0x330000, s6  }
0x3b: {  	s17 =	sadd.s32 $0x340000, s6;
	[smem:$0x7F0] =	sst s16  }
0x3c: {  	s18 =	sadd.s32 $0x350000, s6;
	[smem:$0x7F1] =	sst s17  }
0x3d: {  	s30 =	simm.s32 $0x9;
	s19 =	sadd.s32 $0x360000, s6;
	[smem:$0x7F2] =	sst s18  }
0x3e: {  	s0 =	ssub.s32 $0x2, s0;
	s20 =	sadd.s32 $0x370000, s6;
	[smem:$0x7F3] =	sst s19  }
0x3f: {  	s1 =	simm.s32 $0x3;
	s21 =	sadd.s32 $0x380000, s6;
	[smem:$0x7F4] =	sst s20  }
0x40: {  	s22 =	sadd.s32 $0x390000, s6;
	s23 =	sadd.s32 $0x3A0000, s6;
	[smem:$0x7F5] =	sst s21  }
0x41: {  	s24 =	sadd.s32 $0x3B0000, s6;
	s25 =	sadd.s32 $0x3C0000, s6;
	[smem:$0x7F6] =	sst s22  }
0x42: {  	s26 =	sshrl.u32 s0, $0x1;
	s28 =	sadd.s32 $0x3D0000, s6;
	[smem:$0x7F7] =	sst s23  }
0x43: {  	s29 =	sadd.s32 $0x3E0000, s6;
	s5 =	sadd.s32 $0x100, s2;
	[smem:$0x7F8] =	sst s24  }
0x44: {  	s31 =	sadd.s32 $0x3F0000, s6;
	s6 =	sadd.s32 $0x200, s2;
	[smem:$0x7F9] =	sst s25  }
0x45: {  	s7 =	sadd.s32 $0x300, s2;
	s9 =	simm.s32 $0x4;
	[smem:$0x7FA] =	sst s28  }
0x46: {  	s11 =	simm.s32 $0xD;
	s12 =	simm.s32 $0x7;
	[smem:$0x7FB] =	sst s29  }
0x47: {  	s13 =	simm.s32 $0xE;
	s0 =	ssub.s32 s0, s26;
	[smem:$0x7FD] =	sst s31  }
0x48: {  	v2 =	vlaneseq.u32;
	s24 =	simm.s32 $0x1;
	s25 =	simm.s32 $0x8;
	s16 =	simm.s32 $0x2  }
0x49: {  	vm0 =	vmmov $0xffff;
	v1 =	vshrl.u32 v2, $0x3;
	s19 =	simm.s32 $0xB;
	s21 =	simm.s32 $0x5;
	s22 =	simm.s32 $0xC  }
0x4a: {  	v0 =	vand.u32 $0x7, v2;
	v2 =	vor.u32 $0x8, v2;
	v1 =	vmul.u32 $0x8, v1;
	s23 =	simm.s32 $0x6;
	s8 =	smax.u32 s0, $0x1;
	s0 =	simm.s32 $0xA  }
.LBB2_1:
0x4b: {  	[smem:$0x7D8] =	sst s8  }
0x4c: {  	s14 =	rddreg [dreg:$0x4];
	s17 =	simm.s32 $0xF  }
0x4d: {  	[tilespmem:s3], [sflag:$0xF] =	stream.linear.gather [hbm4b:s14+s3], $0x2000, $0x38;
	[tilespmem:$0x1E000] =	vst v63  }
0x4e: {  	_ =	swait.ge [sflag:s17], $0x2000  }
0x4f: {  	[sflag:s17] =	ssyncset.done $0x0  }
0x50: {  	[sflag:s17] =	ssyncadd.s32 $0xFFFFE000  }
0x51: {  	v3 =	vld [tilespmem:$0x0];
	_ =	sdelay $0x4  }
0x52: {  	v4 =	vshll.u32 v3, $0x3  }
0x53: {  	v3 =	vand.u32 $0x7, v3;
	v4 =	vand.u32 $0xFFFFFFC0, v4  }
0x54: {  	v3 =	vor.u32 v3, v4  }
0x55: {  	v4 =	vperm.xlane v3, v0;
	_ =	sdelay $0x1  }
0x56: {  	v4 =	vadd.s32 v1, v4;
	_ =	sdelay $0x3  }
0x57: {  	s4 =	simm.s32 $0x2000  }
0x58: {  	[tilespmem:s4], [sflag:$0x1] =	stream.indirect_vreg.gather [hbm4b:s2+s3], $0x80, v4, vm0, $0xb8;
	[tilespmem:$0x1E000] =	vst v63  }
0x59: {  	s18 =	simm.s32 $0x2800;
	v3 =	vperm.xlane v3, v2  }
0x5a: {  	[tilespmem:s18], [sflag:$0x1] =	stream.indirect_vreg.gather [hbm4b:s5+s3], $0x80, v4, vm0, $0xb8;
	[tilespmem:$0x1E000] =	vst v63  }
0x5b: {  	s20 =	simm.s32 $0x3000;
	v3 =	vadd.s32 v1, v3  }
0x5c: {  	[tilespmem:s20], [sflag:$0x1] =	stream.indirect_vreg.gather [hbm4b:s6+s3], $0x80, v4, vm0, $0xb8;
	[tilespmem:$0x1E000] =	vst v63  }
0x5d: {  	s29 =	simm.s32 $0x3800  }
0x5e: {  	[tilespmem:s29], [sflag:$0x1] =	stream.indirect_vreg.gather [hbm4b:s7+s3], $0x80, v4, vm0, $0xb8;
	[tilespmem:$0x1E000] =	vst v63  }
0x5f: {  	s31 =	simm.s32 $0x4000  }
0x60: {  	[tilespmem:s31], [sflag:$0x1] =	stream.indirect_vreg.gather [hbm4b:s2+s3], $0x80, v3, vm0, $0xb8;
	[tilespmem:$0x1E000] =	vst v63  }
0x61: {  	s4 =	simm.s32 $0x4800  }
0x62: {  	[tilespmem:s4], [sflag:$0x1] =	stream.indirect_vreg.gather [hbm4b:s5+s3], $0x80, v3, vm0, $0xb8;
	[tilespmem:$0x1E000] =	vst v63  }
0x63: {  	s8 =	simm.s32 $0x5000  }
0x64: {  	[tilespmem:s8], [sflag:$0x1] =	stream.indirect_vreg.gather [hbm4b:s6+s3], $0x80, v3, vm0, $0xb8;
	[tilespmem:$0x1E000] =	vst v63  }
0x65: {  	s10 =	simm.s32 $0x5800  }
0x66: {  	[tilespmem:s10], [sflag:$0x1] =	stream.indirect_vreg.gather [hbm4b:s7+s3], $0x80, v3, vm0, $0xb8;
	[tilespmem:$0x1E000] =	vst v63  }
0x67: {  	v3 =	vld [tilespmem:$0x80];
	_ =	sdelay $0x4  }
0x68: {  	v57 =	vshll.u32 v3, $0x3  }
0x69: {  	v3 =	vand.u32 $0x7, v3;
	v4 =	vand.u32 $0xFFFFFFC0, v57  }
0x6a: {  	v3 =	vor.u32 v3, v4  }
0x6b: {  	v4 =	vperm.xlane v3, v0;
	_ =	sdelay $0x1  }
0x6c: {  	v4 =	vadd.s32 v1, v4;
	_ =	sdelay $0x3  }
0x6d: {  	s15 =	simm.s32 $0x6000  }
0x6e: {  	[tilespmem:s15], [sflag:$0x2] =	stream.indirect_vreg.gather [hbm4b:s2+s3], $0x80, v4, vm0, $0xb8;
	[tilespmem:$0x1E000] =	vst v63  }
0x6f: {  	s17 =	simm.s32 $0x6800;
	v3 =	vperm.xlane v3, v2  }
0x70: {  	[tilespmem:s17], [sflag:$0x2] =	stream.indirect_vreg.gather [hbm4b:s5+s3], $0x80, v4, vm0, $0xb8;
	[tilespmem:$0x1E000] =	vst v63  }
0x71: {  	s20 =	simm.s32 $0x7000;
	v3 =	vadd.s32 v1, v3  }
0x72: {  	[tilespmem:s20], [sflag:$0x2] =	stream.indirect_vreg.gather [hbm4b:s6+s3], $0x80, v4, vm0, $0xb8;
	[tilespmem:$0x1E000] =	vst v63  }
0x73: {  	s4 =	simm.s32 $0x7800  }
0x74: {  	[tilespmem:s4], [sflag:$0x2] =	stream.indirect_vreg.gather [hbm4b:s7+s3], $0x80, v4, vm0, $0xb8;
	[tilespmem:$0x1E000] =	vst v63  }
0x75: {  	s10 =	simm.s32 $0x8000  }
0x76: {  	[tilespmem:s10], [sflag:$0x2] =	stream.indirect_vreg.gather [hbm4b:s2+s3], $0x80, v3, vm0, $0xb8;
	[tilespmem:$0x1E000] =	vst v63  }
0x77: {  	s15 =	simm.s32 $0x8800  }
0x78: {  	[tilespmem:s15], [sflag:$0x2] =	stream.indirect_vreg.gather [hbm4b:s5+s3], $0x80, v3, vm0, $0xb8;
	[tilespmem:$0x1E000] =	vst v63  }
0x79: {  	s17 =	simm.s32 $0x9000  }
0x7a: {  	[tilespmem:s17], [sflag:$0x2] =	stream.indirect_vreg.gather [hbm4b:s6+s3], $0x80, v3, vm0, $0xb8;
	[tilespmem:$0x1E000] =	vst v63  }
0x7b: {  	s20 =	simm.s32 $0x9800  }
0x7c: {  	[tilespmem:s20], [sflag:$0x2] =	stream.indirect_vreg.gather [hbm4b:s7+s3], $0x80, v3, vm0, $0xb8;
	[tilespmem:$0x1E000] =	vst v63  }
0x7d: {  	v3 =	vld [tilespmem:$0x100];
	_ =	sdelay $0x4  }
0x7e: {  	v58 =	vshll.u32 v3, $0x3  }
0x7f: {  	v3 =	vand.u32 $0x7, v3;
	v4 =	vand.u32 $0xFFFFFFC0, v58  }
0x80: {  	v3 =	vor.u32 v3, v4  }
0x81: {  	v4 =	vperm.xlane v3, v0;
	_ =	sdelay $0x1  }
0x82: {  	v4 =	vadd.s32 v1, v4;
	_ =	sdelay $0x3  }
0x83: {  	s4 =	simm.s32 $0xA000  }
0x84: {  	[tilespmem:s4], [sflag:$0x3] =	stream.indirect_vreg.gather [hbm4b:s2+s3], $0x80, v4, vm0, $0xb8;
	[tilespmem:$0x1E000] =	vst v63  }
0x85: {  	s10 =	simm.s32 $0xA800;
	v3 =	vperm.xlane v3, v2  }
0x86: {  	[tilespmem:s10], [sflag:$0x3] =	stream.indirect_vreg.gather [hbm4b:s5+s3], $0x80, v4, vm0, $0xb8;
	[tilespmem:$0x1E000] =	vst v63  }
0x87: {  	s15 =	simm.s32 $0xB000;
	v3 =	vadd.s32 v1, v3  }
0x88: {  	[tilespmem:s15], [sflag:$0x3] =	stream.indirect_vreg.gather [hbm4b:s6+s3], $0x80, v4, vm0, $0xb8;
	[tilespmem:$0x1E000] =	vst v63  }
0x89: {  	s20 =	simm.s32 $0xB800  }
0x8a: {  	[tilespmem:s20], [sflag:$0x3] =	stream.indirect_vreg.gather [hbm4b:s7+s3], $0x80, v4, vm0, $0xb8;
	[tilespmem:$0x1E000] =	vst v63  }
0x8b: {  	s4 =	simm.s32 $0xC000  }
0x8c: {  	[tilespmem:s4], [sflag:$0x3] =	stream.indirect_vreg.gather [hbm4b:s2+s3], $0x80, v3, vm0, $0xb8;
	[tilespmem:$0x1E000] =	vst v63  }
0x8d: {  	s10 =	simm.s32 $0xC800  }
0x8e: {  	[tilespmem:s10], [sflag:$0x3] =	stream.indirect_vreg.gather [hbm4b:s5+s3], $0x80, v3, vm0, $0xb8;
	[tilespmem:$0x1E000] =	vst v63  }
0x8f: {  	s15 =	simm.s32 $0xD000  }
0x90: {  	[tilespmem:s15], [sflag:$0x3] =	stream.indirect_vreg.gather [hbm4b:s6+s3], $0x80, v3, vm0, $0xb8;
	[tilespmem:$0x1E000] =	vst v63  }
0x91: {  	s20 =	simm.s32 $0xD800  }
0x92: {  	[tilespmem:s20], [sflag:$0x3] =	stream.indirect_vreg.gather [hbm4b:s7+s3], $0x80, v3, vm0, $0xb8;
	[tilespmem:$0x1E000] =	vst v63  }
0x93: {  	v3 =	vld [tilespmem:$0x180];
	_ =	sdelay $0x4  }
0x94: {  	v59 =	vshll.u32 v3, $0x3  }
0x95: {  	v3 =	vand.u32 $0x7, v3;
	v4 =	vand.u32 $0xFFFFFFC0, v59  }
0x96: {  	v3 =	vor.u32 v3, v4  }
0x97: {  	v4 =	vperm.xlane v3, v0;
	_ =	sdelay $0x1  }
0x98: {  	v4 =	vadd.s32 v1, v4;
	_ =	sdelay $0x3  }
0x99: {  	s4 =	simm.s32 $0xE000  }
0x9a: {  	[tilespmem:s4], [sflag:$0x4] =	stream.indirect_vreg.gather [hbm4b:s2+s3], $0x80, v4, vm0, $0xb8;
	[tilespmem:$0x1E000] =	vst v63  }
0x9b: {  	s10 =	simm.s32 $0xE800;
	v3 =	vperm.xlane v3, v2  }
0x9c: {  	[tilespmem:s10], [sflag:$0x4] =	stream.indirect_vreg.gather [hbm4b:s5+s3], $0x80, v4, vm0, $0xb8;
	[tilespmem:$0x1E000] =	vst v63  }
0x9d: {  	s15 =	simm.s32 $0xF000;
	v3 =	vadd.s32 v1, v3  }
0x9e: {  	[tilespmem:s15], [sflag:$0x4] =	stream.indirect_vreg.gather [hbm4b:s6+s3], $0x80, v4, vm0, $0xb8;
	[tilespmem:$0x1E000] =	vst v63  }
0x9f: {  	s4 =	simm.s32 $0xF800  }
0xa0: {  	[tilespmem:s4], [sflag:$0x4] =	stream.indirect_vreg.gather [hbm4b:s7+s3], $0x80, v4, vm0, $0xb8;
	[tilespmem:$0x1E000] =	vst v63  }
0xa1: {  	s10 =	simm.s32 $0x10000  }
0xa2: {  	[tilespmem:s10], [sflag:$0x4] =	stream.indirect_vreg.gather [hbm4b:s2+s3], $0x80, v3, vm0, $0xb8;
	[tilespmem:$0x1E000] =	vst v63  }
0xa3: {  	s15 =	simm.s32 $0x10800  }
0xa4: {  	[tilespmem:s15], [sflag:$0x4] =	stream.indirect_vreg.gather [hbm4b:s5+s3], $0x80, v3, vm0, $0xb8;
	[tilespmem:$0x1E000] =	vst v63  }
0xa5: {  	s4 =	simm.s32 $0x11000  }
0xa6: {  	[tilespmem:s4], [sflag:$0x4] =	stream.indirect_vreg.gather [hbm4b:s6+s3], $0x80, v3, vm0, $0xb8;
	[tilespmem:$0x1E000] =	vst v63  }
0xa7: {  	s10 =	simm.s32 $0x11800  }
0xa8: {  	[tilespmem:s10], [sflag:$0x4] =	stream.indirect_vreg.gather [hbm4b:s7+s3], $0x80, v3, vm0, $0xb8;
	[tilespmem:$0x1E000] =	vst v63  }
0xa9: {  	v3 =	vld [tilespmem:$0x200];
	_ =	sdelay $0x4  }
0xaa: {  	v60 =	vshll.u32 v3, $0x3  }
0xab: {  	v3 =	vand.u32 $0x7, v3;
	v4 =	vand.u32 $0xFFFFFFC0, v60  }
0xac: {  	v3 =	vor.u32 v3, v4  }
0xad: {  	v4 =	vperm.xlane v3, v0;
	_ =	sdelay $0x1  }
0xae: {  	v4 =	vadd.s32 v1, v4;
	_ =	sdelay $0x3  }
0xaf: {  	s15 =	simm.s32 $0x12000  }
0xb0: {  	[tilespmem:s15], [sflag:$0x5] =	stream.indirect_vreg.gather [hbm4b:s2+s3], $0x80, v4, vm0, $0xb8;
	[tilespmem:$0x1E000] =	vst v63  }
0xb1: {  	s4 =	simm.s32 $0x12800;
	v3 =	vperm.xlane v3, v2  }
0xb2: {  	[tilespmem:s4], [sflag:$0x5] =	stream.indirect_vreg.gather [hbm4b:s5+s3], $0x80, v4, vm0, $0xb8;
	[tilespmem:$0x1E000] =	vst v63  }
0xb3: {  	v3 =	vadd.s32 v1, v3;
	s15 =	simm.s32 $0x13000  }
0xb4: {  	[tilespmem:s15], [sflag:$0x5] =	stream.indirect_vreg.gather [hbm4b:s6+s3], $0x80, v4, vm0, $0xb8;
	[tilespmem:$0x1E000] =	vst v63  }
0xb5: {  	s4 =	simm.s32 $0x13800  }
0xb6: {  	[tilespmem:s4], [sflag:$0x5] =	stream.indirect_vreg.gather [hbm4b:s7+s3], $0x80, v4, vm0, $0xb8;
	[tilespmem:$0x1E000] =	vst v63  }
0xb7: {  	s15 =	simm.s32 $0x14000  }
0xb8: {  	[tilespmem:s15], [sflag:$0x5] =	stream.indirect_vreg.gather [hbm4b:s2+s3], $0x80, v3, vm0, $0xb8;
	[tilespmem:$0x1E000] =	vst v63  }
0xb9: {  	s4 =	simm.s32 $0x14800  }
0xba: {  	[tilespmem:s4], [sflag:$0x5] =	stream.indirect_vreg.gather [hbm4b:s5+s3], $0x80, v3, vm0, $0xb8;
	[tilespmem:$0x1E000] =	vst v63  }
0xbb: {  	s15 =	simm.s32 $0x15000  }
0xbc: {  	[tilespmem:s15], [sflag:$0x5] =	stream.indirect_vreg.gather [hbm4b:s6+s3], $0x80, v3, vm0, $0xb8;
	[tilespmem:$0x1E000] =	vst v63  }
0xbd: {  	s4 =	simm.s32 $0x15800  }
0xbe: {  	[tilespmem:s4], [sflag:$0x5] =	stream.indirect_vreg.gather [hbm4b:s7+s3], $0x80, v3, vm0, $0xb8;
	[tilespmem:$0x1E000] =	vst v63  }
0xbf: {  	v3 =	vld [tilespmem:$0x280];
	_ =	sdelay $0x4  }
0xc0: {  	v61 =	vshll.u32 v3, $0x3  }
0xc1: {  	v3 =	vand.u32 $0x7, v3;
	v4 =	vand.u32 $0xFFFFFFC0, v61  }
0xc2: {  	v3 =	vor.u32 v3, v4  }
0xc3: {  	v4 =	vperm.xlane v3, v0;
	_ =	sdelay $0x1  }
0xc4: {  	v4 =	vadd.s32 v1, v4;
	_ =	sdelay $0x3  }
0xc5: {  	s15 =	simm.s32 $0x16000  }
0xc6: {  	[tilespmem:s15], [sflag:$0x6] =	stream.indirect_vreg.gather [hbm4b:s2+s3], $0x80, v4, vm0, $0xb8;
	[tilespmem:$0x1E000] =	vst v63  }
0xc7: {  	s4 =	simm.s32 $0x16800;
	v3 =	vperm.xlane v3, v2  }
0xc8: {  	[tilespmem:s4], [sflag:$0x6] =	stream.indirect_vreg.gather [hbm4b:s5+s3], $0x80, v4, vm0, $0xb8;
	[tilespmem:$0x1E000] =	vst v63  }
0xc9: {  	v3 =	vadd.s32 v1, v3;
	s4 =	simm.s32 $0x17000  }
0xca: {  	[tilespmem:s4], [sflag:$0x6] =	stream.indirect_vreg.gather [hbm4b:s6+s3], $0x80, v4, vm0, $0xb8;
	[tilespmem:$0x1E000] =	vst v63  }
0xcb: {  	s4 =	simm.s32 $0x17800  }
0xcc: {  	[tilespmem:s4], [sflag:$0x6] =	stream.indirect_vreg.gather [hbm4b:s7+s3], $0x80, v4, vm0, $0xb8;
	[tilespmem:$0x1E000] =	vst v63  }
0xcd: {  	s4 =	simm.s32 $0x18000  }
0xce: {  	[tilespmem:s4], [sflag:$0x6] =	stream.indirect_vreg.gather [hbm4b:s2+s3], $0x80, v3, vm0, $0xb8;
	[tilespmem:$0x1E000] =	vst v63  }
0xcf: {  	s4 =	simm.s32 $0x18800  }
0xd0: {  	[tilespmem:s4], [sflag:$0x6] =	stream.indirect_vreg.gather [hbm4b:s5+s3], $0x80, v3, vm0, $0xb8;
	[tilespmem:$0x1E000] =	vst v63  }
0xd1: {  	s4 =	simm.s32 $0x19000  }
0xd2: {  	[tilespmem:s4], [sflag:$0x6] =	stream.indirect_vreg.gather [hbm4b:s6+s3], $0x80, v3, vm0, $0xb8;
	[tilespmem:$0x1E000] =	vst v63  }
0xd3: {  	s4 =	simm.s32 $0x19800  }
0xd4: {  	[tilespmem:s4], [sflag:$0x6] =	stream.indirect_vreg.gather [hbm4b:s7+s3], $0x80, v3, vm0, $0xb8;
	[tilespmem:$0x1E000] =	vst v63  }
0xd5: {  	v3 =	vld [tilespmem:$0x300];
	_ =	sdelay $0x4  }
0xd6: {  	v62 =	vshll.u32 v3, $0x3  }
0xd7: {  	v3 =	vand.u32 $0x7, v3;
	v4 =	vand.u32 $0xFFFFFFC0, v62  }
0xd8: {  	v3 =	vor.u32 v3, v4  }
0xd9: {  	v4 =	vperm.xlane v3, v0;
	_ =	sdelay $0x1  }
0xda: {  	v4 =	vadd.s32 v1, v4;
	_ =	sdelay $0x3  }
0xdb: {  	s4 =	simm.s32 $0x1A000  }
0xdc: {  	[tilespmem:s4], [sflag:$0x7] =	stream.indirect_vreg.gather [hbm4b:s2+s3], $0x80, v4, vm0, $0xb8;
	[tilespmem:$0x1E000] =	vst v63  }
0xdd: {  	s14 =	simm.s32 $0x1A800;
	v3 =	vperm.xlane v3, v2  }
0xde: {  	[tilespmem:s14], [sflag:$0x7] =	stream.indirect_vreg.gather [hbm4b:s5+s3], $0x80, v4, vm0, $0xb8;
	[tilespmem:$0x1E000] =	vst v63  }
0xdf: {  	v3 =	vadd.s32 v1, v3;
	s14 =	simm.s32 $0x1B000  }
0xe0: {  	[tilespmem:s14], [sflag:$0x7] =	stream.indirect_vreg.gather [hbm4b:s6+s3], $0x80, v4, vm0, $0xb8;
	[tilespmem:$0x1E000] =	vst v63  }
0xe1: {  	s14 =	simm.s32 $0x1B800  }
0xe2: {  	[tilespmem:s14], [sflag:$0x7] =	stream.indirect_vreg.gather [hbm4b:s7+s3], $0x80, v4, vm0, $0xb8;
	[tilespmem:$0x1E000] =	vst v63  }
0xe3: {  	s14 =	simm.s32 $0x1C000  }
0xe4: {  	[tilespmem:s14], [sflag:$0x7] =	stream.indirect_vreg.gather [hbm4b:s2+s3], $0x80, v3, vm0, $0xb8;
	[tilespmem:$0x1E000] =	vst v63  }
0xe5: {  	s14 =	simm.s32 $0x1C800  }
0xe6: {  	[tilespmem:s14], [sflag:$0x7] =	stream.indirect_vreg.gather [hbm4b:s5+s3], $0x80, v3, vm0, $0xb8;
	[tilespmem:$0x1E000] =	vst v63  }
0xe7: {  	s14 =	simm.s32 $0x1D000  }
0xe8: {  	[tilespmem:s14], [sflag:$0x7] =	stream.indirect_vreg.gather [hbm4b:s6+s3], $0x80, v3, vm0, $0xb8;
	[tilespmem:$0x1E000] =	vst v63  }
0xe9: {  	s14 =	simm.s32 $0x1D800  }
0xea: {  	[tilespmem:s14], [sflag:$0x7] =	stream.indirect_vreg.gather [hbm4b:s7+s3], $0x80, v3, vm0, $0xb8;
	[tilespmem:$0x1E000] =	vst v63  }
0xeb: {  	_ =	swait.ge [sflag:s24], $0x4000  }
0xec: {  	s14 =	sld [smem:$0x7FC]  }
0xed: {  	[sflag:s24] =	ssyncset.done $0x0  }
0xee: {  	s26 =	simm.s32 $0x2000;
	[sflag:s24] =	ssyncadd.s32 $0xFFFFC000  }
0xef: {  	[hbm4b:s14+s3] =	stream.linear.scatter [tilespmem:s26], [sflag:$0x8], $0x4000, $0x38;
	[tilespmem:$0x1E000] =	vst v63  }
0xf0: {  	_ =	swait.ge [sflag:s25], $0x4000  }
0xf1: {  	[sflag:s25] =	ssyncset.done $0x0  }
0xf2: {  	[sflag:s25] =	ssyncadd.s32 $0xFFFFC000  }
0xf3: {  	v3 =	vld [tilespmem:$0x380];
	_ =	sdelay $0x4  }
0xf4: {  	v63 =	vshll.u32 v3, $0x3  }
0xf5: {  	v3 =	vand.u32 $0x7, v3;
	v4 =	vand.u32 $0xFFFFFFC0, v63  }
0xf6: {  	v3 =	vor.u32 v3, v4  }
0xf7: {  	v4 =	vperm.xlane v3, v0;
	_ =	sdelay $0x1  }
0xf8: {  	v4 =	vadd.s32 v1, v4;
	_ =	sdelay $0x4  }
0xf9: {  	[tilespmem:s26], [sflag:$0x1] =	stream.indirect_vreg.gather [hbm4b:s2+s3], $0x80, v4, vm0, $0xb8;
	[tilespmem:$0x1E000] =	vst v63  }
0xfa: {  	s28 =	simm.s32 $0x2800;
	v3 =	vperm.xlane v3, v2  }
0xfb: {  	[tilespmem:s28], [sflag:$0x1] =	stream.indirect_vreg.gather [hbm4b:s5+s3], $0x80, v4, vm0, $0xb8;
	[tilespmem:$0x1E000] =	vst v63  }
0xfc: {  	v3 =	vadd.s32 v1, v3;
	s28 =	simm.s32 $0x3000  }
0xfd: {  	[tilespmem:s28], [sflag:$0x1] =	stream.indirect_vreg.gather [hbm4b:s6+s3], $0x80, v4, vm0, $0xb8;
	[tilespmem:$0x1E000] =	vst v63  }
0xfe: {  	s28 =	simm.s32 $0x3800  }
0xff: {  	[tilespmem:s28], [sflag:$0x1] =	stream.indirect_vreg.gather [hbm4b:s7+s3], $0x80, v4, vm0, $0xb8;
	[tilespmem:$0x1E000] =	vst v63  }
0x100: {  	s28 =	simm.s32 $0x4000  }
0x101: {  	[tilespmem:s28], [sflag:$0x1] =	stream.indirect_vreg.gather [hbm4b:s2+s3], $0x80, v3, vm0, $0xb8;
	[tilespmem:$0x1E000] =	vst v63  }
0x102: {  	s29 =	simm.s32 $0x4800  }
0x103: {  	[tilespmem:s29], [sflag:$0x1] =	stream.indirect_vreg.gather [hbm4b:s5+s3], $0x80, v3, vm0, $0xb8;
	[tilespmem:$0x1E000] =	vst v63  }
0x104: {  	s18 =	simm.s32 $0x5000  }
0x105: {  	[tilespmem:s18], [sflag:$0x1] =	stream.indirect_vreg.gather [hbm4b:s6+s3], $0x80, v3, vm0, $0xb8;
	[tilespmem:$0x1E000] =	vst v63  }
0x106: {  	s31 =	simm.s32 $0x5800  }
0x107: {  	[tilespmem:s31], [sflag:$0x1] =	stream.indirect_vreg.gather [hbm4b:s7+s3], $0x80, v3, vm0, $0xb8;
	[tilespmem:$0x1E000] =	vst v63  }
0x108: {  	_ =	swait.ge [sflag:s16], $0x4000  }
0x109: {  	[sflag:s16] =	ssyncset.done $0x0  }
0x10a: {  	s8 =	simm.s32 $0x6000;
	s29 =	rddreg [dreg:$0x5];
	[sflag:s16] =	ssyncadd.s32 $0xFFFFC000  }
0x10b: {  	[hbm4b:s29+s3] =	stream.linear.scatter [tilespmem:s8], [sflag:$0x9], $0x4000, $0x38;
	[tilespmem:$0x1E000] =	vst v63  }
0x10c: {  	_ =	swait.ge [sflag:s30], $0x4000  }
0x10d: {  	[sflag:s30] =	ssyncset.done $0x0  }
0x10e: {  	[sflag:s30] =	ssyncadd.s32 $0xFFFFC000  }
0x10f: {  	v3 =	vld [tilespmem:$0x400];
	_ =	sdelay $0x4  }
0x110: {  	v8 =	vshll.u32 v3, $0x3  }
0x111: {  	v3 =	vand.u32 $0x7, v3;
	v4 =	vand.u32 $0xFFFFFFC0, v8  }
0x112: {  	v3 =	vor.u32 v3, v4  }
0x113: {  	v4 =	vperm.xlane v3, v0;
	_ =	sdelay $0x1  }
0x114: {  	v4 =	vadd.s32 v1, v4;
	_ =	sdelay $0x4  }
0x115: {  	[tilespmem:s8], [sflag:$0x2] =	stream.indirect_vreg.gather [hbm4b:s2+s3], $0x80, v4, vm0, $0xb8;
	[tilespmem:$0x1E000] =	vst v63  }
0x116: {  	s31 =	simm.s32 $0x6800;
	v3 =	vperm.xlane v3, v2  }
0x117: {  	[tilespmem:s31], [sflag:$0x2] =	stream.indirect_vreg.gather [hbm4b:s5+s3], $0x80, v4, vm0, $0xb8;
	[tilespmem:$0x1E000] =	vst v63  }
0x118: {  	s29 =	simm.s32 $0x7000;
	v3 =	vadd.s32 v1, v3  }
0x119: {  	[tilespmem:s29], [sflag:$0x2] =	stream.indirect_vreg.gather [hbm4b:s6+s3], $0x80, v4, vm0, $0xb8;
	[tilespmem:$0x1E000] =	vst v63  }
0x11a: {  	s31 =	simm.s32 $0x7800  }
0x11b: {  	[tilespmem:s31], [sflag:$0x2] =	stream.indirect_vreg.gather [hbm4b:s7+s3], $0x80, v4, vm0, $0xb8;
	[tilespmem:$0x1E000] =	vst v63  }
0x11c: {  	s29 =	simm.s32 $0x8000  }
0x11d: {  	[tilespmem:s29], [sflag:$0x2] =	stream.indirect_vreg.gather [hbm4b:s2+s3], $0x80, v3, vm0, $0xb8;
	[tilespmem:$0x1E000] =	vst v63  }
0x11e: {  	s31 =	simm.s32 $0x8800  }
0x11f: {  	[tilespmem:s31], [sflag:$0x2] =	stream.indirect_vreg.gather [hbm4b:s5+s3], $0x80, v3, vm0, $0xb8;
	[tilespmem:$0x1E000] =	vst v63  }
0x120: {  	s29 =	simm.s32 $0x9000  }
0x121: {  	[tilespmem:s29], [sflag:$0x2] =	stream.indirect_vreg.gather [hbm4b:s6+s3], $0x80, v3, vm0, $0xb8;
	[tilespmem:$0x1E000] =	vst v63  }
0x122: {  	s31 =	simm.s32 $0x9800  }
0x123: {  	[tilespmem:s31], [sflag:$0x2] =	stream.indirect_vreg.gather [hbm4b:s7+s3], $0x80, v3, vm0, $0xb8;
	[tilespmem:$0x1E000] =	vst v63  }
0x124: {  	_ =	swait.ge [sflag:s1], $0x4000  }
0x125: {  	[sflag:s1] =	ssyncset.done $0x0  }
0x126: {  	s17 =	simm.s32 $0xA000;
	s29 =	rddreg [dreg:$0x6];
	[sflag:s1] =	ssyncadd.s32 $0xFFFFC000  }
0x127: {  	[hbm4b:s29+s3] =	stream.linear.scatter [tilespmem:s17], [sflag:$0xA], $0x4000, $0x38;
	[tilespmem:$0x1E000] =	vst v63  }
0x128: {  	_ =	swait.ge [sflag:s0], $0x4000  }
0x129: {  	[sflag:s0] =	ssyncset.done $0x0  }
0x12a: {  	[sflag:s0] =	ssyncadd.s32 $0xFFFFC000  }
0x12b: {  	v3 =	vld [tilespmem:$0x480];
	_ =	sdelay $0x4  }
0x12c: {  	v9 =	vshll.u32 v3, $0x3  }
0x12d: {  	v3 =	vand.u32 $0x7, v3;
	v4 =	vand.u32 $0xFFFFFFC0, v9  }
0x12e: {  	v3 =	vor.u32 v3, v4  }
0x12f: {  	v4 =	vperm.xlane v3, v0;
	_ =	sdelay $0x1  }
0x130: {  	v4 =	vadd.s32 v1, v4;
	_ =	sdelay $0x4  }
0x131: {  	[tilespmem:s17], [sflag:$0x3] =	stream.indirect_vreg.gather [hbm4b:s2+s3], $0x80, v4, vm0, $0xb8;
	[tilespmem:$0x1E000] =	vst v63  }
0x132: {  	s31 =	simm.s32 $0xA800;
	v3 =	vperm.xlane v3, v2  }
0x133: {  	[tilespmem:s31], [sflag:$0x3] =	stream.indirect_vreg.gather [hbm4b:s5+s3], $0x80, v4, vm0, $0xb8;
	[tilespmem:$0x1E000] =	vst v63  }
0x134: {  	s29 =	simm.s32 $0xB000;
	v3 =	vadd.s32 v1, v3  }
0x135: {  	[tilespmem:s29], [sflag:$0x3] =	stream.indirect_vreg.gather [hbm4b:s6+s3], $0x80, v4, vm0, $0xb8;
	[tilespmem:$0x1E000] =	vst v63  }
0x136: {  	s31 =	simm.s32 $0xB800  }
0x137: {  	[tilespmem:s31], [sflag:$0x3] =	stream.indirect_vreg.gather [hbm4b:s7+s3], $0x80, v4, vm0, $0xb8;
	[tilespmem:$0x1E000] =	vst v63  }
0x138: {  	s29 =	simm.s32 $0xC000  }
0x139: {  	[tilespmem:s29], [sflag:$0x3] =	stream.indirect_vreg.gather [hbm4b:s2+s3], $0x80, v3, vm0, $0xb8;
	[tilespmem:$0x1E000] =	vst v63  }
0x13a: {  	s31 =	simm.s32 $0xC800  }
0x13b: {  	[tilespmem:s31], [sflag:$0x3] =	stream.indirect_vreg.gather [hbm4b:s5+s3], $0x80, v3, vm0, $0xb8;
	[tilespmem:$0x1E000] =	vst v63  }
0x13c: {  	s29 =	simm.s32 $0xD000  }
0x13d: {  	[tilespmem:s29], [sflag:$0x3] =	stream.indirect_vreg.gather [hbm4b:s6+s3], $0x80, v3, vm0, $0xb8;
	[tilespmem:$0x1E000] =	vst v63  }
0x13e: {  	s31 =	simm.s32 $0xD800  }
0x13f: {  	[tilespmem:s31], [sflag:$0x3] =	stream.indirect_vreg.gather [hbm4b:s7+s3], $0x80, v3, vm0, $0xb8;
	[tilespmem:$0x1E000] =	vst v63  }
0x140: {  	_ =	swait.ge [sflag:s9], $0x4000  }
0x141: {  	[sflag:s9] =	ssyncset.done $0x0  }
0x142: {  	s20 =	simm.s32 $0xE000;
	s29 =	rddreg [dreg:$0x7];
	[sflag:s9] =	ssyncadd.s32 $0xFFFFC000  }
0x143: {  	[hbm4b:s29+s3] =	stream.linear.scatter [tilespmem:s20], [sflag:$0xB], $0x4000, $0x38;
	[tilespmem:$0x1E000] =	vst v63  }
0x144: {  	_ =	swait.ge [sflag:s19], $0x4000  }
0x145: {  	[sflag:s19] =	ssyncset.done $0x0  }
0x146: {  	[sflag:s19] =	ssyncadd.s32 $0xFFFFC000  }
0x147: {  	v3 =	vld [tilespmem:$0x500];
	_ =	sdelay $0x4  }
0x148: {  	v10 =	vshll.u32 v3, $0x3  }
0x149: {  	v3 =	vand.u32 $0x7, v3;
	v4 =	vand.u32 $0xFFFFFFC0, v10  }
0x14a: {  	v3 =	vor.u32 v3, v4  }
0x14b: {  	v4 =	vperm.xlane v3, v0;
	_ =	sdelay $0x1  }
0x14c: {  	v4 =	vadd.s32 v1, v4;
	_ =	sdelay $0x4  }
0x14d: {  	[tilespmem:s20], [sflag:$0x4] =	stream.indirect_vreg.gather [hbm4b:s2+s3], $0x80, v4, vm0, $0xb8;
	[tilespmem:$0x1E000] =	vst v63  }
0x14e: {  	s31 =	simm.s32 $0xE800;
	v3 =	vperm.xlane v3, v2  }
0x14f: {  	[tilespmem:s31], [sflag:$0x4] =	stream.indirect_vreg.gather [hbm4b:s5+s3], $0x80, v4, vm0, $0xb8;
	[tilespmem:$0x1E000] =	vst v63  }
0x150: {  	s29 =	simm.s32 $0xF000;
	v3 =	vadd.s32 v1, v3  }
0x151: {  	[tilespmem:s29], [sflag:$0x4] =	stream.indirect_vreg.gather [hbm4b:s6+s3], $0x80, v4, vm0, $0xb8;
	[tilespmem:$0x1E000] =	vst v63  }
0x152: {  	s31 =	simm.s32 $0xF800  }
0x153: {  	[tilespmem:s31], [sflag:$0x4] =	stream.indirect_vreg.gather [hbm4b:s7+s3], $0x80, v4, vm0, $0xb8;
	[tilespmem:$0x1E000] =	vst v63  }
0x154: {  	s29 =	simm.s32 $0x10000  }
0x155: {  	[tilespmem:s29], [sflag:$0x4] =	stream.indirect_vreg.gather [hbm4b:s2+s3], $0x80, v3, vm0, $0xb8;
	[tilespmem:$0x1E000] =	vst v63  }
0x156: {  	s31 =	simm.s32 $0x10800  }
0x157: {  	[tilespmem:s31], [sflag:$0x4] =	stream.indirect_vreg.gather [hbm4b:s5+s3], $0x80, v3, vm0, $0xb8;
	[tilespmem:$0x1E000] =	vst v63  }
0x158: {  	s29 =	simm.s32 $0x11000  }
0x159: {  	[tilespmem:s29], [sflag:$0x4] =	stream.indirect_vreg.gather [hbm4b:s6+s3], $0x80, v3, vm0, $0xb8;
	[tilespmem:$0x1E000] =	vst v63  }
0x15a: {  	s31 =	simm.s32 $0x11800  }
0x15b: {  	[tilespmem:s31], [sflag:$0x4] =	stream.indirect_vreg.gather [hbm4b:s7+s3], $0x80, v3, vm0, $0xb8;
	[tilespmem:$0x1E000] =	vst v63  }
0x15c: {  	_ =	swait.ge [sflag:s21], $0x4000  }
0x15d: {  	[sflag:s21] =	ssyncset.done $0x0  }
0x15e: {  	s10 =	simm.s32 $0x12000;
	s29 =	rddreg [dreg:$0x8];
	[sflag:s21] =	ssyncadd.s32 $0xFFFFC000  }
0x15f: {  	[hbm4b:s29+s3] =	stream.linear.scatter [tilespmem:s10], [sflag:$0xC], $0x4000, $0x38;
	[tilespmem:$0x1E000] =	vst v63  }
0x160: {  	_ =	swait.ge [sflag:s22], $0x4000  }
0x161: {  	[sflag:s22] =	ssyncset.done $0x0  }
0x162: {  	[sflag:s22] =	ssyncadd.s32 $0xFFFFC000  }
0x163: {  	v3 =	vld [tilespmem:$0x580];
	_ =	sdelay $0x4  }
0x164: {  	v11 =	vshll.u32 v3, $0x3  }
0x165: {  	v3 =	vand.u32 $0x7, v3;
	v4 =	vand.u32 $0xFFFFFFC0, v11  }
0x166: {  	v3 =	vor.u32 v3, v4  }
0x167: {  	v4 =	vperm.xlane v3, v0;
	_ =	sdelay $0x1  }
0x168: {  	v4 =	vadd.s32 v1, v4;
	_ =	sdelay $0x4  }
0x169: {  	[tilespmem:s10], [sflag:$0x5] =	stream.indirect_vreg.gather [hbm4b:s2+s3], $0x80, v4, vm0, $0xb8;
	[tilespmem:$0x1E000] =	vst v63  }
0x16a: {  	s31 =	simm.s32 $0x12800;
	v3 =	vperm.xlane v3, v2  }
0x16b: {  	[tilespmem:s31], [sflag:$0x5] =	stream.indirect_vreg.gather [hbm4b:s5+s3], $0x80, v4, vm0, $0xb8;
	[tilespmem:$0x1E000] =	vst v63  }
0x16c: {  	s29 =	simm.s32 $0x13000;
	v3 =	vadd.s32 v1, v3  }
0x16d: {  	[tilespmem:s29], [sflag:$0x5] =	stream.indirect_vreg.gather [hbm4b:s6+s3], $0x80, v4, vm0, $0xb8;
	[tilespmem:$0x1E000] =	vst v63  }
0x16e: {  	s31 =	simm.s32 $0x13800  }
0x16f: {  	[tilespmem:s31], [sflag:$0x5] =	stream.indirect_vreg.gather [hbm4b:s7+s3], $0x80, v4, vm0, $0xb8;
	[tilespmem:$0x1E000] =	vst v63  }
0x170: {  	s29 =	simm.s32 $0x14000  }
0x171: {  	[tilespmem:s29], [sflag:$0x5] =	stream.indirect_vreg.gather [hbm4b:s2+s3], $0x80, v3, vm0, $0xb8;
	[tilespmem:$0x1E000] =	vst v63  }
0x172: {  	s31 =	simm.s32 $0x14800  }
0x173: {  	[tilespmem:s31], [sflag:$0x5] =	stream.indirect_vreg.gather [hbm4b:s5+s3], $0x80, v3, vm0, $0xb8;
	[tilespmem:$0x1E000] =	vst v63  }
0x174: {  	s29 =	simm.s32 $0x15000  }
0x175: {  	[tilespmem:s29], [sflag:$0x5] =	stream.indirect_vreg.gather [hbm4b:s6+s3], $0x80, v3, vm0, $0xb8;
	[tilespmem:$0x1E000] =	vst v63  }
0x176: {  	s31 =	simm.s32 $0x15800  }
0x177: {  	[tilespmem:s31], [sflag:$0x5] =	stream.indirect_vreg.gather [hbm4b:s7+s3], $0x80, v3, vm0, $0xb8;
	[tilespmem:$0x1E000] =	vst v63  }
0x178: {  	_ =	swait.ge [sflag:s23], $0x4000  }
0x179: {  	[sflag:s23] =	ssyncset.done $0x0  }
0x17a: {  	s15 =	simm.s32 $0x16000;
	s29 =	rddreg [dreg:$0x9];
	[sflag:s23] =	ssyncadd.s32 $0xFFFFC000  }
0x17b: {  	[hbm4b:s29+s3] =	stream.linear.scatter [tilespmem:s15], [sflag:$0xD], $0x4000, $0x38;
	[tilespmem:$0x1E000] =	vst v63  }
0x17c: {  	_ =	swait.ge [sflag:s11], $0x4000  }
0x17d: {  	[sflag:s11] =	ssyncset.done $0x0  }
0x17e: {  	[sflag:s11] =	ssyncadd.s32 $0xFFFFC000  }
0x17f: {  	v3 =	vld [tilespmem:$0x600];
	_ =	sdelay $0x4  }
0x180: {  	v12 =	vshll.u32 v3, $0x3  }
0x181: {  	v3 =	vand.u32 $0x7, v3;
	v4 =	vand.u32 $0xFFFFFFC0, v12  }
0x182: {  	v3 =	vor.u32 v3, v4  }
0x183: {  	v4 =	vperm.xlane v3, v0;
	_ =	sdelay $0x1  }
0x184: {  	v4 =	vadd.s32 v1, v4;
	_ =	sdelay $0x4  }
0x185: {  	[tilespmem:s15], [sflag:$0x6] =	stream.indirect_vreg.gather [hbm4b:s2+s3], $0x80, v4, vm0, $0xb8;
	[tilespmem:$0x1E000] =	vst v63  }
0x186: {  	s31 =	simm.s32 $0x16800;
	v3 =	vperm.xlane v3, v2  }
0x187: {  	[tilespmem:s31], [sflag:$0x6] =	stream.indirect_vreg.gather [hbm4b:s5+s3], $0x80, v4, vm0, $0xb8;
	[tilespmem:$0x1E000] =	vst v63  }
0x188: {  	s29 =	simm.s32 $0x17000;
	v3 =	vadd.s32 v1, v3  }
0x189: {  	[tilespmem:s29], [sflag:$0x6] =	stream.indirect_vreg.gather [hbm4b:s6+s3], $0x80, v4, vm0, $0xb8;
	[tilespmem:$0x1E000] =	vst v63  }
0x18a: {  	s31 =	simm.s32 $0x17800  }
0x18b: {  	[tilespmem:s31], [sflag:$0x6] =	stream.indirect_vreg.gather [hbm4b:s7+s3], $0x80, v4, vm0, $0xb8;
	[tilespmem:$0x1E000] =	vst v63  }
0x18c: {  	s29 =	simm.s32 $0x18000  }
0x18d: {  	[tilespmem:s29], [sflag:$0x6] =	stream.indirect_vreg.gather [hbm4b:s2+s3], $0x80, v3, vm0, $0xb8;
	[tilespmem:$0x1E000] =	vst v63  }
0x18e: {  	s31 =	simm.s32 $0x18800  }
0x18f: {  	[tilespmem:s31], [sflag:$0x6] =	stream.indirect_vreg.gather [hbm4b:s5+s3], $0x80, v3, vm0, $0xb8;
	[tilespmem:$0x1E000] =	vst v63  }
0x190: {  	s29 =	simm.s32 $0x19000  }
0x191: {  	[tilespmem:s29], [sflag:$0x6] =	stream.indirect_vreg.gather [hbm4b:s6+s3], $0x80, v3, vm0, $0xb8;
	[tilespmem:$0x1E000] =	vst v63  }
0x192: {  	s31 =	simm.s32 $0x19800  }
0x193: {  	[tilespmem:s31], [sflag:$0x6] =	stream.indirect_vreg.gather [hbm4b:s7+s3], $0x80, v3, vm0, $0xb8;
	[tilespmem:$0x1E000] =	vst v63  }
0x194: {  	_ =	swait.ge [sflag:s12], $0x4000  }
0x195: {  	[sflag:s12] =	ssyncset.done $0x0  }
0x196: {  	s4 =	simm.s32 $0x1A000;
	s29 =	rddreg [dreg:$0xa];
	[sflag:s12] =	ssyncadd.s32 $0xFFFFC000  }
0x197: {  	[hbm4b:s29+s3] =	stream.linear.scatter [tilespmem:s4], [sflag:$0xE], $0x4000, $0x38;
	[tilespmem:$0x1E000] =	vst v63  }
0x198: {  	_ =	swait.ge [sflag:s13], $0x4000  }
0x199: {  	[sflag:s13] =	ssyncset.done $0x0  }
0x19a: {  	[sflag:s13] =	ssyncadd.s32 $0xFFFFC000  }
0x19b: {  	v3 =	vld [tilespmem:$0x680];
	_ =	sdelay $0x4  }
0x19c: {  	v13 =	vshll.u32 v3, $0x3  }
0x19d: {  	v3 =	vand.u32 $0x7, v3;
	v4 =	vand.u32 $0xFFFFFFC0, v13  }
0x19e: {  	v3 =	vor.u32 v3, v4  }
0x19f: {  	v4 =	vperm.xlane v3, v0;
	_ =	sdelay $0x1  }
0x1a0: {  	v4 =	vadd.s32 v1, v4;
	_ =	sdelay $0x4  }
0x1a1: {  	[tilespmem:s4], [sflag:$0x7] =	stream.indirect_vreg.gather [hbm4b:s2+s3], $0x80, v4, vm0, $0xb8;
	[tilespmem:$0x1E000] =	vst v63  }
0x1a2: {  	s31 =	simm.s32 $0x1A800;
	v3 =	vperm.xlane v3, v2  }
0x1a3: {  	[tilespmem:s31], [sflag:$0x7] =	stream.indirect_vreg.gather [hbm4b:s5+s3], $0x80, v4, vm0, $0xb8;
	[tilespmem:$0x1E000] =	vst v63  }
0x1a4: {  	s14 =	simm.s32 $0x1B000;
	v3 =	vadd.s32 v1, v3  }
0x1a5: {  	[tilespmem:s14], [sflag:$0x7] =	stream.indirect_vreg.gather [hbm4b:s6+s3], $0x80, v4, vm0, $0xb8;
	[tilespmem:$0x1E000] =	vst v63  }
0x1a6: {  	s29 =	simm.s32 $0x1B800  }
0x1a7: {  	[tilespmem:s29], [sflag:$0x7] =	stream.indirect_vreg.gather [hbm4b:s7+s3], $0x80, v4, vm0, $0xb8;
	[tilespmem:$0x1E000] =	vst v63  }
0x1a8: {  	s31 =	simm.s32 $0x1C000  }
0x1a9: {  	[tilespmem:s31], [sflag:$0x7] =	stream.indirect_vreg.gather [hbm4b:s2+s3], $0x80, v3, vm0, $0xb8;
	[tilespmem:$0x1E000] =	vst v63  }
0x1aa: {  	s14 =	simm.s32 $0x1C800  }
0x1ab: {  	[tilespmem:s14], [sflag:$0x7] =	stream.indirect_vreg.gather [hbm4b:s5+s3], $0x80, v3, vm0, $0xb8;
	[tilespmem:$0x1E000] =	vst v63  }
0x1ac: {  	s29 =	simm.s32 $0x1D000  }
0x1ad: {  	[tilespmem:s29], [sflag:$0x7] =	stream.indirect_vreg.gather [hbm4b:s6+s3], $0x80, v3, vm0, $0xb8;
	[tilespmem:$0x1E000] =	vst v63  }
0x1ae: {  	s31 =	simm.s32 $0x1D800  }
0x1af: {  	[tilespmem:s31], [sflag:$0x7] =	stream.indirect_vreg.gather [hbm4b:s7+s3], $0x80, v3, vm0, $0xb8;
	[tilespmem:$0x1E000] =	vst v63  }
0x1b0: {  	_ =	swait.ge [sflag:s24], $0x4000  }
0x1b1: {  	[sflag:s24] =	ssyncset.done $0x0  }
0x1b2: {  	s4 =	rddreg [dreg:$0xb];
	[sflag:s24] =	ssyncadd.s32 $0xFFFFC000  }
0x1b3: {  	[hbm4b:s4+s3] =	stream.linear.scatter [tilespmem:s26], [sflag:$0x8], $0x4000, $0x38;
	[tilespmem:$0x1E000] =	vst v63  }
0x1b4: {  	_ =	swait.ge [sflag:s25], $0x4000  }
0x1b5: {  	[sflag:s25] =	ssyncset.done $0x0  }
0x1b6: {  	[sflag:s25] =	ssyncadd.s32 $0xFFFFC000  }
0x1b7: {  	v3 =	vld [tilespmem:$0x700];
	_ =	sdelay $0x4  }
0x1b8: {  	v14 =	vshll.u32 v3, $0x3  }
0x1b9: {  	v3 =	vand.u32 $0x7, v3;
	v4 =	vand.u32 $0xFFFFFFC0, v14  }
0x1ba: {  	v3 =	vor.u32 v3, v4  }
0x1bb: {  	v4 =	vperm.xlane v3, v0;
	_ =	sdelay $0x1  }
0x1bc: {  	v4 =	vadd.s32 v1, v4;
	_ =	sdelay $0x4  }
0x1bd: {  	[tilespmem:s26], [sflag:$0x1] =	stream.indirect_vreg.gather [hbm4b:s2+s3], $0x80, v4, vm0, $0xb8;
	[tilespmem:$0x1E000] =	vst v63  }
0x1be: {  	s29 =	simm.s32 $0x2800;
	v3 =	vperm.xlane v3, v2  }
0x1bf: {  	[tilespmem:s29], [sflag:$0x1] =	stream.indirect_vreg.gather [hbm4b:s5+s3], $0x80, v4, vm0, $0xb8;
	[tilespmem:$0x1E000] =	vst v63  }
0x1c0: {  	s31 =	simm.s32 $0x3000;
	v3 =	vadd.s32 v1, v3  }
0x1c1: {  	[tilespmem:s31], [sflag:$0x1] =	stream.indirect_vreg.gather [hbm4b:s6+s3], $0x80, v4, vm0, $0xb8;
	[tilespmem:$0x1E000] =	vst v63  }
0x1c2: {  	s14 =	simm.s32 $0x3800  }
0x1c3: {  	[tilespmem:s14], [sflag:$0x1] =	stream.indirect_vreg.gather [hbm4b:s7+s3], $0x80, v4, vm0, $0xb8;
	[tilespmem:$0x1E000] =	vst v63  }
0x1c4: {  	s29 =	simm.s32 $0x4000  }
0x1c5: {  	[tilespmem:s29], [sflag:$0x1] =	stream.indirect_vreg.gather [hbm4b:s2+s3], $0x80, v3, vm0, $0xb8;
	[tilespmem:$0x1E000] =	vst v63  }
0x1c6: {  	s14 =	simm.s32 $0x4800  }
0x1c7: {  	[tilespmem:s14], [sflag:$0x1] =	stream.indirect_vreg.gather [hbm4b:s5+s3], $0x80, v3, vm0, $0xb8;
	[tilespmem:$0x1E000] =	vst v63  }
0x1c8: {  	s18 =	simm.s32 $0x5000  }
0x1c9: {  	[tilespmem:s18], [sflag:$0x1] =	stream.indirect_vreg.gather [hbm4b:s6+s3], $0x80, v3, vm0, $0xb8;
	[tilespmem:$0x1E000] =	vst v63  }
0x1ca: {  	s28 =	simm.s32 $0x5800  }
0x1cb: {  	[tilespmem:s28], [sflag:$0x1] =	stream.indirect_vreg.gather [hbm4b:s7+s3], $0x80, v3, vm0, $0xb8;
	[tilespmem:$0x1E000] =	vst v63  }
0x1cc: {  	_ =	swait.ge [sflag:s16], $0x4000  }
0x1cd: {  	[sflag:s16] =	ssyncset.done $0x0  }
0x1ce: {  	s4 =	rddreg [dreg:$0xc];
	[sflag:s16] =	ssyncadd.s32 $0xFFFFC000  }
0x1cf: {  	[hbm4b:s4+s3] =	stream.linear.scatter [tilespmem:s8], [sflag:$0x9], $0x4000, $0x38;
	[tilespmem:$0x1E000] =	vst v63  }
0x1d0: {  	_ =	swait.ge [sflag:s30], $0x4000  }
0x1d1: {  	[sflag:s30] =	ssyncset.done $0x0  }
0x1d2: {  	[sflag:s30] =	ssyncadd.s32 $0xFFFFC000  }
0x1d3: {  	v3 =	vld [tilespmem:$0x780];
	_ =	sdelay $0x4  }
0x1d4: {  	v15 =	vshll.u32 v3, $0x3  }
0x1d5: {  	v3 =	vand.u32 $0x7, v3;
	v4 =	vand.u32 $0xFFFFFFC0, v15  }
0x1d6: {  	v3 =	vor.u32 v3, v4  }
0x1d7: {  	v4 =	vperm.xlane v3, v0;
	_ =	sdelay $0x1  }
0x1d8: {  	v4 =	vadd.s32 v1, v4;
	_ =	sdelay $0x4  }
0x1d9: {  	[tilespmem:s8], [sflag:$0x2] =	stream.indirect_vreg.gather [hbm4b:s2+s3], $0x80, v4, vm0, $0xb8;
	[tilespmem:$0x1E000] =	vst v63  }
0x1da: {  	s14 =	simm.s32 $0x6800;
	v3 =	vperm.xlane v3, v2  }
0x1db: {  	[tilespmem:s14], [sflag:$0x2] =	stream.indirect_vreg.gather [hbm4b:s5+s3], $0x80, v4, vm0, $0xb8;
	[tilespmem:$0x1E000] =	vst v63  }
0x1dc: {  	s18 =	simm.s32 $0x7000;
	v3 =	vadd.s32 v1, v3  }
0x1dd: {  	[tilespmem:s18], [sflag:$0x2] =	stream.indirect_vreg.gather [hbm4b:s6+s3], $0x80, v4, vm0, $0xb8;
	[tilespmem:$0x1E000] =	vst v63  }
0x1de: {  	s28 =	simm.s32 $0x7800  }
0x1df: {  	[tilespmem:s28], [sflag:$0x2] =	stream.indirect_vreg.gather [hbm4b:s7+s3], $0x80, v4, vm0, $0xb8;
	[tilespmem:$0x1E000] =	vst v63  }
0x1e0: {  	s8 =	simm.s32 $0x8000  }
0x1e1: {  	[tilespmem:s8], [sflag:$0x2] =	stream.indirect_vreg.gather [hbm4b:s2+s3], $0x80, v3, vm0, $0xb8;
	[tilespmem:$0x1E000] =	vst v63  }
0x1e2: {  	s14 =	simm.s32 $0x8800  }
0x1e3: {  	[tilespmem:s14], [sflag:$0x2] =	stream.indirect_vreg.gather [hbm4b:s5+s3], $0x80, v3, vm0, $0xb8;
	[tilespmem:$0x1E000] =	vst v63  }
0x1e4: {  	s18 =	simm.s32 $0x9000  }
0x1e5: {  	[tilespmem:s18], [sflag:$0x2] =	stream.indirect_vreg.gather [hbm4b:s6+s3], $0x80, v3, vm0, $0xb8;
	[tilespmem:$0x1E000] =	vst v63  }
0x1e6: {  	s28 =	simm.s32 $0x9800  }
0x1e7: {  	[tilespmem:s28], [sflag:$0x2] =	stream.indirect_vreg.gather [hbm4b:s7+s3], $0x80, v3, vm0, $0xb8;
	[tilespmem:$0x1E000] =	vst v63  }
0x1e8: {  	_ =	swait.ge [sflag:s1], $0x4000  }
0x1e9: {  	[sflag:s1] =	ssyncset.done $0x0  }
0x1ea: {  	s8 =	rddreg [dreg:$0xd];
	[sflag:s1] =	ssyncadd.s32 $0xFFFFC000  }
0x1eb: {  	[hbm4b:s8+s3] =	stream.linear.scatter [tilespmem:s17], [sflag:$0xA], $0x4000, $0x38;
	[tilespmem:$0x1E000] =	vst v63  }
0x1ec: {  	_ =	swait.ge [sflag:s0], $0x4000  }
0x1ed: {  	[sflag:s0] =	ssyncset.done $0x0  }
0x1ee: {  	[sflag:s0] =	ssyncadd.s32 $0xFFFFC000  }
0x1ef: {  	v3 =	vld [tilespmem:$0x800];
	_ =	sdelay $0x4  }
0x1f0: {  	v16 =	vshll.u32 v3, $0x3  }
0x1f1: {  	v3 =	vand.u32 $0x7, v3;
	v4 =	vand.u32 $0xFFFFFFC0, v16  }
0x1f2: {  	v3 =	vor.u32 v3, v4  }
0x1f3: {  	v4 =	vperm.xlane v3, v0;
	_ =	sdelay $0x1  }
0x1f4: {  	v4 =	vadd.s32 v1, v4;
	_ =	sdelay $0x4  }
0x1f5: {  	[tilespmem:s17], [sflag:$0x3] =	stream.indirect_vreg.gather [hbm4b:s2+s3], $0x80, v4, vm0, $0xb8;
	[tilespmem:$0x1E000] =	vst v63  }
0x1f6: {  	s14 =	simm.s32 $0xA800;
	v3 =	vperm.xlane v3, v2  }
0x1f7: {  	[tilespmem:s14], [sflag:$0x3] =	stream.indirect_vreg.gather [hbm4b:s5+s3], $0x80, v4, vm0, $0xb8;
	[tilespmem:$0x1E000] =	vst v63  }
0x1f8: {  	s18 =	simm.s32 $0xB000;
	v3 =	vadd.s32 v1, v3  }
0x1f9: {  	[tilespmem:s18], [sflag:$0x3] =	stream.indirect_vreg.gather [hbm4b:s6+s3], $0x80, v4, vm0, $0xb8;
	[tilespmem:$0x1E000] =	vst v63  }
0x1fa: {  	s28 =	simm.s32 $0xB800  }
0x1fb: {  	[tilespmem:s28], [sflag:$0x3] =	stream.indirect_vreg.gather [hbm4b:s7+s3], $0x80, v4, vm0, $0xb8;
	[tilespmem:$0x1E000] =	vst v63  }
0x1fc: {  	s8 =	simm.s32 $0xC000  }
0x1fd: {  	[tilespmem:s8], [sflag:$0x3] =	stream.indirect_vreg.gather [hbm4b:s2+s3], $0x80, v3, vm0, $0xb8;
	[tilespmem:$0x1E000] =	vst v63  }
0x1fe: {  	s14 =	simm.s32 $0xC800  }
0x1ff: {  	[tilespmem:s14], [sflag:$0x3] =	stream.indirect_vreg.gather [hbm4b:s5+s3], $0x80, v3, vm0, $0xb8;
	[tilespmem:$0x1E000] =	vst v63  }
0x200: {  	s18 =	simm.s32 $0xD000  }
0x201: {  	[tilespmem:s18], [sflag:$0x3] =	stream.indirect_vreg.gather [hbm4b:s6+s3], $0x80, v3, vm0, $0xb8;
	[tilespmem:$0x1E000] =	vst v63  }
0x202: {  	s28 =	simm.s32 $0xD800  }
0x203: {  	[tilespmem:s28], [sflag:$0x3] =	stream.indirect_vreg.gather [hbm4b:s7+s3], $0x80, v3, vm0, $0xb8;
	[tilespmem:$0x1E000] =	vst v63  }
0x204: {  	_ =	swait.ge [sflag:s9], $0x4000  }
0x205: {  	[sflag:s9] =	ssyncset.done $0x0  }
0x206: {  	s8 =	rddreg [dreg:$0xe];
	[sflag:s9] =	ssyncadd.s32 $0xFFFFC000  }
0x207: {  	[hbm4b:s8+s3] =	stream.linear.scatter [tilespmem:s20], [sflag:$0xB], $0x4000, $0x38;
	[tilespmem:$0x1E000] =	vst v63  }
0x208: {  	_ =	swait.ge [sflag:s19], $0x4000  }
0x209: {  	[sflag:s19] =	ssyncset.done $0x0  }
0x20a: {  	[sflag:s19] =	ssyncadd.s32 $0xFFFFC000  }
0x20b: {  	v3 =	vld [tilespmem:$0x880];
	_ =	sdelay $0x4  }
0x20c: {  	v17 =	vshll.u32 v3, $0x3  }
0x20d: {  	v3 =	vand.u32 $0x7, v3;
	v4 =	vand.u32 $0xFFFFFFC0, v17  }
0x20e: {  	v3 =	vor.u32 v3, v4  }
0x20f: {  	v4 =	vperm.xlane v3, v0;
	_ =	sdelay $0x1  }
0x210: {  	v4 =	vadd.s32 v1, v4;
	_ =	sdelay $0x4  }
0x211: {  	[tilespmem:s20], [sflag:$0x4] =	stream.indirect_vreg.gather [hbm4b:s2+s3], $0x80, v4, vm0, $0xb8;
	[tilespmem:$0x1E000] =	vst v63  }
0x212: {  	s14 =	simm.s32 $0xE800;
	v3 =	vperm.xlane v3, v2  }
0x213: {  	[tilespmem:s14], [sflag:$0x4] =	stream.indirect_vreg.gather [hbm4b:s5+s3], $0x80, v4, vm0, $0xb8;
	[tilespmem:$0x1E000] =	vst v63  }
0x214: {  	s18 =	simm.s32 $0xF000;
	v3 =	vadd.s32 v1, v3  }
0x215: {  	[tilespmem:s18], [sflag:$0x4] =	stream.indirect_vreg.gather [hbm4b:s6+s3], $0x80, v4, vm0, $0xb8;
	[tilespmem:$0x1E000] =	vst v63  }
0x216: {  	s28 =	simm.s32 $0xF800  }
0x217: {  	[tilespmem:s28], [sflag:$0x4] =	stream.indirect_vreg.gather [hbm4b:s7+s3], $0x80, v4, vm0, $0xb8;
	[tilespmem:$0x1E000] =	vst v63  }
0x218: {  	s8 =	simm.s32 $0x10000  }
0x219: {  	[tilespmem:s8], [sflag:$0x4] =	stream.indirect_vreg.gather [hbm4b:s2+s3], $0x80, v3, vm0, $0xb8;
	[tilespmem:$0x1E000] =	vst v63  }
0x21a: {  	s14 =	simm.s32 $0x10800  }
0x21b: {  	[tilespmem:s14], [sflag:$0x4] =	stream.indirect_vreg.gather [hbm4b:s5+s3], $0x80, v3, vm0, $0xb8;
	[tilespmem:$0x1E000] =	vst v63  }
0x21c: {  	s18 =	simm.s32 $0x11000  }
0x21d: {  	[tilespmem:s18], [sflag:$0x4] =	stream.indirect_vreg.gather [hbm4b:s6+s3], $0x80, v3, vm0, $0xb8;
	[tilespmem:$0x1E000] =	vst v63  }
0x21e: {  	s28 =	simm.s32 $0x11800  }
0x21f: {  	[tilespmem:s28], [sflag:$0x4] =	stream.indirect_vreg.gather [hbm4b:s7+s3], $0x80, v3, vm0, $0xb8;
	[tilespmem:$0x1E000] =	vst v63  }
0x220: {  	_ =	swait.ge [sflag:s21], $0x4000  }
0x221: {  	[sflag:s21] =	ssyncset.done $0x0  }
0x222: {  	s8 =	rddreg [dreg:$0xf];
	[sflag:s21] =	ssyncadd.s32 $0xFFFFC000  }
0x223: {  	[hbm4b:s8+s3] =	stream.linear.scatter [tilespmem:s10], [sflag:$0xC], $0x4000, $0x38;
	[tilespmem:$0x1E000] =	vst v63  }
0x224: {  	_ =	swait.ge [sflag:s22], $0x4000  }
0x225: {  	[sflag:s22] =	ssyncset.done $0x0  }
0x226: {  	[sflag:s22] =	ssyncadd.s32 $0xFFFFC000  }
0x227: {  	v3 =	vld [tilespmem:$0x900];
	_ =	sdelay $0x4  }
0x228: {  	v18 =	vshll.u32 v3, $0x3  }
0x229: {  	v3 =	vand.u32 $0x7, v3;
	v4 =	vand.u32 $0xFFFFFFC0, v18  }
0x22a: {  	v3 =	vor.u32 v3, v4  }
0x22b: {  	v4 =	vperm.xlane v3, v0;
	_ =	sdelay $0x1  }
0x22c: {  	v4 =	vadd.s32 v1, v4;
	_ =	sdelay $0x4  }
0x22d: {  	[tilespmem:s10], [sflag:$0x5] =	stream.indirect_vreg.gather [hbm4b:s2+s3], $0x80, v4, vm0, $0xb8;
	[tilespmem:$0x1E000] =	vst v63  }
0x22e: {  	v3 =	vperm.xlane v3, v2;
	s10 =	simm.s32 $0x12800  }
0x22f: {  	[tilespmem:s10], [sflag:$0x5] =	stream.indirect_vreg.gather [hbm4b:s5+s3], $0x80, v4, vm0, $0xb8;
	[tilespmem:$0x1E000] =	vst v63  }
0x230: {  	s14 =	simm.s32 $0x13000;
	v3 =	vadd.s32 v1, v3  }
0x231: {  	[tilespmem:s14], [sflag:$0x5] =	stream.indirect_vreg.gather [hbm4b:s6+s3], $0x80, v4, vm0, $0xb8;
	[tilespmem:$0x1E000] =	vst v63  }
0x232: {  	s18 =	simm.s32 $0x13800  }
0x233: {  	[tilespmem:s18], [sflag:$0x5] =	stream.indirect_vreg.gather [hbm4b:s7+s3], $0x80, v4, vm0, $0xb8;
	[tilespmem:$0x1E000] =	vst v63  }
0x234: {  	s28 =	simm.s32 $0x14000  }
0x235: {  	[tilespmem:s28], [sflag:$0x5] =	stream.indirect_vreg.gather [hbm4b:s2+s3], $0x80, v3, vm0, $0xb8;
	[tilespmem:$0x1E000] =	vst v63  }
0x236: {  	s8 =	simm.s32 $0x14800  }
0x237: {  	[tilespmem:s8], [sflag:$0x5] =	stream.indirect_vreg.gather [hbm4b:s5+s3], $0x80, v3, vm0, $0xb8;
	[tilespmem:$0x1E000] =	vst v63  }
0x238: {  	s10 =	simm.s32 $0x15000  }
0x239: {  	[tilespmem:s10], [sflag:$0x5] =	stream.indirect_vreg.gather [hbm4b:s6+s3], $0x80, v3, vm0, $0xb8;
	[tilespmem:$0x1E000] =	vst v63  }
0x23a: {  	s14 =	simm.s32 $0x15800  }
0x23b: {  	[tilespmem:s14], [sflag:$0x5] =	stream.indirect_vreg.gather [hbm4b:s7+s3], $0x80, v3, vm0, $0xb8;
	[tilespmem:$0x1E000] =	vst v63  }
0x23c: {  	_ =	swait.ge [sflag:s23], $0x4000  }
0x23d: {  	[sflag:s23] =	ssyncset.done $0x0  }
0x23e: {  	s18 =	rddreg [dreg:$0x10];
	[sflag:s23] =	ssyncadd.s32 $0xFFFFC000  }
0x23f: {  	[hbm4b:s18+s3] =	stream.linear.scatter [tilespmem:s15], [sflag:$0xD], $0x4000, $0x38;
	[tilespmem:$0x1E000] =	vst v63  }
0x240: {  	_ =	swait.ge [sflag:s11], $0x4000  }
0x241: {  	[sflag:s11] =	ssyncset.done $0x0  }
0x242: {  	[sflag:s11] =	ssyncadd.s32 $0xFFFFC000  }
0x243: {  	v3 =	vld [tilespmem:$0x980];
	_ =	sdelay $0x4  }
0x244: {  	v19 =	vshll.u32 v3, $0x3  }
0x245: {  	v3 =	vand.u32 $0x7, v3;
	v4 =	vand.u32 $0xFFFFFFC0, v19  }
0x246: {  	v3 =	vor.u32 v3, v4  }
0x247: {  	v4 =	vperm.xlane v3, v0;
	_ =	sdelay $0x1  }
0x248: {  	v4 =	vadd.s32 v1, v4;
	_ =	sdelay $0x4  }
0x249: {  	[tilespmem:s15], [sflag:$0x6] =	stream.indirect_vreg.gather [hbm4b:s2+s3], $0x80, v4, vm0, $0xb8;
	[tilespmem:$0x1E000] =	vst v63  }
0x24a: {  	s28 =	simm.s32 $0x16800;
	v3 =	vperm.xlane v3, v2  }
0x24b: {  	[tilespmem:s28], [sflag:$0x6] =	stream.indirect_vreg.gather [hbm4b:s5+s3], $0x80, v4, vm0, $0xb8;
	[tilespmem:$0x1E000] =	vst v63  }
0x24c: {  	s8 =	simm.s32 $0x17000;
	v3 =	vadd.s32 v1, v3  }
0x24d: {  	[tilespmem:s8], [sflag:$0x6] =	stream.indirect_vreg.gather [hbm4b:s6+s3], $0x80, v4, vm0, $0xb8;
	[tilespmem:$0x1E000] =	vst v63  }
0x24e: {  	s10 =	simm.s32 $0x17800  }
0x24f: {  	[tilespmem:s10], [sflag:$0x6] =	stream.indirect_vreg.gather [hbm4b:s7+s3], $0x80, v4, vm0, $0xb8;
	[tilespmem:$0x1E000] =	vst v63  }
0x250: {  	s14 =	simm.s32 $0x18000  }
0x251: {  	[tilespmem:s14], [sflag:$0x6] =	stream.indirect_vreg.gather [hbm4b:s2+s3], $0x80, v3, vm0, $0xb8;
	[tilespmem:$0x1E000] =	vst v63  }
0x252: {  	s15 =	simm.s32 $0x18800  }
0x253: {  	[tilespmem:s15], [sflag:$0x6] =	stream.indirect_vreg.gather [hbm4b:s5+s3], $0x80, v3, vm0, $0xb8;
	[tilespmem:$0x1E000] =	vst v63  }
0x254: {  	s18 =	simm.s32 $0x19000  }
0x255: {  	[tilespmem:s18], [sflag:$0x6] =	stream.indirect_vreg.gather [hbm4b:s6+s3], $0x80, v3, vm0, $0xb8;
	[tilespmem:$0x1E000] =	vst v63  }
0x256: {  	s28 =	simm.s32 $0x19800  }
0x257: {  	[tilespmem:s28], [sflag:$0x6] =	stream.indirect_vreg.gather [hbm4b:s7+s3], $0x80, v3, vm0, $0xb8;
	[tilespmem:$0x1E000] =	vst v63  }
0x258: {  	_ =	swait.ge [sflag:s12], $0x4000  }
0x259: {  	[sflag:s12] =	ssyncset.done $0x0  }
0x25a: {  	s8 =	simm.s32 $0x1A000;
	s4 =	rddreg [dreg:$0x11];
	[sflag:s12] =	ssyncadd.s32 $0xFFFFC000  }
0x25b: {  	[hbm4b:s4+s3] =	stream.linear.scatter [tilespmem:s8], [sflag:$0xE], $0x4000, $0x38;
	[tilespmem:$0x1E000] =	vst v63  }
0x25c: {  	_ =	swait.ge [sflag:s13], $0x4000  }
0x25d: {  	[sflag:s13] =	ssyncset.done $0x0  }
0x25e: {  	[sflag:s13] =	ssyncadd.s32 $0xFFFFC000  }
0x25f: {  	v3 =	vld [tilespmem:$0xA00];
	_ =	sdelay $0x4  }
0x260: {  	v20 =	vshll.u32 v3, $0x3  }
0x261: {  	v3 =	vand.u32 $0x7, v3;
	v4 =	vand.u32 $0xFFFFFFC0, v20  }
0x262: {  	v3 =	vor.u32 v3, v4  }
0x263: {  	v4 =	vperm.xlane v3, v0;
	_ =	sdelay $0x1  }
0x264: {  	v4 =	vadd.s32 v1, v4;
	_ =	sdelay $0x4  }
0x265: {  	[tilespmem:s8], [sflag:$0x7] =	stream.indirect_vreg.gather [hbm4b:s2+s3], $0x80, v4, vm0, $0xb8;
	[tilespmem:$0x1E000] =	vst v63  }
0x266: {  	s10 =	simm.s32 $0x1A800;
	v3 =	vperm.xlane v3, v2  }
0x267: {  	[tilespmem:s10], [sflag:$0x7] =	stream.indirect_vreg.gather [hbm4b:s5+s3], $0x80, v4, vm0, $0xb8;
	[tilespmem:$0x1E000] =	vst v63  }
0x268: {  	s14 =	simm.s32 $0x1B000;
	v3 =	vadd.s32 v1, v3  }
0x269: {  	[tilespmem:s14], [sflag:$0x7] =	stream.indirect_vreg.gather [hbm4b:s6+s3], $0x80, v4, vm0, $0xb8;
	[tilespmem:$0x1E000] =	vst v63  }
0x26a: {  	s15 =	simm.s32 $0x1B800  }
0x26b: {  	[tilespmem:s15], [sflag:$0x7] =	stream.indirect_vreg.gather [hbm4b:s7+s3], $0x80, v4, vm0, $0xb8;
	[tilespmem:$0x1E000] =	vst v63  }
0x26c: {  	s18 =	simm.s32 $0x1C000  }
0x26d: {  	[tilespmem:s18], [sflag:$0x7] =	stream.indirect_vreg.gather [hbm4b:s2+s3], $0x80, v3, vm0, $0xb8;
	[tilespmem:$0x1E000] =	vst v63  }
0x26e: {  	s28 =	simm.s32 $0x1C800  }
0x26f: {  	[tilespmem:s28], [sflag:$0x7] =	stream.indirect_vreg.gather [hbm4b:s5+s3], $0x80, v3, vm0, $0xb8;
	[tilespmem:$0x1E000] =	vst v63  }
0x270: {  	s10 =	simm.s32 $0x1D000  }
0x271: {  	[tilespmem:s10], [sflag:$0x7] =	stream.indirect_vreg.gather [hbm4b:s6+s3], $0x80, v3, vm0, $0xb8;
	[tilespmem:$0x1E000] =	vst v63  }
0x272: {  	s14 =	simm.s32 $0x1D800  }
0x273: {  	[tilespmem:s14], [sflag:$0x7] =	stream.indirect_vreg.gather [hbm4b:s7+s3], $0x80, v3, vm0, $0xb8;
	[tilespmem:$0x1E000] =	vst v63  }
0x274: {  	_ =	swait.ge [sflag:s24], $0x4000  }
0x275: {  	[sflag:s24] =	ssyncset.done $0x0  }
0x276: {  	s15 =	rddreg [dreg:$0x12];
	[sflag:s24] =	ssyncadd.s32 $0xFFFFC000  }
0x277: {  	[hbm4b:s15+s3] =	stream.linear.scatter [tilespmem:s26], [sflag:$0x8], $0x4000, $0x38;
	[tilespmem:$0x1E000] =	vst v63  }
0x278: {  	_ =	swait.ge [sflag:s25], $0x4000  }
0x279: {  	[sflag:s25] =	ssyncset.done $0x0  }
0x27a: {  	[sflag:s25] =	ssyncadd.s32 $0xFFFFC000  }
0x27b: {  	v3 =	vld [tilespmem:$0xA80];
	_ =	sdelay $0x4  }
0x27c: {  	v21 =	vshll.u32 v3, $0x3  }
0x27d: {  	v3 =	vand.u32 $0x7, v3;
	v4 =	vand.u32 $0xFFFFFFC0, v21  }
0x27e: {  	v3 =	vor.u32 v3, v4  }
0x27f: {  	v4 =	vperm.xlane v3, v0;
	_ =	sdelay $0x1  }
0x280: {  	v4 =	vadd.s32 v1, v4;
	_ =	sdelay $0x4  }
0x281: {  	[tilespmem:s26], [sflag:$0x1] =	stream.indirect_vreg.gather [hbm4b:s2+s3], $0x80, v4, vm0, $0xb8;
	[tilespmem:$0x1E000] =	vst v63  }
0x282: {  	s28 =	simm.s32 $0x2800;
	v3 =	vperm.xlane v3, v2  }
0x283: {  	[tilespmem:s28], [sflag:$0x1] =	stream.indirect_vreg.gather [hbm4b:s5+s3], $0x80, v4, vm0, $0xb8;
	[tilespmem:$0x1E000] =	vst v63  }
0x284: {  	s31 =	simm.s32 $0x3000;
	v3 =	vadd.s32 v1, v3  }
0x285: {  	[tilespmem:s31], [sflag:$0x1] =	stream.indirect_vreg.gather [hbm4b:s6+s3], $0x80, v4, vm0, $0xb8;
	[tilespmem:$0x1E000] =	vst v63  }
0x286: {  	s31 =	simm.s32 $0x3800  }
0x287: {  	[tilespmem:s31], [sflag:$0x1] =	stream.indirect_vreg.gather [hbm4b:s7+s3], $0x80, v4, vm0, $0xb8;
	[tilespmem:$0x1E000] =	vst v63  }
0x288: {  	s29 =	simm.s32 $0x4000  }
0x289: {  	[tilespmem:s29], [sflag:$0x1] =	stream.indirect_vreg.gather [hbm4b:s2+s3], $0x80, v3, vm0, $0xb8;
	[tilespmem:$0x1E000] =	vst v63  }
0x28a: {  	s10 =	simm.s32 $0x4800  }
0x28b: {  	[tilespmem:s10], [sflag:$0x1] =	stream.indirect_vreg.gather [hbm4b:s5+s3], $0x80, v3, vm0, $0xb8;
	[tilespmem:$0x1E000] =	vst v63  }
0x28c: {  	s14 =	simm.s32 $0x5000  }
0x28d: {  	[tilespmem:s14], [sflag:$0x1] =	stream.indirect_vreg.gather [hbm4b:s6+s3], $0x80, v3, vm0, $0xb8;
	[tilespmem:$0x1E000] =	vst v63  }
0x28e: {  	s29 =	simm.s32 $0x5800  }
0x28f: {  	[tilespmem:s29], [sflag:$0x1] =	stream.indirect_vreg.gather [hbm4b:s7+s3], $0x80, v3, vm0, $0xb8;
	[tilespmem:$0x1E000] =	vst v63  }
0x290: {  	_ =	swait.ge [sflag:s16], $0x4000  }
0x291: {  	[sflag:s16] =	ssyncset.done $0x0  }
0x292: {  	s29 =	simm.s32 $0x6000;
	s8 =	rddreg [dreg:$0x13];
	[sflag:s16] =	ssyncadd.s32 $0xFFFFC000  }
0x293: {  	[hbm4b:s8+s3] =	stream.linear.scatter [tilespmem:s29], [sflag:$0x9], $0x4000, $0x38;
	[tilespmem:$0x1E000] =	vst v63  }
0x294: {  	_ =	swait.ge [sflag:s30], $0x4000  }
0x295: {  	[sflag:s30] =	ssyncset.done $0x0  }
0x296: {  	[sflag:s30] =	ssyncadd.s32 $0xFFFFC000  }
0x297: {  	v3 =	vld [tilespmem:$0xB00];
	_ =	sdelay $0x4  }
0x298: {  	v22 =	vshll.u32 v3, $0x3  }
0x299: {  	v3 =	vand.u32 $0x7, v3;
	v4 =	vand.u32 $0xFFFFFFC0, v22  }
0x29a: {  	v3 =	vor.u32 v3, v4  }
0x29b: {  	v4 =	vperm.xlane v3, v0;
	_ =	sdelay $0x1  }
0x29c: {  	v4 =	vadd.s32 v1, v4;
	_ =	sdelay $0x4  }
0x29d: {  	[tilespmem:s29], [sflag:$0x2] =	stream.indirect_vreg.gather [hbm4b:s2+s3], $0x80, v4, vm0, $0xb8;
	[tilespmem:$0x1E000] =	vst v63  }
0x29e: {  	s14 =	simm.s32 $0x6800;
	v3 =	vperm.xlane v3, v2  }
0x29f: {  	[tilespmem:s14], [sflag:$0x2] =	stream.indirect_vreg.gather [hbm4b:s5+s3], $0x80, v4, vm0, $0xb8;
	[tilespmem:$0x1E000] =	vst v63  }
0x2a0: {  	v3 =	vadd.s32 v1, v3;
	s14 =	simm.s32 $0x7000  }
0x2a1: {  	[tilespmem:s14], [sflag:$0x2] =	stream.indirect_vreg.gather [hbm4b:s6+s3], $0x80, v4, vm0, $0xb8;
	[tilespmem:$0x1E000] =	vst v63  }
0x2a2: {  	s14 =	simm.s32 $0x7800  }
0x2a3: {  	[tilespmem:s14], [sflag:$0x2] =	stream.indirect_vreg.gather [hbm4b:s7+s3], $0x80, v4, vm0, $0xb8;
	[tilespmem:$0x1E000] =	vst v63  }
0x2a4: {  	s14 =	simm.s32 $0x8000  }
0x2a5: {  	[tilespmem:s14], [sflag:$0x2] =	stream.indirect_vreg.gather [hbm4b:s2+s3], $0x80, v3, vm0, $0xb8;
	[tilespmem:$0x1E000] =	vst v63  }
0x2a6: {  	s14 =	simm.s32 $0x8800  }
0x2a7: {  	[tilespmem:s14], [sflag:$0x2] =	stream.indirect_vreg.gather [hbm4b:s5+s3], $0x80, v3, vm0, $0xb8;
	[tilespmem:$0x1E000] =	vst v63  }
0x2a8: {  	s14 =	simm.s32 $0x9000  }
0x2a9: {  	[tilespmem:s14], [sflag:$0x2] =	stream.indirect_vreg.gather [hbm4b:s6+s3], $0x80, v3, vm0, $0xb8;
	[tilespmem:$0x1E000] =	vst v63  }
0x2aa: {  	s14 =	simm.s32 $0x9800  }
0x2ab: {  	[tilespmem:s14], [sflag:$0x2] =	stream.indirect_vreg.gather [hbm4b:s7+s3], $0x80, v3, vm0, $0xb8;
	[tilespmem:$0x1E000] =	vst v63  }
0x2ac: {  	_ =	swait.ge [sflag:s1], $0x4000  }
0x2ad: {  	[sflag:s1] =	ssyncset.done $0x0  }
0x2ae: {  	s8 =	rddreg [dreg:$0x14];
	[sflag:s1] =	ssyncadd.s32 $0xFFFFC000  }
0x2af: {  	[hbm4b:s8+s3] =	stream.linear.scatter [tilespmem:s17], [sflag:$0xA], $0x4000, $0x38;
	[tilespmem:$0x1E000] =	vst v63  }
0x2b0: {  	_ =	swait.ge [sflag:s0], $0x4000  }
0x2b1: {  	[sflag:s0] =	ssyncset.done $0x0  }
0x2b2: {  	[sflag:s0] =	ssyncadd.s32 $0xFFFFC000  }
0x2b3: {  	v3 =	vld [tilespmem:$0xB80];
	_ =	sdelay $0x4  }
0x2b4: {  	v23 =	vshll.u32 v3, $0x3  }
0x2b5: {  	v3 =	vand.u32 $0x7, v3;
	v4 =	vand.u32 $0xFFFFFFC0, v23  }
0x2b6: {  	v3 =	vor.u32 v3, v4  }
0x2b7: {  	v4 =	vperm.xlane v3, v0;
	_ =	sdelay $0x1  }
0x2b8: {  	v4 =	vadd.s32 v1, v4;
	_ =	sdelay $0x4  }
0x2b9: {  	[tilespmem:s17], [sflag:$0x3] =	stream.indirect_vreg.gather [hbm4b:s2+s3], $0x80, v4, vm0, $0xb8;
	[tilespmem:$0x1E000] =	vst v63  }
0x2ba: {  	s14 =	simm.s32 $0xA800;
	v3 =	vperm.xlane v3, v2  }
0x2bb: {  	[tilespmem:s14], [sflag:$0x3] =	stream.indirect_vreg.gather [hbm4b:s5+s3], $0x80, v4, vm0, $0xb8;
	[tilespmem:$0x1E000] =	vst v63  }
0x2bc: {  	v3 =	vadd.s32 v1, v3;
	s17 =	simm.s32 $0xB000  }
0x2bd: {  	[tilespmem:s17], [sflag:$0x3] =	stream.indirect_vreg.gather [hbm4b:s6+s3], $0x80, v4, vm0, $0xb8;
	[tilespmem:$0x1E000] =	vst v63  }
0x2be: {  	s14 =	simm.s32 $0xB800  }
0x2bf: {  	[tilespmem:s14], [sflag:$0x3] =	stream.indirect_vreg.gather [hbm4b:s7+s3], $0x80, v4, vm0, $0xb8;
	[tilespmem:$0x1E000] =	vst v63  }
0x2c0: {  	s17 =	simm.s32 $0xC000  }
0x2c1: {  	[tilespmem:s17], [sflag:$0x3] =	stream.indirect_vreg.gather [hbm4b:s2+s3], $0x80, v3, vm0, $0xb8;
	[tilespmem:$0x1E000] =	vst v63  }
0x2c2: {  	s14 =	simm.s32 $0xC800  }
0x2c3: {  	[tilespmem:s14], [sflag:$0x3] =	stream.indirect_vreg.gather [hbm4b:s5+s3], $0x80, v3, vm0, $0xb8;
	[tilespmem:$0x1E000] =	vst v63  }
0x2c4: {  	s17 =	simm.s32 $0xD000  }
0x2c5: {  	[tilespmem:s17], [sflag:$0x3] =	stream.indirect_vreg.gather [hbm4b:s6+s3], $0x80, v3, vm0, $0xb8;
	[tilespmem:$0x1E000] =	vst v63  }
0x2c6: {  	s14 =	simm.s32 $0xD800  }
0x2c7: {  	[tilespmem:s14], [sflag:$0x3] =	stream.indirect_vreg.gather [hbm4b:s7+s3], $0x80, v3, vm0, $0xb8;
	[tilespmem:$0x1E000] =	vst v63  }
0x2c8: {  	_ =	swait.ge [sflag:s9], $0x4000  }
0x2c9: {  	[sflag:s9] =	ssyncset.done $0x0  }
0x2ca: {  	s17 =	rddreg [dreg:$0x15];
	[sflag:s9] =	ssyncadd.s32 $0xFFFFC000  }
0x2cb: {  	[hbm4b:s17+s3] =	stream.linear.scatter [tilespmem:s20], [sflag:$0xB], $0x4000, $0x38;
	[tilespmem:$0x1E000] =	vst v63  }
0x2cc: {  	_ =	swait.ge [sflag:s19], $0x4000  }
0x2cd: {  	[sflag:s19] =	ssyncset.done $0x0  }
0x2ce: {  	[sflag:s19] =	ssyncadd.s32 $0xFFFFC000  }
0x2cf: {  	v3 =	vld [tilespmem:$0xC00];
	_ =	sdelay $0x4  }
0x2d0: {  	v24 =	vshll.u32 v3, $0x3  }
0x2d1: {  	v3 =	vand.u32 $0x7, v3;
	v4 =	vand.u32 $0xFFFFFFC0, v24  }
0x2d2: {  	v3 =	vor.u32 v3, v4  }
0x2d3: {  	v4 =	vperm.xlane v3, v0;
	_ =	sdelay $0x1  }
0x2d4: {  	v4 =	vadd.s32 v1, v4;
	_ =	sdelay $0x4  }
0x2d5: {  	[tilespmem:s20], [sflag:$0x4] =	stream.indirect_vreg.gather [hbm4b:s2+s3], $0x80, v4, vm0, $0xb8;
	[tilespmem:$0x1E000] =	vst v63  }
0x2d6: {  	v3 =	vperm.xlane v3, v2;
	s20 =	simm.s32 $0xE800  }
0x2d7: {  	[tilespmem:s20], [sflag:$0x4] =	stream.indirect_vreg.gather [hbm4b:s5+s3], $0x80, v4, vm0, $0xb8;
	[tilespmem:$0x1E000] =	vst v63  }
0x2d8: {  	s14 =	simm.s32 $0xF000;
	v3 =	vadd.s32 v1, v3  }
0x2d9: {  	[tilespmem:s14], [sflag:$0x4] =	stream.indirect_vreg.gather [hbm4b:s6+s3], $0x80, v4, vm0, $0xb8;
	[tilespmem:$0x1E000] =	vst v63  }
0x2da: {  	s17 =	simm.s32 $0xF800  }
0x2db: {  	[tilespmem:s17], [sflag:$0x4] =	stream.indirect_vreg.gather [hbm4b:s7+s3], $0x80, v4, vm0, $0xb8;
	[tilespmem:$0x1E000] =	vst v63  }
0x2dc: {  	s20 =	simm.s32 $0x10000  }
0x2dd: {  	[tilespmem:s20], [sflag:$0x4] =	stream.indirect_vreg.gather [hbm4b:s2+s3], $0x80, v3, vm0, $0xb8;
	[tilespmem:$0x1E000] =	vst v63  }
0x2de: {  	s14 =	simm.s32 $0x10800  }
0x2df: {  	[tilespmem:s14], [sflag:$0x4] =	stream.indirect_vreg.gather [hbm4b:s5+s3], $0x80, v3, vm0, $0xb8;
	[tilespmem:$0x1E000] =	vst v63  }
0x2e0: {  	s17 =	simm.s32 $0x11000  }
0x2e1: {  	[tilespmem:s17], [sflag:$0x4] =	stream.indirect_vreg.gather [hbm4b:s6+s3], $0x80, v3, vm0, $0xb8;
	[tilespmem:$0x1E000] =	vst v63  }
0x2e2: {  	s20 =	simm.s32 $0x11800  }
0x2e3: {  	[tilespmem:s20], [sflag:$0x4] =	stream.indirect_vreg.gather [hbm4b:s7+s3], $0x80, v3, vm0, $0xb8;
	[tilespmem:$0x1E000] =	vst v63  }
0x2e4: {  	_ =	swait.ge [sflag:s21], $0x4000  }
0x2e5: {  	[sflag:s21] =	ssyncset.done $0x0  }
0x2e6: {  	s17 =	simm.s32 $0x12000;
	s8 =	rddreg [dreg:$0x16];
	[sflag:s21] =	ssyncadd.s32 $0xFFFFC000  }
0x2e7: {  	[hbm4b:s8+s3] =	stream.linear.scatter [tilespmem:s17], [sflag:$0xC], $0x4000, $0x38;
	[tilespmem:$0x1E000] =	vst v63  }
0x2e8: {  	_ =	swait.ge [sflag:s22], $0x4000  }
0x2e9: {  	[sflag:s22] =	ssyncset.done $0x0  }
0x2ea: {  	[sflag:s22] =	ssyncadd.s32 $0xFFFFC000  }
0x2eb: {  	v3 =	vld [tilespmem:$0xC80];
	_ =	sdelay $0x4  }
0x2ec: {  	v25 =	vshll.u32 v3, $0x3  }
0x2ed: {  	v3 =	vand.u32 $0x7, v3;
	v4 =	vand.u32 $0xFFFFFFC0, v25  }
0x2ee: {  	v3 =	vor.u32 v3, v4  }
0x2ef: {  	v4 =	vperm.xlane v3, v0;
	_ =	sdelay $0x1  }
0x2f0: {  	v4 =	vadd.s32 v1, v4;
	_ =	sdelay $0x4  }
0x2f1: {  	[tilespmem:s17], [sflag:$0x5] =	stream.indirect_vreg.gather [hbm4b:s2+s3], $0x80, v4, vm0, $0xb8;
	[tilespmem:$0x1E000] =	vst v63  }
0x2f2: {  	s20 =	simm.s32 $0x12800;
	v3 =	vperm.xlane v3, v2  }
0x2f3: {  	[tilespmem:s20], [sflag:$0x5] =	stream.indirect_vreg.gather [hbm4b:s5+s3], $0x80, v4, vm0, $0xb8;
	[tilespmem:$0x1E000] =	vst v63  }
0x2f4: {  	s14 =	simm.s32 $0x13000;
	v3 =	vadd.s32 v1, v3  }
0x2f5: {  	[tilespmem:s14], [sflag:$0x5] =	stream.indirect_vreg.gather [hbm4b:s6+s3], $0x80, v4, vm0, $0xb8;
	[tilespmem:$0x1E000] =	vst v63  }
0x2f6: {  	s17 =	simm.s32 $0x13800  }
0x2f7: {  	[tilespmem:s17], [sflag:$0x5] =	stream.indirect_vreg.gather [hbm4b:s7+s3], $0x80, v4, vm0, $0xb8;
	[tilespmem:$0x1E000] =	vst v63  }
0x2f8: {  	s20 =	simm.s32 $0x14000  }
0x2f9: {  	[tilespmem:s20], [sflag:$0x5] =	stream.indirect_vreg.gather [hbm4b:s2+s3], $0x80, v3, vm0, $0xb8;
	[tilespmem:$0x1E000] =	vst v63  }
0x2fa: {  	s14 =	simm.s32 $0x14800  }
0x2fb: {  	[tilespmem:s14], [sflag:$0x5] =	stream.indirect_vreg.gather [hbm4b:s5+s3], $0x80, v3, vm0, $0xb8;
	[tilespmem:$0x1E000] =	vst v63  }
0x2fc: {  	s17 =	simm.s32 $0x15000  }
0x2fd: {  	[tilespmem:s17], [sflag:$0x5] =	stream.indirect_vreg.gather [hbm4b:s6+s3], $0x80, v3, vm0, $0xb8;
	[tilespmem:$0x1E000] =	vst v63  }
0x2fe: {  	s20 =	simm.s32 $0x15800  }
0x2ff: {  	[tilespmem:s20], [sflag:$0x5] =	stream.indirect_vreg.gather [hbm4b:s7+s3], $0x80, v3, vm0, $0xb8;
	[tilespmem:$0x1E000] =	vst v63  }
0x300: {  	_ =	swait.ge [sflag:s23], $0x4000  }
0x301: {  	[sflag:s23] =	ssyncset.done $0x0  }
0x302: {  	s17 =	simm.s32 $0x16000;
	s8 =	rddreg [dreg:$0x17];
	[sflag:s23] =	ssyncadd.s32 $0xFFFFC000  }
0x303: {  	[hbm4b:s8+s3] =	stream.linear.scatter [tilespmem:s17], [sflag:$0xD], $0x4000, $0x38;
	[tilespmem:$0x1E000] =	vst v63  }
0x304: {  	_ =	swait.ge [sflag:s11], $0x4000  }
0x305: {  	[sflag:s11] =	ssyncset.done $0x0  }
0x306: {  	[sflag:s11] =	ssyncadd.s32 $0xFFFFC000  }
0x307: {  	v3 =	vld [tilespmem:$0xD00];
	_ =	sdelay $0x4  }
0x308: {  	v26 =	vshll.u32 v3, $0x3  }
0x309: {  	v3 =	vand.u32 $0x7, v3;
	v4 =	vand.u32 $0xFFFFFFC0, v26  }
0x30a: {  	v3 =	vor.u32 v3, v4  }
0x30b: {  	v4 =	vperm.xlane v3, v0;
	_ =	sdelay $0x1  }
0x30c: {  	v4 =	vadd.s32 v1, v4;
	_ =	sdelay $0x4  }
0x30d: {  	[tilespmem:s17], [sflag:$0x6] =	stream.indirect_vreg.gather [hbm4b:s2+s3], $0x80, v4, vm0, $0xb8;
	[tilespmem:$0x1E000] =	vst v63  }
0x30e: {  	s20 =	simm.s32 $0x16800;
	v3 =	vperm.xlane v3, v2  }
0x30f: {  	[tilespmem:s20], [sflag:$0x6] =	stream.indirect_vreg.gather [hbm4b:s5+s3], $0x80, v4, vm0, $0xb8;
	[tilespmem:$0x1E000] =	vst v63  }
0x310: {  	s14 =	simm.s32 $0x17000;
	v3 =	vadd.s32 v1, v3  }
0x311: {  	[tilespmem:s14], [sflag:$0x6] =	stream.indirect_vreg.gather [hbm4b:s6+s3], $0x80, v4, vm0, $0xb8;
	[tilespmem:$0x1E000] =	vst v63  }
0x312: {  	s17 =	simm.s32 $0x17800  }
0x313: {  	[tilespmem:s17], [sflag:$0x6] =	stream.indirect_vreg.gather [hbm4b:s7+s3], $0x80, v4, vm0, $0xb8;
	[tilespmem:$0x1E000] =	vst v63  }
0x314: {  	s20 =	simm.s32 $0x18000  }
0x315: {  	[tilespmem:s20], [sflag:$0x6] =	stream.indirect_vreg.gather [hbm4b:s2+s3], $0x80, v3, vm0, $0xb8;
	[tilespmem:$0x1E000] =	vst v63  }
0x316: {  	s17 =	simm.s32 $0x18800  }
0x317: {  	[tilespmem:s17], [sflag:$0x6] =	stream.indirect_vreg.gather [hbm4b:s5+s3], $0x80, v3, vm0, $0xb8;
	[tilespmem:$0x1E000] =	vst v63  }
0x318: {  	s20 =	simm.s32 $0x19000  }
0x319: {  	[tilespmem:s20], [sflag:$0x6] =	stream.indirect_vreg.gather [hbm4b:s6+s3], $0x80, v3, vm0, $0xb8;
	[tilespmem:$0x1E000] =	vst v63  }
0x31a: {  	s17 =	simm.s32 $0x19800  }
0x31b: {  	[tilespmem:s17], [sflag:$0x6] =	stream.indirect_vreg.gather [hbm4b:s7+s3], $0x80, v3, vm0, $0xb8;
	[tilespmem:$0x1E000] =	vst v63  }
0x31c: {  	_ =	swait.ge [sflag:s12], $0x4000  }
0x31d: {  	[sflag:s12] =	ssyncset.done $0x0  }
0x31e: {  	s4 =	simm.s32 $0x1A000;
	s20 =	rddreg [dreg:$0x18];
	[sflag:s12] =	ssyncadd.s32 $0xFFFFC000  }
0x31f: {  	[hbm4b:s20+s3] =	stream.linear.scatter [tilespmem:s4], [sflag:$0xE], $0x4000, $0x38;
	[tilespmem:$0x1E000] =	vst v63  }
0x320: {  	_ =	swait.ge [sflag:s13], $0x4000  }
0x321: {  	[sflag:s13] =	ssyncset.done $0x0  }
0x322: {  	[sflag:s13] =	ssyncadd.s32 $0xFFFFC000  }
0x323: {  	v3 =	vld [tilespmem:$0xD80];
	_ =	sdelay $0x4  }
0x324: {  	v27 =	vshll.u32 v3, $0x3  }
0x325: {  	v3 =	vand.u32 $0x7, v3;
	v4 =	vand.u32 $0xFFFFFFC0, v27  }
0x326: {  	v3 =	vor.u32 v3, v4  }
0x327: {  	v4 =	vperm.xlane v3, v0;
	_ =	sdelay $0x1  }
0x328: {  	v4 =	vadd.s32 v1, v4;
	_ =	sdelay $0x4  }
0x329: {  	[tilespmem:s4], [sflag:$0x7] =	stream.indirect_vreg.gather [hbm4b:s2+s3], $0x80, v4, vm0, $0xb8;
	[tilespmem:$0x1E000] =	vst v63  }
0x32a: {  	s17 =	simm.s32 $0x1A800;
	v3 =	vperm.xlane v3, v2  }
0x32b: {  	[tilespmem:s17], [sflag:$0x7] =	stream.indirect_vreg.gather [hbm4b:s5+s3], $0x80, v4, vm0, $0xb8;
	[tilespmem:$0x1E000] =	vst v63  }
0x32c: {  	s20 =	simm.s32 $0x1B000;
	v3 =	vadd.s32 v1, v3  }
0x32d: {  	[tilespmem:s20], [sflag:$0x7] =	stream.indirect_vreg.gather [hbm4b:s6+s3], $0x80, v4, vm0, $0xb8;
	[tilespmem:$0x1E000] =	vst v63  }
0x32e: {  	s14 =	simm.s32 $0x1B800  }
0x32f: {  	[tilespmem:s14], [sflag:$0x7] =	stream.indirect_vreg.gather [hbm4b:s7+s3], $0x80, v4, vm0, $0xb8;
	[tilespmem:$0x1E000] =	vst v63  }
0x330: {  	s20 =	simm.s32 $0x1C000  }
0x331: {  	[tilespmem:s20], [sflag:$0x7] =	stream.indirect_vreg.gather [hbm4b:s2+s3], $0x80, v3, vm0, $0xb8;
	[tilespmem:$0x1E000] =	vst v63  }
0x332: {  	s14 =	simm.s32 $0x1C800  }
0x333: {  	[tilespmem:s14], [sflag:$0x7] =	stream.indirect_vreg.gather [hbm4b:s5+s3], $0x80, v3, vm0, $0xb8;
	[tilespmem:$0x1E000] =	vst v63  }
0x334: {  	s18 =	simm.s32 $0x1D000  }
0x335: {  	[tilespmem:s18], [sflag:$0x7] =	stream.indirect_vreg.gather [hbm4b:s6+s3], $0x80, v3, vm0, $0xb8;
	[tilespmem:$0x1E000] =	vst v63  }
0x336: {  	s20 =	simm.s32 $0x1D800  }
0x337: {  	[tilespmem:s20], [sflag:$0x7] =	stream.indirect_vreg.gather [hbm4b:s7+s3], $0x80, v3, vm0, $0xb8;
	[tilespmem:$0x1E000] =	vst v63  }
0x338: {  	_ =	swait.ge [sflag:s24], $0x4000  }
0x339: {  	[sflag:s24] =	ssyncset.done $0x0  }
0x33a: {  	s4 =	rddreg [dreg:$0x19];
	[sflag:s24] =	ssyncadd.s32 $0xFFFFC000  }
0x33b: {  	[hbm4b:s4+s3] =	stream.linear.scatter [tilespmem:s26], [sflag:$0x8], $0x4000, $0x38;
	[tilespmem:$0x1E000] =	vst v63  }
0x33c: {  	_ =	swait.ge [sflag:s25], $0x4000  }
0x33d: {  	[sflag:s25] =	ssyncset.done $0x0  }
0x33e: {  	[sflag:s25] =	ssyncadd.s32 $0xFFFFC000  }
0x33f: {  	v3 =	vld [tilespmem:$0xE00];
	_ =	sdelay $0x4  }
0x340: {  	v28 =	vshll.u32 v3, $0x3  }
0x341: {  	v3 =	vand.u32 $0x7, v3;
	v4 =	vand.u32 $0xFFFFFFC0, v28  }
0x342: {  	v3 =	vor.u32 v3, v4  }
0x343: {  	v4 =	vperm.xlane v3, v0;
	_ =	sdelay $0x1  }
0x344: {  	v4 =	vadd.s32 v1, v4;
	_ =	sdelay $0x4  }
0x345: {  	[tilespmem:s26], [sflag:$0x1] =	stream.indirect_vreg.gather [hbm4b:s2+s3], $0x80, v4, vm0, $0xb8;
	[tilespmem:$0x1E000] =	vst v63  }
0x346: {  	s20 =	simm.s32 $0x2800;
	v3 =	vperm.xlane v3, v2  }
0x347: {  	[tilespmem:s20], [sflag:$0x1] =	stream.indirect_vreg.gather [hbm4b:s5+s3], $0x80, v4, vm0, $0xb8;
	[tilespmem:$0x1E000] =	vst v63  }
0x348: {  	s15 =	simm.s32 $0x3000;
	v3 =	vadd.s32 v1, v3  }
0x349: {  	[tilespmem:s15], [sflag:$0x1] =	stream.indirect_vreg.gather [hbm4b:s6+s3], $0x80, v4, vm0, $0xb8;
	[tilespmem:$0x1E000] =	vst v63  }
0x34a: {  	s28 =	simm.s32 $0x3800  }
0x34b: {  	[tilespmem:s28], [sflag:$0x1] =	stream.indirect_vreg.gather [hbm4b:s7+s3], $0x80, v4, vm0, $0xb8;
	[tilespmem:$0x1E000] =	vst v63  }
0x34c: {  	s31 =	simm.s32 $0x4000  }
0x34d: {  	[tilespmem:s31], [sflag:$0x1] =	stream.indirect_vreg.gather [hbm4b:s2+s3], $0x80, v3, vm0, $0xb8;
	[tilespmem:$0x1E000] =	vst v63  }
0x34e: {  	s26 =	simm.s32 $0x4800  }
0x34f: {  	[tilespmem:s26], [sflag:$0x1] =	stream.indirect_vreg.gather [hbm4b:s5+s3], $0x80, v3, vm0, $0xb8;
	[tilespmem:$0x1E000] =	vst v63  }
0x350: {  	s10 =	simm.s32 $0x5000  }
0x351: {  	[tilespmem:s10], [sflag:$0x1] =	stream.indirect_vreg.gather [hbm4b:s6+s3], $0x80, v3, vm0, $0xb8;
	[tilespmem:$0x1E000] =	vst v63  }
0x352: {  	s14 =	simm.s32 $0x5800  }
0x353: {  	[tilespmem:s14], [sflag:$0x1] =	stream.indirect_vreg.gather [hbm4b:s7+s3], $0x80, v3, vm0, $0xb8;
	[tilespmem:$0x1E000] =	vst v63  }
0x354: {  	_ =	swait.ge [sflag:s16], $0x4000  }
0x355: {  	[sflag:s16] =	ssyncset.done $0x0  }
0x356: {  	s29 =	simm.s32 $0x6000;
	s20 =	rddreg [dreg:$0x1a];
	[sflag:s16] =	ssyncadd.s32 $0xFFFFC000  }
0x357: {  	[hbm4b:s20+s3] =	stream.linear.scatter [tilespmem:s29], [sflag:$0x9], $0x4000, $0x38;
	[tilespmem:$0x1E000] =	vst v63  }
0x358: {  	_ =	swait.ge [sflag:s30], $0x4000  }
0x359: {  	[sflag:s30] =	ssyncset.done $0x0  }
0x35a: {  	[sflag:s30] =	ssyncadd.s32 $0xFFFFC000  }
0x35b: {  	v3 =	vld [tilespmem:$0xE80];
	_ =	sdelay $0x4  }
0x35c: {  	v29 =	vshll.u32 v3, $0x3  }
0x35d: {  	v3 =	vand.u32 $0x7, v3;
	v4 =	vand.u32 $0xFFFFFFC0, v29  }
0x35e: {  	v3 =	vor.u32 v3, v4  }
0x35f: {  	v4 =	vperm.xlane v3, v0;
	_ =	sdelay $0x1  }
0x360: {  	v4 =	vadd.s32 v1, v4;
	_ =	sdelay $0x4  }
0x361: {  	[tilespmem:s29], [sflag:$0x2] =	stream.indirect_vreg.gather [hbm4b:s2+s3], $0x80, v4, vm0, $0xb8;
	[tilespmem:$0x1E000] =	vst v63  }
0x362: {  	s26 =	simm.s32 $0x6800;
	v3 =	vperm.xlane v3, v2  }
0x363: {  	[tilespmem:s26], [sflag:$0x2] =	stream.indirect_vreg.gather [hbm4b:s5+s3], $0x80, v4, vm0, $0xb8;
	[tilespmem:$0x1E000] =	vst v63  }
0x364: {  	v3 =	vadd.s32 v1, v3;
	s29 =	simm.s32 $0x7000  }
0x365: {  	[tilespmem:s29], [sflag:$0x2] =	stream.indirect_vreg.gather [hbm4b:s6+s3], $0x80, v4, vm0, $0xb8;
	[tilespmem:$0x1E000] =	vst v63  }
0x366: {  	s14 =	simm.s32 $0x7800  }
0x367: {  	[tilespmem:s14], [sflag:$0x2] =	stream.indirect_vreg.gather [hbm4b:s7+s3], $0x80, v4, vm0, $0xb8;
	[tilespmem:$0x1E000] =	vst v63  }
0x368: {  	s20 =	simm.s32 $0x8000  }
0x369: {  	[tilespmem:s20], [sflag:$0x2] =	stream.indirect_vreg.gather [hbm4b:s2+s3], $0x80, v3, vm0, $0xb8;
	[tilespmem:$0x1E000] =	vst v63  }
0x36a: {  	s26 =	simm.s32 $0x8800  }
0x36b: {  	[tilespmem:s26], [sflag:$0x2] =	stream.indirect_vreg.gather [hbm4b:s5+s3], $0x80, v3, vm0, $0xb8;
	[tilespmem:$0x1E000] =	vst v63  }
0x36c: {  	s29 =	simm.s32 $0x9000  }
0x36d: {  	[tilespmem:s29], [sflag:$0x2] =	stream.indirect_vreg.gather [hbm4b:s6+s3], $0x80, v3, vm0, $0xb8;
	[tilespmem:$0x1E000] =	vst v63  }
0x36e: {  	s14 =	simm.s32 $0x9800  }
0x36f: {  	[tilespmem:s14], [sflag:$0x2] =	stream.indirect_vreg.gather [hbm4b:s7+s3], $0x80, v3, vm0, $0xb8;
	[tilespmem:$0x1E000] =	vst v63  }
0x370: {  	_ =	swait.ge [sflag:s1], $0x4000  }
0x371: {  	[sflag:s1] =	ssyncset.done $0x0  }
0x372: {  	s26 =	simm.s32 $0xA000;
	s20 =	rddreg [dreg:$0x1b];
	[sflag:s1] =	ssyncadd.s32 $0xFFFFC000  }
0x373: {  	[hbm4b:s20+s3] =	stream.linear.scatter [tilespmem:s26], [sflag:$0xA], $0x4000, $0x38;
	[tilespmem:$0x1E000] =	vst v63  }
0x374: {  	_ =	swait.ge [sflag:s0], $0x4000  }
0x375: {  	[sflag:s0] =	ssyncset.done $0x0  }
0x376: {  	[sflag:s0] =	ssyncadd.s32 $0xFFFFC000  }
0x377: {  	v3 =	vld [tilespmem:$0xF00];
	_ =	sdelay $0x4  }
0x378: {  	v30 =	vshll.u32 v3, $0x3  }
0x379: {  	v3 =	vand.u32 $0x7, v3;
	v4 =	vand.u32 $0xFFFFFFC0, v30  }
0x37a: {  	v3 =	vor.u32 v3, v4  }
0x37b: {  	v4 =	vperm.xlane v3, v0;
	_ =	sdelay $0x1  }
0x37c: {  	v4 =	vadd.s32 v1, v4;
	_ =	sdelay $0x4  }
0x37d: {  	[tilespmem:s26], [sflag:$0x3] =	stream.indirect_vreg.gather [hbm4b:s2+s3], $0x80, v4, vm0, $0xb8;
	[tilespmem:$0x1E000] =	vst v63  }
0x37e: {  	s29 =	simm.s32 $0xA800;
	v3 =	vperm.xlane v3, v2  }
0x37f: {  	[tilespmem:s29], [sflag:$0x3] =	stream.indirect_vreg.gather [hbm4b:s5+s3], $0x80, v4, vm0, $0xb8;
	[tilespmem:$0x1E000] =	vst v63  }
0x380: {  	s20 =	simm.s32 $0xB000;
	v3 =	vadd.s32 v1, v3  }
0x381: {  	[tilespmem:s20], [sflag:$0x3] =	stream.indirect_vreg.gather [hbm4b:s6+s3], $0x80, v4, vm0, $0xb8;
	[tilespmem:$0x1E000] =	vst v63  }
0x382: {  	s26 =	simm.s32 $0xB800  }
0x383: {  	[tilespmem:s26], [sflag:$0x3] =	stream.indirect_vreg.gather [hbm4b:s7+s3], $0x80, v4, vm0, $0xb8;
	[tilespmem:$0x1E000] =	vst v63  }
0x384: {  	s26 =	simm.s32 $0xC000  }
0x385: {  	[tilespmem:s26], [sflag:$0x3] =	stream.indirect_vreg.gather [hbm4b:s2+s3], $0x80, v3, vm0, $0xb8;
	[tilespmem:$0x1E000] =	vst v63  }
0x386: {  	s26 =	simm.s32 $0xC800  }
0x387: {  	[tilespmem:s26], [sflag:$0x3] =	stream.indirect_vreg.gather [hbm4b:s5+s3], $0x80, v3, vm0, $0xb8;
	[tilespmem:$0x1E000] =	vst v63  }
0x388: {  	s26 =	simm.s32 $0xD000  }
0x389: {  	[tilespmem:s26], [sflag:$0x3] =	stream.indirect_vreg.gather [hbm4b:s6+s3], $0x80, v3, vm0, $0xb8;
	[tilespmem:$0x1E000] =	vst v63  }
0x38a: {  	s26 =	simm.s32 $0xD800  }
0x38b: {  	[tilespmem:s26], [sflag:$0x3] =	stream.indirect_vreg.gather [hbm4b:s7+s3], $0x80, v3, vm0, $0xb8;
	[tilespmem:$0x1E000] =	vst v63  }
0x38c: {  	_ =	swait.ge [sflag:s9], $0x4000  }
0x38d: {  	[sflag:s9] =	ssyncset.done $0x0  }
0x38e: {  	s26 =	simm.s32 $0xE000;
	s14 =	rddreg [dreg:$0x1c];
	[sflag:s9] =	ssyncadd.s32 $0xFFFFC000  }
0x38f: {  	[hbm4b:s14+s3] =	stream.linear.scatter [tilespmem:s26], [sflag:$0xB], $0x4000, $0x38;
	[tilespmem:$0x1E000] =	vst v63  }
0x390: {  	_ =	swait.ge [sflag:s19], $0x4000  }
0x391: {  	[sflag:s19] =	ssyncset.done $0x0  }
0x392: {  	[sflag:s19] =	ssyncadd.s32 $0xFFFFC000  }
0x393: {  	v3 =	vld [tilespmem:$0xF80];
	_ =	sdelay $0x4  }
0x394: {  	v31 =	vshll.u32 v3, $0x3  }
0x395: {  	v3 =	vand.u32 $0x7, v3;
	v4 =	vand.u32 $0xFFFFFFC0, v31  }
0x396: {  	v3 =	vor.u32 v3, v4  }
0x397: {  	v4 =	vperm.xlane v3, v0;
	_ =	sdelay $0x1  }
0x398: {  	v4 =	vadd.s32 v1, v4;
	_ =	sdelay $0x4  }
0x399: {  	[tilespmem:s26], [sflag:$0x4] =	stream.indirect_vreg.gather [hbm4b:s2+s3], $0x80, v4, vm0, $0xb8;
	[tilespmem:$0x1E000] =	vst v63  }
0x39a: {  	v3 =	vperm.xlane v3, v2;
	s26 =	simm.s32 $0xE800  }
0x39b: {  	[tilespmem:s26], [sflag:$0x4] =	stream.indirect_vreg.gather [hbm4b:s5+s3], $0x80, v4, vm0, $0xb8;
	[tilespmem:$0x1E000] =	vst v63  }
0x39c: {  	v3 =	vadd.s32 v1, v3;
	s26 =	simm.s32 $0xF000  }
0x39d: {  	[tilespmem:s26], [sflag:$0x4] =	stream.indirect_vreg.gather [hbm4b:s6+s3], $0x80, v4, vm0, $0xb8;
	[tilespmem:$0x1E000] =	vst v63  }
0x39e: {  	s26 =	simm.s32 $0xF800  }
0x39f: {  	[tilespmem:s26], [sflag:$0x4] =	stream.indirect_vreg.gather [hbm4b:s7+s3], $0x80, v4, vm0, $0xb8;
	[tilespmem:$0x1E000] =	vst v63  }
0x3a0: {  	s26 =	simm.s32 $0x10000  }
0x3a1: {  	[tilespmem:s26], [sflag:$0x4] =	stream.indirect_vreg.gather [hbm4b:s2+s3], $0x80, v3, vm0, $0xb8;
	[tilespmem:$0x1E000] =	vst v63  }
0x3a2: {  	s26 =	simm.s32 $0x10800  }
0x3a3: {  	[tilespmem:s26], [sflag:$0x4] =	stream.indirect_vreg.gather [hbm4b:s5+s3], $0x80, v3, vm0, $0xb8;
	[tilespmem:$0x1E000] =	vst v63  }
0x3a4: {  	s26 =	simm.s32 $0x11000  }
0x3a5: {  	[tilespmem:s26], [sflag:$0x4] =	stream.indirect_vreg.gather [hbm4b:s6+s3], $0x80, v3, vm0, $0xb8;
	[tilespmem:$0x1E000] =	vst v63  }
0x3a6: {  	s26 =	simm.s32 $0x11800  }
0x3a7: {  	[tilespmem:s26], [sflag:$0x4] =	stream.indirect_vreg.gather [hbm4b:s7+s3], $0x80, v3, vm0, $0xb8;
	[tilespmem:$0x1E000] =	vst v63  }
0x3a8: {  	_ =	swait.ge [sflag:s21], $0x4000  }
0x3a9: {  	[sflag:s21] =	ssyncset.done $0x0  }
0x3aa: {  	s26 =	simm.s32 $0x12000;
	s14 =	rddreg [dreg:$0x1d];
	[sflag:s21] =	ssyncadd.s32 $0xFFFFC000  }
0x3ab: {  	[hbm4b:s14+s3] =	stream.linear.scatter [tilespmem:s26], [sflag:$0xC], $0x4000, $0x38;
	[tilespmem:$0x1E000] =	vst v63  }
0x3ac: {  	_ =	swait.ge [sflag:s22], $0x4000  }
0x3ad: {  	[sflag:s22] =	ssyncset.done $0x0  }
0x3ae: {  	[sflag:s22] =	ssyncadd.s32 $0xFFFFC000  }
0x3af: {  	v3 =	vld [tilespmem:$0x1000];
	_ =	sdelay $0x4  }
0x3b0: {  	v32 =	vshll.u32 v3, $0x3  }
0x3b1: {  	v3 =	vand.u32 $0x7, v3;
	v4 =	vand.u32 $0xFFFFFFC0, v32  }
0x3b2: {  	v3 =	vor.u32 v3, v4  }
0x3b3: {  	v4 =	vperm.xlane v3, v0;
	_ =	sdelay $0x1  }
0x3b4: {  	v4 =	vadd.s32 v1, v4;
	_ =	sdelay $0x4  }
0x3b5: {  	[tilespmem:s26], [sflag:$0x5] =	stream.indirect_vreg.gather [hbm4b:s2+s3], $0x80, v4, vm0, $0xb8;
	[tilespmem:$0x1E000] =	vst v63  }
0x3b6: {  	v3 =	vperm.xlane v3, v2;
	s26 =	simm.s32 $0x12800  }
0x3b7: {  	[tilespmem:s26], [sflag:$0x5] =	stream.indirect_vreg.gather [hbm4b:s5+s3], $0x80, v4, vm0, $0xb8;
	[tilespmem:$0x1E000] =	vst v63  }
0x3b8: {  	v3 =	vadd.s32 v1, v3;
	s26 =	simm.s32 $0x13000  }
0x3b9: {  	[tilespmem:s26], [sflag:$0x5] =	stream.indirect_vreg.gather [hbm4b:s6+s3], $0x80, v4, vm0, $0xb8;
	[tilespmem:$0x1E000] =	vst v63  }
0x3ba: {  	s26 =	simm.s32 $0x13800  }
0x3bb: {  	[tilespmem:s26], [sflag:$0x5] =	stream.indirect_vreg.gather [hbm4b:s7+s3], $0x80, v4, vm0, $0xb8;
	[tilespmem:$0x1E000] =	vst v63  }
0x3bc: {  	s26 =	simm.s32 $0x14000  }
0x3bd: {  	[tilespmem:s26], [sflag:$0x5] =	stream.indirect_vreg.gather [hbm4b:s2+s3], $0x80, v3, vm0, $0xb8;
	[tilespmem:$0x1E000] =	vst v63  }
0x3be: {  	s26 =	simm.s32 $0x14800  }
0x3bf: {  	[tilespmem:s26], [sflag:$0x5] =	stream.indirect_vreg.gather [hbm4b:s5+s3], $0x80, v3, vm0, $0xb8;
	[tilespmem:$0x1E000] =	vst v63  }
0x3c0: {  	s26 =	simm.s32 $0x15000  }
0x3c1: {  	[tilespmem:s26], [sflag:$0x5] =	stream.indirect_vreg.gather [hbm4b:s6+s3], $0x80, v3, vm0, $0xb8;
	[tilespmem:$0x1E000] =	vst v63  }
0x3c2: {  	s26 =	simm.s32 $0x15800  }
0x3c3: {  	[tilespmem:s26], [sflag:$0x5] =	stream.indirect_vreg.gather [hbm4b:s7+s3], $0x80, v3, vm0, $0xb8;
	[tilespmem:$0x1E000] =	vst v63  }
0x3c4: {  	_ =	swait.ge [sflag:s23], $0x4000  }
0x3c5: {  	[sflag:s23] =	ssyncset.done $0x0  }
0x3c6: {  	s26 =	simm.s32 $0x16000;
	s14 =	rddreg [dreg:$0x1e];
	[sflag:s23] =	ssyncadd.s32 $0xFFFFC000  }
0x3c7: {  	[hbm4b:s14+s3] =	stream.linear.scatter [tilespmem:s26], [sflag:$0xD], $0x4000, $0x38;
	[tilespmem:$0x1E000] =	vst v63  }
0x3c8: {  	_ =	swait.ge [sflag:s11], $0x4000  }
0x3c9: {  	[sflag:s11] =	ssyncset.done $0x0  }
0x3ca: {  	[sflag:s11] =	ssyncadd.s32 $0xFFFFC000  }
0x3cb: {  	v3 =	vld [tilespmem:$0x1080];
	_ =	sdelay $0x4  }
0x3cc: {  	v33 =	vshll.u32 v3, $0x3  }
0x3cd: {  	v3 =	vand.u32 $0x7, v3;
	v4 =	vand.u32 $0xFFFFFFC0, v33  }
0x3ce: {  	v3 =	vor.u32 v3, v4  }
0x3cf: {  	v4 =	vperm.xlane v3, v0;
	_ =	sdelay $0x1  }
0x3d0: {  	v4 =	vadd.s32 v1, v4;
	_ =	sdelay $0x4  }
0x3d1: {  	[tilespmem:s26], [sflag:$0x6] =	stream.indirect_vreg.gather [hbm4b:s2+s3], $0x80, v4, vm0, $0xb8;
	[tilespmem:$0x1E000] =	vst v63  }
0x3d2: {  	v3 =	vperm.xlane v3, v2;
	s26 =	simm.s32 $0x16800  }
0x3d3: {  	[tilespmem:s26], [sflag:$0x6] =	stream.indirect_vreg.gather [hbm4b:s5+s3], $0x80, v4, vm0, $0xb8;
	[tilespmem:$0x1E000] =	vst v63  }
0x3d4: {  	s8 =	simm.s32 $0x17000;
	v3 =	vadd.s32 v1, v3  }
0x3d5: {  	[tilespmem:s8], [sflag:$0x6] =	stream.indirect_vreg.gather [hbm4b:s6+s3], $0x80, v4, vm0, $0xb8;
	[tilespmem:$0x1E000] =	vst v63  }
0x3d6: {  	s26 =	simm.s32 $0x17800  }
0x3d7: {  	[tilespmem:s26], [sflag:$0x6] =	stream.indirect_vreg.gather [hbm4b:s7+s3], $0x80, v4, vm0, $0xb8;
	[tilespmem:$0x1E000] =	vst v63  }
0x3d8: {  	s14 =	simm.s32 $0x18000  }
0x3d9: {  	[tilespmem:s14], [sflag:$0x6] =	stream.indirect_vreg.gather [hbm4b:s2+s3], $0x80, v3, vm0, $0xb8;
	[tilespmem:$0x1E000] =	vst v63  }
0x3da: {  	s26 =	simm.s32 $0x18800  }
0x3db: {  	[tilespmem:s26], [sflag:$0x6] =	stream.indirect_vreg.gather [hbm4b:s5+s3], $0x80, v3, vm0, $0xb8;
	[tilespmem:$0x1E000] =	vst v63  }
0x3dc: {  	s14 =	simm.s32 $0x19000  }
0x3dd: {  	[tilespmem:s14], [sflag:$0x6] =	stream.indirect_vreg.gather [hbm4b:s6+s3], $0x80, v3, vm0, $0xb8;
	[tilespmem:$0x1E000] =	vst v63  }
0x3de: {  	s26 =	simm.s32 $0x19800  }
0x3df: {  	[tilespmem:s26], [sflag:$0x6] =	stream.indirect_vreg.gather [hbm4b:s7+s3], $0x80, v3, vm0, $0xb8;
	[tilespmem:$0x1E000] =	vst v63  }
0x3e0: {  	_ =	swait.ge [sflag:s12], $0x4000  }
0x3e1: {  	[sflag:s12] =	ssyncset.done $0x0  }
0x3e2: {  	s26 =	simm.s32 $0x1A000;
	s8 =	rddreg [dreg:$0x1f];
	[sflag:s12] =	ssyncadd.s32 $0xFFFFC000  }
0x3e3: {  	[hbm4b:s8+s3] =	stream.linear.scatter [tilespmem:s26], [sflag:$0xE], $0x4000, $0x38;
	[tilespmem:$0x1E000] =	vst v63  }
0x3e4: {  	_ =	swait.ge [sflag:s13], $0x4000  }
0x3e5: {  	[sflag:s13] =	ssyncset.done $0x0  }
0x3e6: {  	[sflag:s13] =	ssyncadd.s32 $0xFFFFC000  }
0x3e7: {  	v3 =	vld [tilespmem:$0x1100];
	_ =	sdelay $0x4  }
0x3e8: {  	v34 =	vshll.u32 v3, $0x3  }
0x3e9: {  	v3 =	vand.u32 $0x7, v3;
	v4 =	vand.u32 $0xFFFFFFC0, v34  }
0x3ea: {  	v3 =	vor.u32 v3, v4  }
0x3eb: {  	v4 =	vperm.xlane v3, v0;
	_ =	sdelay $0x1  }
0x3ec: {  	v4 =	vadd.s32 v1, v4;
	_ =	sdelay $0x4  }
0x3ed: {  	[tilespmem:s26], [sflag:$0x7] =	stream.indirect_vreg.gather [hbm4b:s2+s3], $0x80, v4, vm0, $0xb8;
	[tilespmem:$0x1E000] =	vst v63  }
0x3ee: {  	s17 =	simm.s32 $0x1A800;
	v3 =	vperm.xlane v3, v2  }
0x3ef: {  	[tilespmem:s17], [sflag:$0x7] =	stream.indirect_vreg.gather [hbm4b:s5+s3], $0x80, v4, vm0, $0xb8;
	[tilespmem:$0x1E000] =	vst v63  }
0x3f0: {  	v3 =	vadd.s32 v1, v3;
	s26 =	simm.s32 $0x1B000  }
0x3f1: {  	[tilespmem:s26], [sflag:$0x7] =	stream.indirect_vreg.gather [hbm4b:s6+s3], $0x80, v4, vm0, $0xb8;
	[tilespmem:$0x1E000] =	vst v63  }
0x3f2: {  	s14 =	simm.s32 $0x1B800  }
0x3f3: {  	[tilespmem:s14], [sflag:$0x7] =	stream.indirect_vreg.gather [hbm4b:s7+s3], $0x80, v4, vm0, $0xb8;
	[tilespmem:$0x1E000] =	vst v63  }
0x3f4: {  	s17 =	simm.s32 $0x1C000  }
0x3f5: {  	[tilespmem:s17], [sflag:$0x7] =	stream.indirect_vreg.gather [hbm4b:s2+s3], $0x80, v3, vm0, $0xb8;
	[tilespmem:$0x1E000] =	vst v63  }
0x3f6: {  	s26 =	simm.s32 $0x1C800  }
0x3f7: {  	[tilespmem:s26], [sflag:$0x7] =	stream.indirect_vreg.gather [hbm4b:s5+s3], $0x80, v3, vm0, $0xb8;
	[tilespmem:$0x1E000] =	vst v63  }
0x3f8: {  	s18 =	simm.s32 $0x1D000  }
0x3f9: {  	[tilespmem:s18], [sflag:$0x7] =	stream.indirect_vreg.gather [hbm4b:s6+s3], $0x80, v3, vm0, $0xb8;
	[tilespmem:$0x1E000] =	vst v63  }
0x3fa: {  	s14 =	simm.s32 $0x1D800  }
0x3fb: {  	[tilespmem:s14], [sflag:$0x7] =	stream.indirect_vreg.gather [hbm4b:s7+s3], $0x80, v3, vm0, $0xb8;
	[tilespmem:$0x1E000] =	vst v63  }
0x3fc: {  	_ =	swait.ge [sflag:s24], $0x4000  }
0x3fd: {  	s17 =	sld [smem:$0x7D9]  }
0x3fe: {  	[sflag:s24] =	ssyncset.done $0x0  }
0x3ff: {  	s18 =	simm.s32 $0x2000;
	[sflag:s24] =	ssyncadd.s32 $0xFFFFC000  }
0x400: {  	[hbm4b:s17+s3] =	stream.linear.scatter [tilespmem:s18], [sflag:$0x8], $0x4000, $0x38;
	[tilespmem:$0x1E000] =	vst v63  }
0x401: {  	_ =	swait.ge [sflag:s25], $0x4000  }
0x402: {  	[sflag:s25] =	ssyncset.done $0x0  }
0x403: {  	[sflag:s25] =	ssyncadd.s32 $0xFFFFC000  }
0x404: {  	v3 =	vld [tilespmem:$0x1180];
	_ =	sdelay $0x4  }
0x405: {  	v35 =	vshll.u32 v3, $0x3  }
0x406: {  	v3 =	vand.u32 $0x7, v3;
	v4 =	vand.u32 $0xFFFFFFC0, v35  }
0x407: {  	v3 =	vor.u32 v3, v4  }
0x408: {  	v4 =	vperm.xlane v3, v0;
	_ =	sdelay $0x1  }
0x409: {  	v4 =	vadd.s32 v1, v4;
	_ =	sdelay $0x4  }
0x40a: {  	[tilespmem:s18], [sflag:$0x1] =	stream.indirect_vreg.gather [hbm4b:s2+s3], $0x80, v4, vm0, $0xb8;
	[tilespmem:$0x1E000] =	vst v63  }
0x40b: {  	s26 =	simm.s32 $0x2800;
	v3 =	vperm.xlane v3, v2  }
0x40c: {  	[tilespmem:s26], [sflag:$0x1] =	stream.indirect_vreg.gather [hbm4b:s5+s3], $0x80, v4, vm0, $0xb8;
	[tilespmem:$0x1E000] =	vst v63  }
0x40d: {  	s15 =	simm.s32 $0x3000;
	v3 =	vadd.s32 v1, v3  }
0x40e: {  	[tilespmem:s15], [sflag:$0x1] =	stream.indirect_vreg.gather [hbm4b:s6+s3], $0x80, v4, vm0, $0xb8;
	[tilespmem:$0x1E000] =	vst v63  }
0x40f: {  	s28 =	simm.s32 $0x3800  }
0x410: {  	[tilespmem:s28], [sflag:$0x1] =	stream.indirect_vreg.gather [hbm4b:s7+s3], $0x80, v4, vm0, $0xb8;
	[tilespmem:$0x1E000] =	vst v63  }
0x411: {  	s31 =	simm.s32 $0x4000  }
0x412: {  	[tilespmem:s31], [sflag:$0x1] =	stream.indirect_vreg.gather [hbm4b:s2+s3], $0x80, v3, vm0, $0xb8;
	[tilespmem:$0x1E000] =	vst v63  }
0x413: {  	s28 =	simm.s32 $0x4800  }
0x414: {  	[tilespmem:s28], [sflag:$0x1] =	stream.indirect_vreg.gather [hbm4b:s5+s3], $0x80, v3, vm0, $0xb8;
	[tilespmem:$0x1E000] =	vst v63  }
0x415: {  	s10 =	simm.s32 $0x5000  }
0x416: {  	[tilespmem:s10], [sflag:$0x1] =	stream.indirect_vreg.gather [hbm4b:s6+s3], $0x80, v3, vm0, $0xb8;
	[tilespmem:$0x1E000] =	vst v63  }
0x417: {  	s31 =	simm.s32 $0x5800  }
0x418: {  	[tilespmem:s31], [sflag:$0x1] =	stream.indirect_vreg.gather [hbm4b:s7+s3], $0x80, v3, vm0, $0xb8;
	[tilespmem:$0x1E000] =	vst v63  }
0x419: {  	_ =	swait.ge [sflag:s16], $0x4000  }
0x41a: {  	s8 =	sld [smem:$0x7DA]  }
0x41b: {  	[sflag:s16] =	ssyncset.done $0x0  }
0x41c: {  	s10 =	simm.s32 $0x6000;
	[sflag:s16] =	ssyncadd.s32 $0xFFFFC000  }
0x41d: {  	[hbm4b:s8+s3] =	stream.linear.scatter [tilespmem:s10], [sflag:$0x9], $0x4000, $0x38;
	[tilespmem:$0x1E000] =	vst v63  }
0x41e: {  	_ =	swait.ge [sflag:s30], $0x4000  }
0x41f: {  	[sflag:s30] =	ssyncset.done $0x0  }
0x420: {  	[sflag:s30] =	ssyncadd.s32 $0xFFFFC000  }
0x421: {  	v3 =	vld [tilespmem:$0x1200];
	_ =	sdelay $0x4  }
0x422: {  	v36 =	vshll.u32 v3, $0x3  }
0x423: {  	v3 =	vand.u32 $0x7, v3;
	v4 =	vand.u32 $0xFFFFFFC0, v36  }
0x424: {  	v3 =	vor.u32 v3, v4  }
0x425: {  	v4 =	vperm.xlane v3, v0;
	_ =	sdelay $0x1  }
0x426: {  	v4 =	vadd.s32 v1, v4;
	_ =	sdelay $0x4  }
0x427: {  	[tilespmem:s10], [sflag:$0x2] =	stream.indirect_vreg.gather [hbm4b:s2+s3], $0x80, v4, vm0, $0xb8;
	[tilespmem:$0x1E000] =	vst v63  }
0x428: {  	s14 =	simm.s32 $0x6800;
	v3 =	vperm.xlane v3, v2  }
0x429: {  	[tilespmem:s14], [sflag:$0x2] =	stream.indirect_vreg.gather [hbm4b:s5+s3], $0x80, v4, vm0, $0xb8;
	[tilespmem:$0x1E000] =	vst v63  }
0x42a: {  	s15 =	simm.s32 $0x7000;
	v3 =	vadd.s32 v1, v3  }
0x42b: {  	[tilespmem:s15], [sflag:$0x2] =	stream.indirect_vreg.gather [hbm4b:s6+s3], $0x80, v4, vm0, $0xb8;
	[tilespmem:$0x1E000] =	vst v63  }
0x42c: {  	s17 =	simm.s32 $0x7800  }
0x42d: {  	[tilespmem:s17], [sflag:$0x2] =	stream.indirect_vreg.gather [hbm4b:s7+s3], $0x80, v4, vm0, $0xb8;
	[tilespmem:$0x1E000] =	vst v63  }
0x42e: {  	s18 =	simm.s32 $0x8000  }
0x42f: {  	[tilespmem:s18], [sflag:$0x2] =	stream.indirect_vreg.gather [hbm4b:s2+s3], $0x80, v3, vm0, $0xb8;
	[tilespmem:$0x1E000] =	vst v63  }
0x430: {  	s26 =	simm.s32 $0x8800  }
0x431: {  	[tilespmem:s26], [sflag:$0x2] =	stream.indirect_vreg.gather [hbm4b:s5+s3], $0x80, v3, vm0, $0xb8;
	[tilespmem:$0x1E000] =	vst v63  }
0x432: {  	s28 =	simm.s32 $0x9000  }
0x433: {  	[tilespmem:s28], [sflag:$0x2] =	stream.indirect_vreg.gather [hbm4b:s6+s3], $0x80, v3, vm0, $0xb8;
	[tilespmem:$0x1E000] =	vst v63  }
0x434: {  	s31 =	simm.s32 $0x9800  }
0x435: {  	[tilespmem:s31], [sflag:$0x2] =	stream.indirect_vreg.gather [hbm4b:s7+s3], $0x80, v3, vm0, $0xb8;
	[tilespmem:$0x1E000] =	vst v63  }
0x436: {  	_ =	swait.ge [sflag:s1], $0x4000  }
0x437: {  	s10 =	sld [smem:$0x7DB]  }
0x438: {  	[sflag:s1] =	ssyncset.done $0x0  }
0x439: {  	s4 =	simm.s32 $0xA000;
	[sflag:s1] =	ssyncadd.s32 $0xFFFFC000  }
0x43a: {  	[hbm4b:s10+s3] =	stream.linear.scatter [tilespmem:s4], [sflag:$0xA], $0x4000, $0x38;
	[tilespmem:$0x1E000] =	vst v63  }
0x43b: {  	_ =	swait.ge [sflag:s0], $0x4000  }
0x43c: {  	[sflag:s0] =	ssyncset.done $0x0  }
0x43d: {  	[sflag:s0] =	ssyncadd.s32 $0xFFFFC000  }
0x43e: {  	v3 =	vld [tilespmem:$0x1280];
	_ =	sdelay $0x4  }
0x43f: {  	v37 =	vshll.u32 v3, $0x3  }
0x440: {  	v3 =	vand.u32 $0x7, v3;
	v4 =	vand.u32 $0xFFFFFFC0, v37  }
0x441: {  	v3 =	vor.u32 v3, v4  }
0x442: {  	v4 =	vperm.xlane v3, v0;
	_ =	sdelay $0x1  }
0x443: {  	v4 =	vadd.s32 v1, v4;
	_ =	sdelay $0x4  }
0x444: {  	[tilespmem:s4], [sflag:$0x3] =	stream.indirect_vreg.gather [hbm4b:s2+s3], $0x80, v4, vm0, $0xb8;
	[tilespmem:$0x1E000] =	vst v63  }
0x445: {  	s29 =	simm.s32 $0xA800;
	v3 =	vperm.xlane v3, v2  }
0x446: {  	[tilespmem:s29], [sflag:$0x3] =	stream.indirect_vreg.gather [hbm4b:s5+s3], $0x80, v4, vm0, $0xb8;
	[tilespmem:$0x1E000] =	vst v63  }
0x447: {  	s20 =	simm.s32 $0xB000;
	v3 =	vadd.s32 v1, v3  }
0x448: {  	[tilespmem:s20], [sflag:$0x3] =	stream.indirect_vreg.gather [hbm4b:s6+s3], $0x80, v4, vm0, $0xb8;
	[tilespmem:$0x1E000] =	vst v63  }
0x449: {  	s15 =	simm.s32 $0xB800  }
0x44a: {  	[tilespmem:s15], [sflag:$0x3] =	stream.indirect_vreg.gather [hbm4b:s7+s3], $0x80, v4, vm0, $0xb8;
	[tilespmem:$0x1E000] =	vst v63  }
0x44b: {  	s17 =	simm.s32 $0xC000  }
0x44c: {  	[tilespmem:s17], [sflag:$0x3] =	stream.indirect_vreg.gather [hbm4b:s2+s3], $0x80, v3, vm0, $0xb8;
	[tilespmem:$0x1E000] =	vst v63  }
0x44d: {  	s18 =	simm.s32 $0xC800  }
0x44e: {  	[tilespmem:s18], [sflag:$0x3] =	stream.indirect_vreg.gather [hbm4b:s5+s3], $0x80, v3, vm0, $0xb8;
	[tilespmem:$0x1E000] =	vst v63  }
0x44f: {  	s20 =	simm.s32 $0xD000  }
0x450: {  	[tilespmem:s20], [sflag:$0x3] =	stream.indirect_vreg.gather [hbm4b:s6+s3], $0x80, v3, vm0, $0xb8;
	[tilespmem:$0x1E000] =	vst v63  }
0x451: {  	s26 =	simm.s32 $0xD800  }
0x452: {  	[tilespmem:s26], [sflag:$0x3] =	stream.indirect_vreg.gather [hbm4b:s7+s3], $0x80, v3, vm0, $0xb8;
	[tilespmem:$0x1E000] =	vst v63  }
0x453: {  	_ =	swait.ge [sflag:s9], $0x4000  }
0x454: {  	s28 =	sld [smem:$0x7DC]  }
0x455: {  	[sflag:s9] =	ssyncset.done $0x0  }
0x456: {  	s31 =	simm.s32 $0xE000;
	[sflag:s9] =	ssyncadd.s32 $0xFFFFC000  }
0x457: {  	[hbm4b:s28+s3] =	stream.linear.scatter [tilespmem:s31], [sflag:$0xB], $0x4000, $0x38;
	[tilespmem:$0x1E000] =	vst v63  }
0x458: {  	_ =	swait.ge [sflag:s19], $0x4000  }
0x459: {  	[sflag:s19] =	ssyncset.done $0x0  }
0x45a: {  	[sflag:s19] =	ssyncadd.s32 $0xFFFFC000  }
0x45b: {  	v3 =	vld [tilespmem:$0x1300];
	_ =	sdelay $0x4  }
0x45c: {  	v38 =	vshll.u32 v3, $0x3  }
0x45d: {  	v3 =	vand.u32 $0x7, v3;
	v4 =	vand.u32 $0xFFFFFFC0, v38  }
0x45e: {  	v3 =	vor.u32 v3, v4  }
0x45f: {  	v4 =	vperm.xlane v3, v0;
	_ =	sdelay $0x1  }
0x460: {  	v4 =	vadd.s32 v1, v4;
	_ =	sdelay $0x4  }
0x461: {  	[tilespmem:s31], [sflag:$0x4] =	stream.indirect_vreg.gather [hbm4b:s2+s3], $0x80, v4, vm0, $0xb8;
	[tilespmem:$0x1E000] =	vst v63  }
0x462: {  	s26 =	simm.s32 $0xE800;
	v3 =	vperm.xlane v3, v2  }
0x463: {  	[tilespmem:s26], [sflag:$0x4] =	stream.indirect_vreg.gather [hbm4b:s5+s3], $0x80, v4, vm0, $0xb8;
	[tilespmem:$0x1E000] =	vst v63  }
0x464: {  	s15 =	simm.s32 $0xF000;
	v3 =	vadd.s32 v1, v3  }
0x465: {  	[tilespmem:s15], [sflag:$0x4] =	stream.indirect_vreg.gather [hbm4b:s6+s3], $0x80, v4, vm0, $0xb8;
	[tilespmem:$0x1E000] =	vst v63  }
0x466: {  	s31 =	simm.s32 $0xF800  }
0x467: {  	[tilespmem:s31], [sflag:$0x4] =	stream.indirect_vreg.gather [hbm4b:s7+s3], $0x80, v4, vm0, $0xb8;
	[tilespmem:$0x1E000] =	vst v63  }
0x468: {  	s17 =	simm.s32 $0x10000  }
0x469: {  	[tilespmem:s17], [sflag:$0x4] =	stream.indirect_vreg.gather [hbm4b:s2+s3], $0x80, v3, vm0, $0xb8;
	[tilespmem:$0x1E000] =	vst v63  }
0x46a: {  	s18 =	simm.s32 $0x10800  }
0x46b: {  	[tilespmem:s18], [sflag:$0x4] =	stream.indirect_vreg.gather [hbm4b:s5+s3], $0x80, v3, vm0, $0xb8;
	[tilespmem:$0x1E000] =	vst v63  }
0x46c: {  	s20 =	simm.s32 $0x11000  }
0x46d: {  	[tilespmem:s20], [sflag:$0x4] =	stream.indirect_vreg.gather [hbm4b:s6+s3], $0x80, v3, vm0, $0xb8;
	[tilespmem:$0x1E000] =	vst v63  }
0x46e: {  	s28 =	simm.s32 $0x11800  }
0x46f: {  	[tilespmem:s28], [sflag:$0x4] =	stream.indirect_vreg.gather [hbm4b:s7+s3], $0x80, v3, vm0, $0xb8;
	[tilespmem:$0x1E000] =	vst v63  }
0x470: {  	_ =	swait.ge [sflag:s21], $0x4000  }
0x471: {  	s8 =	sld [smem:$0x7DD]  }
0x472: {  	[sflag:s21] =	ssyncset.done $0x0  }
0x473: {  	s10 =	simm.s32 $0x12000;
	[sflag:s21] =	ssyncadd.s32 $0xFFFFC000  }
0x474: {  	[hbm4b:s8+s3] =	stream.linear.scatter [tilespmem:s10], [sflag:$0xC], $0x4000, $0x38;
	[tilespmem:$0x1E000] =	vst v63  }
0x475: {  	_ =	swait.ge [sflag:s22], $0x4000  }
0x476: {  	[sflag:s22] =	ssyncset.done $0x0  }
0x477: {  	[sflag:s22] =	ssyncadd.s32 $0xFFFFC000  }
0x478: {  	v3 =	vld [tilespmem:$0x1380];
	_ =	sdelay $0x4  }
0x479: {  	v39 =	vshll.u32 v3, $0x3  }
0x47a: {  	v3 =	vand.u32 $0x7, v3;
	v4 =	vand.u32 $0xFFFFFFC0, v39  }
0x47b: {  	v3 =	vor.u32 v3, v4  }
0x47c: {  	v4 =	vperm.xlane v3, v0;
	_ =	sdelay $0x1  }
0x47d: {  	v4 =	vadd.s32 v1, v4;
	_ =	sdelay $0x4  }
0x47e: {  	[tilespmem:s10], [sflag:$0x5] =	stream.indirect_vreg.gather [hbm4b:s2+s3], $0x80, v4, vm0, $0xb8;
	[tilespmem:$0x1E000] =	vst v63  }
0x47f: {  	s14 =	simm.s32 $0x12800;
	v3 =	vperm.xlane v3, v2  }
0x480: {  	[tilespmem:s14], [sflag:$0x5] =	stream.indirect_vreg.gather [hbm4b:s5+s3], $0x80, v4, vm0, $0xb8;
	[tilespmem:$0x1E000] =	vst v63  }
0x481: {  	v3 =	vadd.s32 v1, v3;
	s10 =	simm.s32 $0x13000  }
0x482: {  	[tilespmem:s10], [sflag:$0x5] =	stream.indirect_vreg.gather [hbm4b:s6+s3], $0x80, v4, vm0, $0xb8;
	[tilespmem:$0x1E000] =	vst v63  }
0x483: {  	s14 =	simm.s32 $0x13800  }
0x484: {  	[tilespmem:s14], [sflag:$0x5] =	stream.indirect_vreg.gather [hbm4b:s7+s3], $0x80, v4, vm0, $0xb8;
	[tilespmem:$0x1E000] =	vst v63  }
0x485: {  	s10 =	simm.s32 $0x14000  }
0x486: {  	[tilespmem:s10], [sflag:$0x5] =	stream.indirect_vreg.gather [hbm4b:s2+s3], $0x80, v3, vm0, $0xb8;
	[tilespmem:$0x1E000] =	vst v63  }
0x487: {  	s14 =	simm.s32 $0x14800  }
0x488: {  	[tilespmem:s14], [sflag:$0x5] =	stream.indirect_vreg.gather [hbm4b:s5+s3], $0x80, v3, vm0, $0xb8;
	[tilespmem:$0x1E000] =	vst v63  }
0x489: {  	s10 =	simm.s32 $0x15000  }
0x48a: {  	[tilespmem:s10], [sflag:$0x5] =	stream.indirect_vreg.gather [hbm4b:s6+s3], $0x80, v3, vm0, $0xb8;
	[tilespmem:$0x1E000] =	vst v63  }
0x48b: {  	s14 =	simm.s32 $0x15800  }
0x48c: {  	[tilespmem:s14], [sflag:$0x5] =	stream.indirect_vreg.gather [hbm4b:s7+s3], $0x80, v3, vm0, $0xb8;
	[tilespmem:$0x1E000] =	vst v63  }
0x48d: {  	_ =	swait.ge [sflag:s23], $0x4000  }
0x48e: {  	s8 =	sld [smem:$0x7DE]  }
0x48f: {  	[sflag:s23] =	ssyncset.done $0x0  }
0x490: {  	s10 =	simm.s32 $0x16000;
	[sflag:s23] =	ssyncadd.s32 $0xFFFFC000  }
0x491: {  	[hbm4b:s8+s3] =	stream.linear.scatter [tilespmem:s10], [sflag:$0xD], $0x4000, $0x38;
	[tilespmem:$0x1E000] =	vst v63  }
0x492: {  	_ =	swait.ge [sflag:s11], $0x4000  }
0x493: {  	[sflag:s11] =	ssyncset.done $0x0  }
0x494: {  	[sflag:s11] =	ssyncadd.s32 $0xFFFFC000  }
0x495: {  	v3 =	vld [tilespmem:$0x1400];
	_ =	sdelay $0x4  }
0x496: {  	v40 =	vshll.u32 v3, $0x3  }
0x497: {  	v3 =	vand.u32 $0x7, v3;
	v4 =	vand.u32 $0xFFFFFFC0, v40  }
0x498: {  	v3 =	vor.u32 v3, v4  }
0x499: {  	v4 =	vperm.xlane v3, v0;
	_ =	sdelay $0x1  }
0x49a: {  	v4 =	vadd.s32 v1, v4;
	_ =	sdelay $0x4  }
0x49b: {  	[tilespmem:s10], [sflag:$0x6] =	stream.indirect_vreg.gather [hbm4b:s2+s3], $0x80, v4, vm0, $0xb8;
	[tilespmem:$0x1E000] =	vst v63  }
0x49c: {  	s14 =	simm.s32 $0x16800;
	v3 =	vperm.xlane v3, v2  }
0x49d: {  	[tilespmem:s14], [sflag:$0x6] =	stream.indirect_vreg.gather [hbm4b:s5+s3], $0x80, v4, vm0, $0xb8;
	[tilespmem:$0x1E000] =	vst v63  }
0x49e: {  	v3 =	vadd.s32 v1, v3;
	s10 =	simm.s32 $0x17000  }
0x49f: {  	[tilespmem:s10], [sflag:$0x6] =	stream.indirect_vreg.gather [hbm4b:s6+s3], $0x80, v4, vm0, $0xb8;
	[tilespmem:$0x1E000] =	vst v63  }
0x4a0: {  	s14 =	simm.s32 $0x17800  }
0x4a1: {  	[tilespmem:s14], [sflag:$0x6] =	stream.indirect_vreg.gather [hbm4b:s7+s3], $0x80, v4, vm0, $0xb8;
	[tilespmem:$0x1E000] =	vst v63  }
0x4a2: {  	s10 =	simm.s32 $0x18000  }
0x4a3: {  	[tilespmem:s10], [sflag:$0x6] =	stream.indirect_vreg.gather [hbm4b:s2+s3], $0x80, v3, vm0, $0xb8;
	[tilespmem:$0x1E000] =	vst v63  }
0x4a4: {  	s14 =	simm.s32 $0x18800  }
0x4a5: {  	[tilespmem:s14], [sflag:$0x6] =	stream.indirect_vreg.gather [hbm4b:s5+s3], $0x80, v3, vm0, $0xb8;
	[tilespmem:$0x1E000] =	vst v63  }
0x4a6: {  	s10 =	simm.s32 $0x19000  }
0x4a7: {  	[tilespmem:s10], [sflag:$0x6] =	stream.indirect_vreg.gather [hbm4b:s6+s3], $0x80, v3, vm0, $0xb8;
	[tilespmem:$0x1E000] =	vst v63  }
0x4a8: {  	s14 =	simm.s32 $0x19800  }
0x4a9: {  	[tilespmem:s14], [sflag:$0x6] =	stream.indirect_vreg.gather [hbm4b:s7+s3], $0x80, v3, vm0, $0xb8;
	[tilespmem:$0x1E000] =	vst v63  }
0x4aa: {  	_ =	swait.ge [sflag:s12], $0x4000  }
0x4ab: {  	s8 =	sld [smem:$0x7DF]  }
0x4ac: {  	[sflag:s12] =	ssyncset.done $0x0  }
0x4ad: {  	s10 =	simm.s32 $0x1A000;
	[sflag:s12] =	ssyncadd.s32 $0xFFFFC000  }
0x4ae: {  	[hbm4b:s8+s3] =	stream.linear.scatter [tilespmem:s10], [sflag:$0xE], $0x4000, $0x38;
	[tilespmem:$0x1E000] =	vst v63  }
0x4af: {  	_ =	swait.ge [sflag:s13], $0x4000  }
0x4b0: {  	[sflag:s13] =	ssyncset.done $0x0  }
0x4b1: {  	[sflag:s13] =	ssyncadd.s32 $0xFFFFC000  }
0x4b2: {  	v3 =	vld [tilespmem:$0x1480];
	_ =	sdelay $0x4  }
0x4b3: {  	v41 =	vshll.u32 v3, $0x3  }
0x4b4: {  	v3 =	vand.u32 $0x7, v3;
	v4 =	vand.u32 $0xFFFFFFC0, v41  }
0x4b5: {  	v3 =	vor.u32 v3, v4  }
0x4b6: {  	v4 =	vperm.xlane v3, v0;
	_ =	sdelay $0x1  }
0x4b7: {  	v4 =	vadd.s32 v1, v4;
	_ =	sdelay $0x4  }
0x4b8: {  	[tilespmem:s10], [sflag:$0x7] =	stream.indirect_vreg.gather [hbm4b:s2+s3], $0x80, v4, vm0, $0xb8;
	[tilespmem:$0x1E000] =	vst v63  }
0x4b9: {  	s14 =	simm.s32 $0x1A800;
	v3 =	vperm.xlane v3, v2  }
0x4ba: {  	[tilespmem:s14], [sflag:$0x7] =	stream.indirect_vreg.gather [hbm4b:s5+s3], $0x80, v4, vm0, $0xb8;
	[tilespmem:$0x1E000] =	vst v63  }
0x4bb: {  	v3 =	vadd.s32 v1, v3;
	s10 =	simm.s32 $0x1B000  }
0x4bc: {  	[tilespmem:s10], [sflag:$0x7] =	stream.indirect_vreg.gather [hbm4b:s6+s3], $0x80, v4, vm0, $0xb8;
	[tilespmem:$0x1E000] =	vst v63  }
0x4bd: {  	s14 =	simm.s32 $0x1B800  }
0x4be: {  	[tilespmem:s14], [sflag:$0x7] =	stream.indirect_vreg.gather [hbm4b:s7+s3], $0x80, v4, vm0, $0xb8;
	[tilespmem:$0x1E000] =	vst v63  }
0x4bf: {  	s10 =	simm.s32 $0x1C000  }
0x4c0: {  	[tilespmem:s10], [sflag:$0x7] =	stream.indirect_vreg.gather [hbm4b:s2+s3], $0x80, v3, vm0, $0xb8;
	[tilespmem:$0x1E000] =	vst v63  }
0x4c1: {  	s14 =	simm.s32 $0x1C800  }
0x4c2: {  	[tilespmem:s14], [sflag:$0x7] =	stream.indirect_vreg.gather [hbm4b:s5+s3], $0x80, v3, vm0, $0xb8;
	[tilespmem:$0x1E000] =	vst v63  }
0x4c3: {  	s10 =	simm.s32 $0x1D000  }
0x4c4: {  	[tilespmem:s10], [sflag:$0x7] =	stream.indirect_vreg.gather [hbm4b:s6+s3], $0x80, v3, vm0, $0xb8;
	[tilespmem:$0x1E000] =	vst v63  }
0x4c5: {  	s14 =	simm.s32 $0x1D800  }
0x4c6: {  	[tilespmem:s14], [sflag:$0x7] =	stream.indirect_vreg.gather [hbm4b:s7+s3], $0x80, v3, vm0, $0xb8;
	[tilespmem:$0x1E000] =	vst v63  }
0x4c7: {  	_ =	swait.ge [sflag:s24], $0x4000  }
0x4c8: {  	s10 =	sld [smem:$0x7E0]  }
0x4c9: {  	[sflag:s24] =	ssyncset.done $0x0  }
0x4ca: {  	s8 =	simm.s32 $0x2000;
	[sflag:s24] =	ssyncadd.s32 $0xFFFFC000  }
0x4cb: {  	[hbm4b:s10+s3] =	stream.linear.scatter [tilespmem:s8], [sflag:$0x8], $0x4000, $0x38;
	[tilespmem:$0x1E000] =	vst v63  }
0x4cc: {  	_ =	swait.ge [sflag:s25], $0x4000  }
0x4cd: {  	[sflag:s25] =	ssyncset.done $0x0  }
0x4ce: {  	[sflag:s25] =	ssyncadd.s32 $0xFFFFC000  }
0x4cf: {  	v3 =	vld [tilespmem:$0x1500];
	_ =	sdelay $0x4  }
0x4d0: {  	v42 =	vshll.u32 v3, $0x3  }
0x4d1: {  	v3 =	vand.u32 $0x7, v3;
	v4 =	vand.u32 $0xFFFFFFC0, v42  }
0x4d2: {  	v3 =	vor.u32 v3, v4  }
0x4d3: {  	v4 =	vperm.xlane v3, v0;
	_ =	sdelay $0x1  }
0x4d4: {  	v4 =	vadd.s32 v1, v4;
	_ =	sdelay $0x4  }
0x4d5: {  	[tilespmem:s8], [sflag:$0x1] =	stream.indirect_vreg.gather [hbm4b:s2+s3], $0x80, v4, vm0, $0xb8;
	[tilespmem:$0x1E000] =	vst v63  }
0x4d6: {  	s14 =	simm.s32 $0x2800;
	v3 =	vperm.xlane v3, v2  }
0x4d7: {  	[tilespmem:s14], [sflag:$0x1] =	stream.indirect_vreg.gather [hbm4b:s5+s3], $0x80, v4, vm0, $0xb8;
	[tilespmem:$0x1E000] =	vst v63  }
0x4d8: {  	v3 =	vadd.s32 v1, v3;
	s14 =	simm.s32 $0x3000  }
0x4d9: {  	[tilespmem:s14], [sflag:$0x1] =	stream.indirect_vreg.gather [hbm4b:s6+s3], $0x80, v4, vm0, $0xb8;
	[tilespmem:$0x1E000] =	vst v63  }
0x4da: {  	s14 =	simm.s32 $0x3800  }
0x4db: {  	[tilespmem:s14], [sflag:$0x1] =	stream.indirect_vreg.gather [hbm4b:s7+s3], $0x80, v4, vm0, $0xb8;
	[tilespmem:$0x1E000] =	vst v63  }
0x4dc: {  	s14 =	simm.s32 $0x4000  }
0x4dd: {  	[tilespmem:s14], [sflag:$0x1] =	stream.indirect_vreg.gather [hbm4b:s2+s3], $0x80, v3, vm0, $0xb8;
	[tilespmem:$0x1E000] =	vst v63  }
0x4de: {  	s14 =	simm.s32 $0x4800  }
0x4df: {  	[tilespmem:s14], [sflag:$0x1] =	stream.indirect_vreg.gather [hbm4b:s5+s3], $0x80, v3, vm0, $0xb8;
	[tilespmem:$0x1E000] =	vst v63  }
0x4e0: {  	s14 =	simm.s32 $0x5000  }
0x4e1: {  	[tilespmem:s14], [sflag:$0x1] =	stream.indirect_vreg.gather [hbm4b:s6+s3], $0x80, v3, vm0, $0xb8;
	[tilespmem:$0x1E000] =	vst v63  }
0x4e2: {  	s14 =	simm.s32 $0x5800  }
0x4e3: {  	[tilespmem:s14], [sflag:$0x1] =	stream.indirect_vreg.gather [hbm4b:s7+s3], $0x80, v3, vm0, $0xb8;
	[tilespmem:$0x1E000] =	vst v63  }
0x4e4: {  	_ =	swait.ge [sflag:s16], $0x4000  }
0x4e5: {  	s14 =	sld [smem:$0x7E1]  }
0x4e6: {  	[sflag:s16] =	ssyncset.done $0x0  }
0x4e7: {  	s8 =	simm.s32 $0x6000;
	[sflag:s16] =	ssyncadd.s32 $0xFFFFC000  }
0x4e8: {  	[hbm4b:s14+s3] =	stream.linear.scatter [tilespmem:s8], [sflag:$0x9], $0x4000, $0x38;
	[tilespmem:$0x1E000] =	vst v63  }
0x4e9: {  	_ =	swait.ge [sflag:s30], $0x4000  }
0x4ea: {  	[sflag:s30] =	ssyncset.done $0x0  }
0x4eb: {  	[sflag:s30] =	ssyncadd.s32 $0xFFFFC000  }
0x4ec: {  	v3 =	vld [tilespmem:$0x1580];
	_ =	sdelay $0x4  }
0x4ed: {  	v43 =	vshll.u32 v3, $0x3  }
0x4ee: {  	v3 =	vand.u32 $0x7, v3;
	v4 =	vand.u32 $0xFFFFFFC0, v43  }
0x4ef: {  	v3 =	vor.u32 v3, v4  }
0x4f0: {  	v4 =	vperm.xlane v3, v0;
	_ =	sdelay $0x1  }
0x4f1: {  	v4 =	vadd.s32 v1, v4;
	_ =	sdelay $0x4  }
0x4f2: {  	[tilespmem:s8], [sflag:$0x2] =	stream.indirect_vreg.gather [hbm4b:s2+s3], $0x80, v4, vm0, $0xb8;
	[tilespmem:$0x1E000] =	vst v63  }
0x4f3: {  	s14 =	simm.s32 $0x6800;
	v3 =	vperm.xlane v3, v2  }
0x4f4: {  	[tilespmem:s14], [sflag:$0x2] =	stream.indirect_vreg.gather [hbm4b:s5+s3], $0x80, v4, vm0, $0xb8;
	[tilespmem:$0x1E000] =	vst v63  }
0x4f5: {  	v3 =	vadd.s32 v1, v3;
	s14 =	simm.s32 $0x7000  }
0x4f6: {  	[tilespmem:s14], [sflag:$0x2] =	stream.indirect_vreg.gather [hbm4b:s6+s3], $0x80, v4, vm0, $0xb8;
	[tilespmem:$0x1E000] =	vst v63  }
0x4f7: {  	s14 =	simm.s32 $0x7800  }
0x4f8: {  	[tilespmem:s14], [sflag:$0x2] =	stream.indirect_vreg.gather [hbm4b:s7+s3], $0x80, v4, vm0, $0xb8;
	[tilespmem:$0x1E000] =	vst v63  }
0x4f9: {  	s14 =	simm.s32 $0x8000  }
0x4fa: {  	[tilespmem:s14], [sflag:$0x2] =	stream.indirect_vreg.gather [hbm4b:s2+s3], $0x80, v3, vm0, $0xb8;
	[tilespmem:$0x1E000] =	vst v63  }
0x4fb: {  	s14 =	simm.s32 $0x8800  }
0x4fc: {  	[tilespmem:s14], [sflag:$0x2] =	stream.indirect_vreg.gather [hbm4b:s5+s3], $0x80, v3, vm0, $0xb8;
	[tilespmem:$0x1E000] =	vst v63  }
0x4fd: {  	s14 =	simm.s32 $0x9000  }
0x4fe: {  	[tilespmem:s14], [sflag:$0x2] =	stream.indirect_vreg.gather [hbm4b:s6+s3], $0x80, v3, vm0, $0xb8;
	[tilespmem:$0x1E000] =	vst v63  }
0x4ff: {  	s14 =	simm.s32 $0x9800  }
0x500: {  	[tilespmem:s14], [sflag:$0x2] =	stream.indirect_vreg.gather [hbm4b:s7+s3], $0x80, v3, vm0, $0xb8;
	[tilespmem:$0x1E000] =	vst v63  }
0x501: {  	_ =	swait.ge [sflag:s1], $0x4000  }
0x502: {  	s14 =	sld [smem:$0x7E2]  }
0x503: {  	[sflag:s1] =	ssyncset.done $0x0  }
0x504: {  	s8 =	simm.s32 $0xA000;
	[sflag:s1] =	ssyncadd.s32 $0xFFFFC000  }
0x505: {  	[hbm4b:s14+s3] =	stream.linear.scatter [tilespmem:s8], [sflag:$0xA], $0x4000, $0x38;
	[tilespmem:$0x1E000] =	vst v63  }
0x506: {  	_ =	swait.ge [sflag:s0], $0x4000  }
0x507: {  	[sflag:s0] =	ssyncset.done $0x0  }
0x508: {  	[sflag:s0] =	ssyncadd.s32 $0xFFFFC000  }
0x509: {  	v3 =	vld [tilespmem:$0x1600];
	_ =	sdelay $0x4  }
0x50a: {  	v44 =	vshll.u32 v3, $0x3  }
0x50b: {  	v3 =	vand.u32 $0x7, v3;
	v4 =	vand.u32 $0xFFFFFFC0, v44  }
0x50c: {  	v3 =	vor.u32 v3, v4  }
0x50d: {  	v4 =	vperm.xlane v3, v0;
	_ =	sdelay $0x1  }
0x50e: {  	v4 =	vadd.s32 v1, v4;
	_ =	sdelay $0x4  }
0x50f: {  	[tilespmem:s8], [sflag:$0x3] =	stream.indirect_vreg.gather [hbm4b:s2+s3], $0x80, v4, vm0, $0xb8;
	[tilespmem:$0x1E000] =	vst v63  }
0x510: {  	s14 =	simm.s32 $0xA800;
	v3 =	vperm.xlane v3, v2  }
0x511: {  	[tilespmem:s14], [sflag:$0x3] =	stream.indirect_vreg.gather [hbm4b:s5+s3], $0x80, v4, vm0, $0xb8;
	[tilespmem:$0x1E000] =	vst v63  }
0x512: {  	s29 =	simm.s32 $0xB000;
	v3 =	vadd.s32 v1, v3  }
0x513: {  	[tilespmem:s29], [sflag:$0x3] =	stream.indirect_vreg.gather [hbm4b:s6+s3], $0x80, v4, vm0, $0xb8;
	[tilespmem:$0x1E000] =	vst v63  }
0x514: {  	s29 =	simm.s32 $0xB800  }
0x515: {  	[tilespmem:s29], [sflag:$0x3] =	stream.indirect_vreg.gather [hbm4b:s7+s3], $0x80, v4, vm0, $0xb8;
	[tilespmem:$0x1E000] =	vst v63  }
0x516: {  	s14 =	simm.s32 $0xC000  }
0x517: {  	[tilespmem:s14], [sflag:$0x3] =	stream.indirect_vreg.gather [hbm4b:s2+s3], $0x80, v3, vm0, $0xb8;
	[tilespmem:$0x1E000] =	vst v63  }
0x518: {  	s29 =	simm.s32 $0xC800  }
0x519: {  	[tilespmem:s29], [sflag:$0x3] =	stream.indirect_vreg.gather [hbm4b:s5+s3], $0x80, v3, vm0, $0xb8;
	[tilespmem:$0x1E000] =	vst v63  }
0x51a: {  	s14 =	simm.s32 $0xD000  }
0x51b: {  	[tilespmem:s14], [sflag:$0x3] =	stream.indirect_vreg.gather [hbm4b:s6+s3], $0x80, v3, vm0, $0xb8;
	[tilespmem:$0x1E000] =	vst v63  }
0x51c: {  	s29 =	simm.s32 $0xD800  }
0x51d: {  	[tilespmem:s29], [sflag:$0x3] =	stream.indirect_vreg.gather [hbm4b:s7+s3], $0x80, v3, vm0, $0xb8;
	[tilespmem:$0x1E000] =	vst v63  }
0x51e: {  	_ =	swait.ge [sflag:s9], $0x4000  }
0x51f: {  	s8 =	sld [smem:$0x7E3]  }
0x520: {  	[sflag:s9] =	ssyncset.done $0x0  }
0x521: {  	s4 =	simm.s32 $0xE000;
	[sflag:s9] =	ssyncadd.s32 $0xFFFFC000  }
0x522: {  	[hbm4b:s8+s3] =	stream.linear.scatter [tilespmem:s4], [sflag:$0xB], $0x4000, $0x38;
	[tilespmem:$0x1E000] =	vst v63  }
0x523: {  	_ =	swait.ge [sflag:s19], $0x4000  }
0x524: {  	[sflag:s19] =	ssyncset.done $0x0  }
0x525: {  	[sflag:s19] =	ssyncadd.s32 $0xFFFFC000  }
0x526: {  	v3 =	vld [tilespmem:$0x1680];
	_ =	sdelay $0x4  }
0x527: {  	v45 =	vshll.u32 v3, $0x3  }
0x528: {  	v3 =	vand.u32 $0x7, v3;
	v4 =	vand.u32 $0xFFFFFFC0, v45  }
0x529: {  	v3 =	vor.u32 v3, v4  }
0x52a: {  	v4 =	vperm.xlane v3, v0;
	_ =	sdelay $0x1  }
0x52b: {  	v4 =	vadd.s32 v1, v4;
	_ =	sdelay $0x4  }
0x52c: {  	[tilespmem:s4], [sflag:$0x4] =	stream.indirect_vreg.gather [hbm4b:s2+s3], $0x80, v4, vm0, $0xb8;
	[tilespmem:$0x1E000] =	vst v63  }
0x52d: {  	v3 =	vperm.xlane v3, v2  }
0x52e: {  	[tilespmem:s26], [sflag:$0x4] =	stream.indirect_vreg.gather [hbm4b:s5+s3], $0x80, v4, vm0, $0xb8;
	[tilespmem:$0x1E000] =	vst v63  }
0x52f: {  	v3 =	vadd.s32 v1, v3  }
0x530: {  	[tilespmem:s15], [sflag:$0x4] =	stream.indirect_vreg.gather [hbm4b:s6+s3], $0x80, v4, vm0, $0xb8;
	[tilespmem:$0x1E000] =	vst v63  }
0x531: {  	_ = 	snop  }
0x532: {  	[tilespmem:s31], [sflag:$0x4] =	stream.indirect_vreg.gather [hbm4b:s7+s3], $0x80, v4, vm0, $0xb8;
	[tilespmem:$0x1E000] =	vst v63  }
0x533: {  	_ = 	snop  }
0x534: {  	[tilespmem:s17], [sflag:$0x4] =	stream.indirect_vreg.gather [hbm4b:s2+s3], $0x80, v3, vm0, $0xb8;
	[tilespmem:$0x1E000] =	vst v63  }
0x535: {  	_ = 	snop  }
0x536: {  	[tilespmem:s18], [sflag:$0x4] =	stream.indirect_vreg.gather [hbm4b:s5+s3], $0x80, v3, vm0, $0xb8;
	[tilespmem:$0x1E000] =	vst v63  }
0x537: {  	_ = 	snop  }
0x538: {  	[tilespmem:s20], [sflag:$0x4] =	stream.indirect_vreg.gather [hbm4b:s6+s3], $0x80, v3, vm0, $0xb8;
	[tilespmem:$0x1E000] =	vst v63  }
0x539: {  	_ = 	snop  }
0x53a: {  	[tilespmem:s28], [sflag:$0x4] =	stream.indirect_vreg.gather [hbm4b:s7+s3], $0x80, v3, vm0, $0xb8;
	[tilespmem:$0x1E000] =	vst v63  }
0x53b: {  	_ =	swait.ge [sflag:s21], $0x4000  }
0x53c: {  	s26 =	sld [smem:$0x7E4]  }
0x53d: {  	[sflag:s21] =	ssyncset.done $0x0  }
0x53e: {  	s28 =	simm.s32 $0x12000;
	[sflag:s21] =	ssyncadd.s32 $0xFFFFC000  }
0x53f: {  	[hbm4b:s26+s3] =	stream.linear.scatter [tilespmem:s28], [sflag:$0xC], $0x4000, $0x38;
	[tilespmem:$0x1E000] =	vst v63  }
0x540: {  	_ =	swait.ge [sflag:s22], $0x4000  }
0x541: {  	[sflag:s22] =	ssyncset.done $0x0  }
0x542: {  	[sflag:s22] =	ssyncadd.s32 $0xFFFFC000  }
0x543: {  	v3 =	vld [tilespmem:$0x1700];
	_ =	sdelay $0x4  }
0x544: {  	v46 =	vshll.u32 v3, $0x3  }
0x545: {  	v3 =	vand.u32 $0x7, v3;
	v4 =	vand.u32 $0xFFFFFFC0, v46  }
0x546: {  	v3 =	vor.u32 v3, v4  }
0x547: {  	v4 =	vperm.xlane v3, v0;
	_ =	sdelay $0x1  }
0x548: {  	v4 =	vadd.s32 v1, v4;
	_ =	sdelay $0x4  }
0x549: {  	[tilespmem:s28], [sflag:$0x5] =	stream.indirect_vreg.gather [hbm4b:s2+s3], $0x80, v4, vm0, $0xb8;
	[tilespmem:$0x1E000] =	vst v63  }
0x54a: {  	s29 =	simm.s32 $0x12800;
	v3 =	vperm.xlane v3, v2  }
0x54b: {  	[tilespmem:s29], [sflag:$0x5] =	stream.indirect_vreg.gather [hbm4b:s5+s3], $0x80, v4, vm0, $0xb8;
	[tilespmem:$0x1E000] =	vst v63  }
0x54c: {  	s15 =	simm.s32 $0x13000;
	v3 =	vadd.s32 v1, v3  }
0x54d: {  	[tilespmem:s15], [sflag:$0x5] =	stream.indirect_vreg.gather [hbm4b:s6+s3], $0x80, v4, vm0, $0xb8;
	[tilespmem:$0x1E000] =	vst v63  }
0x54e: {  	s29 =	simm.s32 $0x13800  }
0x54f: {  	[tilespmem:s29], [sflag:$0x5] =	stream.indirect_vreg.gather [hbm4b:s7+s3], $0x80, v4, vm0, $0xb8;
	[tilespmem:$0x1E000] =	vst v63  }
0x550: {  	s31 =	simm.s32 $0x14000  }
0x551: {  	[tilespmem:s31], [sflag:$0x5] =	stream.indirect_vreg.gather [hbm4b:s2+s3], $0x80, v3, vm0, $0xb8;
	[tilespmem:$0x1E000] =	vst v63  }
0x552: {  	s14 =	simm.s32 $0x14800  }
0x553: {  	[tilespmem:s14], [sflag:$0x5] =	stream.indirect_vreg.gather [hbm4b:s5+s3], $0x80, v3, vm0, $0xb8;
	[tilespmem:$0x1E000] =	vst v63  }
0x554: {  	s17 =	simm.s32 $0x15000  }
0x555: {  	[tilespmem:s17], [sflag:$0x5] =	stream.indirect_vreg.gather [hbm4b:s6+s3], $0x80, v3, vm0, $0xb8;
	[tilespmem:$0x1E000] =	vst v63  }
0x556: {  	s18 =	simm.s32 $0x15800  }
0x557: {  	[tilespmem:s18], [sflag:$0x5] =	stream.indirect_vreg.gather [hbm4b:s7+s3], $0x80, v3, vm0, $0xb8;
	[tilespmem:$0x1E000] =	vst v63  }
0x558: {  	_ =	swait.ge [sflag:s23], $0x4000  }
0x559: {  	s20 =	sld [smem:$0x7E5]  }
0x55a: {  	[sflag:s23] =	ssyncset.done $0x0  }
0x55b: {  	s26 =	simm.s32 $0x16000;
	[sflag:s23] =	ssyncadd.s32 $0xFFFFC000  }
0x55c: {  	[hbm4b:s20+s3] =	stream.linear.scatter [tilespmem:s26], [sflag:$0xD], $0x4000, $0x38;
	[tilespmem:$0x1E000] =	vst v63  }
0x55d: {  	_ =	swait.ge [sflag:s11], $0x4000  }
0x55e: {  	[sflag:s11] =	ssyncset.done $0x0  }
0x55f: {  	[sflag:s11] =	ssyncadd.s32 $0xFFFFC000  }
0x560: {  	v3 =	vld [tilespmem:$0x1780];
	_ =	sdelay $0x4  }
0x561: {  	v47 =	vshll.u32 v3, $0x3  }
0x562: {  	v3 =	vand.u32 $0x7, v3;
	v4 =	vand.u32 $0xFFFFFFC0, v47  }
0x563: {  	v3 =	vor.u32 v3, v4  }
0x564: {  	v4 =	vperm.xlane v3, v0;
	_ =	sdelay $0x1  }
0x565: {  	v4 =	vadd.s32 v1, v4;
	_ =	sdelay $0x4  }
0x566: {  	[tilespmem:s26], [sflag:$0x6] =	stream.indirect_vreg.gather [hbm4b:s2+s3], $0x80, v4, vm0, $0xb8;
	[tilespmem:$0x1E000] =	vst v63  }
0x567: {  	s28 =	simm.s32 $0x16800;
	v3 =	vperm.xlane v3, v2  }
0x568: {  	[tilespmem:s28], [sflag:$0x6] =	stream.indirect_vreg.gather [hbm4b:s5+s3], $0x80, v4, vm0, $0xb8;
	[tilespmem:$0x1E000] =	vst v63  }
0x569: {  	s31 =	simm.s32 $0x17000;
	v3 =	vadd.s32 v1, v3  }
0x56a: {  	[tilespmem:s31], [sflag:$0x6] =	stream.indirect_vreg.gather [hbm4b:s6+s3], $0x80, v4, vm0, $0xb8;
	[tilespmem:$0x1E000] =	vst v63  }
0x56b: {  	s14 =	simm.s32 $0x17800  }
0x56c: {  	[tilespmem:s14], [sflag:$0x6] =	stream.indirect_vreg.gather [hbm4b:s7+s3], $0x80, v4, vm0, $0xb8;
	[tilespmem:$0x1E000] =	vst v63  }
0x56d: {  	s17 =	simm.s32 $0x18000  }
0x56e: {  	[tilespmem:s17], [sflag:$0x6] =	stream.indirect_vreg.gather [hbm4b:s2+s3], $0x80, v3, vm0, $0xb8;
	[tilespmem:$0x1E000] =	vst v63  }
0x56f: {  	s18 =	simm.s32 $0x18800  }
0x570: {  	[tilespmem:s18], [sflag:$0x6] =	stream.indirect_vreg.gather [hbm4b:s5+s3], $0x80, v3, vm0, $0xb8;
	[tilespmem:$0x1E000] =	vst v63  }
0x571: {  	s20 =	simm.s32 $0x19000  }
0x572: {  	[tilespmem:s20], [sflag:$0x6] =	stream.indirect_vreg.gather [hbm4b:s6+s3], $0x80, v3, vm0, $0xb8;
	[tilespmem:$0x1E000] =	vst v63  }
0x573: {  	s26 =	simm.s32 $0x19800  }
0x574: {  	[tilespmem:s26], [sflag:$0x6] =	stream.indirect_vreg.gather [hbm4b:s7+s3], $0x80, v3, vm0, $0xb8;
	[tilespmem:$0x1E000] =	vst v63  }
0x575: {  	_ =	swait.ge [sflag:s12], $0x4000  }
0x576: {  	s28 =	sld [smem:$0x7E6]  }
0x577: {  	[sflag:s12] =	ssyncset.done $0x0  }
0x578: {  	s31 =	simm.s32 $0x1A000;
	[sflag:s12] =	ssyncadd.s32 $0xFFFFC000  }
0x579: {  	[hbm4b:s28+s3] =	stream.linear.scatter [tilespmem:s31], [sflag:$0xE], $0x4000, $0x38;
	[tilespmem:$0x1E000] =	vst v63  }
0x57a: {  	_ =	swait.ge [sflag:s13], $0x4000  }
0x57b: {  	[sflag:s13] =	ssyncset.done $0x0  }
0x57c: {  	[sflag:s13] =	ssyncadd.s32 $0xFFFFC000  }
0x57d: {  	v3 =	vld [tilespmem:$0x1800];
	_ =	sdelay $0x4  }
0x57e: {  	v48 =	vshll.u32 v3, $0x3  }
0x57f: {  	v3 =	vand.u32 $0x7, v3;
	v4 =	vand.u32 $0xFFFFFFC0, v48  }
0x580: {  	v3 =	vor.u32 v3, v4  }
0x581: {  	v4 =	vperm.xlane v3, v0;
	_ =	sdelay $0x1  }
0x582: {  	v4 =	vadd.s32 v1, v4;
	_ =	sdelay $0x4  }
0x583: {  	[tilespmem:s31], [sflag:$0x7] =	stream.indirect_vreg.gather [hbm4b:s2+s3], $0x80, v4, vm0, $0xb8;
	[tilespmem:$0x1E000] =	vst v63  }
0x584: {  	s17 =	simm.s32 $0x1A800;
	v3 =	vperm.xlane v3, v2  }
0x585: {  	[tilespmem:s17], [sflag:$0x7] =	stream.indirect_vreg.gather [hbm4b:s5+s3], $0x80, v4, vm0, $0xb8;
	[tilespmem:$0x1E000] =	vst v63  }
0x586: {  	v3 =	vadd.s32 v1, v3;
	s31 =	simm.s32 $0x1B000  }
0x587: {  	[tilespmem:s31], [sflag:$0x7] =	stream.indirect_vreg.gather [hbm4b:s6+s3], $0x80, v4, vm0, $0xb8;
	[tilespmem:$0x1E000] =	vst v63  }
0x588: {  	s28 =	simm.s32 $0x1B800  }
0x589: {  	[tilespmem:s28], [sflag:$0x7] =	stream.indirect_vreg.gather [hbm4b:s7+s3], $0x80, v4, vm0, $0xb8;
	[tilespmem:$0x1E000] =	vst v63  }
0x58a: {  	s17 =	simm.s32 $0x1C000  }
0x58b: {  	[tilespmem:s17], [sflag:$0x7] =	stream.indirect_vreg.gather [hbm4b:s2+s3], $0x80, v3, vm0, $0xb8;
	[tilespmem:$0x1E000] =	vst v63  }
0x58c: {  	s20 =	simm.s32 $0x1C800  }
0x58d: {  	[tilespmem:s20], [sflag:$0x7] =	stream.indirect_vreg.gather [hbm4b:s5+s3], $0x80, v3, vm0, $0xb8;
	[tilespmem:$0x1E000] =	vst v63  }
0x58e: {  	s18 =	simm.s32 $0x1D000  }
0x58f: {  	[tilespmem:s18], [sflag:$0x7] =	stream.indirect_vreg.gather [hbm4b:s6+s3], $0x80, v3, vm0, $0xb8;
	[tilespmem:$0x1E000] =	vst v63  }
0x590: {  	s26 =	simm.s32 $0x1D800  }
0x591: {  	[tilespmem:s26], [sflag:$0x7] =	stream.indirect_vreg.gather [hbm4b:s7+s3], $0x80, v3, vm0, $0xb8;
	[tilespmem:$0x1E000] =	vst v63  }
0x592: {  	_ =	swait.ge [sflag:s24], $0x4000  }
0x593: {  	s8 =	sld [smem:$0x7E7]  }
0x594: {  	[sflag:s24] =	ssyncset.done $0x0  }
0x595: {  	s10 =	simm.s32 $0x2000;
	[sflag:s24] =	ssyncadd.s32 $0xFFFFC000  }
0x596: {  	[hbm4b:s8+s3] =	stream.linear.scatter [tilespmem:s10], [sflag:$0x8], $0x4000, $0x38;
	[tilespmem:$0x1E000] =	vst v63  }
0x597: {  	_ =	swait.ge [sflag:s25], $0x4000  }
0x598: {  	[sflag:s25] =	ssyncset.done $0x0  }
0x599: {  	[sflag:s25] =	ssyncadd.s32 $0xFFFFC000  }
0x59a: {  	v3 =	vld [tilespmem:$0x1880];
	_ =	sdelay $0x4  }
0x59b: {  	v49 =	vshll.u32 v3, $0x3  }
0x59c: {  	v3 =	vand.u32 $0x7, v3;
	v4 =	vand.u32 $0xFFFFFFC0, v49  }
0x59d: {  	v3 =	vor.u32 v3, v4  }
0x59e: {  	v4 =	vperm.xlane v3, v0;
	_ =	sdelay $0x1  }
0x59f: {  	v4 =	vadd.s32 v1, v4;
	_ =	sdelay $0x4  }
0x5a0: {  	[tilespmem:s10], [sflag:$0x1] =	stream.indirect_vreg.gather [hbm4b:s2+s3], $0x80, v4, vm0, $0xb8;
	[tilespmem:$0x1E000] =	vst v63  }
0x5a1: {  	s18 =	simm.s32 $0x2800;
	v3 =	vperm.xlane v3, v2  }
0x5a2: {  	[tilespmem:s18], [sflag:$0x1] =	stream.indirect_vreg.gather [hbm4b:s5+s3], $0x80, v4, vm0, $0xb8;
	[tilespmem:$0x1E000] =	vst v63  }
0x5a3: {  	s14 =	simm.s32 $0x3000;
	v3 =	vadd.s32 v1, v3  }
0x5a4: {  	[tilespmem:s14], [sflag:$0x1] =	stream.indirect_vreg.gather [hbm4b:s6+s3], $0x80, v4, vm0, $0xb8;
	[tilespmem:$0x1E000] =	vst v63  }
0x5a5: {  	s8 =	simm.s32 $0x3800  }
0x5a6: {  	[tilespmem:s8], [sflag:$0x1] =	stream.indirect_vreg.gather [hbm4b:s7+s3], $0x80, v4, vm0, $0xb8;
	[tilespmem:$0x1E000] =	vst v63  }
0x5a7: {  	s26 =	simm.s32 $0x4000  }
0x5a8: {  	[tilespmem:s26], [sflag:$0x1] =	stream.indirect_vreg.gather [hbm4b:s2+s3], $0x80, v3, vm0, $0xb8;
	[tilespmem:$0x1E000] =	vst v63  }
0x5a9: {  	s26 =	simm.s32 $0x4800  }
0x5aa: {  	[tilespmem:s26], [sflag:$0x1] =	stream.indirect_vreg.gather [hbm4b:s5+s3], $0x80, v3, vm0, $0xb8;
	[tilespmem:$0x1E000] =	vst v63  }
0x5ab: {  	s14 =	simm.s32 $0x5000  }
0x5ac: {  	[tilespmem:s14], [sflag:$0x1] =	stream.indirect_vreg.gather [hbm4b:s6+s3], $0x80, v3, vm0, $0xb8;
	[tilespmem:$0x1E000] =	vst v63  }
0x5ad: {  	s14 =	simm.s32 $0x5800  }
0x5ae: {  	[tilespmem:s14], [sflag:$0x1] =	stream.indirect_vreg.gather [hbm4b:s7+s3], $0x80, v3, vm0, $0xb8;
	[tilespmem:$0x1E000] =	vst v63  }
0x5af: {  	_ =	swait.ge [sflag:s16], $0x4000  }
0x5b0: {  	s14 =	sld [smem:$0x7E8]  }
0x5b1: {  	[sflag:s16] =	ssyncset.done $0x0  }
0x5b2: {  	s10 =	simm.s32 $0x6000;
	[sflag:s16] =	ssyncadd.s32 $0xFFFFC000  }
0x5b3: {  	[hbm4b:s14+s3] =	stream.linear.scatter [tilespmem:s10], [sflag:$0x9], $0x4000, $0x38;
	[tilespmem:$0x1E000] =	vst v63  }
0x5b4: {  	_ =	swait.ge [sflag:s30], $0x4000  }
0x5b5: {  	[sflag:s30] =	ssyncset.done $0x0  }
0x5b6: {  	[sflag:s30] =	ssyncadd.s32 $0xFFFFC000  }
0x5b7: {  	v3 =	vld [tilespmem:$0x1900];
	_ =	sdelay $0x4  }
0x5b8: {  	v50 =	vshll.u32 v3, $0x3  }
0x5b9: {  	v3 =	vand.u32 $0x7, v3;
	v4 =	vand.u32 $0xFFFFFFC0, v50  }
0x5ba: {  	v3 =	vor.u32 v3, v4  }
0x5bb: {  	v4 =	vperm.xlane v3, v0;
	_ =	sdelay $0x1  }
0x5bc: {  	v4 =	vadd.s32 v1, v4;
	_ =	sdelay $0x4  }
0x5bd: {  	[tilespmem:s10], [sflag:$0x2] =	stream.indirect_vreg.gather [hbm4b:s2+s3], $0x80, v4, vm0, $0xb8;
	[tilespmem:$0x1E000] =	vst v63  }
0x5be: {  	s14 =	simm.s32 $0x6800;
	v3 =	vperm.xlane v3, v2  }
0x5bf: {  	[tilespmem:s14], [sflag:$0x2] =	stream.indirect_vreg.gather [hbm4b:s5+s3], $0x80, v4, vm0, $0xb8;
	[tilespmem:$0x1E000] =	vst v63  }
0x5c0: {  	v3 =	vadd.s32 v1, v3;
	s14 =	simm.s32 $0x7000  }
0x5c1: {  	[tilespmem:s14], [sflag:$0x2] =	stream.indirect_vreg.gather [hbm4b:s6+s3], $0x80, v4, vm0, $0xb8;
	[tilespmem:$0x1E000] =	vst v63  }
0x5c2: {  	s14 =	simm.s32 $0x7800  }
0x5c3: {  	[tilespmem:s14], [sflag:$0x2] =	stream.indirect_vreg.gather [hbm4b:s7+s3], $0x80, v4, vm0, $0xb8;
	[tilespmem:$0x1E000] =	vst v63  }
0x5c4: {  	s14 =	simm.s32 $0x8000  }
0x5c5: {  	[tilespmem:s14], [sflag:$0x2] =	stream.indirect_vreg.gather [hbm4b:s2+s3], $0x80, v3, vm0, $0xb8;
	[tilespmem:$0x1E000] =	vst v63  }
0x5c6: {  	s14 =	simm.s32 $0x8800  }
0x5c7: {  	[tilespmem:s14], [sflag:$0x2] =	stream.indirect_vreg.gather [hbm4b:s5+s3], $0x80, v3, vm0, $0xb8;
	[tilespmem:$0x1E000] =	vst v63  }
0x5c8: {  	s14 =	simm.s32 $0x9000  }
0x5c9: {  	[tilespmem:s14], [sflag:$0x2] =	stream.indirect_vreg.gather [hbm4b:s6+s3], $0x80, v3, vm0, $0xb8;
	[tilespmem:$0x1E000] =	vst v63  }
0x5ca: {  	s14 =	simm.s32 $0x9800  }
0x5cb: {  	[tilespmem:s14], [sflag:$0x2] =	stream.indirect_vreg.gather [hbm4b:s7+s3], $0x80, v3, vm0, $0xb8;
	[tilespmem:$0x1E000] =	vst v63  }
0x5cc: {  	_ =	swait.ge [sflag:s1], $0x4000  }
0x5cd: {  	s14 =	sld [smem:$0x7E9]  }
0x5ce: {  	[sflag:s1] =	ssyncset.done $0x0  }
0x5cf: {  	s10 =	simm.s32 $0xA000;
	[sflag:s1] =	ssyncadd.s32 $0xFFFFC000  }
0x5d0: {  	[hbm4b:s14+s3] =	stream.linear.scatter [tilespmem:s10], [sflag:$0xA], $0x4000, $0x38;
	[tilespmem:$0x1E000] =	vst v63  }
0x5d1: {  	_ =	swait.ge [sflag:s0], $0x4000  }
0x5d2: {  	[sflag:s0] =	ssyncset.done $0x0  }
0x5d3: {  	[sflag:s0] =	ssyncadd.s32 $0xFFFFC000  }
0x5d4: {  	v3 =	vld [tilespmem:$0x1980];
	_ =	sdelay $0x4  }
0x5d5: {  	v51 =	vshll.u32 v3, $0x3  }
0x5d6: {  	v3 =	vand.u32 $0x7, v3;
	v4 =	vand.u32 $0xFFFFFFC0, v51  }
0x5d7: {  	v3 =	vor.u32 v3, v4  }
0x5d8: {  	v4 =	vperm.xlane v3, v0;
	_ =	sdelay $0x1  }
0x5d9: {  	v4 =	vadd.s32 v1, v4;
	_ =	sdelay $0x4  }
0x5da: {  	[tilespmem:s10], [sflag:$0x3] =	stream.indirect_vreg.gather [hbm4b:s2+s3], $0x80, v4, vm0, $0xb8;
	[tilespmem:$0x1E000] =	vst v63  }
0x5db: {  	s14 =	simm.s32 $0xA800;
	v3 =	vperm.xlane v3, v2  }
0x5dc: {  	[tilespmem:s14], [sflag:$0x3] =	stream.indirect_vreg.gather [hbm4b:s5+s3], $0x80, v4, vm0, $0xb8;
	[tilespmem:$0x1E000] =	vst v63  }
0x5dd: {  	v3 =	vadd.s32 v1, v3;
	s14 =	simm.s32 $0xB000  }
0x5de: {  	[tilespmem:s14], [sflag:$0x3] =	stream.indirect_vreg.gather [hbm4b:s6+s3], $0x80, v4, vm0, $0xb8;
	[tilespmem:$0x1E000] =	vst v63  }
0x5df: {  	s14 =	simm.s32 $0xB800  }
0x5e0: {  	[tilespmem:s14], [sflag:$0x3] =	stream.indirect_vreg.gather [hbm4b:s7+s3], $0x80, v4, vm0, $0xb8;
	[tilespmem:$0x1E000] =	vst v63  }
0x5e1: {  	s14 =	simm.s32 $0xC000  }
0x5e2: {  	[tilespmem:s14], [sflag:$0x3] =	stream.indirect_vreg.gather [hbm4b:s2+s3], $0x80, v3, vm0, $0xb8;
	[tilespmem:$0x1E000] =	vst v63  }
0x5e3: {  	s14 =	simm.s32 $0xC800  }
0x5e4: {  	[tilespmem:s14], [sflag:$0x3] =	stream.indirect_vreg.gather [hbm4b:s5+s3], $0x80, v3, vm0, $0xb8;
	[tilespmem:$0x1E000] =	vst v63  }
0x5e5: {  	s14 =	simm.s32 $0xD000  }
0x5e6: {  	[tilespmem:s14], [sflag:$0x3] =	stream.indirect_vreg.gather [hbm4b:s6+s3], $0x80, v3, vm0, $0xb8;
	[tilespmem:$0x1E000] =	vst v63  }
0x5e7: {  	s14 =	simm.s32 $0xD800  }
0x5e8: {  	[tilespmem:s14], [sflag:$0x3] =	stream.indirect_vreg.gather [hbm4b:s7+s3], $0x80, v3, vm0, $0xb8;
	[tilespmem:$0x1E000] =	vst v63  }
0x5e9: {  	_ =	swait.ge [sflag:s9], $0x4000  }
0x5ea: {  	s14 =	sld [smem:$0x7EA]  }
0x5eb: {  	[sflag:s9] =	ssyncset.done $0x0  }
0x5ec: {  	s10 =	simm.s32 $0xE000;
	[sflag:s9] =	ssyncadd.s32 $0xFFFFC000  }
0x5ed: {  	[hbm4b:s14+s3] =	stream.linear.scatter [tilespmem:s10], [sflag:$0xB], $0x4000, $0x38;
	[tilespmem:$0x1E000] =	vst v63  }
0x5ee: {  	_ =	swait.ge [sflag:s19], $0x4000  }
0x5ef: {  	[sflag:s19] =	ssyncset.done $0x0  }
0x5f0: {  	[sflag:s19] =	ssyncadd.s32 $0xFFFFC000  }
0x5f1: {  	v3 =	vld [tilespmem:$0x1A00];
	_ =	sdelay $0x4  }
0x5f2: {  	v52 =	vshll.u32 v3, $0x3  }
0x5f3: {  	v3 =	vand.u32 $0x7, v3;
	v4 =	vand.u32 $0xFFFFFFC0, v52  }
0x5f4: {  	v3 =	vor.u32 v3, v4  }
0x5f5: {  	v4 =	vperm.xlane v3, v0;
	_ =	sdelay $0x1  }
0x5f6: {  	v4 =	vadd.s32 v1, v4;
	_ =	sdelay $0x4  }
0x5f7: {  	[tilespmem:s10], [sflag:$0x4] =	stream.indirect_vreg.gather [hbm4b:s2+s3], $0x80, v4, vm0, $0xb8;
	[tilespmem:$0x1E000] =	vst v63  }
0x5f8: {  	s14 =	simm.s32 $0xE800;
	v3 =	vperm.xlane v3, v2  }
0x5f9: {  	[tilespmem:s14], [sflag:$0x4] =	stream.indirect_vreg.gather [hbm4b:s5+s3], $0x80, v4, vm0, $0xb8;
	[tilespmem:$0x1E000] =	vst v63  }
0x5fa: {  	v3 =	vadd.s32 v1, v3;
	s14 =	simm.s32 $0xF000  }
0x5fb: {  	[tilespmem:s14], [sflag:$0x4] =	stream.indirect_vreg.gather [hbm4b:s6+s3], $0x80, v4, vm0, $0xb8;
	[tilespmem:$0x1E000] =	vst v63  }
0x5fc: {  	s14 =	simm.s32 $0xF800  }
0x5fd: {  	[tilespmem:s14], [sflag:$0x4] =	stream.indirect_vreg.gather [hbm4b:s7+s3], $0x80, v4, vm0, $0xb8;
	[tilespmem:$0x1E000] =	vst v63  }
0x5fe: {  	s14 =	simm.s32 $0x10000  }
0x5ff: {  	[tilespmem:s14], [sflag:$0x4] =	stream.indirect_vreg.gather [hbm4b:s2+s3], $0x80, v3, vm0, $0xb8;
	[tilespmem:$0x1E000] =	vst v63  }
0x600: {  	s14 =	simm.s32 $0x10800  }
0x601: {  	[tilespmem:s14], [sflag:$0x4] =	stream.indirect_vreg.gather [hbm4b:s5+s3], $0x80, v3, vm0, $0xb8;
	[tilespmem:$0x1E000] =	vst v63  }
0x602: {  	s14 =	simm.s32 $0x11000  }
0x603: {  	[tilespmem:s14], [sflag:$0x4] =	stream.indirect_vreg.gather [hbm4b:s6+s3], $0x80, v3, vm0, $0xb8;
	[tilespmem:$0x1E000] =	vst v63  }
0x604: {  	s14 =	simm.s32 $0x11800  }
0x605: {  	[tilespmem:s14], [sflag:$0x4] =	stream.indirect_vreg.gather [hbm4b:s7+s3], $0x80, v3, vm0, $0xb8;
	[tilespmem:$0x1E000] =	vst v63  }
0x606: {  	_ =	swait.ge [sflag:s21], $0x4000  }
0x607: {  	s10 =	sld [smem:$0x7EB]  }
0x608: {  	[sflag:s21] =	ssyncset.done $0x0  }
0x609: {  	s4 =	simm.s32 $0x12000;
	[sflag:s21] =	ssyncadd.s32 $0xFFFFC000  }
0x60a: {  	[hbm4b:s10+s3] =	stream.linear.scatter [tilespmem:s4], [sflag:$0xC], $0x4000, $0x38;
	[tilespmem:$0x1E000] =	vst v63  }
0x60b: {  	_ =	swait.ge [sflag:s22], $0x4000  }
0x60c: {  	[sflag:s22] =	ssyncset.done $0x0  }
0x60d: {  	[sflag:s22] =	ssyncadd.s32 $0xFFFFC000  }
0x60e: {  	v3 =	vld [tilespmem:$0x1A80];
	_ =	sdelay $0x4  }
0x60f: {  	v53 =	vshll.u32 v3, $0x3  }
0x610: {  	v3 =	vand.u32 $0x7, v3;
	v4 =	vand.u32 $0xFFFFFFC0, v53  }
0x611: {  	v3 =	vor.u32 v3, v4  }
0x612: {  	v4 =	vperm.xlane v3, v0;
	_ =	sdelay $0x1  }
0x613: {  	v4 =	vadd.s32 v1, v4;
	_ =	sdelay $0x4  }
0x614: {  	[tilespmem:s4], [sflag:$0x5] =	stream.indirect_vreg.gather [hbm4b:s2+s3], $0x80, v4, vm0, $0xb8;
	[tilespmem:$0x1E000] =	vst v63  }
0x615: {  	s14 =	simm.s32 $0x12800;
	v3 =	vperm.xlane v3, v2  }
0x616: {  	[tilespmem:s14], [sflag:$0x5] =	stream.indirect_vreg.gather [hbm4b:s5+s3], $0x80, v4, vm0, $0xb8;
	[tilespmem:$0x1E000] =	vst v63  }
0x617: {  	v3 =	vadd.s32 v1, v3  }
0x618: {  	[tilespmem:s15], [sflag:$0x5] =	stream.indirect_vreg.gather [hbm4b:s6+s3], $0x80, v4, vm0, $0xb8;
	[tilespmem:$0x1E000] =	vst v63  }
0x619: {  	_ = 	snop  }
0x61a: {  	[tilespmem:s29], [sflag:$0x5] =	stream.indirect_vreg.gather [hbm4b:s7+s3], $0x80, v4, vm0, $0xb8;
	[tilespmem:$0x1E000] =	vst v63  }
0x61b: {  	s10 =	simm.s32 $0x14000  }
0x61c: {  	[tilespmem:s10], [sflag:$0x5] =	stream.indirect_vreg.gather [hbm4b:s2+s3], $0x80, v3, vm0, $0xb8;
	[tilespmem:$0x1E000] =	vst v63  }
0x61d: {  	s14 =	simm.s32 $0x14800  }
0x61e: {  	[tilespmem:s14], [sflag:$0x5] =	stream.indirect_vreg.gather [hbm4b:s5+s3], $0x80, v3, vm0, $0xb8;
	[tilespmem:$0x1E000] =	vst v63  }
0x61f: {  	s15 =	simm.s32 $0x15000  }
0x620: {  	[tilespmem:s15], [sflag:$0x5] =	stream.indirect_vreg.gather [hbm4b:s6+s3], $0x80, v3, vm0, $0xb8;
	[tilespmem:$0x1E000] =	vst v63  }
0x621: {  	s29 =	simm.s32 $0x15800  }
0x622: {  	[tilespmem:s29], [sflag:$0x5] =	stream.indirect_vreg.gather [hbm4b:s7+s3], $0x80, v3, vm0, $0xb8;
	[tilespmem:$0x1E000] =	vst v63  }
0x623: {  	_ =	swait.ge [sflag:s23], $0x4000  }
0x624: {  	s10 =	sld [smem:$0x7EC]  }
0x625: {  	[sflag:s23] =	ssyncset.done $0x0  }
0x626: {  	s15 =	simm.s32 $0x16000;
	[sflag:s23] =	ssyncadd.s32 $0xFFFFC000  }
0x627: {  	[hbm4b:s10+s3] =	stream.linear.scatter [tilespmem:s15], [sflag:$0xD], $0x4000, $0x38;
	[tilespmem:$0x1E000] =	vst v63  }
0x628: {  	_ =	swait.ge [sflag:s11], $0x4000  }
0x629: {  	[sflag:s11] =	ssyncset.done $0x0  }
0x62a: {  	[sflag:s11] =	ssyncadd.s32 $0xFFFFC000  }
0x62b: {  	v3 =	vld [tilespmem:$0x1B00];
	_ =	sdelay $0x4  }
0x62c: {  	v54 =	vshll.u32 v3, $0x3  }
0x62d: {  	v3 =	vand.u32 $0x7, v3;
	v4 =	vand.u32 $0xFFFFFFC0, v54  }
0x62e: {  	v3 =	vor.u32 v3, v4  }
0x62f: {  	v4 =	vperm.xlane v3, v0;
	_ =	sdelay $0x1  }
0x630: {  	v4 =	vadd.s32 v1, v4;
	_ =	sdelay $0x4  }
0x631: {  	[tilespmem:s15], [sflag:$0x6] =	stream.indirect_vreg.gather [hbm4b:s2+s3], $0x80, v4, vm0, $0xb8;
	[tilespmem:$0x1E000] =	vst v63  }
0x632: {  	s29 =	simm.s32 $0x16800;
	v3 =	vperm.xlane v3, v2  }
0x633: {  	[tilespmem:s29], [sflag:$0x6] =	stream.indirect_vreg.gather [hbm4b:s5+s3], $0x80, v4, vm0, $0xb8;
	[tilespmem:$0x1E000] =	vst v63  }
0x634: {  	s10 =	simm.s32 $0x17000;
	v3 =	vadd.s32 v1, v3  }
0x635: {  	[tilespmem:s10], [sflag:$0x6] =	stream.indirect_vreg.gather [hbm4b:s6+s3], $0x80, v4, vm0, $0xb8;
	[tilespmem:$0x1E000] =	vst v63  }
0x636: {  	s14 =	simm.s32 $0x17800  }
0x637: {  	[tilespmem:s14], [sflag:$0x6] =	stream.indirect_vreg.gather [hbm4b:s7+s3], $0x80, v4, vm0, $0xb8;
	[tilespmem:$0x1E000] =	vst v63  }
0x638: {  	s15 =	simm.s32 $0x18000  }
0x639: {  	[tilespmem:s15], [sflag:$0x6] =	stream.indirect_vreg.gather [hbm4b:s2+s3], $0x80, v3, vm0, $0xb8;
	[tilespmem:$0x1E000] =	vst v63  }
0x63a: {  	s29 =	simm.s32 $0x18800  }
0x63b: {  	[tilespmem:s29], [sflag:$0x6] =	stream.indirect_vreg.gather [hbm4b:s5+s3], $0x80, v3, vm0, $0xb8;
	[tilespmem:$0x1E000] =	vst v63  }
0x63c: {  	s10 =	simm.s32 $0x19000  }
0x63d: {  	[tilespmem:s10], [sflag:$0x6] =	stream.indirect_vreg.gather [hbm4b:s6+s3], $0x80, v3, vm0, $0xb8;
	[tilespmem:$0x1E000] =	vst v63  }
0x63e: {  	s14 =	simm.s32 $0x19800  }
0x63f: {  	[tilespmem:s14], [sflag:$0x6] =	stream.indirect_vreg.gather [hbm4b:s7+s3], $0x80, v3, vm0, $0xb8;
	[tilespmem:$0x1E000] =	vst v63  }
0x640: {  	_ =	swait.ge [sflag:s12], $0x4000  }
0x641: {  	s15 =	sld [smem:$0x7ED]  }
0x642: {  	[sflag:s12] =	ssyncset.done $0x0  }
0x643: {  	s29 =	simm.s32 $0x1A000;
	[sflag:s12] =	ssyncadd.s32 $0xFFFFC000  }
0x644: {  	[hbm4b:s15+s3] =	stream.linear.scatter [tilespmem:s29], [sflag:$0xE], $0x4000, $0x38;
	[tilespmem:$0x1E000] =	vst v63  }
0x645: {  	_ =	swait.ge [sflag:s13], $0x4000  }
0x646: {  	[sflag:s13] =	ssyncset.done $0x0  }
0x647: {  	[sflag:s13] =	ssyncadd.s32 $0xFFFFC000  }
0x648: {  	v3 =	vld [tilespmem:$0x1B80];
	_ =	sdelay $0x4  }
0x649: {  	v55 =	vshll.u32 v3, $0x3  }
0x64a: {  	v3 =	vand.u32 $0x7, v3;
	v4 =	vand.u32 $0xFFFFFFC0, v55  }
0x64b: {  	v3 =	vor.u32 v3, v4  }
0x64c: {  	v4 =	vperm.xlane v3, v0;
	_ =	sdelay $0x1  }
0x64d: {  	v4 =	vadd.s32 v1, v4;
	_ =	sdelay $0x4  }
0x64e: {  	[tilespmem:s29], [sflag:$0x7] =	stream.indirect_vreg.gather [hbm4b:s2+s3], $0x80, v4, vm0, $0xb8;
	[tilespmem:$0x1E000] =	vst v63  }
0x64f: {  	s10 =	simm.s32 $0x1A800;
	v3 =	vperm.xlane v3, v2  }
0x650: {  	[tilespmem:s10], [sflag:$0x7] =	stream.indirect_vreg.gather [hbm4b:s5+s3], $0x80, v4, vm0, $0xb8;
	[tilespmem:$0x1E000] =	vst v63  }
0x651: {  	v3 =	vadd.s32 v1, v3  }
0x652: {  	[tilespmem:s31], [sflag:$0x7] =	stream.indirect_vreg.gather [hbm4b:s6+s3], $0x80, v4, vm0, $0xb8;
	[tilespmem:$0x1E000] =	vst v63  }
0x653: {  	_ = 	snop  }
0x654: {  	[tilespmem:s28], [sflag:$0x7] =	stream.indirect_vreg.gather [hbm4b:s7+s3], $0x80, v4, vm0, $0xb8;
	[tilespmem:$0x1E000] =	vst v63  }
0x655: {  	_ = 	snop  }
0x656: {  	[tilespmem:s17], [sflag:$0x7] =	stream.indirect_vreg.gather [hbm4b:s2+s3], $0x80, v3, vm0, $0xb8;
	[tilespmem:$0x1E000] =	vst v63  }
0x657: {  	_ = 	snop  }
0x658: {  	[tilespmem:s20], [sflag:$0x7] =	stream.indirect_vreg.gather [hbm4b:s5+s3], $0x80, v3, vm0, $0xb8;
	[tilespmem:$0x1E000] =	vst v63  }
0x659: {  	s14 =	simm.s32 $0x1D000  }
0x65a: {  	[tilespmem:s14], [sflag:$0x7] =	stream.indirect_vreg.gather [hbm4b:s6+s3], $0x80, v3, vm0, $0xb8;
	[tilespmem:$0x1E000] =	vst v63  }
0x65b: {  	s28 =	simm.s32 $0x1D800  }
0x65c: {  	[tilespmem:s28], [sflag:$0x7] =	stream.indirect_vreg.gather [hbm4b:s7+s3], $0x80, v3, vm0, $0xb8;
	[tilespmem:$0x1E000] =	vst v63  }
0x65d: {  	_ =	swait.ge [sflag:s24], $0x4000  }
0x65e: {  	s29 =	sld [smem:$0x7EE]  }
0x65f: {  	[sflag:s24] =	ssyncset.done $0x0  }
0x660: {  	s31 =	simm.s32 $0x2000;
	[sflag:s24] =	ssyncadd.s32 $0xFFFFC000  }
0x661: {  	[hbm4b:s29+s3] =	stream.linear.scatter [tilespmem:s31], [sflag:$0x8], $0x4000, $0x38;
	[tilespmem:$0x1E000] =	vst v63  }
0x662: {  	_ =	swait.ge [sflag:s25], $0x4000  }
0x663: {  	[sflag:s25] =	ssyncset.done $0x0  }
0x664: {  	[sflag:s25] =	ssyncadd.s32 $0xFFFFC000  }
0x665: {  	v3 =	vld [tilespmem:$0x1C00];
	_ =	sdelay $0x4  }
0x666: {  	v56 =	vshll.u32 v3, $0x3  }
0x667: {  	v3 =	vand.u32 $0x7, v3;
	v4 =	vand.u32 $0xFFFFFFC0, v56  }
0x668: {  	v3 =	vor.u32 v3, v4  }
0x669: {  	v4 =	vperm.xlane v3, v0;
	_ =	sdelay $0x1  }
0x66a: {  	v4 =	vadd.s32 v1, v4;
	_ =	sdelay $0x4  }
0x66b: {  	[tilespmem:s31], [sflag:$0x1] =	stream.indirect_vreg.gather [hbm4b:s2+s3], $0x80, v4, vm0, $0xb8;
	[tilespmem:$0x1E000] =	vst v63  }
0x66c: {  	v3 =	vperm.xlane v3, v2  }
0x66d: {  	[tilespmem:s18], [sflag:$0x1] =	stream.indirect_vreg.gather [hbm4b:s5+s3], $0x80, v4, vm0, $0xb8;
	[tilespmem:$0x1E000] =	vst v63  }
0x66e: {  	s10 =	simm.s32 $0x3000;
	v3 =	vadd.s32 v1, v3  }
0x66f: {  	[tilespmem:s10], [sflag:$0x1] =	stream.indirect_vreg.gather [hbm4b:s6+s3], $0x80, v4, vm0, $0xb8;
	[tilespmem:$0x1E000] =	vst v63  }
0x670: {  	_ = 	snop  }
0x671: {  	[tilespmem:s8], [sflag:$0x1] =	stream.indirect_vreg.gather [hbm4b:s7+s3], $0x80, v4, vm0, $0xb8;
	[tilespmem:$0x1E000] =	vst v63  }
0x672: {  	s14 =	simm.s32 $0x4000  }
0x673: {  	[tilespmem:s14], [sflag:$0x1] =	stream.indirect_vreg.gather [hbm4b:s2+s3], $0x80, v3, vm0, $0xb8;
	[tilespmem:$0x1E000] =	vst v63  }
0x674: {  	_ = 	snop  }
0x675: {  	[tilespmem:s26], [sflag:$0x1] =	stream.indirect_vreg.gather [hbm4b:s5+s3], $0x80, v3, vm0, $0xb8;
	[tilespmem:$0x1E000] =	vst v63  }
0x676: {  	s18 =	simm.s32 $0x5000  }
0x677: {  	[tilespmem:s18], [sflag:$0x1] =	stream.indirect_vreg.gather [hbm4b:s6+s3], $0x80, v3, vm0, $0xb8;
	[tilespmem:$0x1E000] =	vst v63  }
0x678: {  	s28 =	simm.s32 $0x5800  }
0x679: {  	[tilespmem:s28], [sflag:$0x1] =	stream.indirect_vreg.gather [hbm4b:s7+s3], $0x80, v3, vm0, $0xb8;
	[tilespmem:$0x1E000] =	vst v63  }
0x67a: {  	_ =	swait.ge [sflag:s16], $0x4000  }
0x67b: {  	s31 =	sld [smem:$0x7EF]  }
0x67c: {  	[sflag:s16] =	ssyncset.done $0x0  }
0x67d: {  	s4 =	simm.s32 $0x6000;
	[sflag:s16] =	ssyncadd.s32 $0xFFFFC000  }
0x67e: {  	[hbm4b:s31+s3] =	stream.linear.scatter [tilespmem:s4], [sflag:$0x9], $0x4000, $0x38;
	[tilespmem:$0x1E000] =	vst v63  }
0x67f: {  	_ =	swait.ge [sflag:s30], $0x4000  }
0x680: {  	[sflag:s30] =	ssyncset.done $0x0  }
0x681: {  	[sflag:s30] =	ssyncadd.s32 $0xFFFFC000  }
0x682: {  	v3 =	vld [tilespmem:$0x1C80];
	_ =	sdelay $0x4  }
0x683: {  	v57 =	vshll.u32 v3, $0x3  }
0x684: {  	v3 =	vand.u32 $0x7, v3;
	v4 =	vand.u32 $0xFFFFFFC0, v57  }
0x685: {  	v3 =	vor.u32 v3, v4  }
0x686: {  	v4 =	vperm.xlane v3, v0;
	_ =	sdelay $0x1  }
0x687: {  	v4 =	vadd.s32 v1, v4;
	_ =	sdelay $0x4  }
0x688: {  	[tilespmem:s4], [sflag:$0x2] =	stream.indirect_vreg.gather [hbm4b:s2+s3], $0x80, v4, vm0, $0xb8;
	[tilespmem:$0x1E000] =	vst v63  }
0x689: {  	s14 =	simm.s32 $0x6800;
	v3 =	vperm.xlane v3, v2  }
0x68a: {  	[tilespmem:s14], [sflag:$0x2] =	stream.indirect_vreg.gather [hbm4b:s5+s3], $0x80, v4, vm0, $0xb8;
	[tilespmem:$0x1E000] =	vst v63  }
0x68b: {  	s18 =	simm.s32 $0x7000;
	v3 =	vadd.s32 v1, v3  }
0x68c: {  	[tilespmem:s18], [sflag:$0x2] =	stream.indirect_vreg.gather [hbm4b:s6+s3], $0x80, v4, vm0, $0xb8;
	[tilespmem:$0x1E000] =	vst v63  }
0x68d: {  	s28 =	simm.s32 $0x7800  }
0x68e: {  	[tilespmem:s28], [sflag:$0x2] =	stream.indirect_vreg.gather [hbm4b:s7+s3], $0x80, v4, vm0, $0xb8;
	[tilespmem:$0x1E000] =	vst v63  }
0x68f: {  	s31 =	simm.s32 $0x8000  }
0x690: {  	[tilespmem:s31], [sflag:$0x2] =	stream.indirect_vreg.gather [hbm4b:s2+s3], $0x80, v3, vm0, $0xb8;
	[tilespmem:$0x1E000] =	vst v63  }
0x691: {  	s14 =	simm.s32 $0x8800  }
0x692: {  	[tilespmem:s14], [sflag:$0x2] =	stream.indirect_vreg.gather [hbm4b:s5+s3], $0x80, v3, vm0, $0xb8;
	[tilespmem:$0x1E000] =	vst v63  }
0x693: {  	s18 =	simm.s32 $0x9000  }
0x694: {  	[tilespmem:s18], [sflag:$0x2] =	stream.indirect_vreg.gather [hbm4b:s6+s3], $0x80, v3, vm0, $0xb8;
	[tilespmem:$0x1E000] =	vst v63  }
0x695: {  	s28 =	simm.s32 $0x9800  }
0x696: {  	[tilespmem:s28], [sflag:$0x2] =	stream.indirect_vreg.gather [hbm4b:s7+s3], $0x80, v3, vm0, $0xb8;
	[tilespmem:$0x1E000] =	vst v63  }
0x697: {  	_ =	swait.ge [sflag:s1], $0x4000  }
0x698: {  	s31 =	sld [smem:$0x7F0]  }
0x699: {  	[sflag:s1] =	ssyncset.done $0x0  }
0x69a: {  	s4 =	simm.s32 $0xA000;
	[sflag:s1] =	ssyncadd.s32 $0xFFFFC000  }
0x69b: {  	[hbm4b:s31+s3] =	stream.linear.scatter [tilespmem:s4], [sflag:$0xA], $0x4000, $0x38;
	[tilespmem:$0x1E000] =	vst v63  }
0x69c: {  	_ =	swait.ge [sflag:s0], $0x4000  }
0x69d: {  	[sflag:s0] =	ssyncset.done $0x0  }
0x69e: {  	[sflag:s0] =	ssyncadd.s32 $0xFFFFC000  }
0x69f: {  	v3 =	vld [tilespmem:$0x1D00];
	_ =	sdelay $0x4  }
0x6a0: {  	v58 =	vshll.u32 v3, $0x3  }
0x6a1: {  	v3 =	vand.u32 $0x7, v3;
	v4 =	vand.u32 $0xFFFFFFC0, v58  }
0x6a2: {  	v3 =	vor.u32 v3, v4  }
0x6a3: {  	v4 =	vperm.xlane v3, v0;
	_ =	sdelay $0x1  }
0x6a4: {  	v4 =	vadd.s32 v1, v4;
	_ =	sdelay $0x4  }
0x6a5: {  	[tilespmem:s4], [sflag:$0x3] =	stream.indirect_vreg.gather [hbm4b:s2+s3], $0x80, v4, vm0, $0xb8;
	[tilespmem:$0x1E000] =	vst v63  }
0x6a6: {  	s14 =	simm.s32 $0xA800;
	v3 =	vperm.xlane v3, v2  }
0x6a7: {  	[tilespmem:s14], [sflag:$0x3] =	stream.indirect_vreg.gather [hbm4b:s5+s3], $0x80, v4, vm0, $0xb8;
	[tilespmem:$0x1E000] =	vst v63  }
0x6a8: {  	s28 =	simm.s32 $0xB000;
	v3 =	vadd.s32 v1, v3  }
0x6a9: {  	[tilespmem:s28], [sflag:$0x3] =	stream.indirect_vreg.gather [hbm4b:s6+s3], $0x80, v4, vm0, $0xb8;
	[tilespmem:$0x1E000] =	vst v63  }
0x6aa: {  	s31 =	simm.s32 $0xB800  }
0x6ab: {  	[tilespmem:s31], [sflag:$0x3] =	stream.indirect_vreg.gather [hbm4b:s7+s3], $0x80, v4, vm0, $0xb8;
	[tilespmem:$0x1E000] =	vst v63  }
0x6ac: {  	s14 =	simm.s32 $0xC000  }
0x6ad: {  	[tilespmem:s14], [sflag:$0x3] =	stream.indirect_vreg.gather [hbm4b:s2+s3], $0x80, v3, vm0, $0xb8;
	[tilespmem:$0x1E000] =	vst v63  }
0x6ae: {  	s28 =	simm.s32 $0xC800  }
0x6af: {  	[tilespmem:s28], [sflag:$0x3] =	stream.indirect_vreg.gather [hbm4b:s5+s3], $0x80, v3, vm0, $0xb8;
	[tilespmem:$0x1E000] =	vst v63  }
0x6b0: {  	s31 =	simm.s32 $0xD000  }
0x6b1: {  	[tilespmem:s31], [sflag:$0x3] =	stream.indirect_vreg.gather [hbm4b:s6+s3], $0x80, v3, vm0, $0xb8;
	[tilespmem:$0x1E000] =	vst v63  }
0x6b2: {  	s14 =	simm.s32 $0xD800  }
0x6b3: {  	[tilespmem:s14], [sflag:$0x3] =	stream.indirect_vreg.gather [hbm4b:s7+s3], $0x80, v3, vm0, $0xb8;
	[tilespmem:$0x1E000] =	vst v63  }
0x6b4: {  	_ =	swait.ge [sflag:s9], $0x4000  }
0x6b5: {  	s28 =	sld [smem:$0x7F1]  }
0x6b6: {  	[sflag:s9] =	ssyncset.done $0x0  }
0x6b7: {  	s31 =	simm.s32 $0xE000;
	[sflag:s9] =	ssyncadd.s32 $0xFFFFC000  }
0x6b8: {  	[hbm4b:s28+s3] =	stream.linear.scatter [tilespmem:s31], [sflag:$0xB], $0x4000, $0x38;
	[tilespmem:$0x1E000] =	vst v63  }
0x6b9: {  	_ =	swait.ge [sflag:s19], $0x4000  }
0x6ba: {  	[sflag:s19] =	ssyncset.done $0x0  }
0x6bb: {  	[sflag:s19] =	ssyncadd.s32 $0xFFFFC000  }
0x6bc: {  	v3 =	vld [tilespmem:$0x1D80];
	_ =	sdelay $0x4  }
0x6bd: {  	v59 =	vshll.u32 v3, $0x3  }
0x6be: {  	v3 =	vand.u32 $0x7, v3;
	v4 =	vand.u32 $0xFFFFFFC0, v59  }
0x6bf: {  	v3 =	vor.u32 v3, v4  }
0x6c0: {  	v4 =	vperm.xlane v3, v0;
	_ =	sdelay $0x1  }
0x6c1: {  	v4 =	vadd.s32 v1, v4;
	_ =	sdelay $0x4  }
0x6c2: {  	[tilespmem:s31], [sflag:$0x4] =	stream.indirect_vreg.gather [hbm4b:s2+s3], $0x80, v4, vm0, $0xb8;
	[tilespmem:$0x1E000] =	vst v63  }
0x6c3: {  	s28 =	simm.s32 $0xE800;
	v3 =	vperm.xlane v3, v2  }
0x6c4: {  	[tilespmem:s28], [sflag:$0x4] =	stream.indirect_vreg.gather [hbm4b:s5+s3], $0x80, v4, vm0, $0xb8;
	[tilespmem:$0x1E000] =	vst v63  }
0x6c5: {  	v3 =	vadd.s32 v1, v3;
	s31 =	simm.s32 $0xF000  }
0x6c6: {  	[tilespmem:s31], [sflag:$0x4] =	stream.indirect_vreg.gather [hbm4b:s6+s3], $0x80, v4, vm0, $0xb8;
	[tilespmem:$0x1E000] =	vst v63  }
0x6c7: {  	s28 =	simm.s32 $0xF800  }
0x6c8: {  	[tilespmem:s28], [sflag:$0x4] =	stream.indirect_vreg.gather [hbm4b:s7+s3], $0x80, v4, vm0, $0xb8;
	[tilespmem:$0x1E000] =	vst v63  }
0x6c9: {  	s31 =	simm.s32 $0x10000  }
0x6ca: {  	[tilespmem:s31], [sflag:$0x4] =	stream.indirect_vreg.gather [hbm4b:s2+s3], $0x80, v3, vm0, $0xb8;
	[tilespmem:$0x1E000] =	vst v63  }
0x6cb: {  	s28 =	simm.s32 $0x10800  }
0x6cc: {  	[tilespmem:s28], [sflag:$0x4] =	stream.indirect_vreg.gather [hbm4b:s5+s3], $0x80, v3, vm0, $0xb8;
	[tilespmem:$0x1E000] =	vst v63  }
0x6cd: {  	s31 =	simm.s32 $0x11000  }
0x6ce: {  	[tilespmem:s31], [sflag:$0x4] =	stream.indirect_vreg.gather [hbm4b:s6+s3], $0x80, v3, vm0, $0xb8;
	[tilespmem:$0x1E000] =	vst v63  }
0x6cf: {  	s28 =	simm.s32 $0x11800  }
0x6d0: {  	[tilespmem:s28], [sflag:$0x4] =	stream.indirect_vreg.gather [hbm4b:s7+s3], $0x80, v3, vm0, $0xb8;
	[tilespmem:$0x1E000] =	vst v63  }
0x6d1: {  	_ =	swait.ge [sflag:s21], $0x4000  }
0x6d2: {  	s14 =	sld [smem:$0x7F2]  }
0x6d3: {  	[sflag:s21] =	ssyncset.done $0x0  }
0x6d4: {  	s31 =	simm.s32 $0x12000;
	[sflag:s21] =	ssyncadd.s32 $0xFFFFC000  }
0x6d5: {  	[hbm4b:s14+s3] =	stream.linear.scatter [tilespmem:s31], [sflag:$0xC], $0x4000, $0x38;
	[tilespmem:$0x1E000] =	vst v63  }
0x6d6: {  	_ =	swait.ge [sflag:s22], $0x4000  }
0x6d7: {  	[sflag:s22] =	ssyncset.done $0x0  }
0x6d8: {  	[sflag:s22] =	ssyncadd.s32 $0xFFFFC000  }
0x6d9: {  	v3 =	vld [tilespmem:$0x1E00];
	_ =	sdelay $0x4  }
0x6da: {  	v60 =	vshll.u32 v3, $0x3  }
0x6db: {  	v3 =	vand.u32 $0x7, v3;
	v4 =	vand.u32 $0xFFFFFFC0, v60  }
0x6dc: {  	v3 =	vor.u32 v3, v4  }
0x6dd: {  	v4 =	vperm.xlane v3, v0;
	_ =	sdelay $0x1  }
0x6de: {  	v4 =	vadd.s32 v1, v4;
	_ =	sdelay $0x4  }
0x6df: {  	[tilespmem:s31], [sflag:$0x5] =	stream.indirect_vreg.gather [hbm4b:s2+s3], $0x80, v4, vm0, $0xb8;
	[tilespmem:$0x1E000] =	vst v63  }
0x6e0: {  	v3 =	vperm.xlane v3, v2;
	s31 =	simm.s32 $0x12800  }
0x6e1: {  	[tilespmem:s31], [sflag:$0x5] =	stream.indirect_vreg.gather [hbm4b:s5+s3], $0x80, v4, vm0, $0xb8;
	[tilespmem:$0x1E000] =	vst v63  }
0x6e2: {  	v3 =	vadd.s32 v1, v3;
	s31 =	simm.s32 $0x13000  }
0x6e3: {  	[tilespmem:s31], [sflag:$0x5] =	stream.indirect_vreg.gather [hbm4b:s6+s3], $0x80, v4, vm0, $0xb8;
	[tilespmem:$0x1E000] =	vst v63  }
0x6e4: {  	s31 =	simm.s32 $0x13800  }
0x6e5: {  	[tilespmem:s31], [sflag:$0x5] =	stream.indirect_vreg.gather [hbm4b:s7+s3], $0x80, v4, vm0, $0xb8;
	[tilespmem:$0x1E000] =	vst v63  }
0x6e6: {  	s31 =	simm.s32 $0x14000  }
0x6e7: {  	[tilespmem:s31], [sflag:$0x5] =	stream.indirect_vreg.gather [hbm4b:s2+s3], $0x80, v3, vm0, $0xb8;
	[tilespmem:$0x1E000] =	vst v63  }
0x6e8: {  	s31 =	simm.s32 $0x14800  }
0x6e9: {  	[tilespmem:s31], [sflag:$0x5] =	stream.indirect_vreg.gather [hbm4b:s5+s3], $0x80, v3, vm0, $0xb8;
	[tilespmem:$0x1E000] =	vst v63  }
0x6ea: {  	s31 =	simm.s32 $0x15000  }
0x6eb: {  	[tilespmem:s31], [sflag:$0x5] =	stream.indirect_vreg.gather [hbm4b:s6+s3], $0x80, v3, vm0, $0xb8;
	[tilespmem:$0x1E000] =	vst v63  }
0x6ec: {  	s31 =	simm.s32 $0x15800  }
0x6ed: {  	[tilespmem:s31], [sflag:$0x5] =	stream.indirect_vreg.gather [hbm4b:s7+s3], $0x80, v3, vm0, $0xb8;
	[tilespmem:$0x1E000] =	vst v63  }
0x6ee: {  	_ =	swait.ge [sflag:s23], $0x4000  }
0x6ef: {  	s14 =	sld [smem:$0x7F3]  }
0x6f0: {  	[sflag:s23] =	ssyncset.done $0x0  }
0x6f1: {  	s31 =	simm.s32 $0x16000;
	[sflag:s23] =	ssyncadd.s32 $0xFFFFC000  }
0x6f2: {  	[hbm4b:s14+s3] =	stream.linear.scatter [tilespmem:s31], [sflag:$0xD], $0x4000, $0x38;
	[tilespmem:$0x1E000] =	vst v63  }
0x6f3: {  	_ =	swait.ge [sflag:s11], $0x4000  }
0x6f4: {  	[sflag:s11] =	ssyncset.done $0x0  }
0x6f5: {  	[sflag:s11] =	ssyncadd.s32 $0xFFFFC000  }
0x6f6: {  	v3 =	vld [tilespmem:$0x1E80];
	_ =	sdelay $0x4  }
0x6f7: {  	v61 =	vshll.u32 v3, $0x3  }
0x6f8: {  	v3 =	vand.u32 $0x7, v3;
	v4 =	vand.u32 $0xFFFFFFC0, v61  }
0x6f9: {  	v3 =	vor.u32 v3, v4  }
0x6fa: {  	v4 =	vperm.xlane v3, v0;
	_ =	sdelay $0x1  }
0x6fb: {  	v4 =	vadd.s32 v1, v4;
	_ =	sdelay $0x4  }
0x6fc: {  	[tilespmem:s31], [sflag:$0x6] =	stream.indirect_vreg.gather [hbm4b:s2+s3], $0x80, v4, vm0, $0xb8;
	[tilespmem:$0x1E000] =	vst v63  }
0x6fd: {  	s14 =	simm.s32 $0x16800;
	v3 =	vperm.xlane v3, v2  }
0x6fe: {  	[tilespmem:s14], [sflag:$0x6] =	stream.indirect_vreg.gather [hbm4b:s5+s3], $0x80, v4, vm0, $0xb8;
	[tilespmem:$0x1E000] =	vst v63  }
0x6ff: {  	v3 =	vadd.s32 v1, v3;
	s14 =	simm.s32 $0x17000  }
0x700: {  	[tilespmem:s14], [sflag:$0x6] =	stream.indirect_vreg.gather [hbm4b:s6+s3], $0x80, v4, vm0, $0xb8;
	[tilespmem:$0x1E000] =	vst v63  }
0x701: {  	s14 =	simm.s32 $0x17800  }
0x702: {  	[tilespmem:s14], [sflag:$0x6] =	stream.indirect_vreg.gather [hbm4b:s7+s3], $0x80, v4, vm0, $0xb8;
	[tilespmem:$0x1E000] =	vst v63  }
0x703: {  	s14 =	simm.s32 $0x18000  }
0x704: {  	[tilespmem:s14], [sflag:$0x6] =	stream.indirect_vreg.gather [hbm4b:s2+s3], $0x80, v3, vm0, $0xb8;
	[tilespmem:$0x1E000] =	vst v63  }
0x705: {  	s14 =	simm.s32 $0x18800  }
0x706: {  	[tilespmem:s14], [sflag:$0x6] =	stream.indirect_vreg.gather [hbm4b:s5+s3], $0x80, v3, vm0, $0xb8;
	[tilespmem:$0x1E000] =	vst v63  }
0x707: {  	s14 =	simm.s32 $0x19000  }
0x708: {  	[tilespmem:s14], [sflag:$0x6] =	stream.indirect_vreg.gather [hbm4b:s6+s3], $0x80, v3, vm0, $0xb8;
	[tilespmem:$0x1E000] =	vst v63  }
0x709: {  	s14 =	simm.s32 $0x19800  }
0x70a: {  	[tilespmem:s14], [sflag:$0x6] =	stream.indirect_vreg.gather [hbm4b:s7+s3], $0x80, v3, vm0, $0xb8;
	[tilespmem:$0x1E000] =	vst v63  }
0x70b: {  	_ =	swait.ge [sflag:s12], $0x4000  }
0x70c: {  	s14 =	sld [smem:$0x7F4]  }
0x70d: {  	[sflag:s12] =	ssyncset.done $0x0  }
0x70e: {  	s15 =	simm.s32 $0x1A000;
	[sflag:s12] =	ssyncadd.s32 $0xFFFFC000  }
0x70f: {  	[hbm4b:s14+s3] =	stream.linear.scatter [tilespmem:s15], [sflag:$0xE], $0x4000, $0x38;
	[tilespmem:$0x1E000] =	vst v63  }
0x710: {  	_ =	swait.ge [sflag:s13], $0x4000  }
0x711: {  	[sflag:s13] =	ssyncset.done $0x0  }
0x712: {  	[sflag:s13] =	ssyncadd.s32 $0xFFFFC000  }
0x713: {  	v3 =	vld [tilespmem:$0x1F00];
	_ =	sdelay $0x4  }
0x714: {  	v62 =	vshll.u32 v3, $0x3  }
0x715: {  	v3 =	vand.u32 $0x7, v3;
	v4 =	vand.u32 $0xFFFFFFC0, v62  }
0x716: {  	v3 =	vor.u32 v3, v4  }
0x717: {  	v4 =	vperm.xlane v3, v0;
	_ =	sdelay $0x1  }
0x718: {  	v4 =	vadd.s32 v1, v4;
	_ =	sdelay $0x4  }
0x719: {  	[tilespmem:s15], [sflag:$0x7] =	stream.indirect_vreg.gather [hbm4b:s2+s3], $0x80, v4, vm0, $0xb8;
	[tilespmem:$0x1E000] =	vst v63  }
0x71a: {  	s14 =	simm.s32 $0x1A800;
	v3 =	vperm.xlane v3, v2  }
0x71b: {  	[tilespmem:s14], [sflag:$0x7] =	stream.indirect_vreg.gather [hbm4b:s5+s3], $0x80, v4, vm0, $0xb8;
	[tilespmem:$0x1E000] =	vst v63  }
0x71c: {  	v3 =	vadd.s32 v1, v3;
	s14 =	simm.s32 $0x1B000  }
0x71d: {  	[tilespmem:s14], [sflag:$0x7] =	stream.indirect_vreg.gather [hbm4b:s6+s3], $0x80, v4, vm0, $0xb8;
	[tilespmem:$0x1E000] =	vst v63  }
0x71e: {  	s14 =	simm.s32 $0x1B800  }
0x71f: {  	[tilespmem:s14], [sflag:$0x7] =	stream.indirect_vreg.gather [hbm4b:s7+s3], $0x80, v4, vm0, $0xb8;
	[tilespmem:$0x1E000] =	vst v63  }
0x720: {  	s17 =	simm.s32 $0x1C000  }
0x721: {  	[tilespmem:s17], [sflag:$0x7] =	stream.indirect_vreg.gather [hbm4b:s2+s3], $0x80, v3, vm0, $0xb8;
	[tilespmem:$0x1E000] =	vst v63  }
0x722: {  	s20 =	simm.s32 $0x1C800  }
0x723: {  	[tilespmem:s20], [sflag:$0x7] =	stream.indirect_vreg.gather [hbm4b:s5+s3], $0x80, v3, vm0, $0xb8;
	[tilespmem:$0x1E000] =	vst v63  }
0x724: {  	s17 =	simm.s32 $0x1D000  }
0x725: {  	[tilespmem:s17], [sflag:$0x7] =	stream.indirect_vreg.gather [hbm4b:s6+s3], $0x80, v3, vm0, $0xb8;
	[tilespmem:$0x1E000] =	vst v63  }
0x726: {  	s20 =	simm.s32 $0x1D800  }
0x727: {  	[tilespmem:s20], [sflag:$0x7] =	stream.indirect_vreg.gather [hbm4b:s7+s3], $0x80, v3, vm0, $0xb8;
	[tilespmem:$0x1E000] =	vst v63  }
0x728: {  	_ =	swait.ge [sflag:s24], $0x4000  }
0x729: {  	s17 =	sld [smem:$0x7F5]  }
0x72a: {  	[sflag:s24] =	ssyncset.done $0x0  }
0x72b: {  	s29 =	simm.s32 $0x2000;
	[sflag:s24] =	ssyncadd.s32 $0xFFFFC000  }
0x72c: {  	[hbm4b:s17+s3] =	stream.linear.scatter [tilespmem:s29], [sflag:$0x8], $0x4000, $0x38;
	[tilespmem:$0x1E000] =	vst v63  }
0x72d: {  	_ =	swait.ge [sflag:s25], $0x4000  }
0x72e: {  	[sflag:s25] =	ssyncset.done $0x0  }
0x72f: {  	[sflag:s25] =	ssyncadd.s32 $0xFFFFC000  }
0x730: {  	v3 =	vld [tilespmem:$0x1F80];
	_ =	sdelay $0x4  }
0x731: {  	v63 =	vshll.u32 v3, $0x3  }
0x732: {  	v3 =	vand.u32 $0x7, v3;
	v4 =	vand.u32 $0xFFFFFFC0, v63  }
0x733: {  	v3 =	vor.u32 v3, v4  }
0x734: {  	v4 =	vperm.xlane v3, v0;
	_ =	sdelay $0x1  }
0x735: {  	v4 =	vadd.s32 v1, v4;
	_ =	sdelay $0x4  }
0x736: {  	[tilespmem:s29], [sflag:$0x1] =	stream.indirect_vreg.gather [hbm4b:s2+s3], $0x80, v4, vm0, $0xb8;
	[tilespmem:$0x1E000] =	vst v63  }
0x737: {  	s20 =	simm.s32 $0x2800;
	v3 =	vperm.xlane v3, v2  }
0x738: {  	[tilespmem:s20], [sflag:$0x1] =	stream.indirect_vreg.gather [hbm4b:s5+s3], $0x80, v4, vm0, $0xb8;
	[tilespmem:$0x1E000] =	vst v63  }
0x739: {  	s17 =	simm.s32 $0x3000;
	v3 =	vadd.s32 v1, v3  }
0x73a: {  	[tilespmem:s17], [sflag:$0x1] =	stream.indirect_vreg.gather [hbm4b:s6+s3], $0x80, v4, vm0, $0xb8;
	[tilespmem:$0x1E000] =	vst v63  }
0x73b: {  	s8 =	simm.s32 $0x3800  }
0x73c: {  	[tilespmem:s8], [sflag:$0x1] =	stream.indirect_vreg.gather [hbm4b:s7+s3], $0x80, v4, vm0, $0xb8;
	[tilespmem:$0x1E000] =	vst v63  }
0x73d: {  	s20 =	simm.s32 $0x4000  }
0x73e: {  	[tilespmem:s20], [sflag:$0x1] =	stream.indirect_vreg.gather [hbm4b:s2+s3], $0x80, v3, vm0, $0xb8;
	[tilespmem:$0x1E000] =	vst v63  }
0x73f: {  	s26 =	simm.s32 $0x4800  }
0x740: {  	[tilespmem:s26], [sflag:$0x1] =	stream.indirect_vreg.gather [hbm4b:s5+s3], $0x80, v3, vm0, $0xb8;
	[tilespmem:$0x1E000] =	vst v63  }
0x741: {  	s17 =	simm.s32 $0x5000  }
0x742: {  	[tilespmem:s17], [sflag:$0x1] =	stream.indirect_vreg.gather [hbm4b:s6+s3], $0x80, v3, vm0, $0xb8;
	[tilespmem:$0x1E000] =	vst v63  }
0x743: {  	s20 =	simm.s32 $0x5800  }
0x744: {  	[tilespmem:s20], [sflag:$0x1] =	stream.indirect_vreg.gather [hbm4b:s7+s3], $0x80, v3, vm0, $0xb8;
	[tilespmem:$0x1E000] =	vst v63  }
0x745: {  	s8 =	sld [smem:$0x7D8];
	_ =	swait.ge [sflag:s16], $0x4000  }
0x746: {  	s26 =	sld [smem:$0x7F6]  }
0x747: {  	[sflag:s16] =	ssyncset.done $0x0  }
0x748: {  	s10 =	simm.s32 $0x6000;
	[sflag:s16] =	ssyncadd.s32 $0xFFFFC000  }
0x749: {  	[hbm4b:s26+s3] =	stream.linear.scatter [tilespmem:s10], [sflag:$0x9], $0x4000, $0x38;
	[tilespmem:$0x1E000] =	vst v63  }
0x74a: {  	_ =	swait.ge [sflag:s1], $0x4000  }
0x74b: {  	s17 =	sld [smem:$0x7F7]  }
0x74c: {  	[sflag:s1] =	ssyncset.done $0x0  }
0x74d: {  	s18 =	simm.s32 $0xA000;
	[sflag:s1] =	ssyncadd.s32 $0xFFFFC000  }
0x74e: {  	[hbm4b:s17+s3] =	stream.linear.scatter [tilespmem:s18], [sflag:$0xA], $0x4000, $0x38;
	[tilespmem:$0x1E000] =	vst v63  }
0x74f: {  	_ =	swait.ge [sflag:s9], $0x4000  }
0x750: {  	s18 =	sld [smem:$0x7F8]  }
0x751: {  	[sflag:s9] =	ssyncset.done $0x0  }
0x752: {  	s4 =	simm.s32 $0xE000;
	[sflag:s9] =	ssyncadd.s32 $0xFFFFC000  }
0x753: {  	[hbm4b:s18+s3] =	stream.linear.scatter [tilespmem:s4], [sflag:$0xB], $0x4000, $0x38;
	[tilespmem:$0x1E000] =	vst v63  }
0x754: {  	_ =	swait.ge [sflag:s21], $0x4000  }
0x755: {  	s20 =	sld [smem:$0x7F9]  }
0x756: {  	[sflag:s21] =	ssyncset.done $0x0  }
0x757: {  	s28 =	simm.s32 $0x12000;
	[sflag:s21] =	ssyncadd.s32 $0xFFFFC000  }
0x758: {  	[hbm4b:s20+s3] =	stream.linear.scatter [tilespmem:s28], [sflag:$0xC], $0x4000, $0x38;
	[tilespmem:$0x1E000] =	vst v63  }
0x759: {  	_ =	swait.ge [sflag:s23], $0x4000  }
0x75a: {  	s26 =	sld [smem:$0x7FA]  }
0x75b: {  	[sflag:s23] =	ssyncset.done $0x0  }
0x75c: {  	s31 =	simm.s32 $0x16000;
	[sflag:s23] =	ssyncadd.s32 $0xFFFFC000  }
0x75d: {  	[hbm4b:s26+s3] =	stream.linear.scatter [tilespmem:s31], [sflag:$0xD], $0x4000, $0x38;
	[tilespmem:$0x1E000] =	vst v63  }
0x75e: {  	_ =	swait.ge [sflag:s12], $0x4000  }
0x75f: {  	s28 =	sld [smem:$0x7FB]  }
0x760: {  	[sflag:s12] =	ssyncset.done $0x0  }
0x761: {  	[sflag:s12] =	ssyncadd.s32 $0xFFFFC000  }
0x762: {  	[hbm4b:s28+s3] =	stream.linear.scatter [tilespmem:s15], [sflag:$0xE], $0x4000, $0x38;
	[tilespmem:$0x1E000] =	vst v63  }
0x763: {  	_ =	swait.ge [sflag:s24], $0x4000  }
0x764: {  	s31 =	sld [smem:$0x7FD]  }
0x765: {  	[sflag:s24] =	ssyncset.done $0x0  }
0x766: {  	[sflag:s24] =	ssyncadd.s32 $0xFFFFC000  }
0x767: {  	[hbm4b:s31+s3] =	stream.linear.scatter [tilespmem:s29], [sflag:$0x8], $0x4000, $0x38;
	[tilespmem:$0x1E000] =	vst v63  }
0x768: {  	_ =	swait.ge [sflag:s30], $0x4000  }
0x769: {  	[sflag:s30] =	ssyncset.done $0x0  }
0x76a: {  	[sflag:s30] =	ssyncadd.s32 $0xFFFFC000  }
0x76b: {  	_ =	swait.ge [sflag:s0], $0x4000  }
0x76c: {  	[sflag:s0] =	ssyncset.done $0x0  }
0x76d: {  	[sflag:s0] =	ssyncadd.s32 $0xFFFFC000  }
0x76e: {  	_ =	swait.ge [sflag:s19], $0x4000  }
0x76f: {  	[sflag:s19] =	ssyncset.done $0x0  }
0x770: {  	[sflag:s19] =	ssyncadd.s32 $0xFFFFC000  }
0x771: {  	_ =	swait.ge [sflag:s22], $0x4000  }
0x772: {  	[sflag:s22] =	ssyncset.done $0x0  }
0x773: {  	[sflag:s22] =	ssyncadd.s32 $0xFFFFC000  }
0x774: {  	_ =	swait.ge [sflag:s11], $0x4000  }
0x775: {  	[sflag:s11] =	ssyncset.done $0x0  }
0x776: {  	[sflag:s11] =	ssyncadd.s32 $0xFFFFC000  }
0x777: {  	p0 =	sne.s32 s8, $0x1;
	_ =	swait.ge [sflag:s13], $0x4000  }
.Ltmp0:
0x778: {  	[sflag:s13] =	ssyncset.done $0x0;
	(pc) =	sbr.rel @p0 .LBB2_1-.Ltmp0, $4  }
0x779: {  	[sflag:s13] =	ssyncadd.s32 $0xFFFFC000  }
0x77a: {  	_ =	swait.ge [sflag:s25], $0x4000  }
0x77b: {  	[sflag:s25] =	ssyncset.done $0x0  }
0x77c: {  	s8 =	sadd.s32 $0xFFFFFFFF, s8;
	[sflag:s25] =	ssyncadd.s32 $0xFFFFC000  }
0x77d: {  	_ =	sfence.sel $0x180000  }
0x77e: {  	[bflag:$0x0] =	sbarrier.arrive $0xFFFF  }
0x77f: {  	_ =	strace $0x90000047  }
0x780: {  	s0 =	stileid.u32;
	[bflag:$0x2] =	sbarrier.arrive $0xFFFF  }
0x781: {  	p0 =	sne.s32 s0, $0x0;
	s0 =	rddreg [dreg:$0x3]  }
0x782: {  	s0 =	sadd.s32 @!p0 $0x100000, s0  }
0x783: {  	[sflag:s0] =	ssyncadd.tile.s32 @!p0 $0x1;
	_ =	shalt  }
.Lfunc_end2:
_tile_overlayer_lowered:
.L_overlay_start_2:
0x784: {  	(tag) =	ssettag $0x2  }
0x785: {  	s0 =	rddreg [dreg:$0x0];
	s2 =	stileid.u32  }
0x786: {  	s1 =	rddreg [dreg:$0x1];
	p0 =	sne.s32 s2, $0x0  }
0x787: {  	s3 =	rddreg [dreg:$0x2];
	[bflag:$0x3] =	sbarrier.arrive $0xFFFF;
	s2 =	simm.s32 @!p0 $0x1C0F  }
0x788: {  	[timem:s3], [sflag:s2] =	dma.local @!p0 [hbm:s0], s1  }
0x789: {  	s0 =	simm.s32 @!p0 $0xF  }
0x78a: {  	_ =	swait.ge @!p0 [sflag:s0], s1  }
0x78b: {  	s1 =	ssub.s32 @!p0 $0x0, s1;
	[sflag:s0] =	ssyncset.done @!p0 $0x0  }
0x78c: {  	[sflag:s0] =	ssyncadd.s32 @!p0 s1  }
0x78d: {  	[bflag:$0x3] =	sbarrier.arrive $0xFFFF  }
0x78e: {  	_ =	shalt  }

</sc_bundles>
